<compile_context>
chip_gen: v7x
topology: tpu7x:2x2x1
jax: 0.10.2.dev20260603
libtpu: 0.0.44.dev20260713+nightly
codegen_flags: <defaults>
</compile_context>

<pallas_src>
import functools
import itertools

import jax
import jax.numpy as jnp
from jax import lax
from jax.experimental import pallas as pl
from jax.experimental.pallas import tpu as pltpu
from jax.experimental.pallas import tpu_sc as plsc

B = 2
S = 96
N = B * S * S * S
G = S + 2
GE = S + 3
ZP = 104
RN = B * G * G * G
NW = 32

NPLANES = B * G
HLINES = 49
NTASKS = NPLANES * 2
TPW = 13
IN_WORDS = (HLINES + 1) * ZP
HP_ROWS = HLINES * G
ZSTARTS7 = 7

PER_W = N // NW
PLANE = S * S
CHUNK = PLANE // 4
NCHUNK = PER_W // CHUNK
NB = CHUNK // 128
GROUPS = CHUNK // 16

_mesh = plsc.VectorSubcoreMesh(core_axis_name="c", subcore_axis_name="s")
_cp = pltpu.CompilerParams(needs_layout_passes=False, use_tc_tiling_on_sc=False)


@functools.partial(
    pl.kernel,
    out_type=jax.ShapeDtypeStruct((RN * 8,), jnp.float32),
    mesh=_mesh,
    compiler_params=_cp,
    scratch_types=[
        pltpu.VMEM((2, IN_WORDS), jnp.float32),
        pltpu.VMEM((2, IN_WORDS), jnp.float32),
        pltpu.VMEM((HP_ROWS * 8,), jnp.float32),
        pltpu.VMEM((HP_ROWS * 8,), jnp.float32),
        pltpu.SemaphoreType.DMA,
        pltpu.SemaphoreType.DMA,
        pltpu.SemaphoreType.DMA,
        pltpu.SemaphoreType.DMA,
    ],
)
def _sc_build(ext_hbm, p8_hbm,
              in_a, in_b, out_a, out_b, si_a, si_b, so_a, so_b):
    wid = lax.axis_index("s") * 2 + lax.axis_index("c")
    lane = lax.iota(jnp.int32, 16)

    def task_id(i):
        return jnp.minimum(wid + i * NW, NTASKS - 1)

    def in_issue(i, in_v, sem):
        hp = task_id(i)
        q = hp // 2
        half = hp - q * 2
        b = (q >= G).astype(jnp.int32)
        y = q - b * G
        x0 = half * HLINES
        src0 = ((b * GE + y) * GE + x0) * ZP
        pltpu.async_copy(ext_hbm.at[pl.ds(src0, IN_WORDS)], in_v.at[0], sem)
        pltpu.async_copy(ext_hbm.at[pl.ds(src0 + GE * ZP, IN_WORDS)],
                         in_v.at[1], sem)

    def in_wait(in_v, sem):
        pltpu.make_async_copy(ext_hbm.at[pl.ds(0, IN_WORDS)], in_v.at[0], sem).wait()
        pltpu.make_async_copy(ext_hbm.at[pl.ds(0, IN_WORDS)], in_v.at[1], sem).wait()

    def out_wait(out_v, sem):
        pltpu.make_async_copy(
            p8_hbm.at[pl.ds(0, HP_ROWS * 8)], out_v, sem).wait()

    _cyv = lax.iota(jnp.int32, 16)
    CYV = (_cyv >> 2) & 1
    LREST = ((_cyv >> 1) & 1) * ZP + (_cyv & 1) + (_cyv >> 3)

    def compute_issue(i, in_v, out_v, sem):
        hp = task_id(i)

        def line_body(x, carry1):
            xb = x * ZP
            ob = x * (G * 8)

            def zgroup(zi7, carry2):
                for u in range(7):
                    z0 = zi7 * 14 + u * 2
                    v = plsc.load_gather(in_v, [CYV, LREST + (xb + z0)])
                    out_v[pl.ds(ob + z0 * 8, 16)] = v
                return carry2

            return lax.fori_loop(0, 7, zgroup, carry1)

        lax.fori_loop(0, HLINES, line_body, None)
        pltpu.async_copy(out_v, p8_hbm.at[pl.ds(hp * (HP_ROWS * 8), HP_ROWS * 8)], sem)

    in_issue(0, in_a, si_a)
    in_issue(1, in_b, si_b)

    def pipe(it, carry):
        e = 2 * it
        o = e + 1
        in_wait(in_a, si_a)

        @pl.when(e >= 2)
        def _():
            out_wait(out_a, so_a)

        compute_issue(e, in_a, out_a, so_a)
        in_issue(e + 2, in_a, si_a)
        in_wait(in_b, si_b)

        @pl.when(o >= 2)
        def _():
            out_wait(out_b, so_b)

        compute_issue(o, in_b, out_b, so_b)

        @pl.when(o + 2 < TPW)
        def _():
            in_issue(o + 2, in_b, si_b)

        return carry

    lax.fori_loop(0, TPW // 2, pipe, None)

    in_wait(in_a, si_a)
    out_wait(out_a, so_a)
    compute_issue(TPW - 1, in_a, out_a, so_a)
    out_wait(out_a, so_a)
    out_wait(out_b, so_b)


@functools.partial(
    pl.kernel,
    out_type=jax.ShapeDtypeStruct((N,), jnp.float32),
    mesh=_mesh,
    compiler_params=_cp,
    scratch_types=[
        pltpu.VMEM((3, CHUNK), jnp.float32),
        pltpu.VMEM((3, CHUNK), jnp.float32),
        pltpu.VMEM((NB, 128), jnp.int32),
        pltpu.VMEM((NB, 128), jnp.int32),
        pltpu.VMEM((CHUNK, 8), jnp.float32),
        pltpu.VMEM((CHUNK, 8), jnp.float32),
        pltpu.VMEM((6, CHUNK), jnp.float32),
        pltpu.VMEM((6, CHUNK), jnp.float32),
        pltpu.VMEM((CHUNK,), jnp.float32),
        pltpu.SemaphoreType.DMA,
        pltpu.SemaphoreType.DMA,
        pltpu.SemaphoreType.DMA,
        pltpu.SemaphoreType.DMA,
    ],
)
def _sc_interp(p8_hbm, def_hbm, out_hbm, def_a, def_b, idx_a, idx_b,
               rows_a, rows_b, w_a, w_b, out_v, sem_a, sem_b, sem_da, sem_db):
    wid = lax.axis_index("s") * 2 + lax.axis_index("c")
    base = wid * PER_W
    lane = lax.iota(jnp.int32, 16)

    def floor_i32(v):
        return (v + 1024.0).astype(jnp.int32) - 1024

    def def_issue(ci, def_v, sem):
        off = base + ci * CHUNK
        plane = off // PLANE
        pr0 = off - plane * PLANE
        dbase = plane * (3 * PLANE) + pr0
        for ch in range(3):
            pltpu.async_copy(def_hbm.at[pl.ds(dbase + ch * PLANE, CHUNK)],
                             def_v.at[ch], sem)

    def def_wait(def_v, sem):
        for ch in range(3):
            pltpu.make_async_copy(def_hbm.at[pl.ds(0, CHUNK)],
                                  def_v.at[ch], sem).wait()

    def pass1(ci, def_v, idx_v, w_v):
        off = base + ci * CHUNK
        plane = off // PLANE
        pr0 = off - plane * PLANE
        b = (plane >= S).astype(jnp.int32)
        i = plane - b * S
        j0 = pr0 // S
        i_f = i.astype(jnp.float32)

        def body(g, carry1):
            loc = g * 16
            j = j0 + g // 6
            k = (g % 6) * 16 + lane
            dxv = def_v[0, pl.ds(loc, 16)]
            dyv = def_v[1, pl.ds(loc, 16)]
            dzv = def_v[2, pl.ds(loc, 16)]
            xf = (dxv + j.astype(jnp.float32)) + 1.0
            yf = (dyv + i_f) + 1.0
            zf = (dzv + k.astype(jnp.float32)) + 1.0
            xi = floor_i32(xf)
            yi = floor_i32(yf)
            zi = floor_i32(zf)
            ax = jnp.minimum(jnp.maximum(xi, 0), G - 1)
            ay = jnp.minimum(jnp.maximum(yi, 0), G - 1)
            az = jnp.minimum(jnp.maximum(zi, 0), G - 1)
            gx0 = (xi + 1).astype(jnp.float32) - xf
            gy0 = (yi + 1).astype(jnp.float32) - yf
            gz0 = (zi + 1).astype(jnp.float32) - zf
            zero = jnp.zeros((16,), jnp.float32)
            gx1 = jnp.where(xi >= 0, 1.0 - gx0, zero)
            gy1 = jnp.where(yi >= 0, 1.0 - gy0, zero)
            gz1 = jnp.where(zi >= 0, 1.0 - gz0, zero)
            r = ((b * G + ay) * G + ax) * G + az
            idx_v[g // 8, pl.ds((g % 8) * 16, 16)] = r
            w_v[0, pl.ds(loc, 16)] = gy0
            w_v[1, pl.ds(loc, 16)] = gy1
            w_v[2, pl.ds(loc, 16)] = gx0
            w_v[3, pl.ds(loc, 16)] = gx1
            w_v[4, pl.ds(loc, 16)] = gz0
            w_v[5, pl.ds(loc, 16)] = gz1
            return carry1

        lax.fori_loop(0, GROUPS, body, None)

    def gather_issue(idx_v, rows_v, sem):
        for t in range(NB):
            pltpu.async_copy(
                p8_hbm.at[idx_v.at[t]],
                rows_v.at[pl.ds(t * 128, 128)],
                sem,
            )

    def gather_wait(rows_v, sem):
        pltpu.make_async_copy(p8_hbm.at[pl.ds(0, CHUNK)], rows_v, sem).wait()

    def pass2(ci, rows_v, w_v):
        def body(g, carry2):
            loc = g * 16
            l = loc + lane
            gy0 = w_v[0, pl.ds(loc, 16)]
            gy1 = w_v[1, pl.ds(loc, 16)]
            gx0 = w_v[2, pl.ds(loc, 16)]
            gx1 = w_v[3, pl.ds(loc, 16)]
            gz0 = w_v[4, pl.ds(loc, 16)]
            gz1 = w_v[5, pl.ds(loc, 16)]
            vs = []
            for c in range(8):
                col = jnp.full((16,), c, jnp.int32)
                vs.append(plsc.load_gather(rows_v, [l, col]))
            t00 = gz0 * vs[0] + gz1 * vs[1]
            t01 = gz0 * vs[2] + gz1 * vs[3]
            t10 = gz0 * vs[4] + gz1 * vs[5]
            t11 = gz0 * vs[6] + gz1 * vs[7]
            u0 = gx0 * t00 + gx1 * t01
            u1 = gx0 * t10 + gx1 * t11
            out_v[pl.ds(loc, 16)] = gy0 * u0 + gy1 * u1
            return carry2

        lax.fori_loop(0, GROUPS, body, None)
        off = base + ci * CHUNK
        pltpu.sync_copy(out_v, out_hbm.at[pl.ds(off, CHUNK)])

    def_issue(0, def_a, sem_da)
    def_wait(def_a, sem_da)
    pass1(0, def_a, idx_a, w_a)
    gather_issue(idx_a, rows_a, sem_a)
    def_issue(1, def_b, sem_db)

    def pipe(it, carry):
        e = 2 * it
        o = e + 1
        def_wait(def_b, sem_db)
        pass1(o, def_b, idx_b, w_b)
        gather_wait(rows_a, sem_a)
        gather_issue(idx_b, rows_b, sem_b)
        def_issue(e + 2, def_a, sem_da)
        pass2(e, rows_a, w_a)
        def_wait(def_a, sem_da)
        pass1(e + 2, def_a, idx_a, w_a)
        gather_wait(rows_b, sem_b)
        gather_issue(idx_a, rows_a, sem_a)
        def_issue(o + 2, def_b, sem_db)
        pass2(o, rows_b, w_b)
        return carry

    lax.fori_loop(0, NCHUNK // 2 - 1, pipe, None)

    o = NCHUNK - 1
    def_wait(def_b, sem_db)
    pass1(o, def_b, idx_b, w_b)
    gather_wait(rows_a, sem_a)
    gather_issue(idx_b, rows_b, sem_b)
    pass2(NCHUNK - 2, rows_a, w_a)
    gather_wait(rows_b, sem_b)
    pass2(o, rows_b, w_b)


def kernel(moving_image, deformation_matrix):
    ext = jnp.pad(moving_image, ((0, 0), (1, 2), (1, 2), (1, ZP - S - 1)))
    p8 = _sc_build(ext.reshape(-1)).reshape(RN, 8)
    def_flat = jnp.transpose(deformation_matrix, (0, 1, 4, 2, 3)).reshape(-1)
    out = _sc_interp(p8, def_flat)
    return out.reshape(B, S, S, S)

# --- scband reference (transcript-rebuilt; emitter-appended) ---
"""Pipeline reference for scband-spatial-transformation-73701638799380 (READ-ONLY COPY).

The authoritative reference and input builder live on the scoring server;
editing this copy changes nothing except your own understanding.
"""

import jax, jax.numpy as jnp
import numpy as np


def _interpolate(im, x, y, z):
    im = jnp.pad(im, ((0, 0), (1, 1), (1, 1), (1, 1)))
    batch_size, height, width, depth = im.shape
    _, out_h, out_w, out_d = x.shape
    xf = x.reshape(-1) + 1.0
    yf = y.reshape(-1) + 1.0
    zf = z.reshape(-1) + 1.0
    max_x = width - 1
    max_y = height - 1
    max_z = depth - 1
    x0 = jnp.clip(jnp.floor(xf).astype(jnp.int32), 0, max_x)
    x1 = jnp.clip(jnp.floor(xf).astype(jnp.int32) + 1, 0, max_x)
    y0 = jnp.clip(jnp.floor(yf).astype(jnp.int32), 0, max_y)
    y1 = jnp.clip(jnp.floor(yf).astype(jnp.int32) + 1, 0, max_y)
    z0 = jnp.clip(jnp.floor(zf).astype(jnp.int32), 0, max_z)
    z1 = jnp.clip(jnp.floor(zf).astype(jnp.int32) + 1, 0, max_z)
    dim3 = depth
    dim2 = depth * width
    dim1 = depth * width * height
    base = jnp.repeat(jnp.arange(batch_size, dtype=jnp.int32) * dim1, out_h * out_w * out_d)
    base_y0 = base + y0 * dim2
    base_y1 = base + y1 * dim2
    idx_a = base_y0 + x0 * dim3 + z0
    idx_b = base_y1 + x0 * dim3 + z0
    idx_c = base_y0 + x1 * dim3 + z0
    idx_d = base_y1 + x1 * dim3 + z0
    idx_e = base_y0 + x0 * dim3 + z1
    idx_f = base_y1 + x0 * dim3 + z1
    idx_g = base_y0 + x1 * dim3 + z1
    idx_h = base_y1 + x1 * dim3 + z1
    im_flat = im.reshape(-1)
    Ia = jnp.take(im_flat, idx_a)
    Ib = jnp.take(im_flat, idx_b)
    Ic = jnp.take(im_flat, idx_c)
    Id = jnp.take(im_flat, idx_d)
    Ie = jnp.take(im_flat, idx_e)
    If = jnp.take(im_flat, idx_f)
    Ig = jnp.take(im_flat, idx_g)
    Ih = jnp.take(im_flat, idx_h)
    x1_f = x1.astype(jnp.float32)
    y1_f = y1.astype(jnp.float32)
    z1_f = z1.astype(jnp.float32)
    dx = x1_f - xf
    dy = y1_f - yf
    dz = z1_f - zf
    wa = dz * dx * dy
    wb = dz * dx * (1 - dy)
    wc = dz * (1 - dx) * dy
    wd = dz * (1 - dx) * (1 - dy)
    we = (1 - dz) * dx * dy
    wf = (1 - dz) * dx * (1 - dy)
    wg = (1 - dz) * (1 - dx) * dy
    wh = (1 - dz) * (1 - dx) * (1 - dy)
    output = (wa * Ia + wb * Ib + wc * Ic + wd * Id
              + we * Ie + wf * If + wg * Ig + wh * Ih)
    return output.reshape(-1, out_h, out_w, out_d)


def setup_inputs(seed: int = 0) -> dict:
    key = jax.random.key(seed)
    k1, k2 = jax.random.split(key)
    moving_image = jax.random.normal(k1, (2, 96, 96, 96), dtype=jnp.float32)
    deformation_matrix = jax.random.normal(k2, (2, 96, 96, 96, 3), dtype=jnp.float32)
    return {"moving_image": moving_image, "deformation_matrix": deformation_matrix}


def reference(moving_image, deformation_matrix):
    dxd = deformation_matrix[:, :, :, :, 0]
    dyd = deformation_matrix[:, :, :, :, 1]
    dzd = deformation_matrix[:, :, :, :, 2]
    batch_size, height, width, depth = dxd.shape
    x_mesh = jnp.broadcast_to(jnp.arange(width, dtype=jnp.float32)[None, :, None], (height, width, depth))
    y_mesh = jnp.broadcast_to(jnp.arange(height, dtype=jnp.float32)[:, None, None], (height, width, depth))
    z_mesh = jnp.broadcast_to(jnp.arange(depth, dtype=jnp.float32)[None, None, :], (height, width, depth))
    x_new = dxd + x_mesh[None]
    y_new = dyd + y_mesh[None]
    z_new = dzd + z_mesh[None]
    return _interpolate(moving_image, x_new, y_new, z_new)

if __name__ == "__main__":
    import jax
    _d = setup_inputs()
    print(jax.jit(kernel)(*tuple(_d.values())))

</pallas_src>

<mosaic_0001>
#map = affine_map<(d0, d1) -> (0)>
module attributes {stable_mosaic.version = 14 : i64} {
  func.func @_sc_build(%arg0: i32, %arg1: i32, %arg2: memref<2038608xf32, #tpu.memory_space<hbm>>, %arg3: memref<15059072xf32, #tpu.memory_space<hbm>>, %arg4: memref<2x5200xf32, #tpu.memory_space<vmem>>, %arg5: memref<2x5200xf32, #tpu.memory_space<vmem>>, %arg6: memref<38416xf32, #tpu.memory_space<vmem>>, %arg7: memref<38416xf32, #tpu.memory_space<vmem>>, %arg8: memref<!tpu.dma_semaphore, #tpu.memory_space<semaphore_mem>>, %arg9: memref<!tpu.dma_semaphore, #tpu.memory_space<semaphore_mem>>, %arg10: memref<!tpu.dma_semaphore, #tpu.memory_space<semaphore_mem>>, %arg11: memref<!tpu.dma_semaphore, #tpu.memory_space<semaphore_mem>>) attributes {dimension_semantics = [#tpu.dimension_semantics<core_parallel>, #tpu.dimension_semantics<subcore_parallel>], iteration_bounds = array<i64: 2, 16>, scalar_prefetch = 0 : i64, scratch_operands = 8 : i64, tpu.core_type = #tpu.core_type<sc_vector_subcore>, window_params = [{transform_indices = #map}, {transform_indices = #map}]} {
    %mul3A = arith.constant 2 : i32
    %mul3A_0 = arith.muli %arg1, %mul3A : i32
    %add3A = arith.addi %mul3A_0, %arg0 : i32
    %iota3A = tpu.iota {dimensions = array<i32: 0>} : vector<16xi32>
    %iota3A_1 = tpu.iota {dimensions = array<i32: 0>} : vector<16xi32>
    %shift_right_arithmetic3A = arith.constant 2 : i32
    %shift_right_arithmetic3A_2 = vector.broadcast %shift_right_arithmetic3A : i32 to vector<16xi32>
    %shift_right_arithmetic3A_3 = arith.shrsi %iota3A_1, %shift_right_arithmetic3A_2 : vector<16xi32>
    %and3A = arith.constant 1 : i32
    %and3A_4 = vector.broadcast %and3A : i32 to vector<16xi32>
    %and3A_5 = arith.andi %shift_right_arithmetic3A_3, %and3A_4 : vector<16xi32>
    %shift_right_arithmetic3A_6 = arith.constant 1 : i32
    %shift_right_arithmetic3A_7 = vector.broadcast %shift_right_arithmetic3A_6 : i32 to vector<16xi32>
    %shift_right_arithmetic3A_8 = arith.shrsi %iota3A_1, %shift_right_arithmetic3A_7 : vector<16xi32>
    %and3A_9 = arith.constant 1 : i32
    %and3A_10 = vector.broadcast %and3A_9 : i32 to vector<16xi32>
    %and3A_11 = arith.andi %shift_right_arithmetic3A_8, %and3A_10 : vector<16xi32>
    %mul3A_12 = arith.constant 104 : i32
    %mul3A_13 = vector.broadcast %mul3A_12 : i32 to vector<16xi32>
    %mul3A_14 = arith.muli %and3A_11, %mul3A_13 : vector<16xi32>
    %and3A_15 = arith.constant 1 : i32
    %and3A_16 = vector.broadcast %and3A_15 : i32 to vector<16xi32>
    %and3A_17 = arith.andi %iota3A_1, %and3A_16 : vector<16xi32>
    %add3A_18 = arith.addi %mul3A_14, %and3A_17 : vector<16xi32>
    %shift_right_arithmetic3A_19 = arith.constant 3 : i32
    %shift_right_arithmetic3A_20 = vector.broadcast %shift_right_arithmetic3A_19 : i32 to vector<16xi32>
    %shift_right_arithmetic3A_21 = arith.shrsi %iota3A_1, %shift_right_arithmetic3A_20 : vector<16xi32>
    %add3A_22 = arith.addi %add3A_18, %shift_right_arithmetic3A_21 : vector<16xi32>
    %add3A_23 = arith.constant 0 : i32
    %add3A_24 = arith.addi %add3A, %add3A_23 : i32
    %min3A = arith.constant 391 : i32
    %min3A_25 = arith.minsi %add3A_24, %min3A : i32
    %jit3A = arith.constant 2 : i32
    %div3A = arith.divsi %min3A_25, %jit3A : i32
    %sign3A = arith.constant 0 : i32
    %sign3A_26 = arith.cmpi sgt, %min3A_25, %sign3A : i32
    %sign3A_27 = arith.extui %sign3A_26 : i1 to i32
    %sign3A_28 = arith.constant 0 : i32
    %sign3A_29 = arith.cmpi slt, %min3A_25, %sign3A_28 : i32
    %sign3A_30 = arith.extui %sign3A_29 : i1 to i32
    %sign3A_31 = arith.subi %sign3A_27, %sign3A_30 : i32
    %sign3A_32 = arith.constant 0 : i32
    %sign3A_33 = arith.cmpi sgt, %jit3A, %sign3A_32 : i32
    %sign3A_34 = arith.extui %sign3A_33 : i1 to i32
    %sign3A_35 = arith.constant 0 : i32
    %sign3A_36 = arith.cmpi slt, %jit3A, %sign3A_35 : i32
    %sign3A_37 = arith.extui %sign3A_36 : i1 to i32
    %sign3A_38 = arith.subi %sign3A_34, %sign3A_37 : i32
    %ne3A = arith.cmpi ne, %sign3A_31, %sign3A_38 : i32
    %rem3A = arith.remsi %min3A_25, %jit3A : i32
    %ne3A_39 = arith.constant 0 : i32
    %ne3A_40 = arith.cmpi ne, %rem3A, %ne3A_39 : i32
    %and3A_41 = arith.andi %ne3A, %ne3A_40 : i1
    %sub3A = arith.constant 1 : i32
    %sub3A_42 = arith.subi %div3A, %sub3A : i32
    %select_n3A = arith.select %and3A_41, %sub3A_42, %div3A : i32
    %mul3A_43 = arith.constant 2 : i32
    %mul3A_44 = arith.muli %select_n3A, %mul3A_43 : i32
    %sub3A_45 = arith.subi %min3A_25, %mul3A_44 : i32
    %ge3A = arith.constant 98 : i32
    %ge3A_46 = arith.cmpi sge, %select_n3A, %ge3A : i32
    %convert_element_type3A = arith.extui %ge3A_46 : i1 to i32
    %mul3A_47 = arith.constant 98 : i32
    %mul3A_48 = arith.muli %convert_element_type3A, %mul3A_47 : i32
    %sub3A_49 = arith.subi %select_n3A, %mul3A_48 : i32
    %mul3A_50 = arith.constant 49 : i32
    %mul3A_51 = arith.muli %sub3A_45, %mul3A_50 : i32
    %mul3A_52 = arith.constant 99 : i32
    %mul3A_53 = arith.muli %convert_element_type3A, %mul3A_52 : i32
    %add3A_54 = arith.addi %mul3A_53, %sub3A_49 : i32
    %mul3A_55 = arith.constant 99 : i32
    %mul3A_56 = arith.muli %add3A_54, %mul3A_55 : i32
    %add3A_57 = arith.addi %mul3A_56, %mul3A_51 : i32
    %mul3A_58 = arith.constant 104 : i32
    %mul3A_59 = arith.muli %add3A_57, %mul3A_58 : i32
    %dma_start3A = arith.constant 0 : i32
    %dma_start3A_60 = arith.constant 0 : i32
    %dma_start3A_61 = tpu.memref_slice %arg4[%dma_start3A, %dma_start3A_60] : memref<2x5200xf32, #tpu.memory_space<vmem>> -> memref<1x5200xf32, #tpu.memory_space<vmem>>
    %dma_start3A_62 = tpu.memref_squeeze %dma_start3A_61 : memref<1x5200xf32, #tpu.memory_space<vmem>> -> memref<5200xf32, #tpu.memory_space<vmem>>
    %dma_start3A_63 = tpu.memref_slice %arg2[%mul3A_59] : memref<2038608xf32, #tpu.memory_space<hbm>> -> memref<5200xf32, #tpu.memory_space<hbm>>
    %dma_start3A_64 = arith.constant 0 : i32
    %dma_start3A_65 = tpu.memref_slice %arg4[%dma_start3A, %dma_start3A_64] : memref<2x5200xf32, #tpu.memory_space<vmem>> -> memref<1x5200xf32, #tpu.memory_space<vmem>>
    %dma_start3A_66 = tpu.memref_squeeze %dma_start3A_65 : memref<1x5200xf32, #tpu.memory_space<vmem>> -> memref<5200xf32, #tpu.memory_space<vmem>>
    %dma_start3A_67 = tpu.memref_slice %arg2[%mul3A_59] : memref<2038608xf32, #tpu.memory_space<hbm>> -> memref<5200xf32, #tpu.memory_space<hbm>>
    tpu.enqueue_dma source(%dma_start3A_67 : memref<5200xf32, #tpu.memory_space<hbm>>) target(%dma_start3A_66 : memref<5200xf32, #tpu.memory_space<vmem>>) target_semaphore(%arg8 : memref<!tpu.dma_semaphore, #tpu.memory_space<semaphore_mem>>)
    %add3A_68 = arith.constant 10296 : i32
    %add3A_69 = arith.addi %mul3A_59, %add3A_68 : i32
    %dma_start3A_70 = arith.constant 1 : i32
    %dma_start3A_71 = arith.constant 0 : i32
    %dma_start3A_72 = tpu.memref_slice %arg4[%dma_start3A_70, %dma_start3A_71] : memref<2x5200xf32, #tpu.memory_space<vmem>> -> memref<1x5200xf32, #tpu.memory_space<vmem>>
    %dma_start3A_73 = tpu.memref_squeeze %dma_start3A_72 : memref<1x5200xf32, #tpu.memory_space<vmem>> -> memref<5200xf32, #tpu.memory_space<vmem>>
    %dma_start3A_74 = tpu.memref_slice %arg2[%add3A_69] : memref<2038608xf32, #tpu.memory_space<hbm>> -> memref<5200xf32, #tpu.memory_space<hbm>>
    %dma_start3A_75 = arith.constant 0 : i32
    %dma_start3A_76 = tpu.memref_slice %arg4[%dma_start3A_70, %dma_start3A_75] : memref<2x5200xf32, #tpu.memory_space<vmem>> -> memref<1x5200xf32, #tpu.memory_space<vmem>>
    %dma_start3A_77 = tpu.memref_squeeze %dma_start3A_76 : memref<1x5200xf32, #tpu.memory_space<vmem>> -> memref<5200xf32, #tpu.memory_space<vmem>>
    %dma_start3A_78 = tpu.memref_slice %arg2[%add3A_69] : memref<2038608xf32, #tpu.memory_space<hbm>> -> memref<5200xf32, #tpu.memory_space<hbm>>
    tpu.enqueue_dma source(%dma_start3A_78 : memref<5200xf32, #tpu.memory_space<hbm>>) target(%dma_start3A_77 : memref<5200xf32, #tpu.memory_space<vmem>>) target_semaphore(%arg8 : memref<!tpu.dma_semaphore, #tpu.memory_space<semaphore_mem>>)
    %add3A_79 = arith.constant 32 : i32
    %add3A_80 = arith.addi %add3A, %add3A_79 : i32
    %min3A_81 = arith.constant 391 : i32
    %min3A_82 = arith.minsi %add3A_80, %min3A_81 : i32
    %jit3A_83 = arith.constant 2 : i32
    %div3A_84 = arith.divsi %min3A_82, %jit3A_83 : i32
    %sign3A_85 = arith.constant 0 : i32
    %sign3A_86 = arith.cmpi sgt, %min3A_82, %sign3A_85 : i32
    %sign3A_87 = arith.extui %sign3A_86 : i1 to i32
    %sign3A_88 = arith.constant 0 : i32
    %sign3A_89 = arith.cmpi slt, %min3A_82, %sign3A_88 : i32
    %sign3A_90 = arith.extui %sign3A_89 : i1 to i32
    %sign3A_91 = arith.subi %sign3A_87, %sign3A_90 : i32
    %sign3A_92 = arith.constant 0 : i32
    %sign3A_93 = arith.cmpi sgt, %jit3A_83, %sign3A_92 : i32
    %sign3A_94 = arith.extui %sign3A_93 : i1 to i32
    %sign3A_95 = arith.constant 0 : i32
    %sign3A_96 = arith.cmpi slt, %jit3A_83, %sign3A_95 : i32
    %sign3A_97 = arith.extui %sign3A_96 : i1 to i32
    %sign3A_98 = arith.subi %sign3A_94, %sign3A_97 : i32
    %ne3A_99 = arith.cmpi ne, %sign3A_91, %sign3A_98 : i32
    %rem3A_100 = arith.remsi %min3A_82, %jit3A_83 : i32
    %ne3A_101 = arith.constant 0 : i32
    %ne3A_102 = arith.cmpi ne, %rem3A_100, %ne3A_101 : i32
    %and3A_103 = arith.andi %ne3A_99, %ne3A_102 : i1
    %sub3A_104 = arith.constant 1 : i32
    %sub3A_105 = arith.subi %div3A_84, %sub3A_104 : i32
    %select_n3A_106 = arith.select %and3A_103, %sub3A_105, %div3A_84 : i32
    %mul3A_107 = arith.constant 2 : i32
    %mul3A_108 = arith.muli %select_n3A_106, %mul3A_107 : i32
    %sub3A_109 = arith.subi %min3A_82, %mul3A_108 : i32
    %ge3A_110 = arith.constant 98 : i32
    %ge3A_111 = arith.cmpi sge, %select_n3A_106, %ge3A_110 : i32
    %convert_element_type3A_112 = arith.extui %ge3A_111 : i1 to i32
    %mul3A_113 = arith.constant 98 : i32
    %mul3A_114 = arith.muli %convert_element_type3A_112, %mul3A_113 : i32
    %sub3A_115 = arith.subi %select_n3A_106, %mul3A_114 : i32
    %mul3A_116 = arith.constant 49 : i32
    %mul3A_117 = arith.muli %sub3A_109, %mul3A_116 : i32
    %mul3A_118 = arith.constant 99 : i32
    %mul3A_119 = arith.muli %convert_element_type3A_112, %mul3A_118 : i32
    %add3A_120 = arith.addi %mul3A_119, %sub3A_115 : i32
    %mul3A_121 = arith.constant 99 : i32
    %mul3A_122 = arith.muli %add3A_120, %mul3A_121 : i32
    %add3A_123 = arith.addi %mul3A_122, %mul3A_117 : i32
    %mul3A_124 = arith.constant 104 : i32
    %mul3A_125 = arith.muli %add3A_123, %mul3A_124 : i32
    %dma_start3A_126 = arith.constant 0 : i32
    %dma_start3A_127 = arith.constant 0 : i32
    %dma_start3A_128 = tpu.memref_slice %arg5[%dma_start3A_126, %dma_start3A_127] : memref<2x5200xf32, #tpu.memory_space<vmem>> -> memref<1x5200xf32, #tpu.memory_space<vmem>>
    %dma_start3A_129 = tpu.memref_squeeze %dma_start3A_128 : memref<1x5200xf32, #tpu.memory_space<vmem>> -> memref<5200xf32, #tpu.memory_space<vmem>>
    %dma_start3A_130 = tpu.memref_slice %arg2[%mul3A_125] : memref<2038608xf32, #tpu.memory_space<hbm>> -> memref<5200xf32, #tpu.memory_space<hbm>>
    %dma_start3A_131 = arith.constant 0 : i32
    %dma_start3A_132 = tpu.memref_slice %arg5[%dma_start3A_126, %dma_start3A_131] : memref<2x5200xf32, #tpu.memory_space<vmem>> -> memref<1x5200xf32, #tpu.memory_space<vmem>>
    %dma_start3A_133 = tpu.memref_squeeze %dma_start3A_132 : memref<1x5200xf32, #tpu.memory_space<vmem>> -> memref<5200xf32, #tpu.memory_space<vmem>>
    %dma_start3A_134 = tpu.memref_slice %arg2[%mul3A_125] : memref<2038608xf32, #tpu.memory_space<hbm>> -> memref<5200xf32, #tpu.memory_space<hbm>>
    tpu.enqueue_dma source(%dma_start3A_134 : memref<5200xf32, #tpu.memory_space<hbm>>) target(%dma_start3A_133 : memref<5200xf32, #tpu.memory_space<vmem>>) target_semaphore(%arg9 : memref<!tpu.dma_semaphore, #tpu.memory_space<semaphore_mem>>)
    %add3A_135 = arith.constant 10296 : i32
    %add3A_136 = arith.addi %mul3A_125, %add3A_135 : i32
    %dma_start3A_137 = arith.constant 1 : i32
    %dma_start3A_138 = arith.constant 0 : i32
    %dma_start3A_139 = tpu.memref_slice %arg5[%dma_start3A_137, %dma_start3A_138] : memref<2x5200xf32, #tpu.memory_space<vmem>> -> memref<1x5200xf32, #tpu.memory_space<vmem>>
    %dma_start3A_140 = tpu.memref_squeeze %dma_start3A_139 : memref<1x5200xf32, #tpu.memory_space<vmem>> -> memref<5200xf32, #tpu.memory_space<vmem>>
    %dma_start3A_141 = tpu.memref_slice %arg2[%add3A_136] : memref<2038608xf32, #tpu.memory_space<hbm>> -> memref<5200xf32, #tpu.memory_space<hbm>>
    %dma_start3A_142 = arith.constant 0 : i32
    %dma_start3A_143 = tpu.memref_slice %arg5[%dma_start3A_137, %dma_start3A_142] : memref<2x5200xf32, #tpu.memory_space<vmem>> -> memref<1x5200xf32, #tpu.memory_space<vmem>>
    %dma_start3A_144 = tpu.memref_squeeze %dma_start3A_143 : memref<1x5200xf32, #tpu.memory_space<vmem>> -> memref<5200xf32, #tpu.memory_space<vmem>>
    %dma_start3A_145 = tpu.memref_slice %arg2[%add3A_136] : memref<2038608xf32, #tpu.memory_space<hbm>> -> memref<5200xf32, #tpu.memory_space<hbm>>
    tpu.enqueue_dma source(%dma_start3A_145 : memref<5200xf32, #tpu.memory_space<hbm>>) target(%dma_start3A_144 : memref<5200xf32, #tpu.memory_space<vmem>>) target_semaphore(%arg9 : memref<!tpu.dma_semaphore, #tpu.memory_space<semaphore_mem>>)
    %scan3A = arith.constant 0 : i32
    %scan3A_146 = arith.constant 6 : i32
    %scan3A_147 = arith.addi %scan3A, %scan3A_146 : i32
    %scan3A_148 = arith.constant 1 : i32
    scf.for %scan3A_196 = %scan3A to %scan3A_147 step %scan3A_148  : i32 {
      %mul3A_197 = arith.constant 2 : i32
      %mul3A_198 = arith.muli %mul3A_197, %scan3A_196 : i32
      %add3A_199 = arith.constant 1 : i32
      %add3A_200 = arith.addi %mul3A_198, %add3A_199 : i32
      %dma_wait3A_201 = arith.constant 0 : i32
      %dma_wait3A_202 = arith.constant 0 : i32
      %dma_wait3A_203 = tpu.memref_slice %arg4[%dma_wait3A_201, %dma_wait3A_202] : memref<2x5200xf32, #tpu.memory_space<vmem>> -> memref<1x5200xf32, #tpu.memory_space<vmem>>
      %dma_wait3A_204 = tpu.memref_squeeze %dma_wait3A_203 : memref<1x5200xf32, #tpu.memory_space<vmem>> -> memref<5200xf32, #tpu.memory_space<vmem>>
      %dma_wait3A_205 = arith.constant 0 : i32
      %dma_wait3A_206 = tpu.memref_slice %arg2[%dma_wait3A_205] : memref<2038608xf32, #tpu.memory_space<hbm>> -> memref<5200xf32, #tpu.memory_space<hbm>>
      %dma_wait3A_207 = arith.constant 0 : i32
      %dma_wait3A_208 = tpu.memref_slice %arg4[%dma_wait3A_201, %dma_wait3A_207] : memref<2x5200xf32, #tpu.memory_space<vmem>> -> memref<1x5200xf32, #tpu.memory_space<vmem>>
      %dma_wait3A_209 = tpu.memref_squeeze %dma_wait3A_208 : memref<1x5200xf32, #tpu.memory_space<vmem>> -> memref<5200xf32, #tpu.memory_space<vmem>>
      %dma_wait3A_210 = arith.constant 0 : i32
      %dma_wait3A_211 = tpu.memref_slice %arg2[%dma_wait3A_210] : memref<2038608xf32, #tpu.memory_space<hbm>> -> memref<5200xf32, #tpu.memory_space<hbm>>
      tpu.wait_dma2 semaphore(%arg8 : memref<!tpu.dma_semaphore, #tpu.memory_space<semaphore_mem>>) src(%dma_wait3A_211 : memref<5200xf32, #tpu.memory_space<hbm>>) dst(%dma_wait3A_209 : memref<5200xf32, #tpu.memory_space<vmem>>)
      %dma_wait3A_212 = arith.constant 1 : i32
      %dma_wait3A_213 = arith.constant 0 : i32
      %dma_wait3A_214 = tpu.memref_slice %arg4[%dma_wait3A_212, %dma_wait3A_213] : memref<2x5200xf32, #tpu.memory_space<vmem>> -> memref<1x5200xf32, #tpu.memory_space<vmem>>
      %dma_wait3A_215 = tpu.memref_squeeze %dma_wait3A_214 : memref<1x5200xf32, #tpu.memory_space<vmem>> -> memref<5200xf32, #tpu.memory_space<vmem>>
      %dma_wait3A_216 = arith.constant 0 : i32
      %dma_wait3A_217 = tpu.memref_slice %arg2[%dma_wait3A_216] : memref<2038608xf32, #tpu.memory_space<hbm>> -> memref<5200xf32, #tpu.memory_space<hbm>>
      %dma_wait3A_218 = arith.constant 0 : i32
      %dma_wait3A_219 = tpu.memref_slice %arg4[%dma_wait3A_212, %dma_wait3A_218] : memref<2x5200xf32, #tpu.memory_space<vmem>> -> memref<1x5200xf32, #tpu.memory_space<vmem>>
      %dma_wait3A_220 = tpu.memref_squeeze %dma_wait3A_219 : memref<1x5200xf32, #tpu.memory_space<vmem>> -> memref<5200xf32, #tpu.memory_space<vmem>>
      %dma_wait3A_221 = arith.constant 0 : i32
      %dma_wait3A_222 = tpu.memref_slice %arg2[%dma_wait3A_221] : memref<2038608xf32, #tpu.memory_space<hbm>> -> memref<5200xf32, #tpu.memory_space<hbm>>
      tpu.wait_dma2 semaphore(%arg8 : memref<!tpu.dma_semaphore, #tpu.memory_space<semaphore_mem>>) src(%dma_wait3A_222 : memref<5200xf32, #tpu.memory_space<hbm>>) dst(%dma_wait3A_220 : memref<5200xf32, #tpu.memory_space<vmem>>)
      %ge3A_223 = arith.constant 2 : i32
      %ge3A_224 = arith.cmpi sge, %mul3A_198, %ge3A_223 : i32
      %convert_element_type3A_225 = arith.extui %ge3A_224 : i1 to i32
      %cond3A = arith.constant 0 : i32
      %cond3A_226 = arith.cmpi ne, %convert_element_type3A_225, %cond3A : i32
      scf.if %cond3A_226 {
        %dma_wait3A_358 = arith.constant 0 : i32
        %dma_wait3A_359 = tpu.memref_slice %arg3[%dma_wait3A_358] : memref<15059072xf32, #tpu.memory_space<hbm>> -> memref<38416xf32, #tpu.memory_space<hbm>>
        %dma_wait3A_360 = arith.constant 0 : i32
        %dma_wait3A_361 = tpu.memref_slice %arg3[%dma_wait3A_360] : memref<15059072xf32, #tpu.memory_space<hbm>> -> memref<38416xf32, #tpu.memory_space<hbm>>
        tpu.wait_dma2 semaphore(%arg10 : memref<!tpu.dma_semaphore, #tpu.memory_space<semaphore_mem>>) src(%dma_wait3A_361 : memref<38416xf32, #tpu.memory_space<hbm>>) dst(%arg6 : memref<38416xf32, #tpu.memory_space<vmem>>)
      } else {
      }
      %mul3A_227 = arith.constant 32 : i32
      %mul3A_228 = arith.muli %mul3A_198, %mul3A_227 : i32
      %add3A_229 = arith.addi %add3A, %mul3A_228 : i32
      %min3A_230 = arith.constant 391 : i32
      %min3A_231 = arith.minsi %add3A_229, %min3A_230 : i32
      %scan3A_232 = arith.constant 0 : i32
      %scan3A_233 = arith.constant 49 : i32
      %scan3A_234 = arith.addi %scan3A_232, %scan3A_233 : i32
      %scan3A_235 = arith.constant 1 : i32
      scf.for %scan3A_358 = %scan3A_232 to %scan3A_234 step %scan3A_235  : i32 {
        %mul3A_359 = arith.constant 104 : i32
        %mul3A_360 = arith.muli %scan3A_358, %mul3A_359 : i32
        %mul3A_361 = arith.constant 784 : i32
        %mul3A_362 = arith.muli %scan3A_358, %mul3A_361 : i32
        %scan3A_363 = arith.constant 0 : i32
        %scan3A_364 = arith.constant 7 : i32
        %scan3A_365 = arith.addi %scan3A_363, %scan3A_364 : i32
        %scan3A_366 = arith.constant 1 : i32
        scf.for %scan3A_368 = %scan3A_363 to %scan3A_365 step %scan3A_366  : i32 {
          %mul3A_369 = arith.constant 14 : i32
          %mul3A_370 = arith.muli %scan3A_368, %mul3A_369 : i32
          %add3A_371 = arith.constant 0 : i32
          %add3A_372 = arith.addi %mul3A_370, %add3A_371 : i32
          %add3A_373 = arith.addi %mul3A_360, %add3A_372 : i32
          %add3A_374 = vector.broadcast %add3A_373 : i32 to vector<16xi32>
          %add3A_375 = arith.addi %add3A_22, %add3A_374 : vector<16xi32>
          %gather3A = tpu.vector_load_idx %arg4[%and3A_5, %add3A_375] : memref<2x5200xf32, #tpu.memory_space<vmem>>[vector<16xi32>, vector<16xi32>], vector<16xf32>,
          %mul3A_376 = arith.constant 8 : i32
          %mul3A_377 = arith.muli %add3A_372, %mul3A_376 : i32
          %add3A_378 = arith.addi %mul3A_362, %mul3A_377 : i32
          %swap3A = arith.index_cast %add3A_378 : i32 to index
          %swap3A_379 = tpu.vector_load %arg6[%swap3A] {strides = array<i32>} : memref<38416xf32, #tpu.memory_space<vmem>>, vector<16xf32>,
          tpu.vector_store %arg6[%swap3A], %gather3A {strides = array<i32>} : memref<38416xf32, #tpu.memory_space<vmem>>, vector<16xf32>,
          %mul3A_380 = arith.constant 14 : i32
          %mul3A_381 = arith.muli %scan3A_368, %mul3A_380 : i32
          %add3A_382 = arith.constant 2 : i32
          %add3A_383 = arith.addi %mul3A_381, %add3A_382 : i32
          %add3A_384 = arith.addi %mul3A_360, %add3A_383 : i32
          %add3A_385 = vector.broadcast %add3A_384 : i32 to vector<16xi32>
          %add3A_386 = arith.addi %add3A_22, %add3A_385 : vector<16xi32>
          %gather3A_387 = tpu.vector_load_idx %arg4[%and3A_5, %add3A_386] : memref<2x5200xf32, #tpu.memory_space<vmem>>[vector<16xi32>, vector<16xi32>], vector<16xf32>,
          %mul3A_388 = arith.constant 8 : i32
          %mul3A_389 = arith.muli %add3A_383, %mul3A_388 : i32
          %add3A_390 = arith.addi %mul3A_362, %mul3A_389 : i32
          %swap3A_391 = arith.index_cast %add3A_390 : i32 to index
          %swap3A_392 = tpu.vector_load %arg6[%swap3A_391] {strides = array<i32>} : memref<38416xf32, #tpu.memory_space<vmem>>, vector<16xf32>,
          tpu.vector_store %arg6[%swap3A_391], %gather3A_387 {strides = array<i32>} : memref<38416xf32, #tpu.memory_space<vmem>>, vector<16xf32>,
          %mul3A_393 = arith.constant 14 : i32
          %mul3A_394 = arith.muli %scan3A_368, %mul3A_393 : i32
          %add3A_395 = arith.constant 4 : i32
          %add3A_396 = arith.addi %mul3A_394, %add3A_395 : i32
          %add3A_397 = arith.addi %mul3A_360, %add3A_396 : i32
          %add3A_398 = vector.broadcast %add3A_397 : i32 to vector<16xi32>
          %add3A_399 = arith.addi %add3A_22, %add3A_398 : vector<16xi32>
          %gather3A_400 = tpu.vector_load_idx %arg4[%and3A_5, %add3A_399] : memref<2x5200xf32, #tpu.memory_space<vmem>>[vector<16xi32>, vector<16xi32>], vector<16xf32>,
          %mul3A_401 = arith.constant 8 : i32
          %mul3A_402 = arith.muli %add3A_396, %mul3A_401 : i32
          %add3A_403 = arith.addi %mul3A_362, %mul3A_402 : i32
          %swap3A_404 = arith.index_cast %add3A_403 : i32 to index
          %swap3A_405 = tpu.vector_load %arg6[%swap3A_404] {strides = array<i32>} : memref<38416xf32, #tpu.memory_space<vmem>>, vector<16xf32>,
          tpu.vector_store %arg6[%swap3A_404], %gather3A_400 {strides = array<i32>} : memref<38416xf32, #tpu.memory_space<vmem>>, vector<16xf32>,
          %mul3A_406 = arith.constant 14 : i32
          %mul3A_407 = arith.muli %scan3A_368, %mul3A_406 : i32
          %add3A_408 = arith.constant 6 : i32
          %add3A_409 = arith.addi %mul3A_407, %add3A_408 : i32
          %add3A_410 = arith.addi %mul3A_360, %add3A_409 : i32
          %add3A_411 = vector.broadcast %add3A_410 : i32 to vector<16xi32>
          %add3A_412 = arith.addi %add3A_22, %add3A_411 : vector<16xi32>
          %gather3A_413 = tpu.vector_load_idx %arg4[%and3A_5, %add3A_412] : memref<2x5200xf32, #tpu.memory_space<vmem>>[vector<16xi32>, vector<16xi32>], vector<16xf32>,
          %mul3A_414 = arith.constant 8 : i32
          %mul3A_415 = arith.muli %add3A_409, %mul3A_414 : i32
          %add3A_416 = arith.addi %mul3A_362, %mul3A_415 : i32
          %swap3A_417 = arith.index_cast %add3A_416 : i32 to index
          %swap3A_418 = tpu.vector_load %arg6[%swap3A_417] {strides = array<i32>} : memref<38416xf32, #tpu.memory_space<vmem>>, vector<16xf32>,
          tpu.vector_store %arg6[%swap3A_417], %gather3A_413 {strides = array<i32>} : memref<38416xf32, #tpu.memory_space<vmem>>, vector<16xf32>,
          %mul3A_419 = arith.constant 14 : i32
          %mul3A_420 = arith.muli %scan3A_368, %mul3A_419 : i32
          %add3A_421 = arith.constant 8 : i32
          %add3A_422 = arith.addi %mul3A_420, %add3A_421 : i32
          %add3A_423 = arith.addi %mul3A_360, %add3A_422 : i32
          %add3A_424 = vector.broadcast %add3A_423 : i32 to vector<16xi32>
          %add3A_425 = arith.addi %add3A_22, %add3A_424 : vector<16xi32>
          %gather3A_426 = tpu.vector_load_idx %arg4[%and3A_5, %add3A_425] : memref<2x5200xf32, #tpu.memory_space<vmem>>[vector<16xi32>, vector<16xi32>], vector<16xf32>,
          %mul3A_427 = arith.constant 8 : i32
          %mul3A_428 = arith.muli %add3A_422, %mul3A_427 : i32
          %add3A_429 = arith.addi %mul3A_362, %mul3A_428 : i32
          %swap3A_430 = arith.index_cast %add3A_429 : i32 to index
          %swap3A_431 = tpu.vector_load %arg6[%swap3A_430] {strides = array<i32>} : memref<38416xf32, #tpu.memory_space<vmem>>, vector<16xf32>,
          tpu.vector_store %arg6[%swap3A_430], %gather3A_426 {strides = array<i32>} : memref<38416xf32, #tpu.memory_space<vmem>>, vector<16xf32>,
          %mul3A_432 = arith.constant 14 : i32
          %mul3A_433 = arith.muli %scan3A_368, %mul3A_432 : i32
          %add3A_434 = arith.constant 10 : i32
          %add3A_435 = arith.addi %mul3A_433, %add3A_434 : i32
          %add3A_436 = arith.addi %mul3A_360, %add3A_435 : i32
          %add3A_437 = vector.broadcast %add3A_436 : i32 to vector<16xi32>
          %add3A_438 = arith.addi %add3A_22, %add3A_437 : vector<16xi32>
          %gather3A_439 = tpu.vector_load_idx %arg4[%and3A_5, %add3A_438] : memref<2x5200xf32, #tpu.memory_space<vmem>>[vector<16xi32>, vector<16xi32>], vector<16xf32>,
          %mul3A_440 = arith.constant 8 : i32
          %mul3A_441 = arith.muli %add3A_435, %mul3A_440 : i32
          %add3A_442 = arith.addi %mul3A_362, %mul3A_441 : i32
          %swap3A_443 = arith.index_cast %add3A_442 : i32 to index
          %swap3A_444 = tpu.vector_load %arg6[%swap3A_443] {strides = array<i32>} : memref<38416xf32, #tpu.memory_space<vmem>>, vector<16xf32>,
          tpu.vector_store %arg6[%swap3A_443], %gather3A_439 {strides = array<i32>} : memref<38416xf32, #tpu.memory_space<vmem>>, vector<16xf32>,
          %mul3A_445 = arith.constant 14 : i32
          %mul3A_446 = arith.muli %scan3A_368, %mul3A_445 : i32
          %add3A_447 = arith.constant 12 : i32
          %add3A_448 = arith.addi %mul3A_446, %add3A_447 : i32
          %add3A_449 = arith.addi %mul3A_360, %add3A_448 : i32
          %add3A_450 = vector.broadcast %add3A_449 : i32 to vector<16xi32>
          %add3A_451 = arith.addi %add3A_22, %add3A_450 : vector<16xi32>
          %gather3A_452 = tpu.vector_load_idx %arg4[%and3A_5, %add3A_451] : memref<2x5200xf32, #tpu.memory_space<vmem>>[vector<16xi32>, vector<16xi32>], vector<16xf32>,
          %mul3A_453 = arith.constant 8 : i32
          %mul3A_454 = arith.muli %add3A_448, %mul3A_453 : i32
          %add3A_455 = arith.addi %mul3A_362, %mul3A_454 : i32
          %swap3A_456 = arith.index_cast %add3A_455 : i32 to index
          %swap3A_457 = tpu.vector_load %arg6[%swap3A_456] {strides = array<i32>} : memref<38416xf32, #tpu.memory_space<vmem>>, vector<16xf32>,
          tpu.vector_store %arg6[%swap3A_456], %gather3A_452 {strides = array<i32>} : memref<38416xf32, #tpu.memory_space<vmem>>, vector<16xf32>,
        }
        %scan3A_367 = arith.constant 7 : i32
      }
      %scan3A_236 = arith.constant 49 : i32
      %mul3A_237 = arith.constant 38416 : i32
      %mul3A_238 = arith.muli %min3A_231, %mul3A_237 : i32
      %dma_start3A_239 = tpu.memref_slice %arg3[%mul3A_238] : memref<15059072xf32, #tpu.memory_space<hbm>> -> memref<38416xf32, #tpu.memory_space<hbm>>
      %dma_start3A_240 = tpu.memref_slice %arg3[%mul3A_238] : memref<15059072xf32, #tpu.memory_space<hbm>> -> memref<38416xf32, #tpu.memory_space<hbm>>
      tpu.enqueue_dma source(%arg6 : memref<38416xf32, #tpu.memory_space<vmem>>) target(%dma_start3A_240 : memref<38416xf32, #tpu.memory_space<hbm>>) target_semaphore(%arg10 : memref<!tpu.dma_semaphore, #tpu.memory_space<semaphore_mem>>)
      %add3A_241 = arith.constant 2 : i32
      %add3A_242 = arith.addi %mul3A_198, %add3A_241 : i32
      %mul3A_243 = arith.constant 32 : i32
      %mul3A_244 = arith.muli %add3A_242, %mul3A_243 : i32
      %add3A_245 = arith.addi %add3A, %mul3A_244 : i32
      %min3A_246 = arith.constant 391 : i32
      %min3A_247 = arith.minsi %add3A_245, %min3A_246 : i32
      %jit3A_248 = arith.constant 2 : i32
      %div3A_249 = arith.divsi %min3A_247, %jit3A_248 : i32
      %sign3A_250 = arith.constant 0 : i32
      %sign3A_251 = arith.cmpi sgt, %min3A_247, %sign3A_250 : i32
      %sign3A_252 = arith.extui %sign3A_251 : i1 to i32
      %sign3A_253 = arith.constant 0 : i32
      %sign3A_254 = arith.cmpi slt, %min3A_247, %sign3A_253 : i32
      %sign3A_255 = arith.extui %sign3A_254 : i1 to i32
      %sign3A_256 = arith.subi %sign3A_252, %sign3A_255 : i32
      %sign3A_257 = arith.constant 0 : i32
      %sign3A_258 = arith.cmpi sgt, %jit3A_248, %sign3A_257 : i32
      %sign3A_259 = arith.extui %sign3A_258 : i1 to i32
      %sign3A_260 = arith.constant 0 : i32
      %sign3A_261 = arith.cmpi slt, %jit3A_248, %sign3A_260 : i32
      %sign3A_262 = arith.extui %sign3A_261 : i1 to i32
      %sign3A_263 = arith.subi %sign3A_259, %sign3A_262 : i32
      %ne3A_264 = arith.cmpi ne, %sign3A_256, %sign3A_263 : i32
      %rem3A_265 = arith.remsi %min3A_247, %jit3A_248 : i32
      %ne3A_266 = arith.constant 0 : i32
      %ne3A_267 = arith.cmpi ne, %rem3A_265, %ne3A_266 : i32
      %and3A_268 = arith.andi %ne3A_264, %ne3A_267 : i1
      %sub3A_269 = arith.constant 1 : i32
      %sub3A_270 = arith.subi %div3A_249, %sub3A_269 : i32
      %select_n3A_271 = arith.select %and3A_268, %sub3A_270, %div3A_249 : i32
      %mul3A_272 = arith.constant 2 : i32
      %mul3A_273 = arith.muli %select_n3A_271, %mul3A_272 : i32
      %sub3A_274 = arith.subi %min3A_247, %mul3A_273 : i32
      %ge3A_275 = arith.constant 98 : i32
      %ge3A_276 = arith.cmpi sge, %select_n3A_271, %ge3A_275 : i32
      %convert_element_type3A_277 = arith.extui %ge3A_276 : i1 to i32
      %mul3A_278 = arith.constant 98 : i32
      %mul3A_279 = arith.muli %convert_element_type3A_277, %mul3A_278 : i32
      %sub3A_280 = arith.subi %select_n3A_271, %mul3A_279 : i32
      %mul3A_281 = arith.constant 49 : i32
      %mul3A_282 = arith.muli %sub3A_274, %mul3A_281 : i32
      %mul3A_283 = arith.constant 99 : i32
      %mul3A_284 = arith.muli %convert_element_type3A_277, %mul3A_283 : i32
      %add3A_285 = arith.addi %mul3A_284, %sub3A_280 : i32
      %mul3A_286 = arith.constant 99 : i32
      %mul3A_287 = arith.muli %add3A_285, %mul3A_286 : i32
      %add3A_288 = arith.addi %mul3A_287, %mul3A_282 : i32
      %mul3A_289 = arith.constant 104 : i32
      %mul3A_290 = arith.muli %add3A_288, %mul3A_289 : i32
      %dma_start3A_291 = arith.constant 0 : i32
      %dma_start3A_292 = arith.constant 0 : i32
      %dma_start3A_293 = tpu.memref_slice %arg4[%dma_start3A_291, %dma_start3A_292] : memref<2x5200xf32, #tpu.memory_space<vmem>> -> memref<1x5200xf32, #tpu.memory_space<vmem>>
      %dma_start3A_294 = tpu.memref_squeeze %dma_start3A_293 : memref<1x5200xf32, #tpu.memory_space<vmem>> -> memref<5200xf32, #tpu.memory_space<vmem>>
      %dma_start3A_295 = tpu.memref_slice %arg2[%mul3A_290] : memref<2038608xf32, #tpu.memory_space<hbm>> -> memref<5200xf32, #tpu.memory_space<hbm>>
      %dma_start3A_296 = arith.constant 0 : i32
      %dma_start3A_297 = tpu.memref_slice %arg4[%dma_start3A_291, %dma_start3A_296] : memref<2x5200xf32, #tpu.memory_space<vmem>> -> memref<1x5200xf32, #tpu.memory_space<vmem>>
      %dma_start3A_298 = tpu.memref_squeeze %dma_start3A_297 : memref<1x5200xf32, #tpu.memory_space<vmem>> -> memref<5200xf32, #tpu.memory_space<vmem>>
      %dma_start3A_299 = tpu.memref_slice %arg2[%mul3A_290] : memref<2038608xf32, #tpu.memory_space<hbm>> -> memref<5200xf32, #tpu.memory_space<hbm>>
      tpu.enqueue_dma source(%dma_start3A_299 : memref<5200xf32, #tpu.memory_space<hbm>>) target(%dma_start3A_298 : memref<5200xf32, #tpu.memory_space<vmem>>) target_semaphore(%arg8 : memref<!tpu.dma_semaphore, #tpu.memory_space<semaphore_mem>>)
      %add3A_300 = arith.constant 10296 : i32
      %add3A_301 = arith.addi %mul3A_290, %add3A_300 : i32
      %dma_start3A_302 = arith.constant 1 : i32
      %dma_start3A_303 = arith.constant 0 : i32
      %dma_start3A_304 = tpu.memref_slice %arg4[%dma_start3A_302, %dma_start3A_303] : memref<2x5200xf32, #tpu.memory_space<vmem>> -> memref<1x5200xf32, #tpu.memory_space<vmem>>
      %dma_start3A_305 = tpu.memref_squeeze %dma_start3A_304 : memref<1x5200xf32, #tpu.memory_space<vmem>> -> memref<5200xf32, #tpu.memory_space<vmem>>
      %dma_start3A_306 = tpu.memref_slice %arg2[%add3A_301] : memref<2038608xf32, #tpu.memory_space<hbm>> -> memref<5200xf32, #tpu.memory_space<hbm>>
      %dma_start3A_307 = arith.constant 0 : i32
      %dma_start3A_308 = tpu.memref_slice %arg4[%dma_start3A_302, %dma_start3A_307] : memref<2x5200xf32, #tpu.memory_space<vmem>> -> memref<1x5200xf32, #tpu.memory_space<vmem>>
      %dma_start3A_309 = tpu.memref_squeeze %dma_start3A_308 : memref<1x5200xf32, #tpu.memory_space<vmem>> -> memref<5200xf32, #tpu.memory_space<vmem>>
      %dma_start3A_310 = tpu.memref_slice %arg2[%add3A_301] : memref<2038608xf32, #tpu.memory_space<hbm>> -> memref<5200xf32, #tpu.memory_space<hbm>>
      tpu.enqueue_dma source(%dma_start3A_310 : memref<5200xf32, #tpu.memory_space<hbm>>) target(%dma_start3A_309 : memref<5200xf32, #tpu.memory_space<vmem>>) target_semaphore(%arg8 : memref<!tpu.dma_semaphore, #tpu.memory_space<semaphore_mem>>)
      %dma_wait3A_311 = arith.constant 0 : i32
      %dma_wait3A_312 = arith.constant 0 : i32
      %dma_wait3A_313 = tpu.memref_slice %arg5[%dma_wait3A_311, %dma_wait3A_312] : memref<2x5200xf32, #tpu.memory_space<vmem>> -> memref<1x5200xf32, #tpu.memory_space<vmem>>
      %dma_wait3A_314 = tpu.memref_squeeze %dma_wait3A_313 : memref<1x5200xf32, #tpu.memory_space<vmem>> -> memref<5200xf32, #tpu.memory_space<vmem>>
      %dma_wait3A_315 = arith.constant 0 : i32
      %dma_wait3A_316 = tpu.memref_slice %arg2[%dma_wait3A_315] : memref<2038608xf32, #tpu.memory_space<hbm>> -> memref<5200xf32, #tpu.memory_space<hbm>>
      %dma_wait3A_317 = arith.constant 0 : i32
      %dma_wait3A_318 = tpu.memref_slice %arg5[%dma_wait3A_311, %dma_wait3A_317] : memref<2x5200xf32, #tpu.memory_space<vmem>> -> memref<1x5200xf32, #tpu.memory_space<vmem>>
      %dma_wait3A_319 = tpu.memref_squeeze %dma_wait3A_318 : memref<1x5200xf32, #tpu.memory_space<vmem>> -> memref<5200xf32, #tpu.memory_space<vmem>>
      %dma_wait3A_320 = arith.constant 0 : i32
      %dma_wait3A_321 = tpu.memref_slice %arg2[%dma_wait3A_320] : memref<2038608xf32, #tpu.memory_space<hbm>> -> memref<5200xf32, #tpu.memory_space<hbm>>
      tpu.wait_dma2 semaphore(%arg9 : memref<!tpu.dma_semaphore, #tpu.memory_space<semaphore_mem>>) src(%dma_wait3A_321 : memref<5200xf32, #tpu.memory_space<hbm>>) dst(%dma_wait3A_319 : memref<5200xf32, #tpu.memory_space<vmem>>)
      %dma_wait3A_322 = arith.constant 1 : i32
      %dma_wait3A_323 = arith.constant 0 : i32
      %dma_wait3A_324 = tpu.memref_slice %arg5[%dma_wait3A_322, %dma_wait3A_323] : memref<2x5200xf32, #tpu.memory_space<vmem>> -> memref<1x5200xf32, #tpu.memory_space<vmem>>
      %dma_wait3A_325 = tpu.memref_squeeze %dma_wait3A_324 : memref<1x5200xf32, #tpu.memory_space<vmem>> -> memref<5200xf32, #tpu.memory_space<vmem>>
      %dma_wait3A_326 = arith.constant 0 : i32
      %dma_wait3A_327 = tpu.memref_slice %arg2[%dma_wait3A_326] : memref<2038608xf32, #tpu.memory_space<hbm>> -> memref<5200xf32, #tpu.memory_space<hbm>>
      %dma_wait3A_328 = arith.constant 0 : i32
      %dma_wait3A_329 = tpu.memref_slice %arg5[%dma_wait3A_322, %dma_wait3A_328] : memref<2x5200xf32, #tpu.memory_space<vmem>> -> memref<1x5200xf32, #tpu.memory_space<vmem>>
      %dma_wait3A_330 = tpu.memref_squeeze %dma_wait3A_329 : memref<1x5200xf32, #tpu.memory_space<vmem>> -> memref<5200xf32, #tpu.memory_space<vmem>>
      %dma_wait3A_331 = arith.constant 0 : i32
      %dma_wait3A_332 = tpu.memref_slice %arg2[%dma_wait3A_331] : memref<2038608xf32, #tpu.memory_space<hbm>> -> memref<5200xf32, #tpu.memory_space<hbm>>
      tpu.wait_dma2 semaphore(%arg9 : memref<!tpu.dma_semaphore, #tpu.memory_space<semaphore_mem>>) src(%dma_wait3A_332 : memref<5200xf32, #tpu.memory_space<hbm>>) dst(%dma_wait3A_330 : memref<5200xf32, #tpu.memory_space<vmem>>)
      %ge3A_333 = arith.constant 2 : i32
      %ge3A_334 = arith.cmpi sge, %add3A_200, %ge3A_333 : i32
      %convert_element_type3A_335 = arith.extui %ge3A_334 : i1 to i32
      %cond3A_336 = arith.constant 0 : i32
      %cond3A_337 = arith.cmpi ne, %convert_element_type3A_335, %cond3A_336 : i32
      scf.if %cond3A_337 {
        %dma_wait3A_358 = arith.constant 0 : i32
        %dma_wait3A_359 = tpu.memref_slice %arg3[%dma_wait3A_358] : memref<15059072xf32, #tpu.memory_space<hbm>> -> memref<38416xf32, #tpu.memory_space<hbm>>
        %dma_wait3A_360 = arith.constant 0 : i32
        %dma_wait3A_361 = tpu.memref_slice %arg3[%dma_wait3A_360] : memref<15059072xf32, #tpu.memory_space<hbm>> -> memref<38416xf32, #tpu.memory_space<hbm>>
        tpu.wait_dma2 semaphore(%arg11 : memref<!tpu.dma_semaphore, #tpu.memory_space<semaphore_mem>>) src(%dma_wait3A_361 : memref<38416xf32, #tpu.memory_space<hbm>>) dst(%arg7 : memref<38416xf32, #tpu.memory_space<vmem>>)
      } else {
      }
      %mul3A_338 = arith.constant 32 : i32
      %mul3A_339 = arith.muli %add3A_200, %mul3A_338 : i32
      %add3A_340 = arith.addi %add3A, %mul3A_339 : i32
      %min3A_341 = arith.constant 391 : i32
      %min3A_342 = arith.minsi %add3A_340, %min3A_341 : i32
      %scan3A_343 = arith.constant 0 : i32
      %scan3A_344 = arith.constant 49 : i32
      %scan3A_345 = arith.addi %scan3A_343, %scan3A_344 : i32
      %scan3A_346 = arith.constant 1 : i32
      scf.for %scan3A_358 = %scan3A_343 to %scan3A_345 step %scan3A_346  : i32 {
        %mul3A_359 = arith.constant 104 : i32
        %mul3A_360 = arith.muli %scan3A_358, %mul3A_359 : i32
        %mul3A_361 = arith.constant 784 : i32
        %mul3A_362 = arith.muli %scan3A_358, %mul3A_361 : i32
        %scan3A_363 = arith.constant 0 : i32
        %scan3A_364 = arith.constant 7 : i32
        %scan3A_365 = arith.addi %scan3A_363, %scan3A_364 : i32
        %scan3A_366 = arith.constant 1 : i32
        scf.for %scan3A_368 = %scan3A_363 to %scan3A_365 step %scan3A_366  : i32 {
          %mul3A_369 = arith.constant 14 : i32
          %mul3A_370 = arith.muli %scan3A_368, %mul3A_369 : i32
          %add3A_371 = arith.constant 0 : i32
          %add3A_372 = arith.addi %mul3A_370, %add3A_371 : i32
          %add3A_373 = arith.addi %mul3A_360, %add3A_372 : i32
          %add3A_374 = vector.broadcast %add3A_373 : i32 to vector<16xi32>
          %add3A_375 = arith.addi %add3A_22, %add3A_374 : vector<16xi32>
          %gather3A = tpu.vector_load_idx %arg5[%and3A_5, %add3A_375] : memref<2x5200xf32, #tpu.memory_space<vmem>>[vector<16xi32>, vector<16xi32>], vector<16xf32>,
          %mul3A_376 = arith.constant 8 : i32
          %mul3A_377 = arith.muli %add3A_372, %mul3A_376 : i32
          %add3A_378 = arith.addi %mul3A_362, %mul3A_377 : i32
          %swap3A = arith.index_cast %add3A_378 : i32 to index
          %swap3A_379 = tpu.vector_load %arg7[%swap3A] {strides = array<i32>} : memref<38416xf32, #tpu.memory_space<vmem>>, vector<16xf32>,
          tpu.vector_store %arg7[%swap3A], %gather3A {strides = array<i32>} : memref<38416xf32, #tpu.memory_space<vmem>>, vector<16xf32>,
          %mul3A_380 = arith.constant 14 : i32
          %mul3A_381 = arith.muli %scan3A_368, %mul3A_380 : i32
          %add3A_382 = arith.constant 2 : i32
          %add3A_383 = arith.addi %mul3A_381, %add3A_382 : i32
          %add3A_384 = arith.addi %mul3A_360, %add3A_383 : i32
          %add3A_385 = vector.broadcast %add3A_384 : i32 to vector<16xi32>
          %add3A_386 = arith.addi %add3A_22, %add3A_385 : vector<16xi32>
          %gather3A_387 = tpu.vector_load_idx %arg5[%and3A_5, %add3A_386] : memref<2x5200xf32, #tpu.memory_space<vmem>>[vector<16xi32>, vector<16xi32>], vector<16xf32>,
          %mul3A_388 = arith.constant 8 : i32
          %mul3A_389 = arith.muli %add3A_383, %mul3A_388 : i32
          %add3A_390 = arith.addi %mul3A_362, %mul3A_389 : i32
          %swap3A_391 = arith.index_cast %add3A_390 : i32 to index
          %swap3A_392 = tpu.vector_load %arg7[%swap3A_391] {strides = array<i32>} : memref<38416xf32, #tpu.memory_space<vmem>>, vector<16xf32>,
          tpu.vector_store %arg7[%swap3A_391], %gather3A_387 {strides = array<i32>} : memref<38416xf32, #tpu.memory_space<vmem>>, vector<16xf32>,
          %mul3A_393 = arith.constant 14 : i32
          %mul3A_394 = arith.muli %scan3A_368, %mul3A_393 : i32
          %add3A_395 = arith.constant 4 : i32
          %add3A_396 = arith.addi %mul3A_394, %add3A_395 : i32
          %add3A_397 = arith.addi %mul3A_360, %add3A_396 : i32
          %add3A_398 = vector.broadcast %add3A_397 : i32 to vector<16xi32>
          %add3A_399 = arith.addi %add3A_22, %add3A_398 : vector<16xi32>
          %gather3A_400 = tpu.vector_load_idx %arg5[%and3A_5, %add3A_399] : memref<2x5200xf32, #tpu.memory_space<vmem>>[vector<16xi32>, vector<16xi32>], vector<16xf32>,
          %mul3A_401 = arith.constant 8 : i32
          %mul3A_402 = arith.muli %add3A_396, %mul3A_401 : i32
          %add3A_403 = arith.addi %mul3A_362, %mul3A_402 : i32
          %swap3A_404 = arith.index_cast %add3A_403 : i32 to index
          %swap3A_405 = tpu.vector_load %arg7[%swap3A_404] {strides = array<i32>} : memref<38416xf32, #tpu.memory_space<vmem>>, vector<16xf32>,
          tpu.vector_store %arg7[%swap3A_404], %gather3A_400 {strides = array<i32>} : memref<38416xf32, #tpu.memory_space<vmem>>, vector<16xf32>,
          %mul3A_406 = arith.constant 14 : i32
          %mul3A_407 = arith.muli %scan3A_368, %mul3A_406 : i32
          %add3A_408 = arith.constant 6 : i32
          %add3A_409 = arith.addi %mul3A_407, %add3A_408 : i32
          %add3A_410 = arith.addi %mul3A_360, %add3A_409 : i32
          %add3A_411 = vector.broadcast %add3A_410 : i32 to vector<16xi32>
          %add3A_412 = arith.addi %add3A_22, %add3A_411 : vector<16xi32>
          %gather3A_413 = tpu.vector_load_idx %arg5[%and3A_5, %add3A_412] : memref<2x5200xf32, #tpu.memory_space<vmem>>[vector<16xi32>, vector<16xi32>], vector<16xf32>,
          %mul3A_414 = arith.constant 8 : i32
          %mul3A_415 = arith.muli %add3A_409, %mul3A_414 : i32
          %add3A_416 = arith.addi %mul3A_362, %mul3A_415 : i32
          %swap3A_417 = arith.index_cast %add3A_416 : i32 to index
          %swap3A_418 = tpu.vector_load %arg7[%swap3A_417] {strides = array<i32>} : memref<38416xf32, #tpu.memory_space<vmem>>, vector<16xf32>,
          tpu.vector_store %arg7[%swap3A_417], %gather3A_413 {strides = array<i32>} : memref<38416xf32, #tpu.memory_space<vmem>>, vector<16xf32>,
          %mul3A_419 = arith.constant 14 : i32
          %mul3A_420 = arith.muli %scan3A_368, %mul3A_419 : i32
          %add3A_421 = arith.constant 8 : i32
          %add3A_422 = arith.addi %mul3A_420, %add3A_421 : i32
          %add3A_423 = arith.addi %mul3A_360, %add3A_422 : i32
          %add3A_424 = vector.broadcast %add3A_423 : i32 to vector<16xi32>
          %add3A_425 = arith.addi %add3A_22, %add3A_424 : vector<16xi32>
          %gather3A_426 = tpu.vector_load_idx %arg5[%and3A_5, %add3A_425] : memref<2x5200xf32, #tpu.memory_space<vmem>>[vector<16xi32>, vector<16xi32>], vector<16xf32>,
          %mul3A_427 = arith.constant 8 : i32
          %mul3A_428 = arith.muli %add3A_422, %mul3A_427 : i32
          %add3A_429 = arith.addi %mul3A_362, %mul3A_428 : i32
          %swap3A_430 = arith.index_cast %add3A_429 : i32 to index
          %swap3A_431 = tpu.vector_load %arg7[%swap3A_430] {strides = array<i32>} : memref<38416xf32, #tpu.memory_space<vmem>>, vector<16xf32>,
          tpu.vector_store %arg7[%swap3A_430], %gather3A_426 {strides = array<i32>} : memref<38416xf32, #tpu.memory_space<vmem>>, vector<16xf32>,
          %mul3A_432 = arith.constant 14 : i32
          %mul3A_433 = arith.muli %scan3A_368, %mul3A_432 : i32
          %add3A_434 = arith.constant 10 : i32
          %add3A_435 = arith.addi %mul3A_433, %add3A_434 : i32
          %add3A_436 = arith.addi %mul3A_360, %add3A_435 : i32
          %add3A_437 = vector.broadcast %add3A_436 : i32 to vector<16xi32>
          %add3A_438 = arith.addi %add3A_22, %add3A_437 : vector<16xi32>
          %gather3A_439 = tpu.vector_load_idx %arg5[%and3A_5, %add3A_438] : memref<2x5200xf32, #tpu.memory_space<vmem>>[vector<16xi32>, vector<16xi32>], vector<16xf32>,
          %mul3A_440 = arith.constant 8 : i32
          %mul3A_441 = arith.muli %add3A_435, %mul3A_440 : i32
          %add3A_442 = arith.addi %mul3A_362, %mul3A_441 : i32
          %swap3A_443 = arith.index_cast %add3A_442 : i32 to index
          %swap3A_444 = tpu.vector_load %arg7[%swap3A_443] {strides = array<i32>} : memref<38416xf32, #tpu.memory_space<vmem>>, vector<16xf32>,
          tpu.vector_store %arg7[%swap3A_443], %gather3A_439 {strides = array<i32>} : memref<38416xf32, #tpu.memory_space<vmem>>, vector<16xf32>,
          %mul3A_445 = arith.constant 14 : i32
          %mul3A_446 = arith.muli %scan3A_368, %mul3A_445 : i32
          %add3A_447 = arith.constant 12 : i32
          %add3A_448 = arith.addi %mul3A_446, %add3A_447 : i32
          %add3A_449 = arith.addi %mul3A_360, %add3A_448 : i32
          %add3A_450 = vector.broadcast %add3A_449 : i32 to vector<16xi32>
          %add3A_451 = arith.addi %add3A_22, %add3A_450 : vector<16xi32>
          %gather3A_452 = tpu.vector_load_idx %arg5[%and3A_5, %add3A_451] : memref<2x5200xf32, #tpu.memory_space<vmem>>[vector<16xi32>, vector<16xi32>], vector<16xf32>,
          %mul3A_453 = arith.constant 8 : i32
          %mul3A_454 = arith.muli %add3A_448, %mul3A_453 : i32
          %add3A_455 = arith.addi %mul3A_362, %mul3A_454 : i32
          %swap3A_456 = arith.index_cast %add3A_455 : i32 to index
          %swap3A_457 = tpu.vector_load %arg7[%swap3A_456] {strides = array<i32>} : memref<38416xf32, #tpu.memory_space<vmem>>, vector<16xf32>,
          tpu.vector_store %arg7[%swap3A_456], %gather3A_452 {strides = array<i32>} : memref<38416xf32, #tpu.memory_space<vmem>>, vector<16xf32>,
        }
        %scan3A_367 = arith.constant 7 : i32
      }
      %scan3A_347 = arith.constant 49 : i32
      %mul3A_348 = arith.constant 38416 : i32
      %mul3A_349 = arith.muli %min3A_342, %mul3A_348 : i32
      %dma_start3A_350 = tpu.memref_slice %arg3[%mul3A_349] : memref<15059072xf32, #tpu.memory_space<hbm>> -> memref<38416xf32, #tpu.memory_space<hbm>>
      %dma_start3A_351 = tpu.memref_slice %arg3[%mul3A_349] : memref<15059072xf32, #tpu.memory_space<hbm>> -> memref<38416xf32, #tpu.memory_space<hbm>>
      tpu.enqueue_dma source(%arg7 : memref<38416xf32, #tpu.memory_space<vmem>>) target(%dma_start3A_351 : memref<38416xf32, #tpu.memory_space<hbm>>) target_semaphore(%arg11 : memref<!tpu.dma_semaphore, #tpu.memory_space<semaphore_mem>>)
      %add3A_352 = arith.constant 2 : i32
      %add3A_353 = arith.addi %add3A_200, %add3A_352 : i32
      %lt3A = arith.constant 13 : i32
      %lt3A_354 = arith.cmpi slt, %add3A_353, %lt3A : i32
      %convert_element_type3A_355 = arith.extui %lt3A_354 : i1 to i32
      %cond3A_356 = arith.constant 0 : i32
      %cond3A_357 = arith.cmpi ne, %convert_element_type3A_355, %cond3A_356 : i32
      scf.if %cond3A_357 {
        %add3A_358 = arith.constant 2 : i32
        %add3A_359 = arith.addi %add3A_200, %add3A_358 : i32
        %mul3A_360 = arith.constant 32 : i32
        %mul3A_361 = arith.muli %add3A_359, %mul3A_360 : i32
        %add3A_362 = arith.addi %add3A, %mul3A_361 : i32
        %min3A_363 = arith.constant 391 : i32
        %min3A_364 = arith.minsi %add3A_362, %min3A_363 : i32
        %jit3A_365 = arith.constant 2 : i32
        %div3A_366 = arith.divsi %min3A_364, %jit3A_365 : i32
        %sign3A_367 = arith.constant 0 : i32
        %sign3A_368 = arith.cmpi sgt, %min3A_364, %sign3A_367 : i32
        %sign3A_369 = arith.extui %sign3A_368 : i1 to i32
        %sign3A_370 = arith.constant 0 : i32
        %sign3A_371 = arith.cmpi slt, %min3A_364, %sign3A_370 : i32
        %sign3A_372 = arith.extui %sign3A_371 : i1 to i32
        %sign3A_373 = arith.subi %sign3A_369, %sign3A_372 : i32
        %sign3A_374 = arith.constant 0 : i32
        %sign3A_375 = arith.cmpi sgt, %jit3A_365, %sign3A_374 : i32
        %sign3A_376 = arith.extui %sign3A_375 : i1 to i32
        %sign3A_377 = arith.constant 0 : i32
        %sign3A_378 = arith.cmpi slt, %jit3A_365, %sign3A_377 : i32
        %sign3A_379 = arith.extui %sign3A_378 : i1 to i32
        %sign3A_380 = arith.subi %sign3A_376, %sign3A_379 : i32
        %ne3A_381 = arith.cmpi ne, %sign3A_373, %sign3A_380 : i32
        %rem3A_382 = arith.remsi %min3A_364, %jit3A_365 : i32
        %ne3A_383 = arith.constant 0 : i32
        %ne3A_384 = arith.cmpi ne, %rem3A_382, %ne3A_383 : i32
        %and3A_385 = arith.andi %ne3A_381, %ne3A_384 : i1
        %sub3A_386 = arith.constant 1 : i32
        %sub3A_387 = arith.subi %div3A_366, %sub3A_386 : i32
        %select_n3A_388 = arith.select %and3A_385, %sub3A_387, %div3A_366 : i32
        %mul3A_389 = arith.constant 2 : i32
        %mul3A_390 = arith.muli %select_n3A_388, %mul3A_389 : i32
        %sub3A_391 = arith.subi %min3A_364, %mul3A_390 : i32
        %ge3A_392 = arith.constant 98 : i32
        %ge3A_393 = arith.cmpi sge, %select_n3A_388, %ge3A_392 : i32
        %convert_element_type3A_394 = arith.extui %ge3A_393 : i1 to i32
        %mul3A_395 = arith.constant 98 : i32
        %mul3A_396 = arith.muli %convert_element_type3A_394, %mul3A_395 : i32
        %sub3A_397 = arith.subi %select_n3A_388, %mul3A_396 : i32
        %mul3A_398 = arith.constant 49 : i32
        %mul3A_399 = arith.muli %sub3A_391, %mul3A_398 : i32
        %mul3A_400 = arith.constant 99 : i32
        %mul3A_401 = arith.muli %convert_element_type3A_394, %mul3A_400 : i32
        %add3A_402 = arith.addi %mul3A_401, %sub3A_397 : i32
        %mul3A_403 = arith.constant 99 : i32
        %mul3A_404 = arith.muli %add3A_402, %mul3A_403 : i32
        %add3A_405 = arith.addi %mul3A_404, %mul3A_399 : i32
        %mul3A_406 = arith.constant 104 : i32
        %mul3A_407 = arith.muli %add3A_405, %mul3A_406 : i32
        %dma_start3A_408 = arith.constant 0 : i32
        %dma_start3A_409 = arith.constant 0 : i32
        %dma_start3A_410 = tpu.memref_slice %arg5[%dma_start3A_408, %dma_start3A_409] : memref<2x5200xf32, #tpu.memory_space<vmem>> -> memref<1x5200xf32, #tpu.memory_space<vmem>>
        %dma_start3A_411 = tpu.memref_squeeze %dma_start3A_410 : memref<1x5200xf32, #tpu.memory_space<vmem>> -> memref<5200xf32, #tpu.memory_space<vmem>>
        %dma_start3A_412 = tpu.memref_slice %arg2[%mul3A_407] : memref<2038608xf32, #tpu.memory_space<hbm>> -> memref<5200xf32, #tpu.memory_space<hbm>>
        %dma_start3A_413 = arith.constant 0 : i32
        %dma_start3A_414 = tpu.memref_slice %arg5[%dma_start3A_408, %dma_start3A_413] : memref<2x5200xf32, #tpu.memory_space<vmem>> -> memref<1x5200xf32, #tpu.memory_space<vmem>>
        %dma_start3A_415 = tpu.memref_squeeze %dma_start3A_414 : memref<1x5200xf32, #tpu.memory_space<vmem>> -> memref<5200xf32, #tpu.memory_space<vmem>>
        %dma_start3A_416 = tpu.memref_slice %arg2[%mul3A_407] : memref<2038608xf32, #tpu.memory_space<hbm>> -> memref<5200xf32, #tpu.memory_space<hbm>>
        tpu.enqueue_dma source(%dma_start3A_416 : memref<5200xf32, #tpu.memory_space<hbm>>) target(%dma_start3A_415 : memref<5200xf32, #tpu.memory_space<vmem>>) target_semaphore(%arg9 : memref<!tpu.dma_semaphore, #tpu.memory_space<semaphore_mem>>)
        %add3A_417 = arith.constant 10296 : i32
        %add3A_418 = arith.addi %mul3A_407, %add3A_417 : i32
        %dma_start3A_419 = arith.constant 1 : i32
        %dma_start3A_420 = arith.constant 0 : i32
        %dma_start3A_421 = tpu.memref_slice %arg5[%dma_start3A_419, %dma_start3A_420] : memref<2x5200xf32, #tpu.memory_space<vmem>> -> memref<1x5200xf32, #tpu.memory_space<vmem>>
        %dma_start3A_422 = tpu.memref_squeeze %dma_start3A_421 : memref<1x5200xf32, #tpu.memory_space<vmem>> -> memref<5200xf32, #tpu.memory_space<vmem>>
        %dma_start3A_423 = tpu.memref_slice %arg2[%add3A_418] : memref<2038608xf32, #tpu.memory_space<hbm>> -> memref<5200xf32, #tpu.memory_space<hbm>>
        %dma_start3A_424 = arith.constant 0 : i32
        %dma_start3A_425 = tpu.memref_slice %arg5[%dma_start3A_419, %dma_start3A_424] : memref<2x5200xf32, #tpu.memory_space<vmem>> -> memref<1x5200xf32, #tpu.memory_space<vmem>>
        %dma_start3A_426 = tpu.memref_squeeze %dma_start3A_425 : memref<1x5200xf32, #tpu.memory_space<vmem>> -> memref<5200xf32, #tpu.memory_space<vmem>>
        %dma_start3A_427 = tpu.memref_slice %arg2[%add3A_418] : memref<2038608xf32, #tpu.memory_space<hbm>> -> memref<5200xf32, #tpu.memory_space<hbm>>
        tpu.enqueue_dma source(%dma_start3A_427 : memref<5200xf32, #tpu.memory_space<hbm>>) target(%dma_start3A_426 : memref<5200xf32, #tpu.memory_space<vmem>>) target_semaphore(%arg9 : memref<!tpu.dma_semaphore, #tpu.memory_space<semaphore_mem>>)
      } else {
      }
    }
    %scan3A_149 = arith.constant 6 : i32
    %dma_wait3A = arith.constant 0 : i32
    %dma_wait3A_150 = arith.constant 0 : i32
    %dma_wait3A_151 = tpu.memref_slice %arg4[%dma_wait3A, %dma_wait3A_150] : memref<2x5200xf32, #tpu.memory_space<vmem>> -> memref<1x5200xf32, #tpu.memory_space<vmem>>
    %dma_wait3A_152 = tpu.memref_squeeze %dma_wait3A_151 : memref<1x5200xf32, #tpu.memory_space<vmem>> -> memref<5200xf32, #tpu.memory_space<vmem>>
    %dma_wait3A_153 = arith.constant 0 : i32
    %dma_wait3A_154 = tpu.memref_slice %arg2[%dma_wait3A_153] : memref<2038608xf32, #tpu.memory_space<hbm>> -> memref<5200xf32, #tpu.memory_space<hbm>>
    %dma_wait3A_155 = arith.constant 0 : i32
    %dma_wait3A_156 = tpu.memref_slice %arg4[%dma_wait3A, %dma_wait3A_155] : memref<2x5200xf32, #tpu.memory_space<vmem>> -> memref<1x5200xf32, #tpu.memory_space<vmem>>
    %dma_wait3A_157 = tpu.memref_squeeze %dma_wait3A_156 : memref<1x5200xf32, #tpu.memory_space<vmem>> -> memref<5200xf32, #tpu.memory_space<vmem>>
    %dma_wait3A_158 = arith.constant 0 : i32
    %dma_wait3A_159 = tpu.memref_slice %arg2[%dma_wait3A_158] : memref<2038608xf32, #tpu.memory_space<hbm>> -> memref<5200xf32, #tpu.memory_space<hbm>>
    tpu.wait_dma2 semaphore(%arg8 : memref<!tpu.dma_semaphore, #tpu.memory_space<semaphore_mem>>) src(%dma_wait3A_159 : memref<5200xf32, #tpu.memory_space<hbm>>) dst(%dma_wait3A_157 : memref<5200xf32, #tpu.memory_space<vmem>>)
    %dma_wait3A_160 = arith.constant 1 : i32
    %dma_wait3A_161 = arith.constant 0 : i32
    %dma_wait3A_162 = tpu.memref_slice %arg4[%dma_wait3A_160, %dma_wait3A_161] : memref<2x5200xf32, #tpu.memory_space<vmem>> -> memref<1x5200xf32, #tpu.memory_space<vmem>>
    %dma_wait3A_163 = tpu.memref_squeeze %dma_wait3A_162 : memref<1x5200xf32, #tpu.memory_space<vmem>> -> memref<5200xf32, #tpu.memory_space<vmem>>
    %dma_wait3A_164 = arith.constant 0 : i32
    %dma_wait3A_165 = tpu.memref_slice %arg2[%dma_wait3A_164] : memref<2038608xf32, #tpu.memory_space<hbm>> -> memref<5200xf32, #tpu.memory_space<hbm>>
    %dma_wait3A_166 = arith.constant 0 : i32
    %dma_wait3A_167 = tpu.memref_slice %arg4[%dma_wait3A_160, %dma_wait3A_166] : memref<2x5200xf32, #tpu.memory_space<vmem>> -> memref<1x5200xf32, #tpu.memory_space<vmem>>
    %dma_wait3A_168 = tpu.memref_squeeze %dma_wait3A_167 : memref<1x5200xf32, #tpu.memory_space<vmem>> -> memref<5200xf32, #tpu.memory_space<vmem>>
    %dma_wait3A_169 = arith.constant 0 : i32
    %dma_wait3A_170 = tpu.memref_slice %arg2[%dma_wait3A_169] : memref<2038608xf32, #tpu.memory_space<hbm>> -> memref<5200xf32, #tpu.memory_space<hbm>>
    tpu.wait_dma2 semaphore(%arg8 : memref<!tpu.dma_semaphore, #tpu.memory_space<semaphore_mem>>) src(%dma_wait3A_170 : memref<5200xf32, #tpu.memory_space<hbm>>) dst(%dma_wait3A_168 : memref<5200xf32, #tpu.memory_space<vmem>>)
    %dma_wait3A_171 = arith.constant 0 : i32
    %dma_wait3A_172 = tpu.memref_slice %arg3[%dma_wait3A_171] : memref<15059072xf32, #tpu.memory_space<hbm>> -> memref<38416xf32, #tpu.memory_space<hbm>>
    %dma_wait3A_173 = arith.constant 0 : i32
    %dma_wait3A_174 = tpu.memref_slice %arg3[%dma_wait3A_173] : memref<15059072xf32, #tpu.memory_space<hbm>> -> memref<38416xf32, #tpu.memory_space<hbm>>
    tpu.wait_dma2 semaphore(%arg10 : memref<!tpu.dma_semaphore, #tpu.memory_space<semaphore_mem>>) src(%dma_wait3A_174 : memref<38416xf32, #tpu.memory_space<hbm>>) dst(%arg6 : memref<38416xf32, #tpu.memory_space<vmem>>)
    %add3A_175 = arith.constant 384 : i32
    %add3A_176 = arith.addi %add3A, %add3A_175 : i32
    %min3A_177 = arith.constant 391 : i32
    %min3A_178 = arith.minsi %add3A_176, %min3A_177 : i32
    %scan3A_179 = arith.constant 0 : i32
    %scan3A_180 = arith.constant 49 : i32
    %scan3A_181 = arith.addi %scan3A_179, %scan3A_180 : i32
    %scan3A_182 = arith.constant 1 : i32
    scf.for %scan3A_196 = %scan3A_179 to %scan3A_181 step %scan3A_182  : i32 {
      %mul3A_197 = arith.constant 104 : i32
      %mul3A_198 = arith.muli %scan3A_196, %mul3A_197 : i32
      %mul3A_199 = arith.constant 784 : i32
      %mul3A_200 = arith.muli %scan3A_196, %mul3A_199 : i32
      %scan3A_201 = arith.constant 0 : i32
      %scan3A_202 = arith.constant 7 : i32
      %scan3A_203 = arith.addi %scan3A_201, %scan3A_202 : i32
      %scan3A_204 = arith.constant 1 : i32
      scf.for %scan3A_206 = %scan3A_201 to %scan3A_203 step %scan3A_204  : i32 {
        %mul3A_207 = arith.constant 14 : i32
        %mul3A_208 = arith.muli %scan3A_206, %mul3A_207 : i32
        %add3A_209 = arith.constant 0 : i32
        %add3A_210 = arith.addi %mul3A_208, %add3A_209 : i32
        %add3A_211 = arith.addi %mul3A_198, %add3A_210 : i32
        %add3A_212 = vector.broadcast %add3A_211 : i32 to vector<16xi32>
        %add3A_213 = arith.addi %add3A_22, %add3A_212 : vector<16xi32>
        %gather3A = tpu.vector_load_idx %arg4[%and3A_5, %add3A_213] : memref<2x5200xf32, #tpu.memory_space<vmem>>[vector<16xi32>, vector<16xi32>], vector<16xf32>,
        %mul3A_214 = arith.constant 8 : i32
        %mul3A_215 = arith.muli %add3A_210, %mul3A_214 : i32
        %add3A_216 = arith.addi %mul3A_200, %mul3A_215 : i32
        %swap3A = arith.index_cast %add3A_216 : i32 to index
        %swap3A_217 = tpu.vector_load %arg6[%swap3A] {strides = array<i32>} : memref<38416xf32, #tpu.memory_space<vmem>>, vector<16xf32>,
        tpu.vector_store %arg6[%swap3A], %gather3A {strides = array<i32>} : memref<38416xf32, #tpu.memory_space<vmem>>, vector<16xf32>,
        %mul3A_218 = arith.constant 14 : i32
        %mul3A_219 = arith.muli %scan3A_206, %mul3A_218 : i32
        %add3A_220 = arith.constant 2 : i32
        %add3A_221 = arith.addi %mul3A_219, %add3A_220 : i32
        %add3A_222 = arith.addi %mul3A_198, %add3A_221 : i32
        %add3A_223 = vector.broadcast %add3A_222 : i32 to vector<16xi32>
        %add3A_224 = arith.addi %add3A_22, %add3A_223 : vector<16xi32>
        %gather3A_225 = tpu.vector_load_idx %arg4[%and3A_5, %add3A_224] : memref<2x5200xf32, #tpu.memory_space<vmem>>[vector<16xi32>, vector<16xi32>], vector<16xf32>,
        %mul3A_226 = arith.constant 8 : i32
        %mul3A_227 = arith.muli %add3A_221, %mul3A_226 : i32
        %add3A_228 = arith.addi %mul3A_200, %mul3A_227 : i32
        %swap3A_229 = arith.index_cast %add3A_228 : i32 to index
        %swap3A_230 = tpu.vector_load %arg6[%swap3A_229] {strides = array<i32>} : memref<38416xf32, #tpu.memory_space<vmem>>, vector<16xf32>,
        tpu.vector_store %arg6[%swap3A_229], %gather3A_225 {strides = array<i32>} : memref<38416xf32, #tpu.memory_space<vmem>>, vector<16xf32>,
        %mul3A_231 = arith.constant 14 : i32
        %mul3A_232 = arith.muli %scan3A_206, %mul3A_231 : i32
        %add3A_233 = arith.constant 4 : i32
        %add3A_234 = arith.addi %mul3A_232, %add3A_233 : i32
        %add3A_235 = arith.addi %mul3A_198, %add3A_234 : i32
        %add3A_236 = vector.broadcast %add3A_235 : i32 to vector<16xi32>
        %add3A_237 = arith.addi %add3A_22, %add3A_236 : vector<16xi32>
        %gather3A_238 = tpu.vector_load_idx %arg4[%and3A_5, %add3A_237] : memref<2x5200xf32, #tpu.memory_space<vmem>>[vector<16xi32>, vector<16xi32>], vector<16xf32>,
        %mul3A_239 = arith.constant 8 : i32
        %mul3A_240 = arith.muli %add3A_234, %mul3A_239 : i32
        %add3A_241 = arith.addi %mul3A_200, %mul3A_240 : i32
        %swap3A_242 = arith.index_cast %add3A_241 : i32 to index
        %swap3A_243 = tpu.vector_load %arg6[%swap3A_242] {strides = array<i32>} : memref<38416xf32, #tpu.memory_space<vmem>>, vector<16xf32>,
        tpu.vector_store %arg6[%swap3A_242], %gather3A_238 {strides = array<i32>} : memref<38416xf32, #tpu.memory_space<vmem>>, vector<16xf32>,
        %mul3A_244 = arith.constant 14 : i32
        %mul3A_245 = arith.muli %scan3A_206, %mul3A_244 : i32
        %add3A_246 = arith.constant 6 : i32
        %add3A_247 = arith.addi %mul3A_245, %add3A_246 : i32
        %add3A_248 = arith.addi %mul3A_198, %add3A_247 : i32
        %add3A_249 = vector.broadcast %add3A_248 : i32 to vector<16xi32>
        %add3A_250 = arith.addi %add3A_22, %add3A_249 : vector<16xi32>
        %gather3A_251 = tpu.vector_load_idx %arg4[%and3A_5, %add3A_250] : memref<2x5200xf32, #tpu.memory_space<vmem>>[vector<16xi32>, vector<16xi32>], vector<16xf32>,
        %mul3A_252 = arith.constant 8 : i32
        %mul3A_253 = arith.muli %add3A_247, %mul3A_252 : i32
        %add3A_254 = arith.addi %mul3A_200, %mul3A_253 : i32
        %swap3A_255 = arith.index_cast %add3A_254 : i32 to index
        %swap3A_256 = tpu.vector_load %arg6[%swap3A_255] {strides = array<i32>} : memref<38416xf32, #tpu.memory_space<vmem>>, vector<16xf32>,
        tpu.vector_store %arg6[%swap3A_255], %gather3A_251 {strides = array<i32>} : memref<38416xf32, #tpu.memory_space<vmem>>, vector<16xf32>,
        %mul3A_257 = arith.constant 14 : i32
        %mul3A_258 = arith.muli %scan3A_206, %mul3A_257 : i32
        %add3A_259 = arith.constant 8 : i32
        %add3A_260 = arith.addi %mul3A_258, %add3A_259 : i32
        %add3A_261 = arith.addi %mul3A_198, %add3A_260 : i32
        %add3A_262 = vector.broadcast %add3A_261 : i32 to vector<16xi32>
        %add3A_263 = arith.addi %add3A_22, %add3A_262 : vector<16xi32>
        %gather3A_264 = tpu.vector_load_idx %arg4[%and3A_5, %add3A_263] : memref<2x5200xf32, #tpu.memory_space<vmem>>[vector<16xi32>, vector<16xi32>], vector<16xf32>,
        %mul3A_265 = arith.constant 8 : i32
        %mul3A_266 = arith.muli %add3A_260, %mul3A_265 : i32
        %add3A_267 = arith.addi %mul3A_200, %mul3A_266 : i32
        %swap3A_268 = arith.index_cast %add3A_267 : i32 to index
        %swap3A_269 = tpu.vector_load %arg6[%swap3A_268] {strides = array<i32>} : memref<38416xf32, #tpu.memory_space<vmem>>, vector<16xf32>,
        tpu.vector_store %arg6[%swap3A_268], %gather3A_264 {strides = array<i32>} : memref<38416xf32, #tpu.memory_space<vmem>>, vector<16xf32>,
        %mul3A_270 = arith.constant 14 : i32
        %mul3A_271 = arith.muli %scan3A_206, %mul3A_270 : i32
        %add3A_272 = arith.constant 10 : i32
        %add3A_273 = arith.addi %mul3A_271, %add3A_272 : i32
        %add3A_274 = arith.addi %mul3A_198, %add3A_273 : i32
        %add3A_275 = vector.broadcast %add3A_274 : i32 to vector<16xi32>
        %add3A_276 = arith.addi %add3A_22, %add3A_275 : vector<16xi32>
        %gather3A_277 = tpu.vector_load_idx %arg4[%and3A_5, %add3A_276] : memref<2x5200xf32, #tpu.memory_space<vmem>>[vector<16xi32>, vector<16xi32>], vector<16xf32>,
        %mul3A_278 = arith.constant 8 : i32
        %mul3A_279 = arith.muli %add3A_273, %mul3A_278 : i32
        %add3A_280 = arith.addi %mul3A_200, %mul3A_279 : i32
        %swap3A_281 = arith.index_cast %add3A_280 : i32 to index
        %swap3A_282 = tpu.vector_load %arg6[%swap3A_281] {strides = array<i32>} : memref<38416xf32, #tpu.memory_space<vmem>>, vector<16xf32>,
        tpu.vector_store %arg6[%swap3A_281], %gather3A_277 {strides = array<i32>} : memref<38416xf32, #tpu.memory_space<vmem>>, vector<16xf32>,
        %mul3A_283 = arith.constant 14 : i32
        %mul3A_284 = arith.muli %scan3A_206, %mul3A_283 : i32
        %add3A_285 = arith.constant 12 : i32
        %add3A_286 = arith.addi %mul3A_284, %add3A_285 : i32
        %add3A_287 = arith.addi %mul3A_198, %add3A_286 : i32
        %add3A_288 = vector.broadcast %add3A_287 : i32 to vector<16xi32>
        %add3A_289 = arith.addi %add3A_22, %add3A_288 : vector<16xi32>
        %gather3A_290 = tpu.vector_load_idx %arg4[%and3A_5, %add3A_289] : memref<2x5200xf32, #tpu.memory_space<vmem>>[vector<16xi32>, vector<16xi32>], vector<16xf32>,
        %mul3A_291 = arith.constant 8 : i32
        %mul3A_292 = arith.muli %add3A_286, %mul3A_291 : i32
        %add3A_293 = arith.addi %mul3A_200, %mul3A_292 : i32
        %swap3A_294 = arith.index_cast %add3A_293 : i32 to index
        %swap3A_295 = tpu.vector_load %arg6[%swap3A_294] {strides = array<i32>} : memref<38416xf32, #tpu.memory_space<vmem>>, vector<16xf32>,
        tpu.vector_store %arg6[%swap3A_294], %gather3A_290 {strides = array<i32>} : memref<38416xf32, #tpu.memory_space<vmem>>, vector<16xf32>,
      }
      %scan3A_205 = arith.constant 7 : i32
    }
    %scan3A_183 = arith.constant 49 : i32
    %mul3A_184 = arith.constant 38416 : i32
    %mul3A_185 = arith.muli %min3A_178, %mul3A_184 : i32
    %dma_start3A_186 = tpu.memref_slice %arg3[%mul3A_185] : memref<15059072xf32, #tpu.memory_space<hbm>> -> memref<38416xf32, #tpu.memory_space<hbm>>
    %dma_start3A_187 = tpu.memref_slice %arg3[%mul3A_185] : memref<15059072xf32, #tpu.memory_space<hbm>> -> memref<38416xf32, #tpu.memory_space<hbm>>
    tpu.enqueue_dma source(%arg6 : memref<38416xf32, #tpu.memory_space<vmem>>) target(%dma_start3A_187 : memref<38416xf32, #tpu.memory_space<hbm>>) target_semaphore(%arg10 : memref<!tpu.dma_semaphore, #tpu.memory_space<semaphore_mem>>)
    %dma_wait3A_188 = arith.constant 0 : i32
    %dma_wait3A_189 = tpu.memref_slice %arg3[%dma_wait3A_188] : memref<15059072xf32, #tpu.memory_space<hbm>> -> memref<38416xf32, #tpu.memory_space<hbm>>
    %dma_wait3A_190 = arith.constant 0 : i32
    %dma_wait3A_191 = tpu.memref_slice %arg3[%dma_wait3A_190] : memref<15059072xf32, #tpu.memory_space<hbm>> -> memref<38416xf32, #tpu.memory_space<hbm>>
    tpu.wait_dma2 semaphore(%arg10 : memref<!tpu.dma_semaphore, #tpu.memory_space<semaphore_mem>>) src(%dma_wait3A_191 : memref<38416xf32, #tpu.memory_space<hbm>>) dst(%arg6 : memref<38416xf32, #tpu.memory_space<vmem>>)
    %dma_wait3A_192 = arith.constant 0 : i32
    %dma_wait3A_193 = tpu.memref_slice %arg3[%dma_wait3A_192] : memref<15059072xf32, #tpu.memory_space<hbm>> -> memref<38416xf32, #tpu.memory_space<hbm>>
    %dma_wait3A_194 = arith.constant 0 : i32
    %dma_wait3A_195 = tpu.memref_slice %arg3[%dma_wait3A_194] : memref<15059072xf32, #tpu.memory_space<hbm>> -> memref<38416xf32, #tpu.memory_space<hbm>>
    tpu.wait_dma2 semaphore(%arg11 : memref<!tpu.dma_semaphore, #tpu.memory_space<semaphore_mem>>) src(%dma_wait3A_195 : memref<38416xf32, #tpu.memory_space<hbm>>) dst(%arg7 : memref<38416xf32, #tpu.memory_space<vmem>>)
    return
  }
}

#map = affine_map<(d0, d1) -> (0, 0)>
#map1 = affine_map<(d0, d1) -> (0)>
module attributes {stable_mosaic.version = 14 : i64} {
  func.func @_sc_interp(%arg0: i32, %arg1: i32, %arg2: memref<1882384x8xf32, #tpu.memory_space<hbm>>, %arg3: memref<5308416xf32, #tpu.memory_space<hbm>>, %arg4: memref<1769472xf32, #tpu.memory_space<hbm>>, %arg5: memref<3x2304xf32, #tpu.memory_space<vmem>>, %arg6: memref<3x2304xf32, #tpu.memory_space<vmem>>, %arg7: memref<18x128xi32, #tpu.memory_space<vmem>>, %arg8: memref<18x128xi32, #tpu.memory_space<vmem>>, %arg9: memref<2304x8xf32, #tpu.memory_space<vmem>>, %arg10: memref<2304x8xf32, #tpu.memory_space<vmem>>, %arg11: memref<6x2304xf32, #tpu.memory_space<vmem>>, %arg12: memref<6x2304xf32, #tpu.memory_space<vmem>>, %arg13: memref<2304xf32, #tpu.memory_space<vmem>>, %arg14: memref<!tpu.dma_semaphore, #tpu.memory_space<semaphore_mem>>, %arg15: memref<!tpu.dma_semaphore, #tpu.memory_space<semaphore_mem>>, %arg16: memref<!tpu.dma_semaphore, #tpu.memory_space<semaphore_mem>>, %arg17: memref<!tpu.dma_semaphore, #tpu.memory_space<semaphore_mem>>) attributes {dimension_semantics = [#tpu.dimension_semantics<core_parallel>, #tpu.dimension_semantics<subcore_parallel>], iteration_bounds = array<i64: 2, 16>, scalar_prefetch = 0 : i64, scratch_operands = 13 : i64, tpu.core_type = #tpu.core_type<sc_vector_subcore>, window_params = [{transform_indices = #map}, {transform_indices = #map1}, {transform_indices = #map1}]} {
    %mul3A = arith.constant 2 : i32
    %mul3A_0 = arith.muli %arg1, %mul3A : i32
    %add3A = arith.addi %mul3A_0, %arg0 : i32
    %mul3A_1 = arith.constant 55296 : i32
    %mul3A_2 = arith.muli %add3A, %mul3A_1 : i32
    %iota3A = tpu.iota {dimensions = array<i32: 0>} : vector<16xi32>
    %add3A_3 = arith.constant 0 : i32
    %add3A_4 = arith.addi %mul3A_2, %add3A_3 : i32
    %jit3A = arith.constant 9216 : i32
    %div3A = arith.divsi %add3A_4, %jit3A : i32
    %sign3A = arith.constant 0 : i32
    %sign3A_5 = arith.cmpi sgt, %add3A_4, %sign3A : i32
    %sign3A_6 = arith.extui %sign3A_5 : i1 to i32
    %sign3A_7 = arith.constant 0 : i32
    %sign3A_8 = arith.cmpi slt, %add3A_4, %sign3A_7 : i32
    %sign3A_9 = arith.extui %sign3A_8 : i1 to i32
    %sign3A_10 = arith.subi %sign3A_6, %sign3A_9 : i32
    %sign3A_11 = arith.constant 0 : i32
    %sign3A_12 = arith.cmpi sgt, %jit3A, %sign3A_11 : i32
    %sign3A_13 = arith.extui %sign3A_12 : i1 to i32
    %sign3A_14 = arith.constant 0 : i32
    %sign3A_15 = arith.cmpi slt, %jit3A, %sign3A_14 : i32
    %sign3A_16 = arith.extui %sign3A_15 : i1 to i32
    %sign3A_17 = arith.subi %sign3A_13, %sign3A_16 : i32
    %ne3A = arith.cmpi ne, %sign3A_10, %sign3A_17 : i32
    %rem3A = arith.remsi %add3A_4, %jit3A : i32
    %ne3A_18 = arith.constant 0 : i32
    %ne3A_19 = arith.cmpi ne, %rem3A, %ne3A_18 : i32
    %and3A = arith.andi %ne3A, %ne3A_19 : i1
    %sub3A = arith.constant 1 : i32
    %sub3A_20 = arith.subi %div3A, %sub3A : i32
    %select_n3A = arith.select %and3A, %sub3A_20, %div3A : i32
    %mul3A_21 = arith.constant 9216 : i32
    %mul3A_22 = arith.muli %select_n3A, %mul3A_21 : i32
    %sub3A_23 = arith.subi %add3A_4, %mul3A_22 : i32
    %mul3A_24 = arith.constant 27648 : i32
    %mul3A_25 = arith.muli %select_n3A, %mul3A_24 : i32
    %add3A_26 = arith.addi %mul3A_25, %sub3A_23 : i32
    %add3A_27 = arith.constant 0 : i32
    %add3A_28 = arith.addi %add3A_26, %add3A_27 : i32
    %dma_start3A = arith.constant 0 : i32
    %dma_start3A_29 = arith.constant 0 : i32
    %dma_start3A_30 = tpu.memref_slice %arg5[%dma_start3A, %dma_start3A_29] : memref<3x2304xf32, #tpu.memory_space<vmem>> -> memref<1x2304xf32, #tpu.memory_space<vmem>>
    %dma_start3A_31 = tpu.memref_squeeze %dma_start3A_30 : memref<1x2304xf32, #tpu.memory_space<vmem>> -> memref<2304xf32, #tpu.memory_space<vmem>>
    %dma_start3A_32 = tpu.memref_slice %arg3[%add3A_28] : memref<5308416xf32, #tpu.memory_space<hbm>> -> memref<2304xf32, #tpu.memory_space<hbm>>
    %dma_start3A_33 = arith.constant 0 : i32
    %dma_start3A_34 = tpu.memref_slice %arg5[%dma_start3A, %dma_start3A_33] : memref<3x2304xf32, #tpu.memory_space<vmem>> -> memref<1x2304xf32, #tpu.memory_space<vmem>>
    %dma_start3A_35 = tpu.memref_squeeze %dma_start3A_34 : memref<1x2304xf32, #tpu.memory_space<vmem>> -> memref<2304xf32, #tpu.memory_space<vmem>>
    %dma_start3A_36 = tpu.memref_slice %arg3[%add3A_28] : memref<5308416xf32, #tpu.memory_space<hbm>> -> memref<2304xf32, #tpu.memory_space<hbm>>
    tpu.enqueue_dma source(%dma_start3A_36 : memref<2304xf32, #tpu.memory_space<hbm>>) target(%dma_start3A_35 : memref<2304xf32, #tpu.memory_space<vmem>>) target_semaphore(%arg16 : memref<!tpu.dma_semaphore, #tpu.memory_space<semaphore_mem>>)
    %add3A_37 = arith.constant 9216 : i32
    %add3A_38 = arith.addi %add3A_26, %add3A_37 : i32
    %dma_start3A_39 = arith.constant 1 : i32
    %dma_start3A_40 = arith.constant 0 : i32
    %dma_start3A_41 = tpu.memref_slice %arg5[%dma_start3A_39, %dma_start3A_40] : memref<3x2304xf32, #tpu.memory_space<vmem>> -> memref<1x2304xf32, #tpu.memory_space<vmem>>
    %dma_start3A_42 = tpu.memref_squeeze %dma_start3A_41 : memref<1x2304xf32, #tpu.memory_space<vmem>> -> memref<2304xf32, #tpu.memory_space<vmem>>
    %dma_start3A_43 = tpu.memref_slice %arg3[%add3A_38] : memref<5308416xf32, #tpu.memory_space<hbm>> -> memref<2304xf32, #tpu.memory_space<hbm>>
    %dma_start3A_44 = arith.constant 0 : i32
    %dma_start3A_45 = tpu.memref_slice %arg5[%dma_start3A_39, %dma_start3A_44] : memref<3x2304xf32, #tpu.memory_space<vmem>> -> memref<1x2304xf32, #tpu.memory_space<vmem>>
    %dma_start3A_46 = tpu.memref_squeeze %dma_start3A_45 : memref<1x2304xf32, #tpu.memory_space<vmem>> -> memref<2304xf32, #tpu.memory_space<vmem>>
    %dma_start3A_47 = tpu.memref_slice %arg3[%add3A_38] : memref<5308416xf32, #tpu.memory_space<hbm>> -> memref<2304xf32, #tpu.memory_space<hbm>>
    tpu.enqueue_dma source(%dma_start3A_47 : memref<2304xf32, #tpu.memory_space<hbm>>) target(%dma_start3A_46 : memref<2304xf32, #tpu.memory_space<vmem>>) target_semaphore(%arg16 : memref<!tpu.dma_semaphore, #tpu.memory_space<semaphore_mem>>)
    %add3A_48 = arith.constant 18432 : i32
    %add3A_49 = arith.addi %add3A_26, %add3A_48 : i32
    %dma_start3A_50 = arith.constant 2 : i32
    %dma_start3A_51 = arith.constant 0 : i32
    %dma_start3A_52 = tpu.memref_slice %arg5[%dma_start3A_50, %dma_start3A_51] : memref<3x2304xf32, #tpu.memory_space<vmem>> -> memref<1x2304xf32, #tpu.memory_space<vmem>>
    %dma_start3A_53 = tpu.memref_squeeze %dma_start3A_52 : memref<1x2304xf32, #tpu.memory_space<vmem>> -> memref<2304xf32, #tpu.memory_space<vmem>>
    %dma_start3A_54 = tpu.memref_slice %arg3[%add3A_49] : memref<5308416xf32, #tpu.memory_space<hbm>> -> memref<2304xf32, #tpu.memory_space<hbm>>
    %dma_start3A_55 = arith.constant 0 : i32
    %dma_start3A_56 = tpu.memref_slice %arg5[%dma_start3A_50, %dma_start3A_55] : memref<3x2304xf32, #tpu.memory_space<vmem>> -> memref<1x2304xf32, #tpu.memory_space<vmem>>
    %dma_start3A_57 = tpu.memref_squeeze %dma_start3A_56 : memref<1x2304xf32, #tpu.memory_space<vmem>> -> memref<2304xf32, #tpu.memory_space<vmem>>
    %dma_start3A_58 = tpu.memref_slice %arg3[%add3A_49] : memref<5308416xf32, #tpu.memory_space<hbm>> -> memref<2304xf32, #tpu.memory_space<hbm>>
    tpu.enqueue_dma source(%dma_start3A_58 : memref<2304xf32, #tpu.memory_space<hbm>>) target(%dma_start3A_57 : memref<2304xf32, #tpu.memory_space<vmem>>) target_semaphore(%arg16 : memref<!tpu.dma_semaphore, #tpu.memory_space<semaphore_mem>>)
    %dma_wait3A = arith.constant 0 : i32
    %dma_wait3A_59 = arith.constant 0 : i32
    %dma_wait3A_60 = tpu.memref_slice %arg5[%dma_wait3A, %dma_wait3A_59] : memref<3x2304xf32, #tpu.memory_space<vmem>> -> memref<1x2304xf32, #tpu.memory_space<vmem>>
    %dma_wait3A_61 = tpu.memref_squeeze %dma_wait3A_60 : memref<1x2304xf32, #tpu.memory_space<vmem>> -> memref<2304xf32, #tpu.memory_space<vmem>>
    %dma_wait3A_62 = arith.constant 0 : i32
    %dma_wait3A_63 = tpu.memref_slice %arg3[%dma_wait3A_62] : memref<5308416xf32, #tpu.memory_space<hbm>> -> memref<2304xf32, #tpu.memory_space<hbm>>
    %dma_wait3A_64 = arith.constant 0 : i32
    %dma_wait3A_65 = tpu.memref_slice %arg5[%dma_wait3A, %dma_wait3A_64] : memref<3x2304xf32, #tpu.memory_space<vmem>> -> memref<1x2304xf32, #tpu.memory_space<vmem>>
    %dma_wait3A_66 = tpu.memref_squeeze %dma_wait3A_65 : memref<1x2304xf32, #tpu.memory_space<vmem>> -> memref<2304xf32, #tpu.memory_space<vmem>>
    %dma_wait3A_67 = arith.constant 0 : i32
    %dma_wait3A_68 = tpu.memref_slice %arg3[%dma_wait3A_67] : memref<5308416xf32, #tpu.memory_space<hbm>> -> memref<2304xf32, #tpu.memory_space<hbm>>
    tpu.wait_dma2 semaphore(%arg16 : memref<!tpu.dma_semaphore, #tpu.memory_space<semaphore_mem>>) src(%dma_wait3A_68 : memref<2304xf32, #tpu.memory_space<hbm>>) dst(%dma_wait3A_66 : memref<2304xf32, #tpu.memory_space<vmem>>)
    %dma_wait3A_69 = arith.constant 1 : i32
    %dma_wait3A_70 = arith.constant 0 : i32
    %dma_wait3A_71 = tpu.memref_slice %arg5[%dma_wait3A_69, %dma_wait3A_70] : memref<3x2304xf32, #tpu.memory_space<vmem>> -> memref<1x2304xf32, #tpu.memory_space<vmem>>
    %dma_wait3A_72 = tpu.memref_squeeze %dma_wait3A_71 : memref<1x2304xf32, #tpu.memory_space<vmem>> -> memref<2304xf32, #tpu.memory_space<vmem>>
    %dma_wait3A_73 = arith.constant 0 : i32
    %dma_wait3A_74 = tpu.memref_slice %arg3[%dma_wait3A_73] : memref<5308416xf32, #tpu.memory_space<hbm>> -> memref<2304xf32, #tpu.memory_space<hbm>>
    %dma_wait3A_75 = arith.constant 0 : i32
    %dma_wait3A_76 = tpu.memref_slice %arg5[%dma_wait3A_69, %dma_wait3A_75] : memref<3x2304xf32, #tpu.memory_space<vmem>> -> memref<1x2304xf32, #tpu.memory_space<vmem>>
    %dma_wait3A_77 = tpu.memref_squeeze %dma_wait3A_76 : memref<1x2304xf32, #tpu.memory_space<vmem>> -> memref<2304xf32, #tpu.memory_space<vmem>>
    %dma_wait3A_78 = arith.constant 0 : i32
    %dma_wait3A_79 = tpu.memref_slice %arg3[%dma_wait3A_78] : memref<5308416xf32, #tpu.memory_space<hbm>> -> memref<2304xf32, #tpu.memory_space<hbm>>
    tpu.wait_dma2 semaphore(%arg16 : memref<!tpu.dma_semaphore, #tpu.memory_space<semaphore_mem>>) src(%dma_wait3A_79 : memref<2304xf32, #tpu.memory_space<hbm>>) dst(%dma_wait3A_77 : memref<2304xf32, #tpu.memory_space<vmem>>)
    %dma_wait3A_80 = arith.constant 2 : i32
    %dma_wait3A_81 = arith.constant 0 : i32
    %dma_wait3A_82 = tpu.memref_slice %arg5[%dma_wait3A_80, %dma_wait3A_81] : memref<3x2304xf32, #tpu.memory_space<vmem>> -> memref<1x2304xf32, #tpu.memory_space<vmem>>
    %dma_wait3A_83 = tpu.memref_squeeze %dma_wait3A_82 : memref<1x2304xf32, #tpu.memory_space<vmem>> -> memref<2304xf32, #tpu.memory_space<vmem>>
    %dma_wait3A_84 = arith.constant 0 : i32
    %dma_wait3A_85 = tpu.memref_slice %arg3[%dma_wait3A_84] : memref<5308416xf32, #tpu.memory_space<hbm>> -> memref<2304xf32, #tpu.memory_space<hbm>>
    %dma_wait3A_86 = arith.constant 0 : i32
    %dma_wait3A_87 = tpu.memref_slice %arg5[%dma_wait3A_80, %dma_wait3A_86] : memref<3x2304xf32, #tpu.memory_space<vmem>> -> memref<1x2304xf32, #tpu.memory_space<vmem>>
    %dma_wait3A_88 = tpu.memref_squeeze %dma_wait3A_87 : memref<1x2304xf32, #tpu.memory_space<vmem>> -> memref<2304xf32, #tpu.memory_space<vmem>>
    %dma_wait3A_89 = arith.constant 0 : i32
    %dma_wait3A_90 = tpu.memref_slice %arg3[%dma_wait3A_89] : memref<5308416xf32, #tpu.memory_space<hbm>> -> memref<2304xf32, #tpu.memory_space<hbm>>
    tpu.wait_dma2 semaphore(%arg16 : memref<!tpu.dma_semaphore, #tpu.memory_space<semaphore_mem>>) src(%dma_wait3A_90 : memref<2304xf32, #tpu.memory_space<hbm>>) dst(%dma_wait3A_88 : memref<2304xf32, #tpu.memory_space<vmem>>)
    %add3A_91 = arith.constant 0 : i32
    %add3A_92 = arith.addi %mul3A_2, %add3A_91 : i32
    %jit3A_93 = arith.constant 9216 : i32
    %div3A_94 = arith.divsi %add3A_92, %jit3A_93 : i32
    %sign3A_95 = arith.constant 0 : i32
    %sign3A_96 = arith.cmpi sgt, %add3A_92, %sign3A_95 : i32
    %sign3A_97 = arith.extui %sign3A_96 : i1 to i32
    %sign3A_98 = arith.constant 0 : i32
    %sign3A_99 = arith.cmpi slt, %add3A_92, %sign3A_98 : i32
    %sign3A_100 = arith.extui %sign3A_99 : i1 to i32
    %sign3A_101 = arith.subi %sign3A_97, %sign3A_100 : i32
    %sign3A_102 = arith.constant 0 : i32
    %sign3A_103 = arith.cmpi sgt, %jit3A_93, %sign3A_102 : i32
    %sign3A_104 = arith.extui %sign3A_103 : i1 to i32
    %sign3A_105 = arith.constant 0 : i32
    %sign3A_106 = arith.cmpi slt, %jit3A_93, %sign3A_105 : i32
    %sign3A_107 = arith.extui %sign3A_106 : i1 to i32
    %sign3A_108 = arith.subi %sign3A_104, %sign3A_107 : i32
    %ne3A_109 = arith.cmpi ne, %sign3A_101, %sign3A_108 : i32
    %rem3A_110 = arith.remsi %add3A_92, %jit3A_93 : i32
    %ne3A_111 = arith.constant 0 : i32
    %ne3A_112 = arith.cmpi ne, %rem3A_110, %ne3A_111 : i32
    %and3A_113 = arith.andi %ne3A_109, %ne3A_112 : i1
    %sub3A_114 = arith.constant 1 : i32
    %sub3A_115 = arith.subi %div3A_94, %sub3A_114 : i32
    %select_n3A_116 = arith.select %and3A_113, %sub3A_115, %div3A_94 : i32
    %mul3A_117 = arith.constant 9216 : i32
    %mul3A_118 = arith.muli %select_n3A_116, %mul3A_117 : i32
    %sub3A_119 = arith.subi %add3A_92, %mul3A_118 : i32
    %ge3A = arith.constant 96 : i32
    %ge3A_120 = arith.cmpi sge, %select_n3A_116, %ge3A : i32
    %convert_element_type3A = arith.extui %ge3A_120 : i1 to i32
    %mul3A_121 = arith.constant 96 : i32
    %mul3A_122 = arith.muli %convert_element_type3A, %mul3A_121 : i32
    %sub3A_123 = arith.subi %select_n3A_116, %mul3A_122 : i32
    %jit3A_124 = arith.constant 96 : i32
    %div3A_125 = arith.divsi %sub3A_119, %jit3A_124 : i32
    %sign3A_126 = arith.constant 0 : i32
    %sign3A_127 = arith.cmpi sgt, %sub3A_119, %sign3A_126 : i32
    %sign3A_128 = arith.extui %sign3A_127 : i1 to i32
    %sign3A_129 = arith.constant 0 : i32
    %sign3A_130 = arith.cmpi slt, %sub3A_119, %sign3A_129 : i32
    %sign3A_131 = arith.extui %sign3A_130 : i1 to i32
    %sign3A_132 = arith.subi %sign3A_128, %sign3A_131 : i32
    %sign3A_133 = arith.constant 0 : i32
    %sign3A_134 = arith.cmpi sgt, %jit3A_124, %sign3A_133 : i32
    %sign3A_135 = arith.extui %sign3A_134 : i1 to i32
    %sign3A_136 = arith.constant 0 : i32
    %sign3A_137 = arith.cmpi slt, %jit3A_124, %sign3A_136 : i32
    %sign3A_138 = arith.extui %sign3A_137 : i1 to i32
    %sign3A_139 = arith.subi %sign3A_135, %sign3A_138 : i32
    %ne3A_140 = arith.cmpi ne, %sign3A_132, %sign3A_139 : i32
    %rem3A_141 = arith.remsi %sub3A_119, %jit3A_124 : i32
    %ne3A_142 = arith.constant 0 : i32
    %ne3A_143 = arith.cmpi ne, %rem3A_141, %ne3A_142 : i32
    %and3A_144 = arith.andi %ne3A_140, %ne3A_143 : i1
    %sub3A_145 = arith.constant 1 : i32
    %sub3A_146 = arith.subi %div3A_125, %sub3A_145 : i32
    %select_n3A_147 = arith.select %and3A_144, %sub3A_146, %div3A_125 : i32
    %convert_element_type3A_148 = arith.sitofp %sub3A_123 : i32 to f32
    %scan3A = arith.constant 0 : i32
    %scan3A_149 = arith.constant 144 : i32
    %scan3A_150 = arith.addi %scan3A, %scan3A_149 : i32
    %scan3A_151 = arith.constant 1 : i32
    scf.for %scan3A_707 = %scan3A to %scan3A_150 step %scan3A_151  : i32 {
      %mul3A_708 = arith.constant 16 : i32
      %mul3A_709 = arith.muli %scan3A_707, %mul3A_708 : i32
      %jit3A_710 = arith.constant 6 : i32
      %div3A_711 = arith.divsi %scan3A_707, %jit3A_710 : i32
      %sign3A_712 = arith.constant 0 : i32
      %sign3A_713 = arith.cmpi sgt, %scan3A_707, %sign3A_712 : i32
      %sign3A_714 = arith.extui %sign3A_713 : i1 to i32
      %sign3A_715 = arith.constant 0 : i32
      %sign3A_716 = arith.cmpi slt, %scan3A_707, %sign3A_715 : i32
      %sign3A_717 = arith.extui %sign3A_716 : i1 to i32
      %sign3A_718 = arith.subi %sign3A_714, %sign3A_717 : i32
      %sign3A_719 = arith.constant 0 : i32
      %sign3A_720 = arith.cmpi sgt, %jit3A_710, %sign3A_719 : i32
      %sign3A_721 = arith.extui %sign3A_720 : i1 to i32
      %sign3A_722 = arith.constant 0 : i32
      %sign3A_723 = arith.cmpi slt, %jit3A_710, %sign3A_722 : i32
      %sign3A_724 = arith.extui %sign3A_723 : i1 to i32
      %sign3A_725 = arith.subi %sign3A_721, %sign3A_724 : i32
      %ne3A_726 = arith.cmpi ne, %sign3A_718, %sign3A_725 : i32
      %rem3A_727 = arith.remsi %scan3A_707, %jit3A_710 : i32
      %ne3A_728 = arith.constant 0 : i32
      %ne3A_729 = arith.cmpi ne, %rem3A_727, %ne3A_728 : i32
      %and3A_730 = arith.andi %ne3A_726, %ne3A_729 : i1
      %sub3A_731 = arith.constant 1 : i32
      %sub3A_732 = arith.subi %div3A_711, %sub3A_731 : i32
      %select_n3A_733 = arith.select %and3A_730, %sub3A_732, %div3A_711 : i32
      %add3A_734 = arith.addi %select_n3A_147, %select_n3A_733 : i32
      %jit3A_735 = arith.constant 6 : i32
      %eq3A = arith.constant 0 : i32
      %eq3A_736 = arith.cmpi eq, %jit3A_735, %eq3A : i32
      %jit3A_737 = arith.constant 1 : i32
      %select_n3A_738 = arith.select %eq3A_736, %jit3A_737, %jit3A_735 : i32
      %rem3A_739 = arith.remsi %scan3A_707, %select_n3A_738 : i32
      %ne3A_740 = arith.constant 0 : i32
      %ne3A_741 = arith.cmpi ne, %rem3A_739, %ne3A_740 : i32
      %lt3A = arith.constant 0 : i32
      %lt3A_742 = arith.cmpi slt, %rem3A_739, %lt3A : i32
      %lt3A_743 = arith.constant 0 : i32
      %lt3A_744 = arith.cmpi slt, %select_n3A_738, %lt3A_743 : i32
      %ne3A_745 = arith.xori %lt3A_742, %lt3A_744 : i1
      %and3A_746 = arith.andi %ne3A_745, %ne3A_741 : i1
      %add3A_747 = arith.addi %rem3A_739, %select_n3A_738 : i32
      %select_n3A_748 = arith.select %and3A_746, %add3A_747, %rem3A_739 : i32
      %mul3A_749 = arith.constant 16 : i32
      %mul3A_750 = arith.muli %select_n3A_748, %mul3A_749 : i32
      %add3A_751 = vector.broadcast %mul3A_750 : i32 to vector<16xi32>
      %add3A_752 = arith.addi %add3A_751, %iota3A : vector<16xi32>
      %get3A = arith.constant 0 : i32
      %get3A_753 = arith.index_cast %get3A : i32 to index
      %get3A_754 = arith.index_cast %mul3A_709 : i32 to index
      %get3A_755 = tpu.vector_load %arg5[%get3A_753, %get3A_754] {strides = array<i32>} : memref<3x2304xf32, #tpu.memory_space<vmem>>, vector<16xf32>,
      %get3A_756 = arith.constant 1 : i32
      %get3A_757 = arith.index_cast %get3A_756 : i32 to index
      %get3A_758 = arith.index_cast %mul3A_709 : i32 to index
      %get3A_759 = tpu.vector_load %arg5[%get3A_757, %get3A_758] {strides = array<i32>} : memref<3x2304xf32, #tpu.memory_space<vmem>>, vector<16xf32>,
      %get3A_760 = arith.constant 2 : i32
      %get3A_761 = arith.index_cast %get3A_760 : i32 to index
      %get3A_762 = arith.index_cast %mul3A_709 : i32 to index
      %get3A_763 = tpu.vector_load %arg5[%get3A_761, %get3A_762] {strides = array<i32>} : memref<3x2304xf32, #tpu.memory_space<vmem>>, vector<16xf32>,
      %convert_element_type3A_764 = arith.sitofp %add3A_734 : i32 to f32
      %add3A_765 = vector.broadcast %convert_element_type3A_764 : f32 to vector<16xf32>
      %add3A_766 = arith.addf %get3A_755, %add3A_765 : vector<16xf32>
      %add3A_767 = arith.constant 1.000000e+00 : f32
      %add3A_768 = vector.broadcast %add3A_767 : f32 to vector<16xf32>
      %add3A_769 = arith.addf %add3A_766, %add3A_768 : vector<16xf32>
      %add3A_770 = vector.broadcast %convert_element_type3A_148 : f32 to vector<16xf32>
      %add3A_771 = arith.addf %get3A_759, %add3A_770 : vector<16xf32>
      %add3A_772 = arith.constant 1.000000e+00 : f32
      %add3A_773 = vector.broadcast %add3A_772 : f32 to vector<16xf32>
      %add3A_774 = arith.addf %add3A_771, %add3A_773 : vector<16xf32>
      %convert_element_type3A_775 = arith.sitofp %add3A_752 : vector<16xi32> to vector<16xf32>
      %add3A_776 = arith.addf %get3A_763, %convert_element_type3A_775 : vector<16xf32>
      %add3A_777 = arith.constant 1.000000e+00 : f32
      %add3A_778 = vector.broadcast %add3A_777 : f32 to vector<16xf32>
      %add3A_779 = arith.addf %add3A_776, %add3A_778 : vector<16xf32>
      %add3A_780 = arith.constant 1.024000e+03 : f32
      %add3A_781 = vector.broadcast %add3A_780 : f32 to vector<16xf32>
      %add3A_782 = arith.addf %add3A_769, %add3A_781 : vector<16xf32>
      %convert_element_type3A_783 = arith.fptosi %add3A_782 : vector<16xf32> to vector<16xi32>
      %sub3A_784 = arith.constant 1024 : i32
      %sub3A_785 = vector.broadcast %sub3A_784 : i32 to vector<16xi32>
      %sub3A_786 = arith.subi %convert_element_type3A_783, %sub3A_785 : vector<16xi32>
      %add3A_787 = arith.constant 1.024000e+03 : f32
      %add3A_788 = vector.broadcast %add3A_787 : f32 to vector<16xf32>
      %add3A_789 = arith.addf %add3A_774, %add3A_788 : vector<16xf32>
      %convert_element_type3A_790 = arith.fptosi %add3A_789 : vector<16xf32> to vector<16xi32>
      %sub3A_791 = arith.constant 1024 : i32
      %sub3A_792 = vector.broadcast %sub3A_791 : i32 to vector<16xi32>
      %sub3A_793 = arith.subi %convert_element_type3A_790, %sub3A_792 : vector<16xi32>
      %add3A_794 = arith.constant 1.024000e+03 : f32
      %add3A_795 = vector.broadcast %add3A_794 : f32 to vector<16xf32>
      %add3A_796 = arith.addf %add3A_779, %add3A_795 : vector<16xf32>
      %convert_element_type3A_797 = arith.fptosi %add3A_796 : vector<16xf32> to vector<16xi32>
      %sub3A_798 = arith.constant 1024 : i32
      %sub3A_799 = vector.broadcast %sub3A_798 : i32 to vector<16xi32>
      %sub3A_800 = arith.subi %convert_element_type3A_797, %sub3A_799 : vector<16xi32>
      %max3A = arith.constant 0 : i32
      %max3A_801 = vector.broadcast %max3A : i32 to vector<16xi32>
      %max3A_802 = arith.maxsi %sub3A_786, %max3A_801 : vector<16xi32>
      %min3A = arith.constant 97 : i32
      %min3A_803 = vector.broadcast %min3A : i32 to vector<16xi32>
      %min3A_804 = arith.minsi %max3A_802, %min3A_803 : vector<16xi32>
      %max3A_805 = arith.constant 0 : i32
      %max3A_806 = vector.broadcast %max3A_805 : i32 to vector<16xi32>
      %max3A_807 = arith.maxsi %sub3A_793, %max3A_806 : vector<16xi32>
      %min3A_808 = arith.constant 97 : i32
      %min3A_809 = vector.broadcast %min3A_808 : i32 to vector<16xi32>
      %min3A_810 = arith.minsi %max3A_807, %min3A_809 : vector<16xi32>
      %max3A_811 = arith.constant 0 : i32
      %max3A_812 = vector.broadcast %max3A_811 : i32 to vector<16xi32>
      %max3A_813 = arith.maxsi %sub3A_800, %max3A_812 : vector<16xi32>
      %min3A_814 = arith.constant 97 : i32
      %min3A_815 = vector.broadcast %min3A_814 : i32 to vector<16xi32>
      %min3A_816 = arith.minsi %max3A_813, %min3A_815 : vector<16xi32>
      %add3A_817 = arith.constant 1 : i32
      %add3A_818 = vector.broadcast %add3A_817 : i32 to vector<16xi32>
      %add3A_819 = arith.addi %sub3A_786, %add3A_818 : vector<16xi32>
      %convert_element_type3A_820 = arith.sitofp %add3A_819 : vector<16xi32> to vector<16xf32>
      %sub3A_821 = arith.subf %convert_element_type3A_820, %add3A_769 : vector<16xf32>
      %add3A_822 = arith.constant 1 : i32
      %add3A_823 = vector.broadcast %add3A_822 : i32 to vector<16xi32>
      %add3A_824 = arith.addi %sub3A_793, %add3A_823 : vector<16xi32>
      %convert_element_type3A_825 = arith.sitofp %add3A_824 : vector<16xi32> to vector<16xf32>
      %sub3A_826 = arith.subf %convert_element_type3A_825, %add3A_774 : vector<16xf32>
      %add3A_827 = arith.constant 1 : i32
      %add3A_828 = vector.broadcast %add3A_827 : i32 to vector<16xi32>
      %add3A_829 = arith.addi %sub3A_800, %add3A_828 : vector<16xi32>
      %convert_element_type3A_830 = arith.sitofp %add3A_829 : vector<16xi32> to vector<16xf32>
      %sub3A_831 = arith.subf %convert_element_type3A_830, %add3A_779 : vector<16xf32>
      %broadcast_in_dim3A = arith.constant 0.000000e+00 : f32
      %broadcast_in_dim3A_832 = vector.broadcast %broadcast_in_dim3A : f32 to vector<16xf32>
      %ge3A_833 = arith.constant 0 : i32
      %ge3A_834 = vector.broadcast %ge3A_833 : i32 to vector<16xi32>
      %ge3A_835 = arith.cmpi sge, %sub3A_786, %ge3A_834 : vector<16xi32>
      %sub3A_836 = arith.constant 1.000000e+00 : f32
      %sub3A_837 = vector.broadcast %sub3A_836 : f32 to vector<16xf32>
      %sub3A_838 = arith.subf %sub3A_837, %sub3A_821 : vector<16xf32>
      %select_n3A_839 = arith.select %ge3A_835, %sub3A_838, %broadcast_in_dim3A_832 : vector<16xi1>, vector<16xf32>
      %ge3A_840 = arith.constant 0 : i32
      %ge3A_841 = vector.broadcast %ge3A_840 : i32 to vector<16xi32>
      %ge3A_842 = arith.cmpi sge, %sub3A_793, %ge3A_841 : vector<16xi32>
      %sub3A_843 = arith.constant 1.000000e+00 : f32
      %sub3A_844 = vector.broadcast %sub3A_843 : f32 to vector<16xf32>
      %sub3A_845 = arith.subf %sub3A_844, %sub3A_826 : vector<16xf32>
      %select_n3A_846 = arith.select %ge3A_842, %sub3A_845, %broadcast_in_dim3A_832 : vector<16xi1>, vector<16xf32>
      %ge3A_847 = arith.constant 0 : i32
      %ge3A_848 = vector.broadcast %ge3A_847 : i32 to vector<16xi32>
      %ge3A_849 = arith.cmpi sge, %sub3A_800, %ge3A_848 : vector<16xi32>
      %sub3A_850 = arith.constant 1.000000e+00 : f32
      %sub3A_851 = vector.broadcast %sub3A_850 : f32 to vector<16xf32>
      %sub3A_852 = arith.subf %sub3A_851, %sub3A_831 : vector<16xf32>
      %select_n3A_853 = arith.select %ge3A_849, %sub3A_852, %broadcast_in_dim3A_832 : vector<16xi1>, vector<16xf32>
      %mul3A_854 = arith.constant 98 : i32
      %mul3A_855 = arith.muli %convert_element_type3A, %mul3A_854 : i32
      %add3A_856 = vector.broadcast %mul3A_855 : i32 to vector<16xi32>
      %add3A_857 = arith.addi %add3A_856, %min3A_810 : vector<16xi32>
      %mul3A_858 = arith.constant 98 : i32
      %mul3A_859 = vector.broadcast %mul3A_858 : i32 to vector<16xi32>
      %mul3A_860 = arith.muli %add3A_857, %mul3A_859 : vector<16xi32>
      %add3A_861 = arith.addi %mul3A_860, %min3A_804 : vector<16xi32>
      %mul3A_862 = arith.constant 98 : i32
      %mul3A_863 = vector.broadcast %mul3A_862 : i32 to vector<16xi32>
      %mul3A_864 = arith.muli %add3A_861, %mul3A_863 : vector<16xi32>
      %add3A_865 = arith.addi %mul3A_864, %min3A_816 : vector<16xi32>
      %jit3A_866 = arith.constant 8 : i32
      %div3A_867 = arith.divsi %scan3A_707, %jit3A_866 : i32
      %sign3A_868 = arith.constant 0 : i32
      %sign3A_869 = arith.cmpi sgt, %scan3A_707, %sign3A_868 : i32
      %sign3A_870 = arith.extui %sign3A_869 : i1 to i32
      %sign3A_871 = arith.constant 0 : i32
      %sign3A_872 = arith.cmpi slt, %scan3A_707, %sign3A_871 : i32
      %sign3A_873 = arith.extui %sign3A_872 : i1 to i32
      %sign3A_874 = arith.subi %sign3A_870, %sign3A_873 : i32
      %sign3A_875 = arith.constant 0 : i32
      %sign3A_876 = arith.cmpi sgt, %jit3A_866, %sign3A_875 : i32
      %sign3A_877 = arith.extui %sign3A_876 : i1 to i32
      %sign3A_878 = arith.constant 0 : i32
      %sign3A_879 = arith.cmpi slt, %jit3A_866, %sign3A_878 : i32
      %sign3A_880 = arith.extui %sign3A_879 : i1 to i32
      %sign3A_881 = arith.subi %sign3A_877, %sign3A_880 : i32
      %ne3A_882 = arith.cmpi ne, %sign3A_874, %sign3A_881 : i32
      %rem3A_883 = arith.remsi %scan3A_707, %jit3A_866 : i32
      %ne3A_884 = arith.constant 0 : i32
      %ne3A_885 = arith.cmpi ne, %rem3A_883, %ne3A_884 : i32
      %and3A_886 = arith.andi %ne3A_882, %ne3A_885 : i1
      %sub3A_887 = arith.constant 1 : i32
      %sub3A_888 = arith.subi %div3A_867, %sub3A_887 : i32
      %select_n3A_889 = arith.select %and3A_886, %sub3A_888, %div3A_867 : i32
      %jit3A_890 = arith.constant 8 : i32
      %eq3A_891 = arith.constant 0 : i32
      %eq3A_892 = arith.cmpi eq, %jit3A_890, %eq3A_891 : i32
      %jit3A_893 = arith.constant 1 : i32
      %select_n3A_894 = arith.select %eq3A_892, %jit3A_893, %jit3A_890 : i32
      %rem3A_895 = arith.remsi %scan3A_707, %select_n3A_894 : i32
      %ne3A_896 = arith.constant 0 : i32
      %ne3A_897 = arith.cmpi ne, %rem3A_895, %ne3A_896 : i32
      %lt3A_898 = arith.constant 0 : i32
      %lt3A_899 = arith.cmpi slt, %rem3A_895, %lt3A_898 : i32
      %lt3A_900 = arith.constant 0 : i32
      %lt3A_901 = arith.cmpi slt, %select_n3A_894, %lt3A_900 : i32
      %ne3A_902 = arith.xori %lt3A_899, %lt3A_901 : i1
      %and3A_903 = arith.andi %ne3A_902, %ne3A_897 : i1
      %add3A_904 = arith.addi %rem3A_895, %select_n3A_894 : i32
      %select_n3A_905 = arith.select %and3A_903, %add3A_904, %rem3A_895 : i32
      %mul3A_906 = arith.constant 16 : i32
      %mul3A_907 = arith.muli %select_n3A_905, %mul3A_906 : i32
      %swap3A = arith.index_cast %select_n3A_889 : i32 to index
      %swap3A_908 = arith.index_cast %mul3A_907 : i32 to index
      %swap3A_909 = tpu.vector_load %arg7[%swap3A, %swap3A_908] {strides = array<i32>} : memref<18x128xi32, #tpu.memory_space<vmem>>, vector<16xi32>,
      tpu.vector_store %arg7[%swap3A, %swap3A_908], %add3A_865 {strides = array<i32>} : memref<18x128xi32, #tpu.memory_space<vmem>>, vector<16xi32>,
      %swap3A_910 = arith.constant 0 : i32
      %swap3A_911 = arith.index_cast %swap3A_910 : i32 to index
      %swap3A_912 = arith.index_cast %mul3A_709 : i32 to index
      %swap3A_913 = tpu.vector_load %arg11[%swap3A_911, %swap3A_912] {strides = array<i32>} : memref<6x2304xf32, #tpu.memory_space<vmem>>, vector<16xf32>,
      tpu.vector_store %arg11[%swap3A_911, %swap3A_912], %sub3A_826 {strides = array<i32>} : memref<6x2304xf32, #tpu.memory_space<vmem>>, vector<16xf32>,
      %swap3A_914 = arith.constant 1 : i32
      %swap3A_915 = arith.index_cast %swap3A_914 : i32 to index
      %swap3A_916 = arith.index_cast %mul3A_709 : i32 to index
      %swap3A_917 = tpu.vector_load %arg11[%swap3A_915, %swap3A_916] {strides = array<i32>} : memref<6x2304xf32, #tpu.memory_space<vmem>>, vector<16xf32>,
      tpu.vector_store %arg11[%swap3A_915, %swap3A_916], %select_n3A_846 {strides = array<i32>} : memref<6x2304xf32, #tpu.memory_space<vmem>>, vector<16xf32>,
      %swap3A_918 = arith.constant 2 : i32
      %swap3A_919 = arith.index_cast %swap3A_918 : i32 to index
      %swap3A_920 = arith.index_cast %mul3A_709 : i32 to index
      %swap3A_921 = tpu.vector_load %arg11[%swap3A_919, %swap3A_920] {strides = array<i32>} : memref<6x2304xf32, #tpu.memory_space<vmem>>, vector<16xf32>,
      tpu.vector_store %arg11[%swap3A_919, %swap3A_920], %sub3A_821 {strides = array<i32>} : memref<6x2304xf32, #tpu.memory_space<vmem>>, vector<16xf32>,
      %swap3A_922 = arith.constant 3 : i32
      %swap3A_923 = arith.index_cast %swap3A_922 : i32 to index
      %swap3A_924 = arith.index_cast %mul3A_709 : i32 to index
      %swap3A_925 = tpu.vector_load %arg11[%swap3A_923, %swap3A_924] {strides = array<i32>} : memref<6x2304xf32, #tpu.memory_space<vmem>>, vector<16xf32>,
      tpu.vector_store %arg11[%swap3A_923, %swap3A_924], %select_n3A_839 {strides = array<i32>} : memref<6x2304xf32, #tpu.memory_space<vmem>>, vector<16xf32>,
      %swap3A_926 = arith.constant 4 : i32
      %swap3A_927 = arith.index_cast %swap3A_926 : i32 to index
      %swap3A_928 = arith.index_cast %mul3A_709 : i32 to index
      %swap3A_929 = tpu.vector_load %arg11[%swap3A_927, %swap3A_928] {strides = array<i32>} : memref<6x2304xf32, #tpu.memory_space<vmem>>, vector<16xf32>,
      tpu.vector_store %arg11[%swap3A_927, %swap3A_928], %sub3A_831 {strides = array<i32>} : memref<6x2304xf32, #tpu.memory_space<vmem>>, vector<16xf32>,
      %swap3A_930 = arith.constant 5 : i32
      %swap3A_931 = arith.index_cast %swap3A_930 : i32 to index
      %swap3A_932 = arith.index_cast %mul3A_709 : i32 to index
      %swap3A_933 = tpu.vector_load %arg11[%swap3A_931, %swap3A_932] {strides = array<i32>} : memref<6x2304xf32, #tpu.memory_space<vmem>>, vector<16xf32>,
      tpu.vector_store %arg11[%swap3A_931, %swap3A_932], %select_n3A_853 {strides = array<i32>} : memref<6x2304xf32, #tpu.memory_space<vmem>>, vector<16xf32>,
    }
    %scan3A_152 = arith.constant 144 : i32
    %dma_start3A_153 = arith.constant 0 : i32
    %dma_start3A_154 = arith.constant 0 : i32
    %dma_start3A_155 = arith.constant 0 : i32
    %dma_start3A_156 = tpu.memref_slice %arg9[%dma_start3A_154, %dma_start3A_155] : memref<2304x8xf32, #tpu.memory_space<vmem>> -> memref<128x8xf32, #tpu.memory_space<vmem>>
    %dma_start3A_157 = arith.constant 0 : i32
    %dma_start3A_158 = tpu.memref_slice %arg7[%dma_start3A_153, %dma_start3A_157] : memref<18x128xi32, #tpu.memory_space<vmem>> -> memref<1x128xi32, #tpu.memory_space<vmem>>
    %dma_start3A_159 = tpu.memref_squeeze %dma_start3A_158 : memref<1x128xi32, #tpu.memory_space<vmem>> -> memref<128xi32, #tpu.memory_space<vmem>>
    %dma_start3A_160 = arith.constant 0 : i32
    %dma_start3A_161 = arith.constant 0 : i32
    %dma_start3A_162 = tpu.memref_slice %arg2[%dma_start3A_160, %dma_start3A_161] : memref<1882384x8xf32, #tpu.memory_space<hbm>> -> memref<1882384x8xf32, #tpu.memory_space<hbm>>
    tpu.enqueue_indirect_dma source(%dma_start3A_162 : memref<1882384x8xf32, #tpu.memory_space<hbm>>) target(%dma_start3A_156 : memref<128x8xf32, #tpu.memory_space<vmem>>) offsets(%dma_start3A_159 : memref<128xi32, #tpu.memory_space<vmem>>) semaphore(%arg14 : memref<!tpu.dma_semaphore, #tpu.memory_space<semaphore_mem>>)
    %dma_start3A_163 = arith.constant 1 : i32
    %dma_start3A_164 = arith.constant 128 : i32
    %dma_start3A_165 = arith.constant 0 : i32
    %dma_start3A_166 = tpu.memref_slice %arg9[%dma_start3A_164, %dma_start3A_165] : memref<2304x8xf32, #tpu.memory_space<vmem>> -> memref<128x8xf32, #tpu.memory_space<vmem>>
    %dma_start3A_167 = arith.constant 0 : i32
    %dma_start3A_168 = tpu.memref_slice %arg7[%dma_start3A_163, %dma_start3A_167] : memref<18x128xi32, #tpu.memory_space<vmem>> -> memref<1x128xi32, #tpu.memory_space<vmem>>
    %dma_start3A_169 = tpu.memref_squeeze %dma_start3A_168 : memref<1x128xi32, #tpu.memory_space<vmem>> -> memref<128xi32, #tpu.memory_space<vmem>>
    %dma_start3A_170 = arith.constant 0 : i32
    %dma_start3A_171 = arith.constant 0 : i32
    %dma_start3A_172 = tpu.memref_slice %arg2[%dma_start3A_170, %dma_start3A_171] : memref<1882384x8xf32, #tpu.memory_space<hbm>> -> memref<1882384x8xf32, #tpu.memory_space<hbm>>
    tpu.enqueue_indirect_dma source(%dma_start3A_172 : memref<1882384x8xf32, #tpu.memory_space<hbm>>) target(%dma_start3A_166 : memref<128x8xf32, #tpu.memory_space<vmem>>) offsets(%dma_start3A_169 : memref<128xi32, #tpu.memory_space<vmem>>) semaphore(%arg14 : memref<!tpu.dma_semaphore, #tpu.memory_space<semaphore_mem>>)
    %dma_start3A_173 = arith.constant 2 : i32
    %dma_start3A_174 = arith.constant 256 : i32
    %dma_start3A_175 = arith.constant 0 : i32
    %dma_start3A_176 = tpu.memref_slice %arg9[%dma_start3A_174, %dma_start3A_175] : memref<2304x8xf32, #tpu.memory_space<vmem>> -> memref<128x8xf32, #tpu.memory_space<vmem>>
    %dma_start3A_177 = arith.constant 0 : i32
    %dma_start3A_178 = tpu.memref_slice %arg7[%dma_start3A_173, %dma_start3A_177] : memref<18x128xi32, #tpu.memory_space<vmem>> -> memref<1x128xi32, #tpu.memory_space<vmem>>
    %dma_start3A_179 = tpu.memref_squeeze %dma_start3A_178 : memref<1x128xi32, #tpu.memory_space<vmem>> -> memref<128xi32, #tpu.memory_space<vmem>>
    %dma_start3A_180 = arith.constant 0 : i32
    %dma_start3A_181 = arith.constant 0 : i32
    %dma_start3A_182 = tpu.memref_slice %arg2[%dma_start3A_180, %dma_start3A_181] : memref<1882384x8xf32, #tpu.memory_space<hbm>> -> memref<1882384x8xf32, #tpu.memory_space<hbm>>
    tpu.enqueue_indirect_dma source(%dma_start3A_182 : memref<1882384x8xf32, #tpu.memory_space<hbm>>) target(%dma_start3A_176 : memref<128x8xf32, #tpu.memory_space<vmem>>) offsets(%dma_start3A_179 : memref<128xi32, #tpu.memory_space<vmem>>) semaphore(%arg14 : memref<!tpu.dma_semaphore, #tpu.memory_space<semaphore_mem>>)
    %dma_start3A_183 = arith.constant 3 : i32
    %dma_start3A_184 = arith.constant 384 : i32
    %dma_start3A_185 = arith.constant 0 : i32
    %dma_start3A_186 = tpu.memref_slice %arg9[%dma_start3A_184, %dma_start3A_185] : memref<2304x8xf32, #tpu.memory_space<vmem>> -> memref<128x8xf32, #tpu.memory_space<vmem>>
    %dma_start3A_187 = arith.constant 0 : i32
    %dma_start3A_188 = tpu.memref_slice %arg7[%dma_start3A_183, %dma_start3A_187] : memref<18x128xi32, #tpu.memory_space<vmem>> -> memref<1x128xi32, #tpu.memory_space<vmem>>
    %dma_start3A_189 = tpu.memref_squeeze %dma_start3A_188 : memref<1x128xi32, #tpu.memory_space<vmem>> -> memref<128xi32, #tpu.memory_space<vmem>>
    %dma_start3A_190 = arith.constant 0 : i32
    %dma_start3A_191 = arith.constant 0 : i32
    %dma_start3A_192 = tpu.memref_slice %arg2[%dma_start3A_190, %dma_start3A_191] : memref<1882384x8xf32, #tpu.memory_space<hbm>> -> memref<1882384x8xf32, #tpu.memory_space<hbm>>
    tpu.enqueue_indirect_dma source(%dma_start3A_192 : memref<1882384x8xf32, #tpu.memory_space<hbm>>) target(%dma_start3A_186 : memref<128x8xf32, #tpu.memory_space<vmem>>) offsets(%dma_start3A_189 : memref<128xi32, #tpu.memory_space<vmem>>) semaphore(%arg14 : memref<!tpu.dma_semaphore, #tpu.memory_space<semaphore_mem>>)
    %dma_start3A_193 = arith.constant 4 : i32
    %dma_start3A_194 = arith.constant 512 : i32
    %dma_start3A_195 = arith.constant 0 : i32
    %dma_start3A_196 = tpu.memref_slice %arg9[%dma_start3A_194, %dma_start3A_195] : memref<2304x8xf32, #tpu.memory_space<vmem>> -> memref<128x8xf32, #tpu.memory_space<vmem>>
    %dma_start3A_197 = arith.constant 0 : i32
    %dma_start3A_198 = tpu.memref_slice %arg7[%dma_start3A_193, %dma_start3A_197] : memref<18x128xi32, #tpu.memory_space<vmem>> -> memref<1x128xi32, #tpu.memory_space<vmem>>
    %dma_start3A_199 = tpu.memref_squeeze %dma_start3A_198 : memref<1x128xi32, #tpu.memory_space<vmem>> -> memref<128xi32, #tpu.memory_space<vmem>>
    %dma_start3A_200 = arith.constant 0 : i32
    %dma_start3A_201 = arith.constant 0 : i32
    %dma_start3A_202 = tpu.memref_slice %arg2[%dma_start3A_200, %dma_start3A_201] : memref<1882384x8xf32, #tpu.memory_space<hbm>> -> memref<1882384x8xf32, #tpu.memory_space<hbm>>
    tpu.enqueue_indirect_dma source(%dma_start3A_202 : memref<1882384x8xf32, #tpu.memory_space<hbm>>) target(%dma_start3A_196 : memref<128x8xf32, #tpu.memory_space<vmem>>) offsets(%dma_start3A_199 : memref<128xi32, #tpu.memory_space<vmem>>) semaphore(%arg14 : memref<!tpu.dma_semaphore, #tpu.memory_space<semaphore_mem>>)
    %dma_start3A_203 = arith.constant 5 : i32
    %dma_start3A_204 = arith.constant 640 : i32
    %dma_start3A_205 = arith.constant 0 : i32
    %dma_start3A_206 = tpu.memref_slice %arg9[%dma_start3A_204, %dma_start3A_205] : memref<2304x8xf32, #tpu.memory_space<vmem>> -> memref<128x8xf32, #tpu.memory_space<vmem>>
    %dma_start3A_207 = arith.constant 0 : i32
    %dma_start3A_208 = tpu.memref_slice %arg7[%dma_start3A_203, %dma_start3A_207] : memref<18x128xi32, #tpu.memory_space<vmem>> -> memref<1x128xi32, #tpu.memory_space<vmem>>
    %dma_start3A_209 = tpu.memref_squeeze %dma_start3A_208 : memref<1x128xi32, #tpu.memory_space<vmem>> -> memref<128xi32, #tpu.memory_space<vmem>>
    %dma_start3A_210 = arith.constant 0 : i32
    %dma_start3A_211 = arith.constant 0 : i32
    %dma_start3A_212 = tpu.memref_slice %arg2[%dma_start3A_210, %dma_start3A_211] : memref<1882384x8xf32, #tpu.memory_space<hbm>> -> memref<1882384x8xf32, #tpu.memory_space<hbm>>
    tpu.enqueue_indirect_dma source(%dma_start3A_212 : memref<1882384x8xf32, #tpu.memory_space<hbm>>) target(%dma_start3A_206 : memref<128x8xf32, #tpu.memory_space<vmem>>) offsets(%dma_start3A_209 : memref<128xi32, #tpu.memory_space<vmem>>) semaphore(%arg14 : memref<!tpu.dma_semaphore, #tpu.memory_space<semaphore_mem>>)
    %dma_start3A_213 = arith.constant 6 : i32
    %dma_start3A_214 = arith.constant 768 : i32
    %dma_start3A_215 = arith.constant 0 : i32
    %dma_start3A_216 = tpu.memref_slice %arg9[%dma_start3A_214, %dma_start3A_215] : memref<2304x8xf32, #tpu.memory_space<vmem>> -> memref<128x8xf32, #tpu.memory_space<vmem>>
    %dma_start3A_217 = arith.constant 0 : i32
    %dma_start3A_218 = tpu.memref_slice %arg7[%dma_start3A_213, %dma_start3A_217] : memref<18x128xi32, #tpu.memory_space<vmem>> -> memref<1x128xi32, #tpu.memory_space<vmem>>
    %dma_start3A_219 = tpu.memref_squeeze %dma_start3A_218 : memref<1x128xi32, #tpu.memory_space<vmem>> -> memref<128xi32, #tpu.memory_space<vmem>>
    %dma_start3A_220 = arith.constant 0 : i32
    %dma_start3A_221 = arith.constant 0 : i32
    %dma_start3A_222 = tpu.memref_slice %arg2[%dma_start3A_220, %dma_start3A_221] : memref<1882384x8xf32, #tpu.memory_space<hbm>> -> memref<1882384x8xf32, #tpu.memory_space<hbm>>
    tpu.enqueue_indirect_dma source(%dma_start3A_222 : memref<1882384x8xf32, #tpu.memory_space<hbm>>) target(%dma_start3A_216 : memref<128x8xf32, #tpu.memory_space<vmem>>) offsets(%dma_start3A_219 : memref<128xi32, #tpu.memory_space<vmem>>) semaphore(%arg14 : memref<!tpu.dma_semaphore, #tpu.memory_space<semaphore_mem>>)
    %dma_start3A_223 = arith.constant 7 : i32
    %dma_start3A_224 = arith.constant 896 : i32
    %dma_start3A_225 = arith.constant 0 : i32
    %dma_start3A_226 = tpu.memref_slice %arg9[%dma_start3A_224, %dma_start3A_225] : memref<2304x8xf32, #tpu.memory_space<vmem>> -> memref<128x8xf32, #tpu.memory_space<vmem>>
    %dma_start3A_227 = arith.constant 0 : i32
    %dma_start3A_228 = tpu.memref_slice %arg7[%dma_start3A_223, %dma_start3A_227] : memref<18x128xi32, #tpu.memory_space<vmem>> -> memref<1x128xi32, #tpu.memory_space<vmem>>
    %dma_start3A_229 = tpu.memref_squeeze %dma_start3A_228 : memref<1x128xi32, #tpu.memory_space<vmem>> -> memref<128xi32, #tpu.memory_space<vmem>>
    %dma_start3A_230 = arith.constant 0 : i32
    %dma_start3A_231 = arith.constant 0 : i32
    %dma_start3A_232 = tpu.memref_slice %arg2[%dma_start3A_230, %dma_start3A_231] : memref<1882384x8xf32, #tpu.memory_space<hbm>> -> memref<1882384x8xf32, #tpu.memory_space<hbm>>
    tpu.enqueue_indirect_dma source(%dma_start3A_232 : memref<1882384x8xf32, #tpu.memory_space<hbm>>) target(%dma_start3A_226 : memref<128x8xf32, #tpu.memory_space<vmem>>) offsets(%dma_start3A_229 : memref<128xi32, #tpu.memory_space<vmem>>) semaphore(%arg14 : memref<!tpu.dma_semaphore, #tpu.memory_space<semaphore_mem>>)
    %dma_start3A_233 = arith.constant 8 : i32
    %dma_start3A_234 = arith.constant 1024 : i32
    %dma_start3A_235 = arith.constant 0 : i32
    %dma_start3A_236 = tpu.memref_slice %arg9[%dma_start3A_234, %dma_start3A_235] : memref<2304x8xf32, #tpu.memory_space<vmem>> -> memref<128x8xf32, #tpu.memory_space<vmem>>
    %dma_start3A_237 = arith.constant 0 : i32
    %dma_start3A_238 = tpu.memref_slice %arg7[%dma_start3A_233, %dma_start3A_237] : memref<18x128xi32, #tpu.memory_space<vmem>> -> memref<1x128xi32, #tpu.memory_space<vmem>>
    %dma_start3A_239 = tpu.memref_squeeze %dma_start3A_238 : memref<1x128xi32, #tpu.memory_space<vmem>> -> memref<128xi32, #tpu.memory_space<vmem>>
    %dma_start3A_240 = arith.constant 0 : i32
    %dma_start3A_241 = arith.constant 0 : i32
    %dma_start3A_242 = tpu.memref_slice %arg2[%dma_start3A_240, %dma_start3A_241] : memref<1882384x8xf32, #tpu.memory_space<hbm>> -> memref<1882384x8xf32, #tpu.memory_space<hbm>>
    tpu.enqueue_indirect_dma source(%dma_start3A_242 : memref<1882384x8xf32, #tpu.memory_space<hbm>>) target(%dma_start3A_236 : memref<128x8xf32, #tpu.memory_space<vmem>>) offsets(%dma_start3A_239 : memref<128xi32, #tpu.memory_space<vmem>>) semaphore(%arg14 : memref<!tpu.dma_semaphore, #tpu.memory_space<semaphore_mem>>)
    %dma_start3A_243 = arith.constant 9 : i32
    %dma_start3A_244 = arith.constant 1152 : i32
    %dma_start3A_245 = arith.constant 0 : i32
    %dma_start3A_246 = tpu.memref_slice %arg9[%dma_start3A_244, %dma_start3A_245] : memref<2304x8xf32, #tpu.memory_space<vmem>> -> memref<128x8xf32, #tpu.memory_space<vmem>>
    %dma_start3A_247 = arith.constant 0 : i32
    %dma_start3A_248 = tpu.memref_slice %arg7[%dma_start3A_243, %dma_start3A_247] : memref<18x128xi32, #tpu.memory_space<vmem>> -> memref<1x128xi32, #tpu.memory_space<vmem>>
    %dma_start3A_249 = tpu.memref_squeeze %dma_start3A_248 : memref<1x128xi32, #tpu.memory_space<vmem>> -> memref<128xi32, #tpu.memory_space<vmem>>
    %dma_start3A_250 = arith.constant 0 : i32
    %dma_start3A_251 = arith.constant 0 : i32
    %dma_start3A_252 = tpu.memref_slice %arg2[%dma_start3A_250, %dma_start3A_251] : memref<1882384x8xf32, #tpu.memory_space<hbm>> -> memref<1882384x8xf32, #tpu.memory_space<hbm>>
    tpu.enqueue_indirect_dma source(%dma_start3A_252 : memref<1882384x8xf32, #tpu.memory_space<hbm>>) target(%dma_start3A_246 : memref<128x8xf32, #tpu.memory_space<vmem>>) offsets(%dma_start3A_249 : memref<128xi32, #tpu.memory_space<vmem>>) semaphore(%arg14 : memref<!tpu.dma_semaphore, #tpu.memory_space<semaphore_mem>>)
    %dma_start3A_253 = arith.constant 10 : i32
    %dma_start3A_254 = arith.constant 1280 : i32
    %dma_start3A_255 = arith.constant 0 : i32
    %dma_start3A_256 = tpu.memref_slice %arg9[%dma_start3A_254, %dma_start3A_255] : memref<2304x8xf32, #tpu.memory_space<vmem>> -> memref<128x8xf32, #tpu.memory_space<vmem>>
    %dma_start3A_257 = arith.constant 0 : i32
    %dma_start3A_258 = tpu.memref_slice %arg7[%dma_start3A_253, %dma_start3A_257] : memref<18x128xi32, #tpu.memory_space<vmem>> -> memref<1x128xi32, #tpu.memory_space<vmem>>
    %dma_start3A_259 = tpu.memref_squeeze %dma_start3A_258 : memref<1x128xi32, #tpu.memory_space<vmem>> -> memref<128xi32, #tpu.memory_space<vmem>>
    %dma_start3A_260 = arith.constant 0 : i32
    %dma_start3A_261 = arith.constant 0 : i32
    %dma_start3A_262 = tpu.memref_slice %arg2[%dma_start3A_260, %dma_start3A_261] : memref<1882384x8xf32, #tpu.memory_space<hbm>> -> memref<1882384x8xf32, #tpu.memory_space<hbm>>
    tpu.enqueue_indirect_dma source(%dma_start3A_262 : memref<1882384x8xf32, #tpu.memory_space<hbm>>) target(%dma_start3A_256 : memref<128x8xf32, #tpu.memory_space<vmem>>) offsets(%dma_start3A_259 : memref<128xi32, #tpu.memory_space<vmem>>) semaphore(%arg14 : memref<!tpu.dma_semaphore, #tpu.memory_space<semaphore_mem>>)
    %dma_start3A_263 = arith.constant 11 : i32
    %dma_start3A_264 = arith.constant 1408 : i32
    %dma_start3A_265 = arith.constant 0 : i32
    %dma_start3A_266 = tpu.memref_slice %arg9[%dma_start3A_264, %dma_start3A_265] : memref<2304x8xf32, #tpu.memory_space<vmem>> -> memref<128x8xf32, #tpu.memory_space<vmem>>
    %dma_start3A_267 = arith.constant 0 : i32
    %dma_start3A_268 = tpu.memref_slice %arg7[%dma_start3A_263, %dma_start3A_267] : memref<18x128xi32, #tpu.memory_space<vmem>> -> memref<1x128xi32, #tpu.memory_space<vmem>>
    %dma_start3A_269 = tpu.memref_squeeze %dma_start3A_268 : memref<1x128xi32, #tpu.memory_space<vmem>> -> memref<128xi32, #tpu.memory_space<vmem>>
    %dma_start3A_270 = arith.constant 0 : i32
    %dma_start3A_271 = arith.constant 0 : i32
    %dma_start3A_272 = tpu.memref_slice %arg2[%dma_start3A_270, %dma_start3A_271] : memref<1882384x8xf32, #tpu.memory_space<hbm>> -> memref<1882384x8xf32, #tpu.memory_space<hbm>>
    tpu.enqueue_indirect_dma source(%dma_start3A_272 : memref<1882384x8xf32, #tpu.memory_space<hbm>>) target(%dma_start3A_266 : memref<128x8xf32, #tpu.memory_space<vmem>>) offsets(%dma_start3A_269 : memref<128xi32, #tpu.memory_space<vmem>>) semaphore(%arg14 : memref<!tpu.dma_semaphore, #tpu.memory_space<semaphore_mem>>)
    %dma_start3A_273 = arith.constant 12 : i32
    %dma_start3A_274 = arith.constant 1536 : i32
    %dma_start3A_275 = arith.constant 0 : i32
    %dma_start3A_276 = tpu.memref_slice %arg9[%dma_start3A_274, %dma_start3A_275] : memref<2304x8xf32, #tpu.memory_space<vmem>> -> memref<128x8xf32, #tpu.memory_space<vmem>>
    %dma_start3A_277 = arith.constant 0 : i32
    %dma_start3A_278 = tpu.memref_slice %arg7[%dma_start3A_273, %dma_start3A_277] : memref<18x128xi32, #tpu.memory_space<vmem>> -> memref<1x128xi32, #tpu.memory_space<vmem>>
    %dma_start3A_279 = tpu.memref_squeeze %dma_start3A_278 : memref<1x128xi32, #tpu.memory_space<vmem>> -> memref<128xi32, #tpu.memory_space<vmem>>
    %dma_start3A_280 = arith.constant 0 : i32
    %dma_start3A_281 = arith.constant 0 : i32
    %dma_start3A_282 = tpu.memref_slice %arg2[%dma_start3A_280, %dma_start3A_281] : memref<1882384x8xf32, #tpu.memory_space<hbm>> -> memref<1882384x8xf32, #tpu.memory_space<hbm>>
    tpu.enqueue_indirect_dma source(%dma_start3A_282 : memref<1882384x8xf32, #tpu.memory_space<hbm>>) target(%dma_start3A_276 : memref<128x8xf32, #tpu.memory_space<vmem>>) offsets(%dma_start3A_279 : memref<128xi32, #tpu.memory_space<vmem>>) semaphore(%arg14 : memref<!tpu.dma_semaphore, #tpu.memory_space<semaphore_mem>>)
    %dma_start3A_283 = arith.constant 13 : i32
    %dma_start3A_284 = arith.constant 1664 : i32
    %dma_start3A_285 = arith.constant 0 : i32
    %dma_start3A_286 = tpu.memref_slice %arg9[%dma_start3A_284, %dma_start3A_285] : memref<2304x8xf32, #tpu.memory_space<vmem>> -> memref<128x8xf32, #tpu.memory_space<vmem>>
    %dma_start3A_287 = arith.constant 0 : i32
    %dma_start3A_288 = tpu.memref_slice %arg7[%dma_start3A_283, %dma_start3A_287] : memref<18x128xi32, #tpu.memory_space<vmem>> -> memref<1x128xi32, #tpu.memory_space<vmem>>
    %dma_start3A_289 = tpu.memref_squeeze %dma_start3A_288 : memref<1x128xi32, #tpu.memory_space<vmem>> -> memref<128xi32, #tpu.memory_space<vmem>>
    %dma_start3A_290 = arith.constant 0 : i32
    %dma_start3A_291 = arith.constant 0 : i32
    %dma_start3A_292 = tpu.memref_slice %arg2[%dma_start3A_290, %dma_start3A_291] : memref<1882384x8xf32, #tpu.memory_space<hbm>> -> memref<1882384x8xf32, #tpu.memory_space<hbm>>
    tpu.enqueue_indirect_dma source(%dma_start3A_292 : memref<1882384x8xf32, #tpu.memory_space<hbm>>) target(%dma_start3A_286 : memref<128x8xf32, #tpu.memory_space<vmem>>) offsets(%dma_start3A_289 : memref<128xi32, #tpu.memory_space<vmem>>) semaphore(%arg14 : memref<!tpu.dma_semaphore, #tpu.memory_space<semaphore_mem>>)
    %dma_start3A_293 = arith.constant 14 : i32
    %dma_start3A_294 = arith.constant 1792 : i32
    %dma_start3A_295 = arith.constant 0 : i32
    %dma_start3A_296 = tpu.memref_slice %arg9[%dma_start3A_294, %dma_start3A_295] : memref<2304x8xf32, #tpu.memory_space<vmem>> -> memref<128x8xf32, #tpu.memory_space<vmem>>
    %dma_start3A_297 = arith.constant 0 : i32
    %dma_start3A_298 = tpu.memref_slice %arg7[%dma_start3A_293, %dma_start3A_297] : memref<18x128xi32, #tpu.memory_space<vmem>> -> memref<1x128xi32, #tpu.memory_space<vmem>>
    %dma_start3A_299 = tpu.memref_squeeze %dma_start3A_298 : memref<1x128xi32, #tpu.memory_space<vmem>> -> memref<128xi32, #tpu.memory_space<vmem>>
    %dma_start3A_300 = arith.constant 0 : i32
    %dma_start3A_301 = arith.constant 0 : i32
    %dma_start3A_302 = tpu.memref_slice %arg2[%dma_start3A_300, %dma_start3A_301] : memref<1882384x8xf32, #tpu.memory_space<hbm>> -> memref<1882384x8xf32, #tpu.memory_space<hbm>>
    tpu.enqueue_indirect_dma source(%dma_start3A_302 : memref<1882384x8xf32, #tpu.memory_space<hbm>>) target(%dma_start3A_296 : memref<128x8xf32, #tpu.memory_space<vmem>>) offsets(%dma_start3A_299 : memref<128xi32, #tpu.memory_space<vmem>>) semaphore(%arg14 : memref<!tpu.dma_semaphore, #tpu.memory_space<semaphore_mem>>)
    %dma_start3A_303 = arith.constant 15 : i32
    %dma_start3A_304 = arith.constant 1920 : i32
    %dma_start3A_305 = arith.constant 0 : i32
    %dma_start3A_306 = tpu.memref_slice %arg9[%dma_start3A_304, %dma_start3A_305] : memref<2304x8xf32, #tpu.memory_space<vmem>> -> memref<128x8xf32, #tpu.memory_space<vmem>>
    %dma_start3A_307 = arith.constant 0 : i32
    %dma_start3A_308 = tpu.memref_slice %arg7[%dma_start3A_303, %dma_start3A_307] : memref<18x128xi32, #tpu.memory_space<vmem>> -> memref<1x128xi32, #tpu.memory_space<vmem>>
    %dma_start3A_309 = tpu.memref_squeeze %dma_start3A_308 : memref<1x128xi32, #tpu.memory_space<vmem>> -> memref<128xi32, #tpu.memory_space<vmem>>
    %dma_start3A_310 = arith.constant 0 : i32
    %dma_start3A_311 = arith.constant 0 : i32
    %dma_start3A_312 = tpu.memref_slice %arg2[%dma_start3A_310, %dma_start3A_311] : memref<1882384x8xf32, #tpu.memory_space<hbm>> -> memref<1882384x8xf32, #tpu.memory_space<hbm>>
    tpu.enqueue_indirect_dma source(%dma_start3A_312 : memref<1882384x8xf32, #tpu.memory_space<hbm>>) target(%dma_start3A_306 : memref<128x8xf32, #tpu.memory_space<vmem>>) offsets(%dma_start3A_309 : memref<128xi32, #tpu.memory_space<vmem>>) semaphore(%arg14 : memref<!tpu.dma_semaphore, #tpu.memory_space<semaphore_mem>>)
    %dma_start3A_313 = arith.constant 16 : i32
    %dma_start3A_314 = arith.constant 2048 : i32
    %dma_start3A_315 = arith.constant 0 : i32
    %dma_start3A_316 = tpu.memref_slice %arg9[%dma_start3A_314, %dma_start3A_315] : memref<2304x8xf32, #tpu.memory_space<vmem>> -> memref<128x8xf32, #tpu.memory_space<vmem>>
    %dma_start3A_317 = arith.constant 0 : i32
    %dma_start3A_318 = tpu.memref_slice %arg7[%dma_start3A_313, %dma_start3A_317] : memref<18x128xi32, #tpu.memory_space<vmem>> -> memref<1x128xi32, #tpu.memory_space<vmem>>
    %dma_start3A_319 = tpu.memref_squeeze %dma_start3A_318 : memref<1x128xi32, #tpu.memory_space<vmem>> -> memref<128xi32, #tpu.memory_space<vmem>>
    %dma_start3A_320 = arith.constant 0 : i32
    %dma_start3A_321 = arith.constant 0 : i32
    %dma_start3A_322 = tpu.memref_slice %arg2[%dma_start3A_320, %dma_start3A_321] : memref<1882384x8xf32, #tpu.memory_space<hbm>> -> memref<1882384x8xf32, #tpu.memory_space<hbm>>
    tpu.enqueue_indirect_dma source(%dma_start3A_322 : memref<1882384x8xf32, #tpu.memory_space<hbm>>) target(%dma_start3A_316 : memref<128x8xf32, #tpu.memory_space<vmem>>) offsets(%dma_start3A_319 : memref<128xi32, #tpu.memory_space<vmem>>) semaphore(%arg14 : memref<!tpu.dma_semaphore, #tpu.memory_space<semaphore_mem>>)
    %dma_start3A_323 = arith.constant 17 : i32
    %dma_start3A_324 = arith.constant 2176 : i32
    %dma_start3A_325 = arith.constant 0 : i32
    %dma_start3A_326 = tpu.memref_slice %arg9[%dma_start3A_324, %dma_start3A_325] : memref<2304x8xf32, #tpu.memory_space<vmem>> -> memref<128x8xf32, #tpu.memory_space<vmem>>
    %dma_start3A_327 = arith.constant 0 : i32
    %dma_start3A_328 = tpu.memref_slice %arg7[%dma_start3A_323, %dma_start3A_327] : memref<18x128xi32, #tpu.memory_space<vmem>> -> memref<1x128xi32, #tpu.memory_space<vmem>>
    %dma_start3A_329 = tpu.memref_squeeze %dma_start3A_328 : memref<1x128xi32, #tpu.memory_space<vmem>> -> memref<128xi32, #tpu.memory_space<vmem>>
    %dma_start3A_330 = arith.constant 0 : i32
    %dma_start3A_331 = arith.constant 0 : i32
    %dma_start3A_332 = tpu.memref_slice %arg2[%dma_start3A_330, %dma_start3A_331] : memref<1882384x8xf32, #tpu.memory_space<hbm>> -> memref<1882384x8xf32, #tpu.memory_space<hbm>>
    tpu.enqueue_indirect_dma source(%dma_start3A_332 : memref<1882384x8xf32, #tpu.memory_space<hbm>>) target(%dma_start3A_326 : memref<128x8xf32, #tpu.memory_space<vmem>>) offsets(%dma_start3A_329 : memref<128xi32, #tpu.memory_space<vmem>>) semaphore(%arg14 : memref<!tpu.dma_semaphore, #tpu.memory_space<semaphore_mem>>)
    %add3A_333 = arith.constant 2304 : i32
    %add3A_334 = arith.addi %mul3A_2, %add3A_333 : i32
    %jit3A_335 = arith.constant 9216 : i32
    %div3A_336 = arith.divsi %add3A_334, %jit3A_335 : i32
    %sign3A_337 = arith.constant 0 : i32
    %sign3A_338 = arith.cmpi sgt, %add3A_334, %sign3A_337 : i32
    %sign3A_339 = arith.extui %sign3A_338 : i1 to i32
    %sign3A_340 = arith.constant 0 : i32
    %sign3A_341 = arith.cmpi slt, %add3A_334, %sign3A_340 : i32
    %sign3A_342 = arith.extui %sign3A_341 : i1 to i32
    %sign3A_343 = arith.subi %sign3A_339, %sign3A_342 : i32
    %sign3A_344 = arith.constant 0 : i32
    %sign3A_345 = arith.cmpi sgt, %jit3A_335, %sign3A_344 : i32
    %sign3A_346 = arith.extui %sign3A_345 : i1 to i32
    %sign3A_347 = arith.constant 0 : i32
    %sign3A_348 = arith.cmpi slt, %jit3A_335, %sign3A_347 : i32
    %sign3A_349 = arith.extui %sign3A_348 : i1 to i32
    %sign3A_350 = arith.subi %sign3A_346, %sign3A_349 : i32
    %ne3A_351 = arith.cmpi ne, %sign3A_343, %sign3A_350 : i32
    %rem3A_352 = arith.remsi %add3A_334, %jit3A_335 : i32
    %ne3A_353 = arith.constant 0 : i32
    %ne3A_354 = arith.cmpi ne, %rem3A_352, %ne3A_353 : i32
    %and3A_355 = arith.andi %ne3A_351, %ne3A_354 : i1
    %sub3A_356 = arith.constant 1 : i32
    %sub3A_357 = arith.subi %div3A_336, %sub3A_356 : i32
    %select_n3A_358 = arith.select %and3A_355, %sub3A_357, %div3A_336 : i32
    %mul3A_359 = arith.constant 9216 : i32
    %mul3A_360 = arith.muli %select_n3A_358, %mul3A_359 : i32
    %sub3A_361 = arith.subi %add3A_334, %mul3A_360 : i32
    %mul3A_362 = arith.constant 27648 : i32
    %mul3A_363 = arith.muli %select_n3A_358, %mul3A_362 : i32
    %add3A_364 = arith.addi %mul3A_363, %sub3A_361 : i32
    %add3A_365 = arith.constant 0 : i32
    %add3A_366 = arith.addi %add3A_364, %add3A_365 : i32
    %dma_start3A_367 = arith.constant 0 : i32
    %dma_start3A_368 = arith.constant 0 : i32
    %dma_start3A_369 = tpu.memref_slice %arg6[%dma_start3A_367, %dma_start3A_368] : memref<3x2304xf32, #tpu.memory_space<vmem>> -> memref<1x2304xf32, #tpu.memory_space<vmem>>
    %dma_start3A_370 = tpu.memref_squeeze %dma_start3A_369 : memref<1x2304xf32, #tpu.memory_space<vmem>> -> memref<2304xf32, #tpu.memory_space<vmem>>
    %dma_start3A_371 = tpu.memref_slice %arg3[%add3A_366] : memref<5308416xf32, #tpu.memory_space<hbm>> -> memref<2304xf32, #tpu.memory_space<hbm>>
    %dma_start3A_372 = arith.constant 0 : i32
    %dma_start3A_373 = tpu.memref_slice %arg6[%dma_start3A_367, %dma_start3A_372] : memref<3x2304xf32, #tpu.memory_space<vmem>> -> memref<1x2304xf32, #tpu.memory_space<vmem>>
    %dma_start3A_374 = tpu.memref_squeeze %dma_start3A_373 : memref<1x2304xf32, #tpu.memory_space<vmem>> -> memref<2304xf32, #tpu.memory_space<vmem>>
    %dma_start3A_375 = tpu.memref_slice %arg3[%add3A_366] : memref<5308416xf32, #tpu.memory_space<hbm>> -> memref<2304xf32, #tpu.memory_space<hbm>>
    tpu.enqueue_dma source(%dma_start3A_375 : memref<2304xf32, #tpu.memory_space<hbm>>) target(%dma_start3A_374 : memref<2304xf32, #tpu.memory_space<vmem>>) target_semaphore(%arg17 : memref<!tpu.dma_semaphore, #tpu.memory_space<semaphore_mem>>)
    %add3A_376 = arith.constant 9216 : i32
    %add3A_377 = arith.addi %add3A_364, %add3A_376 : i32
    %dma_start3A_378 = arith.constant 1 : i32
    %dma_start3A_379 = arith.constant 0 : i32
    %dma_start3A_380 = tpu.memref_slice %arg6[%dma_start3A_378, %dma_start3A_379] : memref<3x2304xf32, #tpu.memory_space<vmem>> -> memref<1x2304xf32, #tpu.memory_space<vmem>>
    %dma_start3A_381 = tpu.memref_squeeze %dma_start3A_380 : memref<1x2304xf32, #tpu.memory_space<vmem>> -> memref<2304xf32, #tpu.memory_space<vmem>>
    %dma_start3A_382 = tpu.memref_slice %arg3[%add3A_377] : memref<5308416xf32, #tpu.memory_space<hbm>> -> memref<2304xf32, #tpu.memory_space<hbm>>
    %dma_start3A_383 = arith.constant 0 : i32
    %dma_start3A_384 = tpu.memref_slice %arg6[%dma_start3A_378, %dma_start3A_383] : memref<3x2304xf32, #tpu.memory_space<vmem>> -> memref<1x2304xf32, #tpu.memory_space<vmem>>
    %dma_start3A_385 = tpu.memref_squeeze %dma_start3A_384 : memref<1x2304xf32, #tpu.memory_space<vmem>> -> memref<2304xf32, #tpu.memory_space<vmem>>
    %dma_start3A_386 = tpu.memref_slice %arg3[%add3A_377] : memref<5308416xf32, #tpu.memory_space<hbm>> -> memref<2304xf32, #tpu.memory_space<hbm>>
    tpu.enqueue_dma source(%dma_start3A_386 : memref<2304xf32, #tpu.memory_space<hbm>>) target(%dma_start3A_385 : memref<2304xf32, #tpu.memory_space<vmem>>) target_semaphore(%arg17 : memref<!tpu.dma_semaphore, #tpu.memory_space<semaphore_mem>>)
    %add3A_387 = arith.constant 18432 : i32
    %add3A_388 = arith.addi %add3A_364, %add3A_387 : i32
    %dma_start3A_389 = arith.constant 2 : i32
    %dma_start3A_390 = arith.constant 0 : i32
    %dma_start3A_391 = tpu.memref_slice %arg6[%dma_start3A_389, %dma_start3A_390] : memref<3x2304xf32, #tpu.memory_space<vmem>> -> memref<1x2304xf32, #tpu.memory_space<vmem>>
    %dma_start3A_392 = tpu.memref_squeeze %dma_start3A_391 : memref<1x2304xf32, #tpu.memory_space<vmem>> -> memref<2304xf32, #tpu.memory_space<vmem>>
    %dma_start3A_393 = tpu.memref_slice %arg3[%add3A_388] : memref<5308416xf32, #tpu.memory_space<hbm>> -> memref<2304xf32, #tpu.memory_space<hbm>>
    %dma_start3A_394 = arith.constant 0 : i32
    %dma_start3A_395 = tpu.memref_slice %arg6[%dma_start3A_389, %dma_start3A_394] : memref<3x2304xf32, #tpu.memory_space<vmem>> -> memref<1x2304xf32, #tpu.memory_space<vmem>>
    %dma_start3A_396 = tpu.memref_squeeze %dma_start3A_395 : memref<1x2304xf32, #tpu.memory_space<vmem>> -> memref<2304xf32, #tpu.memory_space<vmem>>
    %dma_start3A_397 = tpu.memref_slice %arg3[%add3A_388] : memref<5308416xf32, #tpu.memory_space<hbm>> -> memref<2304xf32, #tpu.memory_space<hbm>>
    tpu.enqueue_dma source(%dma_start3A_397 : memref<2304xf32, #tpu.memory_space<hbm>>) target(%dma_start3A_396 : memref<2304xf32, #tpu.memory_space<vmem>>) target_semaphore(%arg17 : memref<!tpu.dma_semaphore, #tpu.memory_space<semaphore_mem>>)
    %scan3A_398 = arith.constant 0 : i32
    %scan3A_399 = arith.constant 11 : i32
    %scan3A_400 = arith.addi %scan3A_398, %scan3A_399 : i32
    %scan3A_401 = arith.constant 1 : i32
    scf.for %scan3A_707 = %scan3A_398 to %scan3A_400 step %scan3A_401  : i32 {
      %mul3A_708 = arith.constant 2 : i32
      %mul3A_709 = arith.muli %mul3A_708, %scan3A_707 : i32
      %add3A_710 = arith.constant 1 : i32
      %add3A_711 = arith.addi %mul3A_709, %add3A_710 : i32
      %dma_wait3A_712 = arith.constant 0 : i32
      %dma_wait3A_713 = arith.constant 0 : i32
      %dma_wait3A_714 = tpu.memref_slice %arg6[%dma_wait3A_712, %dma_wait3A_713] : memref<3x2304xf32, #tpu.memory_space<vmem>> -> memref<1x2304xf32, #tpu.memory_space<vmem>>
      %dma_wait3A_715 = tpu.memref_squeeze %dma_wait3A_714 : memref<1x2304xf32, #tpu.memory_space<vmem>> -> memref<2304xf32, #tpu.memory_space<vmem>>
      %dma_wait3A_716 = arith.constant 0 : i32
      %dma_wait3A_717 = tpu.memref_slice %arg3[%dma_wait3A_716] : memref<5308416xf32, #tpu.memory_space<hbm>> -> memref<2304xf32, #tpu.memory_space<hbm>>
      %dma_wait3A_718 = arith.constant 0 : i32
      %dma_wait3A_719 = tpu.memref_slice %arg6[%dma_wait3A_712, %dma_wait3A_718] : memref<3x2304xf32, #tpu.memory_space<vmem>> -> memref<1x2304xf32, #tpu.memory_space<vmem>>
      %dma_wait3A_720 = tpu.memref_squeeze %dma_wait3A_719 : memref<1x2304xf32, #tpu.memory_space<vmem>> -> memref<2304xf32, #tpu.memory_space<vmem>>
      %dma_wait3A_721 = arith.constant 0 : i32
      %dma_wait3A_722 = tpu.memref_slice %arg3[%dma_wait3A_721] : memref<5308416xf32, #tpu.memory_space<hbm>> -> memref<2304xf32, #tpu.memory_space<hbm>>
      tpu.wait_dma2 semaphore(%arg17 : memref<!tpu.dma_semaphore, #tpu.memory_space<semaphore_mem>>) src(%dma_wait3A_722 : memref<2304xf32, #tpu.memory_space<hbm>>) dst(%dma_wait3A_720 : memref<2304xf32, #tpu.memory_space<vmem>>)
      %dma_wait3A_723 = arith.constant 1 : i32
      %dma_wait3A_724 = arith.constant 0 : i32
      %dma_wait3A_725 = tpu.memref_slice %arg6[%dma_wait3A_723, %dma_wait3A_724] : memref<3x2304xf32, #tpu.memory_space<vmem>> -> memref<1x2304xf32, #tpu.memory_space<vmem>>
      %dma_wait3A_726 = tpu.memref_squeeze %dma_wait3A_725 : memref<1x2304xf32, #tpu.memory_space<vmem>> -> memref<2304xf32, #tpu.memory_space<vmem>>
      %dma_wait3A_727 = arith.constant 0 : i32
      %dma_wait3A_728 = tpu.memref_slice %arg3[%dma_wait3A_727] : memref<5308416xf32, #tpu.memory_space<hbm>> -> memref<2304xf32, #tpu.memory_space<hbm>>
      %dma_wait3A_729 = arith.constant 0 : i32
      %dma_wait3A_730 = tpu.memref_slice %arg6[%dma_wait3A_723, %dma_wait3A_729] : memref<3x2304xf32, #tpu.memory_space<vmem>> -> memref<1x2304xf32, #tpu.memory_space<vmem>>
      %dma_wait3A_731 = tpu.memref_squeeze %dma_wait3A_730 : memref<1x2304xf32, #tpu.memory_space<vmem>> -> memref<2304xf32, #tpu.memory_space<vmem>>
      %dma_wait3A_732 = arith.constant 0 : i32
      %dma_wait3A_733 = tpu.memref_slice %arg3[%dma_wait3A_732] : memref<5308416xf32, #tpu.memory_space<hbm>> -> memref<2304xf32, #tpu.memory_space<hbm>>
      tpu.wait_dma2 semaphore(%arg17 : memref<!tpu.dma_semaphore, #tpu.memory_space<semaphore_mem>>) src(%dma_wait3A_733 : memref<2304xf32, #tpu.memory_space<hbm>>) dst(%dma_wait3A_731 : memref<2304xf32, #tpu.memory_space<vmem>>)
      %dma_wait3A_734 = arith.constant 2 : i32
      %dma_wait3A_735 = arith.constant 0 : i32
      %dma_wait3A_736 = tpu.memref_slice %arg6[%dma_wait3A_734, %dma_wait3A_735] : memref<3x2304xf32, #tpu.memory_space<vmem>> -> memref<1x2304xf32, #tpu.memory_space<vmem>>
      %dma_wait3A_737 = tpu.memref_squeeze %dma_wait3A_736 : memref<1x2304xf32, #tpu.memory_space<vmem>> -> memref<2304xf32, #tpu.memory_space<vmem>>
      %dma_wait3A_738 = arith.constant 0 : i32
      %dma_wait3A_739 = tpu.memref_slice %arg3[%dma_wait3A_738] : memref<5308416xf32, #tpu.memory_space<hbm>> -> memref<2304xf32, #tpu.memory_space<hbm>>
      %dma_wait3A_740 = arith.constant 0 : i32
      %dma_wait3A_741 = tpu.memref_slice %arg6[%dma_wait3A_734, %dma_wait3A_740] : memref<3x2304xf32, #tpu.memory_space<vmem>> -> memref<1x2304xf32, #tpu.memory_space<vmem>>
      %dma_wait3A_742 = tpu.memref_squeeze %dma_wait3A_741 : memref<1x2304xf32, #tpu.memory_space<vmem>> -> memref<2304xf32, #tpu.memory_space<vmem>>
      %dma_wait3A_743 = arith.constant 0 : i32
      %dma_wait3A_744 = tpu.memref_slice %arg3[%dma_wait3A_743] : memref<5308416xf32, #tpu.memory_space<hbm>> -> memref<2304xf32, #tpu.memory_space<hbm>>
      tpu.wait_dma2 semaphore(%arg17 : memref<!tpu.dma_semaphore, #tpu.memory_space<semaphore_mem>>) src(%dma_wait3A_744 : memref<2304xf32, #tpu.memory_space<hbm>>) dst(%dma_wait3A_742 : memref<2304xf32, #tpu.memory_space<vmem>>)
      %mul3A_745 = arith.constant 2304 : i32
      %mul3A_746 = arith.muli %add3A_711, %mul3A_745 : i32
      %add3A_747 = arith.addi %mul3A_2, %mul3A_746 : i32
      %jit3A_748 = arith.constant 9216 : i32
      %div3A_749 = arith.divsi %add3A_747, %jit3A_748 : i32
      %sign3A_750 = arith.constant 0 : i32
      %sign3A_751 = arith.cmpi sgt, %add3A_747, %sign3A_750 : i32
      %sign3A_752 = arith.extui %sign3A_751 : i1 to i32
      %sign3A_753 = arith.constant 0 : i32
      %sign3A_754 = arith.cmpi slt, %add3A_747, %sign3A_753 : i32
      %sign3A_755 = arith.extui %sign3A_754 : i1 to i32
      %sign3A_756 = arith.subi %sign3A_752, %sign3A_755 : i32
      %sign3A_757 = arith.constant 0 : i32
      %sign3A_758 = arith.cmpi sgt, %jit3A_748, %sign3A_757 : i32
      %sign3A_759 = arith.extui %sign3A_758 : i1 to i32
      %sign3A_760 = arith.constant 0 : i32
      %sign3A_761 = arith.cmpi slt, %jit3A_748, %sign3A_760 : i32
      %sign3A_762 = arith.extui %sign3A_761 : i1 to i32
      %sign3A_763 = arith.subi %sign3A_759, %sign3A_762 : i32
      %ne3A_764 = arith.cmpi ne, %sign3A_756, %sign3A_763 : i32
      %rem3A_765 = arith.remsi %add3A_747, %jit3A_748 : i32
      %ne3A_766 = arith.constant 0 : i32
      %ne3A_767 = arith.cmpi ne, %rem3A_765, %ne3A_766 : i32
      %and3A_768 = arith.andi %ne3A_764, %ne3A_767 : i1
      %sub3A_769 = arith.constant 1 : i32
      %sub3A_770 = arith.subi %div3A_749, %sub3A_769 : i32
      %select_n3A_771 = arith.select %and3A_768, %sub3A_770, %div3A_749 : i32
      %mul3A_772 = arith.constant 9216 : i32
      %mul3A_773 = arith.muli %select_n3A_771, %mul3A_772 : i32
      %sub3A_774 = arith.subi %add3A_747, %mul3A_773 : i32
      %ge3A_775 = arith.constant 96 : i32
      %ge3A_776 = arith.cmpi sge, %select_n3A_771, %ge3A_775 : i32
      %convert_element_type3A_777 = arith.extui %ge3A_776 : i1 to i32
      %mul3A_778 = arith.constant 96 : i32
      %mul3A_779 = arith.muli %convert_element_type3A_777, %mul3A_778 : i32
      %sub3A_780 = arith.subi %select_n3A_771, %mul3A_779 : i32
      %jit3A_781 = arith.constant 96 : i32
      %div3A_782 = arith.divsi %sub3A_774, %jit3A_781 : i32
      %sign3A_783 = arith.constant 0 : i32
      %sign3A_784 = arith.cmpi sgt, %sub3A_774, %sign3A_783 : i32
      %sign3A_785 = arith.extui %sign3A_784 : i1 to i32
      %sign3A_786 = arith.constant 0 : i32
      %sign3A_787 = arith.cmpi slt, %sub3A_774, %sign3A_786 : i32
      %sign3A_788 = arith.extui %sign3A_787 : i1 to i32
      %sign3A_789 = arith.subi %sign3A_785, %sign3A_788 : i32
      %sign3A_790 = arith.constant 0 : i32
      %sign3A_791 = arith.cmpi sgt, %jit3A_781, %sign3A_790 : i32
      %sign3A_792 = arith.extui %sign3A_791 : i1 to i32
      %sign3A_793 = arith.constant 0 : i32
      %sign3A_794 = arith.cmpi slt, %jit3A_781, %sign3A_793 : i32
      %sign3A_795 = arith.extui %sign3A_794 : i1 to i32
      %sign3A_796 = arith.subi %sign3A_792, %sign3A_795 : i32
      %ne3A_797 = arith.cmpi ne, %sign3A_789, %sign3A_796 : i32
      %rem3A_798 = arith.remsi %sub3A_774, %jit3A_781 : i32
      %ne3A_799 = arith.constant 0 : i32
      %ne3A_800 = arith.cmpi ne, %rem3A_798, %ne3A_799 : i32
      %and3A_801 = arith.andi %ne3A_797, %ne3A_800 : i1
      %sub3A_802 = arith.constant 1 : i32
      %sub3A_803 = arith.subi %div3A_782, %sub3A_802 : i32
      %select_n3A_804 = arith.select %and3A_801, %sub3A_803, %div3A_782 : i32
      %convert_element_type3A_805 = arith.sitofp %sub3A_780 : i32 to f32
      %scan3A_806 = arith.constant 0 : i32
      %scan3A_807 = arith.constant 144 : i32
      %scan3A_808 = arith.addi %scan3A_806, %scan3A_807 : i32
      %scan3A_809 = arith.constant 1 : i32
      scf.for %scan3A_1436 = %scan3A_806 to %scan3A_808 step %scan3A_809  : i32 {
        %mul3A_1437 = arith.constant 16 : i32
        %mul3A_1438 = arith.muli %scan3A_1436, %mul3A_1437 : i32
        %jit3A_1439 = arith.constant 6 : i32
        %div3A_1440 = arith.divsi %scan3A_1436, %jit3A_1439 : i32
        %sign3A_1441 = arith.constant 0 : i32
        %sign3A_1442 = arith.cmpi sgt, %scan3A_1436, %sign3A_1441 : i32
        %sign3A_1443 = arith.extui %sign3A_1442 : i1 to i32
        %sign3A_1444 = arith.constant 0 : i32
        %sign3A_1445 = arith.cmpi slt, %scan3A_1436, %sign3A_1444 : i32
        %sign3A_1446 = arith.extui %sign3A_1445 : i1 to i32
        %sign3A_1447 = arith.subi %sign3A_1443, %sign3A_1446 : i32
        %sign3A_1448 = arith.constant 0 : i32
        %sign3A_1449 = arith.cmpi sgt, %jit3A_1439, %sign3A_1448 : i32
        %sign3A_1450 = arith.extui %sign3A_1449 : i1 to i32
        %sign3A_1451 = arith.constant 0 : i32
        %sign3A_1452 = arith.cmpi slt, %jit3A_1439, %sign3A_1451 : i32
        %sign3A_1453 = arith.extui %sign3A_1452 : i1 to i32
        %sign3A_1454 = arith.subi %sign3A_1450, %sign3A_1453 : i32
        %ne3A_1455 = arith.cmpi ne, %sign3A_1447, %sign3A_1454 : i32
        %rem3A_1456 = arith.remsi %scan3A_1436, %jit3A_1439 : i32
        %ne3A_1457 = arith.constant 0 : i32
        %ne3A_1458 = arith.cmpi ne, %rem3A_1456, %ne3A_1457 : i32
        %and3A_1459 = arith.andi %ne3A_1455, %ne3A_1458 : i1
        %sub3A_1460 = arith.constant 1 : i32
        %sub3A_1461 = arith.subi %div3A_1440, %sub3A_1460 : i32
        %select_n3A_1462 = arith.select %and3A_1459, %sub3A_1461, %div3A_1440 : i32
        %add3A_1463 = arith.addi %select_n3A_804, %select_n3A_1462 : i32
        %jit3A_1464 = arith.constant 6 : i32
        %eq3A = arith.constant 0 : i32
        %eq3A_1465 = arith.cmpi eq, %jit3A_1464, %eq3A : i32
        %jit3A_1466 = arith.constant 1 : i32
        %select_n3A_1467 = arith.select %eq3A_1465, %jit3A_1466, %jit3A_1464 : i32
        %rem3A_1468 = arith.remsi %scan3A_1436, %select_n3A_1467 : i32
        %ne3A_1469 = arith.constant 0 : i32
        %ne3A_1470 = arith.cmpi ne, %rem3A_1468, %ne3A_1469 : i32
        %lt3A = arith.constant 0 : i32
        %lt3A_1471 = arith.cmpi slt, %rem3A_1468, %lt3A : i32
        %lt3A_1472 = arith.constant 0 : i32
        %lt3A_1473 = arith.cmpi slt, %select_n3A_1467, %lt3A_1472 : i32
        %ne3A_1474 = arith.xori %lt3A_1471, %lt3A_1473 : i1
        %and3A_1475 = arith.andi %ne3A_1474, %ne3A_1470 : i1
        %add3A_1476 = arith.addi %rem3A_1468, %select_n3A_1467 : i32
        %select_n3A_1477 = arith.select %and3A_1475, %add3A_1476, %rem3A_1468 : i32
        %mul3A_1478 = arith.constant 16 : i32
        %mul3A_1479 = arith.muli %select_n3A_1477, %mul3A_1478 : i32
        %add3A_1480 = vector.broadcast %mul3A_1479 : i32 to vector<16xi32>
        %add3A_1481 = arith.addi %add3A_1480, %iota3A : vector<16xi32>
        %get3A = arith.constant 0 : i32
        %get3A_1482 = arith.index_cast %get3A : i32 to index
        %get3A_1483 = arith.index_cast %mul3A_1438 : i32 to index
        %get3A_1484 = tpu.vector_load %arg6[%get3A_1482, %get3A_1483] {strides = array<i32>} : memref<3x2304xf32, #tpu.memory_space<vmem>>, vector<16xf32>,
        %get3A_1485 = arith.constant 1 : i32
        %get3A_1486 = arith.index_cast %get3A_1485 : i32 to index
        %get3A_1487 = arith.index_cast %mul3A_1438 : i32 to index
        %get3A_1488 = tpu.vector_load %arg6[%get3A_1486, %get3A_1487] {strides = array<i32>} : memref<3x2304xf32, #tpu.memory_space<vmem>>, vector<16xf32>,
        %get3A_1489 = arith.constant 2 : i32
        %get3A_1490 = arith.index_cast %get3A_1489 : i32 to index
        %get3A_1491 = arith.index_cast %mul3A_1438 : i32 to index
        %get3A_1492 = tpu.vector_load %arg6[%get3A_1490, %get3A_1491] {strides = array<i32>} : memref<3x2304xf32, #tpu.memory_space<vmem>>, vector<16xf32>,
        %convert_element_type3A_1493 = arith.sitofp %add3A_1463 : i32 to f32
        %add3A_1494 = vector.broadcast %convert_element_type3A_1493 : f32 to vector<16xf32>
        %add3A_1495 = arith.addf %get3A_1484, %add3A_1494 : vector<16xf32>
        %add3A_1496 = arith.constant 1.000000e+00 : f32
        %add3A_1497 = vector.broadcast %add3A_1496 : f32 to vector<16xf32>
        %add3A_1498 = arith.addf %add3A_1495, %add3A_1497 : vector<16xf32>
        %add3A_1499 = vector.broadcast %convert_element_type3A_805 : f32 to vector<16xf32>
        %add3A_1500 = arith.addf %get3A_1488, %add3A_1499 : vector<16xf32>
        %add3A_1501 = arith.constant 1.000000e+00 : f32
        %add3A_1502 = vector.broadcast %add3A_1501 : f32 to vector<16xf32>
        %add3A_1503 = arith.addf %add3A_1500, %add3A_1502 : vector<16xf32>
        %convert_element_type3A_1504 = arith.sitofp %add3A_1481 : vector<16xi32> to vector<16xf32>
        %add3A_1505 = arith.addf %get3A_1492, %convert_element_type3A_1504 : vector<16xf32>
        %add3A_1506 = arith.constant 1.000000e+00 : f32
        %add3A_1507 = vector.broadcast %add3A_1506 : f32 to vector<16xf32>
        %add3A_1508 = arith.addf %add3A_1505, %add3A_1507 : vector<16xf32>
        %add3A_1509 = arith.constant 1.024000e+03 : f32
        %add3A_1510 = vector.broadcast %add3A_1509 : f32 to vector<16xf32>
        %add3A_1511 = arith.addf %add3A_1498, %add3A_1510 : vector<16xf32>
        %convert_element_type3A_1512 = arith.fptosi %add3A_1511 : vector<16xf32> to vector<16xi32>
        %sub3A_1513 = arith.constant 1024 : i32
        %sub3A_1514 = vector.broadcast %sub3A_1513 : i32 to vector<16xi32>
        %sub3A_1515 = arith.subi %convert_element_type3A_1512, %sub3A_1514 : vector<16xi32>
        %add3A_1516 = arith.constant 1.024000e+03 : f32
        %add3A_1517 = vector.broadcast %add3A_1516 : f32 to vector<16xf32>
        %add3A_1518 = arith.addf %add3A_1503, %add3A_1517 : vector<16xf32>
        %convert_element_type3A_1519 = arith.fptosi %add3A_1518 : vector<16xf32> to vector<16xi32>
        %sub3A_1520 = arith.constant 1024 : i32
        %sub3A_1521 = vector.broadcast %sub3A_1520 : i32 to vector<16xi32>
        %sub3A_1522 = arith.subi %convert_element_type3A_1519, %sub3A_1521 : vector<16xi32>
        %add3A_1523 = arith.constant 1.024000e+03 : f32
        %add3A_1524 = vector.broadcast %add3A_1523 : f32 to vector<16xf32>
        %add3A_1525 = arith.addf %add3A_1508, %add3A_1524 : vector<16xf32>
        %convert_element_type3A_1526 = arith.fptosi %add3A_1525 : vector<16xf32> to vector<16xi32>
        %sub3A_1527 = arith.constant 1024 : i32
        %sub3A_1528 = vector.broadcast %sub3A_1527 : i32 to vector<16xi32>
        %sub3A_1529 = arith.subi %convert_element_type3A_1526, %sub3A_1528 : vector<16xi32>
        %max3A = arith.constant 0 : i32
        %max3A_1530 = vector.broadcast %max3A : i32 to vector<16xi32>
        %max3A_1531 = arith.maxsi %sub3A_1515, %max3A_1530 : vector<16xi32>
        %min3A = arith.constant 97 : i32
        %min3A_1532 = vector.broadcast %min3A : i32 to vector<16xi32>
        %min3A_1533 = arith.minsi %max3A_1531, %min3A_1532 : vector<16xi32>
        %max3A_1534 = arith.constant 0 : i32
        %max3A_1535 = vector.broadcast %max3A_1534 : i32 to vector<16xi32>
        %max3A_1536 = arith.maxsi %sub3A_1522, %max3A_1535 : vector<16xi32>
        %min3A_1537 = arith.constant 97 : i32
        %min3A_1538 = vector.broadcast %min3A_1537 : i32 to vector<16xi32>
        %min3A_1539 = arith.minsi %max3A_1536, %min3A_1538 : vector<16xi32>
        %max3A_1540 = arith.constant 0 : i32
        %max3A_1541 = vector.broadcast %max3A_1540 : i32 to vector<16xi32>
        %max3A_1542 = arith.maxsi %sub3A_1529, %max3A_1541 : vector<16xi32>
        %min3A_1543 = arith.constant 97 : i32
        %min3A_1544 = vector.broadcast %min3A_1543 : i32 to vector<16xi32>
        %min3A_1545 = arith.minsi %max3A_1542, %min3A_1544 : vector<16xi32>
        %add3A_1546 = arith.constant 1 : i32
        %add3A_1547 = vector.broadcast %add3A_1546 : i32 to vector<16xi32>
        %add3A_1548 = arith.addi %sub3A_1515, %add3A_1547 : vector<16xi32>
        %convert_element_type3A_1549 = arith.sitofp %add3A_1548 : vector<16xi32> to vector<16xf32>
        %sub3A_1550 = arith.subf %convert_element_type3A_1549, %add3A_1498 : vector<16xf32>
        %add3A_1551 = arith.constant 1 : i32
        %add3A_1552 = vector.broadcast %add3A_1551 : i32 to vector<16xi32>
        %add3A_1553 = arith.addi %sub3A_1522, %add3A_1552 : vector<16xi32>
        %convert_element_type3A_1554 = arith.sitofp %add3A_1553 : vector<16xi32> to vector<16xf32>
        %sub3A_1555 = arith.subf %convert_element_type3A_1554, %add3A_1503 : vector<16xf32>
        %add3A_1556 = arith.constant 1 : i32
        %add3A_1557 = vector.broadcast %add3A_1556 : i32 to vector<16xi32>
        %add3A_1558 = arith.addi %sub3A_1529, %add3A_1557 : vector<16xi32>
        %convert_element_type3A_1559 = arith.sitofp %add3A_1558 : vector<16xi32> to vector<16xf32>
        %sub3A_1560 = arith.subf %convert_element_type3A_1559, %add3A_1508 : vector<16xf32>
        %broadcast_in_dim3A = arith.constant 0.000000e+00 : f32
        %broadcast_in_dim3A_1561 = vector.broadcast %broadcast_in_dim3A : f32 to vector<16xf32>
        %ge3A_1562 = arith.constant 0 : i32
        %ge3A_1563 = vector.broadcast %ge3A_1562 : i32 to vector<16xi32>
        %ge3A_1564 = arith.cmpi sge, %sub3A_1515, %ge3A_1563 : vector<16xi32>
        %sub3A_1565 = arith.constant 1.000000e+00 : f32
        %sub3A_1566 = vector.broadcast %sub3A_1565 : f32 to vector<16xf32>
        %sub3A_1567 = arith.subf %sub3A_1566, %sub3A_1550 : vector<16xf32>
        %select_n3A_1568 = arith.select %ge3A_1564, %sub3A_1567, %broadcast_in_dim3A_1561 : vector<16xi1>, vector<16xf32>
        %ge3A_1569 = arith.constant 0 : i32
        %ge3A_1570 = vector.broadcast %ge3A_1569 : i32 to vector<16xi32>
        %ge3A_1571 = arith.cmpi sge, %sub3A_1522, %ge3A_1570 : vector<16xi32>
        %sub3A_1572 = arith.constant 1.000000e+00 : f32
        %sub3A_1573 = vector.broadcast %sub3A_1572 : f32 to vector<16xf32>
        %sub3A_1574 = arith.subf %sub3A_1573, %sub3A_1555 : vector<16xf32>
        %select_n3A_1575 = arith.select %ge3A_1571, %sub3A_1574, %broadcast_in_dim3A_1561 : vector<16xi1>, vector<16xf32>
        %ge3A_1576 = arith.constant 0 : i32
        %ge3A_1577 = vector.broadcast %ge3A_1576 : i32 to vector<16xi32>
        %ge3A_1578 = arith.cmpi sge, %sub3A_1529, %ge3A_1577 : vector<16xi32>
        %sub3A_1579 = arith.constant 1.000000e+00 : f32
        %sub3A_1580 = vector.broadcast %sub3A_1579 : f32 to vector<16xf32>
        %sub3A_1581 = arith.subf %sub3A_1580, %sub3A_1560 : vector<16xf32>
        %select_n3A_1582 = arith.select %ge3A_1578, %sub3A_1581, %broadcast_in_dim3A_1561 : vector<16xi1>, vector<16xf32>
        %mul3A_1583 = arith.constant 98 : i32
        %mul3A_1584 = arith.muli %convert_element_type3A_777, %mul3A_1583 : i32
        %add3A_1585 = vector.broadcast %mul3A_1584 : i32 to vector<16xi32>
        %add3A_1586 = arith.addi %add3A_1585, %min3A_1539 : vector<16xi32>
        %mul3A_1587 = arith.constant 98 : i32
        %mul3A_1588 = vector.broadcast %mul3A_1587 : i32 to vector<16xi32>
        %mul3A_1589 = arith.muli %add3A_1586, %mul3A_1588 : vector<16xi32>
        %add3A_1590 = arith.addi %mul3A_1589, %min3A_1533 : vector<16xi32>
        %mul3A_1591 = arith.constant 98 : i32
        %mul3A_1592 = vector.broadcast %mul3A_1591 : i32 to vector<16xi32>
        %mul3A_1593 = arith.muli %add3A_1590, %mul3A_1592 : vector<16xi32>
        %add3A_1594 = arith.addi %mul3A_1593, %min3A_1545 : vector<16xi32>
        %jit3A_1595 = arith.constant 8 : i32
        %div3A_1596 = arith.divsi %scan3A_1436, %jit3A_1595 : i32
        %sign3A_1597 = arith.constant 0 : i32
        %sign3A_1598 = arith.cmpi sgt, %scan3A_1436, %sign3A_1597 : i32
        %sign3A_1599 = arith.extui %sign3A_1598 : i1 to i32
        %sign3A_1600 = arith.constant 0 : i32
        %sign3A_1601 = arith.cmpi slt, %scan3A_1436, %sign3A_1600 : i32
        %sign3A_1602 = arith.extui %sign3A_1601 : i1 to i32
        %sign3A_1603 = arith.subi %sign3A_1599, %sign3A_1602 : i32
        %sign3A_1604 = arith.constant 0 : i32
        %sign3A_1605 = arith.cmpi sgt, %jit3A_1595, %sign3A_1604 : i32
        %sign3A_1606 = arith.extui %sign3A_1605 : i1 to i32
        %sign3A_1607 = arith.constant 0 : i32
        %sign3A_1608 = arith.cmpi slt, %jit3A_1595, %sign3A_1607 : i32
        %sign3A_1609 = arith.extui %sign3A_1608 : i1 to i32
        %sign3A_1610 = arith.subi %sign3A_1606, %sign3A_1609 : i32
        %ne3A_1611 = arith.cmpi ne, %sign3A_1603, %sign3A_1610 : i32
        %rem3A_1612 = arith.remsi %scan3A_1436, %jit3A_1595 : i32
        %ne3A_1613 = arith.constant 0 : i32
        %ne3A_1614 = arith.cmpi ne, %rem3A_1612, %ne3A_1613 : i32
        %and3A_1615 = arith.andi %ne3A_1611, %ne3A_1614 : i1
        %sub3A_1616 = arith.constant 1 : i32
        %sub3A_1617 = arith.subi %div3A_1596, %sub3A_1616 : i32
        %select_n3A_1618 = arith.select %and3A_1615, %sub3A_1617, %div3A_1596 : i32
        %jit3A_1619 = arith.constant 8 : i32
        %eq3A_1620 = arith.constant 0 : i32
        %eq3A_1621 = arith.cmpi eq, %jit3A_1619, %eq3A_1620 : i32
        %jit3A_1622 = arith.constant 1 : i32
        %select_n3A_1623 = arith.select %eq3A_1621, %jit3A_1622, %jit3A_1619 : i32
        %rem3A_1624 = arith.remsi %scan3A_1436, %select_n3A_1623 : i32
        %ne3A_1625 = arith.constant 0 : i32
        %ne3A_1626 = arith.cmpi ne, %rem3A_1624, %ne3A_1625 : i32
        %lt3A_1627 = arith.constant 0 : i32
        %lt3A_1628 = arith.cmpi slt, %rem3A_1624, %lt3A_1627 : i32
        %lt3A_1629 = arith.constant 0 : i32
        %lt3A_1630 = arith.cmpi slt, %select_n3A_1623, %lt3A_1629 : i32
        %ne3A_1631 = arith.xori %lt3A_1628, %lt3A_1630 : i1
        %and3A_1632 = arith.andi %ne3A_1631, %ne3A_1626 : i1
        %add3A_1633 = arith.addi %rem3A_1624, %select_n3A_1623 : i32
        %select_n3A_1634 = arith.select %and3A_1632, %add3A_1633, %rem3A_1624 : i32
        %mul3A_1635 = arith.constant 16 : i32
        %mul3A_1636 = arith.muli %select_n3A_1634, %mul3A_1635 : i32
        %swap3A = arith.index_cast %select_n3A_1618 : i32 to index
        %swap3A_1637 = arith.index_cast %mul3A_1636 : i32 to index
        %swap3A_1638 = tpu.vector_load %arg8[%swap3A, %swap3A_1637] {strides = array<i32>} : memref<18x128xi32, #tpu.memory_space<vmem>>, vector<16xi32>,
        tpu.vector_store %arg8[%swap3A, %swap3A_1637], %add3A_1594 {strides = array<i32>} : memref<18x128xi32, #tpu.memory_space<vmem>>, vector<16xi32>,
        %swap3A_1639 = arith.constant 0 : i32
        %swap3A_1640 = arith.index_cast %swap3A_1639 : i32 to index
        %swap3A_1641 = arith.index_cast %mul3A_1438 : i32 to index
        %swap3A_1642 = tpu.vector_load %arg12[%swap3A_1640, %swap3A_1641] {strides = array<i32>} : memref<6x2304xf32, #tpu.memory_space<vmem>>, vector<16xf32>,
        tpu.vector_store %arg12[%swap3A_1640, %swap3A_1641], %sub3A_1555 {strides = array<i32>} : memref<6x2304xf32, #tpu.memory_space<vmem>>, vector<16xf32>,
        %swap3A_1643 = arith.constant 1 : i32
        %swap3A_1644 = arith.index_cast %swap3A_1643 : i32 to index
        %swap3A_1645 = arith.index_cast %mul3A_1438 : i32 to index
        %swap3A_1646 = tpu.vector_load %arg12[%swap3A_1644, %swap3A_1645] {strides = array<i32>} : memref<6x2304xf32, #tpu.memory_space<vmem>>, vector<16xf32>,
        tpu.vector_store %arg12[%swap3A_1644, %swap3A_1645], %select_n3A_1575 {strides = array<i32>} : memref<6x2304xf32, #tpu.memory_space<vmem>>, vector<16xf32>,
        %swap3A_1647 = arith.constant 2 : i32
        %swap3A_1648 = arith.index_cast %swap3A_1647 : i32 to index
        %swap3A_1649 = arith.index_cast %mul3A_1438 : i32 to index
        %swap3A_1650 = tpu.vector_load %arg12[%swap3A_1648, %swap3A_1649] {strides = array<i32>} : memref<6x2304xf32, #tpu.memory_space<vmem>>, vector<16xf32>,
        tpu.vector_store %arg12[%swap3A_1648, %swap3A_1649], %sub3A_1550 {strides = array<i32>} : memref<6x2304xf32, #tpu.memory_space<vmem>>, vector<16xf32>,
        %swap3A_1651 = arith.constant 3 : i32
        %swap3A_1652 = arith.index_cast %swap3A_1651 : i32 to index
        %swap3A_1653 = arith.index_cast %mul3A_1438 : i32 to index
        %swap3A_1654 = tpu.vector_load %arg12[%swap3A_1652, %swap3A_1653] {strides = array<i32>} : memref<6x2304xf32, #tpu.memory_space<vmem>>, vector<16xf32>,
        tpu.vector_store %arg12[%swap3A_1652, %swap3A_1653], %select_n3A_1568 {strides = array<i32>} : memref<6x2304xf32, #tpu.memory_space<vmem>>, vector<16xf32>,
        %swap3A_1655 = arith.constant 4 : i32
        %swap3A_1656 = arith.index_cast %swap3A_1655 : i32 to index
        %swap3A_1657 = arith.index_cast %mul3A_1438 : i32 to index
        %swap3A_1658 = tpu.vector_load %arg12[%swap3A_1656, %swap3A_1657] {strides = array<i32>} : memref<6x2304xf32, #tpu.memory_space<vmem>>, vector<16xf32>,
        tpu.vector_store %arg12[%swap3A_1656, %swap3A_1657], %sub3A_1560 {strides = array<i32>} : memref<6x2304xf32, #tpu.memory_space<vmem>>, vector<16xf32>,
        %swap3A_1659 = arith.constant 5 : i32
        %swap3A_1660 = arith.index_cast %swap3A_1659 : i32 to index
        %swap3A_1661 = arith.index_cast %mul3A_1438 : i32 to index
        %swap3A_1662 = tpu.vector_load %arg12[%swap3A_1660, %swap3A_1661] {strides = array<i32>} : memref<6x2304xf32, #tpu.memory_space<vmem>>, vector<16xf32>,
        tpu.vector_store %arg12[%swap3A_1660, %swap3A_1661], %select_n3A_1582 {strides = array<i32>} : memref<6x2304xf32, #tpu.memory_space<vmem>>, vector<16xf32>,
      }
      %scan3A_810 = arith.constant 144 : i32
      %dma_wait3A_811 = arith.constant 0 : i32
      %dma_wait3A_812 = arith.constant 0 : i32
      %dma_wait3A_813 = tpu.memref_slice %arg2[%dma_wait3A_811, %dma_wait3A_812] : memref<1882384x8xf32, #tpu.memory_space<hbm>> -> memref<2304x8xf32, #tpu.memory_space<hbm>>
      %dma_wait3A_814 = arith.constant 0 : i32
      %dma_wait3A_815 = arith.constant 0 : i32
      %dma_wait3A_816 = tpu.memref_slice %arg2[%dma_wait3A_814, %dma_wait3A_815] : memref<1882384x8xf32, #tpu.memory_space<hbm>> -> memref<2304x8xf32, #tpu.memory_space<hbm>>
      tpu.wait_dma2 semaphore(%arg14 : memref<!tpu.dma_semaphore, #tpu.memory_space<semaphore_mem>>) src(%dma_wait3A_816 : memref<2304x8xf32, #tpu.memory_space<hbm>>) dst(%arg9 : memref<2304x8xf32, #tpu.memory_space<vmem>>)
      %dma_start3A_817 = arith.constant 0 : i32
      %dma_start3A_818 = arith.constant 0 : i32
      %dma_start3A_819 = arith.constant 0 : i32
      %dma_start3A_820 = tpu.memref_slice %arg10[%dma_start3A_818, %dma_start3A_819] : memref<2304x8xf32, #tpu.memory_space<vmem>> -> memref<128x8xf32, #tpu.memory_space<vmem>>
      %dma_start3A_821 = arith.constant 0 : i32
      %dma_start3A_822 = tpu.memref_slice %arg8[%dma_start3A_817, %dma_start3A_821] : memref<18x128xi32, #tpu.memory_space<vmem>> -> memref<1x128xi32, #tpu.memory_space<vmem>>
      %dma_start3A_823 = tpu.memref_squeeze %dma_start3A_822 : memref<1x128xi32, #tpu.memory_space<vmem>> -> memref<128xi32, #tpu.memory_space<vmem>>
      %dma_start3A_824 = arith.constant 0 : i32
      %dma_start3A_825 = arith.constant 0 : i32
      %dma_start3A_826 = tpu.memref_slice %arg2[%dma_start3A_824, %dma_start3A_825] : memref<1882384x8xf32, #tpu.memory_space<hbm>> -> memref<1882384x8xf32, #tpu.memory_space<hbm>>
      tpu.enqueue_indirect_dma source(%dma_start3A_826 : memref<1882384x8xf32, #tpu.memory_space<hbm>>) target(%dma_start3A_820 : memref<128x8xf32, #tpu.memory_space<vmem>>) offsets(%dma_start3A_823 : memref<128xi32, #tpu.memory_space<vmem>>) semaphore(%arg15 : memref<!tpu.dma_semaphore, #tpu.memory_space<semaphore_mem>>)
      %dma_start3A_827 = arith.constant 1 : i32
      %dma_start3A_828 = arith.constant 128 : i32
      %dma_start3A_829 = arith.constant 0 : i32
      %dma_start3A_830 = tpu.memref_slice %arg10[%dma_start3A_828, %dma_start3A_829] : memref<2304x8xf32, #tpu.memory_space<vmem>> -> memref<128x8xf32, #tpu.memory_space<vmem>>
      %dma_start3A_831 = arith.constant 0 : i32
      %dma_start3A_832 = tpu.memref_slice %arg8[%dma_start3A_827, %dma_start3A_831] : memref<18x128xi32, #tpu.memory_space<vmem>> -> memref<1x128xi32, #tpu.memory_space<vmem>>
      %dma_start3A_833 = tpu.memref_squeeze %dma_start3A_832 : memref<1x128xi32, #tpu.memory_space<vmem>> -> memref<128xi32, #tpu.memory_space<vmem>>
      %dma_start3A_834 = arith.constant 0 : i32
      %dma_start3A_835 = arith.constant 0 : i32
      %dma_start3A_836 = tpu.memref_slice %arg2[%dma_start3A_834, %dma_start3A_835] : memref<1882384x8xf32, #tpu.memory_space<hbm>> -> memref<1882384x8xf32, #tpu.memory_space<hbm>>
      tpu.enqueue_indirect_dma source(%dma_start3A_836 : memref<1882384x8xf32, #tpu.memory_space<hbm>>) target(%dma_start3A_830 : memref<128x8xf32, #tpu.memory_space<vmem>>) offsets(%dma_start3A_833 : memref<128xi32, #tpu.memory_space<vmem>>) semaphore(%arg15 : memref<!tpu.dma_semaphore, #tpu.memory_space<semaphore_mem>>)
      %dma_start3A_837 = arith.constant 2 : i32
      %dma_start3A_838 = arith.constant 256 : i32
      %dma_start3A_839 = arith.constant 0 : i32
      %dma_start3A_840 = tpu.memref_slice %arg10[%dma_start3A_838, %dma_start3A_839] : memref<2304x8xf32, #tpu.memory_space<vmem>> -> memref<128x8xf32, #tpu.memory_space<vmem>>
      %dma_start3A_841 = arith.constant 0 : i32
      %dma_start3A_842 = tpu.memref_slice %arg8[%dma_start3A_837, %dma_start3A_841] : memref<18x128xi32, #tpu.memory_space<vmem>> -> memref<1x128xi32, #tpu.memory_space<vmem>>
      %dma_start3A_843 = tpu.memref_squeeze %dma_start3A_842 : memref<1x128xi32, #tpu.memory_space<vmem>> -> memref<128xi32, #tpu.memory_space<vmem>>
      %dma_start3A_844 = arith.constant 0 : i32
      %dma_start3A_845 = arith.constant 0 : i32
      %dma_start3A_846 = tpu.memref_slice %arg2[%dma_start3A_844, %dma_start3A_845] : memref<1882384x8xf32, #tpu.memory_space<hbm>> -> memref<1882384x8xf32, #tpu.memory_space<hbm>>
      tpu.enqueue_indirect_dma source(%dma_start3A_846 : memref<1882384x8xf32, #tpu.memory_space<hbm>>) target(%dma_start3A_840 : memref<128x8xf32, #tpu.memory_space<vmem>>) offsets(%dma_start3A_843 : memref<128xi32, #tpu.memory_space<vmem>>) semaphore(%arg15 : memref<!tpu.dma_semaphore, #tpu.memory_space<semaphore_mem>>)
      %dma_start3A_847 = arith.constant 3 : i32
      %dma_start3A_848 = arith.constant 384 : i32
      %dma_start3A_849 = arith.constant 0 : i32
      %dma_start3A_850 = tpu.memref_slice %arg10[%dma_start3A_848, %dma_start3A_849] : memref<2304x8xf32, #tpu.memory_space<vmem>> -> memref<128x8xf32, #tpu.memory_space<vmem>>
      %dma_start3A_851 = arith.constant 0 : i32
      %dma_start3A_852 = tpu.memref_slice %arg8[%dma_start3A_847, %dma_start3A_851] : memref<18x128xi32, #tpu.memory_space<vmem>> -> memref<1x128xi32, #tpu.memory_space<vmem>>
      %dma_start3A_853 = tpu.memref_squeeze %dma_start3A_852 : memref<1x128xi32, #tpu.memory_space<vmem>> -> memref<128xi32, #tpu.memory_space<vmem>>
      %dma_start3A_854 = arith.constant 0 : i32
      %dma_start3A_855 = arith.constant 0 : i32
      %dma_start3A_856 = tpu.memref_slice %arg2[%dma_start3A_854, %dma_start3A_855] : memref<1882384x8xf32, #tpu.memory_space<hbm>> -> memref<1882384x8xf32, #tpu.memory_space<hbm>>
      tpu.enqueue_indirect_dma source(%dma_start3A_856 : memref<1882384x8xf32, #tpu.memory_space<hbm>>) target(%dma_start3A_850 : memref<128x8xf32, #tpu.memory_space<vmem>>) offsets(%dma_start3A_853 : memref<128xi32, #tpu.memory_space<vmem>>) semaphore(%arg15 : memref<!tpu.dma_semaphore, #tpu.memory_space<semaphore_mem>>)
      %dma_start3A_857 = arith.constant 4 : i32
      %dma_start3A_858 = arith.constant 512 : i32
      %dma_start3A_859 = arith.constant 0 : i32
      %dma_start3A_860 = tpu.memref_slice %arg10[%dma_start3A_858, %dma_start3A_859] : memref<2304x8xf32, #tpu.memory_space<vmem>> -> memref<128x8xf32, #tpu.memory_space<vmem>>
      %dma_start3A_861 = arith.constant 0 : i32
      %dma_start3A_862 = tpu.memref_slice %arg8[%dma_start3A_857, %dma_start3A_861] : memref<18x128xi32, #tpu.memory_space<vmem>> -> memref<1x128xi32, #tpu.memory_space<vmem>>
      %dma_start3A_863 = tpu.memref_squeeze %dma_start3A_862 : memref<1x128xi32, #tpu.memory_space<vmem>> -> memref<128xi32, #tpu.memory_space<vmem>>
      %dma_start3A_864 = arith.constant 0 : i32
      %dma_start3A_865 = arith.constant 0 : i32
      %dma_start3A_866 = tpu.memref_slice %arg2[%dma_start3A_864, %dma_start3A_865] : memref<1882384x8xf32, #tpu.memory_space<hbm>> -> memref<1882384x8xf32, #tpu.memory_space<hbm>>
      tpu.enqueue_indirect_dma source(%dma_start3A_866 : memref<1882384x8xf32, #tpu.memory_space<hbm>>) target(%dma_start3A_860 : memref<128x8xf32, #tpu.memory_space<vmem>>) offsets(%dma_start3A_863 : memref<128xi32, #tpu.memory_space<vmem>>) semaphore(%arg15 : memref<!tpu.dma_semaphore, #tpu.memory_space<semaphore_mem>>)
      %dma_start3A_867 = arith.constant 5 : i32
      %dma_start3A_868 = arith.constant 640 : i32
      %dma_start3A_869 = arith.constant 0 : i32
      %dma_start3A_870 = tpu.memref_slice %arg10[%dma_start3A_868, %dma_start3A_869] : memref<2304x8xf32, #tpu.memory_space<vmem>> -> memref<128x8xf32, #tpu.memory_space<vmem>>
      %dma_start3A_871 = arith.constant 0 : i32
      %dma_start3A_872 = tpu.memref_slice %arg8[%dma_start3A_867, %dma_start3A_871] : memref<18x128xi32, #tpu.memory_space<vmem>> -> memref<1x128xi32, #tpu.memory_space<vmem>>
      %dma_start3A_873 = tpu.memref_squeeze %dma_start3A_872 : memref<1x128xi32, #tpu.memory_space<vmem>> -> memref<128xi32, #tpu.memory_space<vmem>>
      %dma_start3A_874 = arith.constant 0 : i32
      %dma_start3A_875 = arith.constant 0 : i32
      %dma_start3A_876 = tpu.memref_slice %arg2[%dma_start3A_874, %dma_start3A_875] : memref<1882384x8xf32, #tpu.memory_space<hbm>> -> memref<1882384x8xf32, #tpu.memory_space<hbm>>
      tpu.enqueue_indirect_dma source(%dma_start3A_876 : memref<1882384x8xf32, #tpu.memory_space<hbm>>) target(%dma_start3A_870 : memref<128x8xf32, #tpu.memory_space<vmem>>) offsets(%dma_start3A_873 : memref<128xi32, #tpu.memory_space<vmem>>) semaphore(%arg15 : memref<!tpu.dma_semaphore, #tpu.memory_space<semaphore_mem>>)
      %dma_start3A_877 = arith.constant 6 : i32
      %dma_start3A_878 = arith.constant 768 : i32
      %dma_start3A_879 = arith.constant 0 : i32
      %dma_start3A_880 = tpu.memref_slice %arg10[%dma_start3A_878, %dma_start3A_879] : memref<2304x8xf32, #tpu.memory_space<vmem>> -> memref<128x8xf32, #tpu.memory_space<vmem>>
      %dma_start3A_881 = arith.constant 0 : i32
      %dma_start3A_882 = tpu.memref_slice %arg8[%dma_start3A_877, %dma_start3A_881] : memref<18x128xi32, #tpu.memory_space<vmem>> -> memref<1x128xi32, #tpu.memory_space<vmem>>
      %dma_start3A_883 = tpu.memref_squeeze %dma_start3A_882 : memref<1x128xi32, #tpu.memory_space<vmem>> -> memref<128xi32, #tpu.memory_space<vmem>>
      %dma_start3A_884 = arith.constant 0 : i32
      %dma_start3A_885 = arith.constant 0 : i32
      %dma_start3A_886 = tpu.memref_slice %arg2[%dma_start3A_884, %dma_start3A_885] : memref<1882384x8xf32, #tpu.memory_space<hbm>> -> memref<1882384x8xf32, #tpu.memory_space<hbm>>
      tpu.enqueue_indirect_dma source(%dma_start3A_886 : memref<1882384x8xf32, #tpu.memory_space<hbm>>) target(%dma_start3A_880 : memref<128x8xf32, #tpu.memory_space<vmem>>) offsets(%dma_start3A_883 : memref<128xi32, #tpu.memory_space<vmem>>) semaphore(%arg15 : memref<!tpu.dma_semaphore, #tpu.memory_space<semaphore_mem>>)
      %dma_start3A_887 = arith.constant 7 : i32
      %dma_start3A_888 = arith.constant 896 : i32
      %dma_start3A_889 = arith.constant 0 : i32
      %dma_start3A_890 = tpu.memref_slice %arg10[%dma_start3A_888, %dma_start3A_889] : memref<2304x8xf32, #tpu.memory_space<vmem>> -> memref<128x8xf32, #tpu.memory_space<vmem>>
      %dma_start3A_891 = arith.constant 0 : i32
      %dma_start3A_892 = tpu.memref_slice %arg8[%dma_start3A_887, %dma_start3A_891] : memref<18x128xi32, #tpu.memory_space<vmem>> -> memref<1x128xi32, #tpu.memory_space<vmem>>
      %dma_start3A_893 = tpu.memref_squeeze %dma_start3A_892 : memref<1x128xi32, #tpu.memory_space<vmem>> -> memref<128xi32, #tpu.memory_space<vmem>>
      %dma_start3A_894 = arith.constant 0 : i32
      %dma_start3A_895 = arith.constant 0 : i32
      %dma_start3A_896 = tpu.memref_slice %arg2[%dma_start3A_894, %dma_start3A_895] : memref<1882384x8xf32, #tpu.memory_space<hbm>> -> memref<1882384x8xf32, #tpu.memory_space<hbm>>
      tpu.enqueue_indirect_dma source(%dma_start3A_896 : memref<1882384x8xf32, #tpu.memory_space<hbm>>) target(%dma_start3A_890 : memref<128x8xf32, #tpu.memory_space<vmem>>) offsets(%dma_start3A_893 : memref<128xi32, #tpu.memory_space<vmem>>) semaphore(%arg15 : memref<!tpu.dma_semaphore, #tpu.memory_space<semaphore_mem>>)
      %dma_start3A_897 = arith.constant 8 : i32
      %dma_start3A_898 = arith.constant 1024 : i32
      %dma_start3A_899 = arith.constant 0 : i32
      %dma_start3A_900 = tpu.memref_slice %arg10[%dma_start3A_898, %dma_start3A_899] : memref<2304x8xf32, #tpu.memory_space<vmem>> -> memref<128x8xf32, #tpu.memory_space<vmem>>
      %dma_start3A_901 = arith.constant 0 : i32
      %dma_start3A_902 = tpu.memref_slice %arg8[%dma_start3A_897, %dma_start3A_901] : memref<18x128xi32, #tpu.memory_space<vmem>> -> memref<1x128xi32, #tpu.memory_space<vmem>>
      %dma_start3A_903 = tpu.memref_squeeze %dma_start3A_902 : memref<1x128xi32, #tpu.memory_space<vmem>> -> memref<128xi32, #tpu.memory_space<vmem>>
      %dma_start3A_904 = arith.constant 0 : i32
      %dma_start3A_905 = arith.constant 0 : i32
      %dma_start3A_906 = tpu.memref_slice %arg2[%dma_start3A_904, %dma_start3A_905] : memref<1882384x8xf32, #tpu.memory_space<hbm>> -> memref<1882384x8xf32, #tpu.memory_space<hbm>>
      tpu.enqueue_indirect_dma source(%dma_start3A_906 : memref<1882384x8xf32, #tpu.memory_space<hbm>>) target(%dma_start3A_900 : memref<128x8xf32, #tpu.memory_space<vmem>>) offsets(%dma_start3A_903 : memref<128xi32, #tpu.memory_space<vmem>>) semaphore(%arg15 : memref<!tpu.dma_semaphore, #tpu.memory_space<semaphore_mem>>)
      %dma_start3A_907 = arith.constant 9 : i32
      %dma_start3A_908 = arith.constant 1152 : i32
      %dma_start3A_909 = arith.constant 0 : i32
      %dma_start3A_910 = tpu.memref_slice %arg10[%dma_start3A_908, %dma_start3A_909] : memref<2304x8xf32, #tpu.memory_space<vmem>> -> memref<128x8xf32, #tpu.memory_space<vmem>>
      %dma_start3A_911 = arith.constant 0 : i32
      %dma_start3A_912 = tpu.memref_slice %arg8[%dma_start3A_907, %dma_start3A_911] : memref<18x128xi32, #tpu.memory_space<vmem>> -> memref<1x128xi32, #tpu.memory_space<vmem>>
      %dma_start3A_913 = tpu.memref_squeeze %dma_start3A_912 : memref<1x128xi32, #tpu.memory_space<vmem>> -> memref<128xi32, #tpu.memory_space<vmem>>
      %dma_start3A_914 = arith.constant 0 : i32
      %dma_start3A_915 = arith.constant 0 : i32
      %dma_start3A_916 = tpu.memref_slice %arg2[%dma_start3A_914, %dma_start3A_915] : memref<1882384x8xf32, #tpu.memory_space<hbm>> -> memref<1882384x8xf32, #tpu.memory_space<hbm>>
      tpu.enqueue_indirect_dma source(%dma_start3A_916 : memref<1882384x8xf32, #tpu.memory_space<hbm>>) target(%dma_start3A_910 : memref<128x8xf32, #tpu.memory_space<vmem>>) offsets(%dma_start3A_913 : memref<128xi32, #tpu.memory_space<vmem>>) semaphore(%arg15 : memref<!tpu.dma_semaphore, #tpu.memory_space<semaphore_mem>>)
      %dma_start3A_917 = arith.constant 10 : i32
      %dma_start3A_918 = arith.constant 1280 : i32
      %dma_start3A_919 = arith.constant 0 : i32
      %dma_start3A_920 = tpu.memref_slice %arg10[%dma_start3A_918, %dma_start3A_919] : memref<2304x8xf32, #tpu.memory_space<vmem>> -> memref<128x8xf32, #tpu.memory_space<vmem>>
      %dma_start3A_921 = arith.constant 0 : i32
      %dma_start3A_922 = tpu.memref_slice %arg8[%dma_start3A_917, %dma_start3A_921] : memref<18x128xi32, #tpu.memory_space<vmem>> -> memref<1x128xi32, #tpu.memory_space<vmem>>
      %dma_start3A_923 = tpu.memref_squeeze %dma_start3A_922 : memref<1x128xi32, #tpu.memory_space<vmem>> -> memref<128xi32, #tpu.memory_space<vmem>>
      %dma_start3A_924 = arith.constant 0 : i32
      %dma_start3A_925 = arith.constant 0 : i32
      %dma_start3A_926 = tpu.memref_slice %arg2[%dma_start3A_924, %dma_start3A_925] : memref<1882384x8xf32, #tpu.memory_space<hbm>> -> memref<1882384x8xf32, #tpu.memory_space<hbm>>
      tpu.enqueue_indirect_dma source(%dma_start3A_926 : memref<1882384x8xf32, #tpu.memory_space<hbm>>) target(%dma_start3A_920 : memref<128x8xf32, #tpu.memory_space<vmem>>) offsets(%dma_start3A_923 : memref<128xi32, #tpu.memory_space<vmem>>) semaphore(%arg15 : memref<!tpu.dma_semaphore, #tpu.memory_space<semaphore_mem>>)
      %dma_start3A_927 = arith.constant 11 : i32
      %dma_start3A_928 = arith.constant 1408 : i32
      %dma_start3A_929 = arith.constant 0 : i32
      %dma_start3A_930 = tpu.memref_slice %arg10[%dma_start3A_928, %dma_start3A_929] : memref<2304x8xf32, #tpu.memory_space<vmem>> -> memref<128x8xf32, #tpu.memory_space<vmem>>
      %dma_start3A_931 = arith.constant 0 : i32
      %dma_start3A_932 = tpu.memref_slice %arg8[%dma_start3A_927, %dma_start3A_931] : memref<18x128xi32, #tpu.memory_space<vmem>> -> memref<1x128xi32, #tpu.memory_space<vmem>>
      %dma_start3A_933 = tpu.memref_squeeze %dma_start3A_932 : memref<1x128xi32, #tpu.memory_space<vmem>> -> memref<128xi32, #tpu.memory_space<vmem>>
      %dma_start3A_934 = arith.constant 0 : i32
      %dma_start3A_935 = arith.constant 0 : i32
      %dma_start3A_936 = tpu.memref_slice %arg2[%dma_start3A_934, %dma_start3A_935] : memref<1882384x8xf32, #tpu.memory_space<hbm>> -> memref<1882384x8xf32, #tpu.memory_space<hbm>>
      tpu.enqueue_indirect_dma source(%dma_start3A_936 : memref<1882384x8xf32, #tpu.memory_space<hbm>>) target(%dma_start3A_930 : memref<128x8xf32, #tpu.memory_space<vmem>>) offsets(%dma_start3A_933 : memref<128xi32, #tpu.memory_space<vmem>>) semaphore(%arg15 : memref<!tpu.dma_semaphore, #tpu.memory_space<semaphore_mem>>)
      %dma_start3A_937 = arith.constant 12 : i32
      %dma_start3A_938 = arith.constant 1536 : i32
      %dma_start3A_939 = arith.constant 0 : i32
      %dma_start3A_940 = tpu.memref_slice %arg10[%dma_start3A_938, %dma_start3A_939] : memref<2304x8xf32, #tpu.memory_space<vmem>> -> memref<128x8xf32, #tpu.memory_space<vmem>>
      %dma_start3A_941 = arith.constant 0 : i32
      %dma_start3A_942 = tpu.memref_slice %arg8[%dma_start3A_937, %dma_start3A_941] : memref<18x128xi32, #tpu.memory_space<vmem>> -> memref<1x128xi32, #tpu.memory_space<vmem>>
      %dma_start3A_943 = tpu.memref_squeeze %dma_start3A_942 : memref<1x128xi32, #tpu.memory_space<vmem>> -> memref<128xi32, #tpu.memory_space<vmem>>
      %dma_start3A_944 = arith.constant 0 : i32
      %dma_start3A_945 = arith.constant 0 : i32
      %dma_start3A_946 = tpu.memref_slice %arg2[%dma_start3A_944, %dma_start3A_945] : memref<1882384x8xf32, #tpu.memory_space<hbm>> -> memref<1882384x8xf32, #tpu.memory_space<hbm>>
      tpu.enqueue_indirect_dma source(%dma_start3A_946 : memref<1882384x8xf32, #tpu.memory_space<hbm>>) target(%dma_start3A_940 : memref<128x8xf32, #tpu.memory_space<vmem>>) offsets(%dma_start3A_943 : memref<128xi32, #tpu.memory_space<vmem>>) semaphore(%arg15 : memref<!tpu.dma_semaphore, #tpu.memory_space<semaphore_mem>>)
      %dma_start3A_947 = arith.constant 13 : i32
      %dma_start3A_948 = arith.constant 1664 : i32
      %dma_start3A_949 = arith.constant 0 : i32
      %dma_start3A_950 = tpu.memref_slice %arg10[%dma_start3A_948, %dma_start3A_949] : memref<2304x8xf32, #tpu.memory_space<vmem>> -> memref<128x8xf32, #tpu.memory_space<vmem>>
      %dma_start3A_951 = arith.constant 0 : i32
      %dma_start3A_952 = tpu.memref_slice %arg8[%dma_start3A_947, %dma_start3A_951] : memref<18x128xi32, #tpu.memory_space<vmem>> -> memref<1x128xi32, #tpu.memory_space<vmem>>
      %dma_start3A_953 = tpu.memref_squeeze %dma_start3A_952 : memref<1x128xi32, #tpu.memory_space<vmem>> -> memref<128xi32, #tpu.memory_space<vmem>>
      %dma_start3A_954 = arith.constant 0 : i32
      %dma_start3A_955 = arith.constant 0 : i32
      %dma_start3A_956 = tpu.memref_slice %arg2[%dma_start3A_954, %dma_start3A_955] : memref<1882384x8xf32, #tpu.memory_space<hbm>> -> memref<1882384x8xf32, #tpu.memory_space<hbm>>
      tpu.enqueue_indirect_dma source(%dma_start3A_956 : memref<1882384x8xf32, #tpu.memory_space<hbm>>) target(%dma_start3A_950 : memref<128x8xf32, #tpu.memory_space<vmem>>) offsets(%dma_start3A_953 : memref<128xi32, #tpu.memory_space<vmem>>) semaphore(%arg15 : memref<!tpu.dma_semaphore, #tpu.memory_space<semaphore_mem>>)
      %dma_start3A_957 = arith.constant 14 : i32
      %dma_start3A_958 = arith.constant 1792 : i32
      %dma_start3A_959 = arith.constant 0 : i32
      %dma_start3A_960 = tpu.memref_slice %arg10[%dma_start3A_958, %dma_start3A_959] : memref<2304x8xf32, #tpu.memory_space<vmem>> -> memref<128x8xf32, #tpu.memory_space<vmem>>
      %dma_start3A_961 = arith.constant 0 : i32
      %dma_start3A_962 = tpu.memref_slice %arg8[%dma_start3A_957, %dma_start3A_961] : memref<18x128xi32, #tpu.memory_space<vmem>> -> memref<1x128xi32, #tpu.memory_space<vmem>>
      %dma_start3A_963 = tpu.memref_squeeze %dma_start3A_962 : memref<1x128xi32, #tpu.memory_space<vmem>> -> memref<128xi32, #tpu.memory_space<vmem>>
      %dma_start3A_964 = arith.constant 0 : i32
      %dma_start3A_965 = arith.constant 0 : i32
      %dma_start3A_966 = tpu.memref_slice %arg2[%dma_start3A_964, %dma_start3A_965] : memref<1882384x8xf32, #tpu.memory_space<hbm>> -> memref<1882384x8xf32, #tpu.memory_space<hbm>>
      tpu.enqueue_indirect_dma source(%dma_start3A_966 : memref<1882384x8xf32, #tpu.memory_space<hbm>>) target(%dma_start3A_960 : memref<128x8xf32, #tpu.memory_space<vmem>>) offsets(%dma_start3A_963 : memref<128xi32, #tpu.memory_space<vmem>>) semaphore(%arg15 : memref<!tpu.dma_semaphore, #tpu.memory_space<semaphore_mem>>)
      %dma_start3A_967 = arith.constant 15 : i32
      %dma_start3A_968 = arith.constant 1920 : i32
      %dma_start3A_969 = arith.constant 0 : i32
      %dma_start3A_970 = tpu.memref_slice %arg10[%dma_start3A_968, %dma_start3A_969] : memref<2304x8xf32, #tpu.memory_space<vmem>> -> memref<128x8xf32, #tpu.memory_space<vmem>>
      %dma_start3A_971 = arith.constant 0 : i32
      %dma_start3A_972 = tpu.memref_slice %arg8[%dma_start3A_967, %dma_start3A_971] : memref<18x128xi32, #tpu.memory_space<vmem>> -> memref<1x128xi32, #tpu.memory_space<vmem>>
      %dma_start3A_973 = tpu.memref_squeeze %dma_start3A_972 : memref<1x128xi32, #tpu.memory_space<vmem>> -> memref<128xi32, #tpu.memory_space<vmem>>
      %dma_start3A_974 = arith.constant 0 : i32
      %dma_start3A_975 = arith.constant 0 : i32
      %dma_start3A_976 = tpu.memref_slice %arg2[%dma_start3A_974, %dma_start3A_975] : memref<1882384x8xf32, #tpu.memory_space<hbm>> -> memref<1882384x8xf32, #tpu.memory_space<hbm>>
      tpu.enqueue_indirect_dma source(%dma_start3A_976 : memref<1882384x8xf32, #tpu.memory_space<hbm>>) target(%dma_start3A_970 : memref<128x8xf32, #tpu.memory_space<vmem>>) offsets(%dma_start3A_973 : memref<128xi32, #tpu.memory_space<vmem>>) semaphore(%arg15 : memref<!tpu.dma_semaphore, #tpu.memory_space<semaphore_mem>>)
      %dma_start3A_977 = arith.constant 16 : i32
      %dma_start3A_978 = arith.constant 2048 : i32
      %dma_start3A_979 = arith.constant 0 : i32
      %dma_start3A_980 = tpu.memref_slice %arg10[%dma_start3A_978, %dma_start3A_979] : memref<2304x8xf32, #tpu.memory_space<vmem>> -> memref<128x8xf32, #tpu.memory_space<vmem>>
      %dma_start3A_981 = arith.constant 0 : i32
      %dma_start3A_982 = tpu.memref_slice %arg8[%dma_start3A_977, %dma_start3A_981] : memref<18x128xi32, #tpu.memory_space<vmem>> -> memref<1x128xi32, #tpu.memory_space<vmem>>
      %dma_start3A_983 = tpu.memref_squeeze %dma_start3A_982 : memref<1x128xi32, #tpu.memory_space<vmem>> -> memref<128xi32, #tpu.memory_space<vmem>>
      %dma_start3A_984 = arith.constant 0 : i32
      %dma_start3A_985 = arith.constant 0 : i32
      %dma_start3A_986 = tpu.memref_slice %arg2[%dma_start3A_984, %dma_start3A_985] : memref<1882384x8xf32, #tpu.memory_space<hbm>> -> memref<1882384x8xf32, #tpu.memory_space<hbm>>
      tpu.enqueue_indirect_dma source(%dma_start3A_986 : memref<1882384x8xf32, #tpu.memory_space<hbm>>) target(%dma_start3A_980 : memref<128x8xf32, #tpu.memory_space<vmem>>) offsets(%dma_start3A_983 : memref<128xi32, #tpu.memory_space<vmem>>) semaphore(%arg15 : memref<!tpu.dma_semaphore, #tpu.memory_space<semaphore_mem>>)
      %dma_start3A_987 = arith.constant 17 : i32
      %dma_start3A_988 = arith.constant 2176 : i32
      %dma_start3A_989 = arith.constant 0 : i32
      %dma_start3A_990 = tpu.memref_slice %arg10[%dma_start3A_988, %dma_start3A_989] : memref<2304x8xf32, #tpu.memory_space<vmem>> -> memref<128x8xf32, #tpu.memory_space<vmem>>
      %dma_start3A_991 = arith.constant 0 : i32
      %dma_start3A_992 = tpu.memref_slice %arg8[%dma_start3A_987, %dma_start3A_991] : memref<18x128xi32, #tpu.memory_space<vmem>> -> memref<1x128xi32, #tpu.memory_space<vmem>>
      %dma_start3A_993 = tpu.memref_squeeze %dma_start3A_992 : memref<1x128xi32, #tpu.memory_space<vmem>> -> memref<128xi32, #tpu.memory_space<vmem>>
      %dma_start3A_994 = arith.constant 0 : i32
      %dma_start3A_995 = arith.constant 0 : i32
      %dma_start3A_996 = tpu.memref_slice %arg2[%dma_start3A_994, %dma_start3A_995] : memref<1882384x8xf32, #tpu.memory_space<hbm>> -> memref<1882384x8xf32, #tpu.memory_space<hbm>>
      tpu.enqueue_indirect_dma source(%dma_start3A_996 : memref<1882384x8xf32, #tpu.memory_space<hbm>>) target(%dma_start3A_990 : memref<128x8xf32, #tpu.memory_space<vmem>>) offsets(%dma_start3A_993 : memref<128xi32, #tpu.memory_space<vmem>>) semaphore(%arg15 : memref<!tpu.dma_semaphore, #tpu.memory_space<semaphore_mem>>)
      %add3A_997 = arith.constant 2 : i32
      %add3A_998 = arith.addi %mul3A_709, %add3A_997 : i32
      %mul3A_999 = arith.constant 2304 : i32
      %mul3A_1000 = arith.muli %add3A_998, %mul3A_999 : i32
      %add3A_1001 = arith.addi %mul3A_2, %mul3A_1000 : i32
      %jit3A_1002 = arith.constant 9216 : i32
      %div3A_1003 = arith.divsi %add3A_1001, %jit3A_1002 : i32
      %sign3A_1004 = arith.constant 0 : i32
      %sign3A_1005 = arith.cmpi sgt, %add3A_1001, %sign3A_1004 : i32
      %sign3A_1006 = arith.extui %sign3A_1005 : i1 to i32
      %sign3A_1007 = arith.constant 0 : i32
      %sign3A_1008 = arith.cmpi slt, %add3A_1001, %sign3A_1007 : i32
      %sign3A_1009 = arith.extui %sign3A_1008 : i1 to i32
      %sign3A_1010 = arith.subi %sign3A_1006, %sign3A_1009 : i32
      %sign3A_1011 = arith.constant 0 : i32
      %sign3A_1012 = arith.cmpi sgt, %jit3A_1002, %sign3A_1011 : i32
      %sign3A_1013 = arith.extui %sign3A_1012 : i1 to i32
      %sign3A_1014 = arith.constant 0 : i32
      %sign3A_1015 = arith.cmpi slt, %jit3A_1002, %sign3A_1014 : i32
      %sign3A_1016 = arith.extui %sign3A_1015 : i1 to i32
      %sign3A_1017 = arith.subi %sign3A_1013, %sign3A_1016 : i32
      %ne3A_1018 = arith.cmpi ne, %sign3A_1010, %sign3A_1017 : i32
      %rem3A_1019 = arith.remsi %add3A_1001, %jit3A_1002 : i32
      %ne3A_1020 = arith.constant 0 : i32
      %ne3A_1021 = arith.cmpi ne, %rem3A_1019, %ne3A_1020 : i32
      %and3A_1022 = arith.andi %ne3A_1018, %ne3A_1021 : i1
      %sub3A_1023 = arith.constant 1 : i32
      %sub3A_1024 = arith.subi %div3A_1003, %sub3A_1023 : i32
      %select_n3A_1025 = arith.select %and3A_1022, %sub3A_1024, %div3A_1003 : i32
      %mul3A_1026 = arith.constant 9216 : i32
      %mul3A_1027 = arith.muli %select_n3A_1025, %mul3A_1026 : i32
      %sub3A_1028 = arith.subi %add3A_1001, %mul3A_1027 : i32
      %mul3A_1029 = arith.constant 27648 : i32
      %mul3A_1030 = arith.muli %select_n3A_1025, %mul3A_1029 : i32
      %add3A_1031 = arith.addi %mul3A_1030, %sub3A_1028 : i32
      %add3A_1032 = arith.constant 0 : i32
      %add3A_1033 = arith.addi %add3A_1031, %add3A_1032 : i32
      %dma_start3A_1034 = arith.constant 0 : i32
      %dma_start3A_1035 = arith.constant 0 : i32
      %dma_start3A_1036 = tpu.memref_slice %arg5[%dma_start3A_1034, %dma_start3A_1035] : memref<3x2304xf32, #tpu.memory_space<vmem>> -> memref<1x2304xf32, #tpu.memory_space<vmem>>
      %dma_start3A_1037 = tpu.memref_squeeze %dma_start3A_1036 : memref<1x2304xf32, #tpu.memory_space<vmem>> -> memref<2304xf32, #tpu.memory_space<vmem>>
      %dma_start3A_1038 = tpu.memref_slice %arg3[%add3A_1033] : memref<5308416xf32, #tpu.memory_space<hbm>> -> memref<2304xf32, #tpu.memory_space<hbm>>
      %dma_start3A_1039 = arith.constant 0 : i32
      %dma_start3A_1040 = tpu.memref_slice %arg5[%dma_start3A_1034, %dma_start3A_1039] : memref<3x2304xf32, #tpu.memory_space<vmem>> -> memref<1x2304xf32, #tpu.memory_space<vmem>>
      %dma_start3A_1041 = tpu.memref_squeeze %dma_start3A_1040 : memref<1x2304xf32, #tpu.memory_space<vmem>> -> memref<2304xf32, #tpu.memory_space<vmem>>
      %dma_start3A_1042 = tpu.memref_slice %arg3[%add3A_1033] : memref<5308416xf32, #tpu.memory_space<hbm>> -> memref<2304xf32, #tpu.memory_space<hbm>>
      tpu.enqueue_dma source(%dma_start3A_1042 : memref<2304xf32, #tpu.memory_space<hbm>>) target(%dma_start3A_1041 : memref<2304xf32, #tpu.memory_space<vmem>>) target_semaphore(%arg16 : memref<!tpu.dma_semaphore, #tpu.memory_space<semaphore_mem>>)
      %add3A_1043 = arith.constant 9216 : i32
      %add3A_1044 = arith.addi %add3A_1031, %add3A_1043 : i32
      %dma_start3A_1045 = arith.constant 1 : i32
      %dma_start3A_1046 = arith.constant 0 : i32
      %dma_start3A_1047 = tpu.memref_slice %arg5[%dma_start3A_1045, %dma_start3A_1046] : memref<3x2304xf32, #tpu.memory_space<vmem>> -> memref<1x2304xf32, #tpu.memory_space<vmem>>
      %dma_start3A_1048 = tpu.memref_squeeze %dma_start3A_1047 : memref<1x2304xf32, #tpu.memory_space<vmem>> -> memref<2304xf32, #tpu.memory_space<vmem>>
      %dma_start3A_1049 = tpu.memref_slice %arg3[%add3A_1044] : memref<5308416xf32, #tpu.memory_space<hbm>> -> memref<2304xf32, #tpu.memory_space<hbm>>
      %dma_start3A_1050 = arith.constant 0 : i32
      %dma_start3A_1051 = tpu.memref_slice %arg5[%dma_start3A_1045, %dma_start3A_1050] : memref<3x2304xf32, #tpu.memory_space<vmem>> -> memref<1x2304xf32, #tpu.memory_space<vmem>>
      %dma_start3A_1052 = tpu.memref_squeeze %dma_start3A_1051 : memref<1x2304xf32, #tpu.memory_space<vmem>> -> memref<2304xf32, #tpu.memory_space<vmem>>
      %dma_start3A_1053 = tpu.memref_slice %arg3[%add3A_1044] : memref<5308416xf32, #tpu.memory_space<hbm>> -> memref<2304xf32, #tpu.memory_space<hbm>>
      tpu.enqueue_dma source(%dma_start3A_1053 : memref<2304xf32, #tpu.memory_space<hbm>>) target(%dma_start3A_1052 : memref<2304xf32, #tpu.memory_space<vmem>>) target_semaphore(%arg16 : memref<!tpu.dma_semaphore, #tpu.memory_space<semaphore_mem>>)
      %add3A_1054 = arith.constant 18432 : i32
      %add3A_1055 = arith.addi %add3A_1031, %add3A_1054 : i32
      %dma_start3A_1056 = arith.constant 2 : i32
      %dma_start3A_1057 = arith.constant 0 : i32
      %dma_start3A_1058 = tpu.memref_slice %arg5[%dma_start3A_1056, %dma_start3A_1057] : memref<3x2304xf32, #tpu.memory_space<vmem>> -> memref<1x2304xf32, #tpu.memory_space<vmem>>
      %dma_start3A_1059 = tpu.memref_squeeze %dma_start3A_1058 : memref<1x2304xf32, #tpu.memory_space<vmem>> -> memref<2304xf32, #tpu.memory_space<vmem>>
      %dma_start3A_1060 = tpu.memref_slice %arg3[%add3A_1055] : memref<5308416xf32, #tpu.memory_space<hbm>> -> memref<2304xf32, #tpu.memory_space<hbm>>
      %dma_start3A_1061 = arith.constant 0 : i32
      %dma_start3A_1062 = tpu.memref_slice %arg5[%dma_start3A_1056, %dma_start3A_1061] : memref<3x2304xf32, #tpu.memory_space<vmem>> -> memref<1x2304xf32, #tpu.memory_space<vmem>>
      %dma_start3A_1063 = tpu.memref_squeeze %dma_start3A_1062 : memref<1x2304xf32, #tpu.memory_space<vmem>> -> memref<2304xf32, #tpu.memory_space<vmem>>
      %dma_start3A_1064 = tpu.memref_slice %arg3[%add3A_1055] : memref<5308416xf32, #tpu.memory_space<hbm>> -> memref<2304xf32, #tpu.memory_space<hbm>>
      tpu.enqueue_dma source(%dma_start3A_1064 : memref<2304xf32, #tpu.memory_space<hbm>>) target(%dma_start3A_1063 : memref<2304xf32, #tpu.memory_space<vmem>>) target_semaphore(%arg16 : memref<!tpu.dma_semaphore, #tpu.memory_space<semaphore_mem>>)
      %scan3A_1065 = arith.constant 0 : i32
      %scan3A_1066 = arith.constant 144 : i32
      %scan3A_1067 = arith.addi %scan3A_1065, %scan3A_1066 : i32
      %scan3A_1068 = arith.constant 1 : i32
      scf.for %scan3A_1436 = %scan3A_1065 to %scan3A_1067 step %scan3A_1068  : i32 {
        %mul3A_1437 = arith.constant 16 : i32
        %mul3A_1438 = arith.muli %scan3A_1436, %mul3A_1437 : i32
        %add3A_1439 = vector.broadcast %mul3A_1438 : i32 to vector<16xi32>
        %add3A_1440 = arith.addi %add3A_1439, %iota3A : vector<16xi32>
        %get3A = arith.constant 0 : i32
        %get3A_1441 = arith.index_cast %get3A : i32 to index
        %get3A_1442 = arith.index_cast %mul3A_1438 : i32 to index
        %get3A_1443 = tpu.vector_load %arg11[%get3A_1441, %get3A_1442] {strides = array<i32>} : memref<6x2304xf32, #tpu.memory_space<vmem>>, vector<16xf32>,
        %get3A_1444 = arith.constant 1 : i32
        %get3A_1445 = arith.index_cast %get3A_1444 : i32 to index
        %get3A_1446 = arith.index_cast %mul3A_1438 : i32 to index
        %get3A_1447 = tpu.vector_load %arg11[%get3A_1445, %get3A_1446] {strides = array<i32>} : memref<6x2304xf32, #tpu.memory_space<vmem>>, vector<16xf32>,
        %get3A_1448 = arith.constant 2 : i32
        %get3A_1449 = arith.index_cast %get3A_1448 : i32 to index
        %get3A_1450 = arith.index_cast %mul3A_1438 : i32 to index
        %get3A_1451 = tpu.vector_load %arg11[%get3A_1449, %get3A_1450] {strides = array<i32>} : memref<6x2304xf32, #tpu.memory_space<vmem>>, vector<16xf32>,
        %get3A_1452 = arith.constant 3 : i32
        %get3A_1453 = arith.index_cast %get3A_1452 : i32 to index
        %get3A_1454 = arith.index_cast %mul3A_1438 : i32 to index
        %get3A_1455 = tpu.vector_load %arg11[%get3A_1453, %get3A_1454] {strides = array<i32>} : memref<6x2304xf32, #tpu.memory_space<vmem>>, vector<16xf32>,
        %get3A_1456 = arith.constant 4 : i32
        %get3A_1457 = arith.index_cast %get3A_1456 : i32 to index
        %get3A_1458 = arith.index_cast %mul3A_1438 : i32 to index
        %get3A_1459 = tpu.vector_load %arg11[%get3A_1457, %get3A_1458] {strides = array<i32>} : memref<6x2304xf32, #tpu.memory_space<vmem>>, vector<16xf32>,
        %get3A_1460 = arith.constant 5 : i32
        %get3A_1461 = arith.index_cast %get3A_1460 : i32 to index
        %get3A_1462 = arith.index_cast %mul3A_1438 : i32 to index
        %get3A_1463 = tpu.vector_load %arg11[%get3A_1461, %get3A_1462] {strides = array<i32>} : memref<6x2304xf32, #tpu.memory_space<vmem>>, vector<16xf32>,
        %broadcast_in_dim3A = arith.constant 0 : i32
        %broadcast_in_dim3A_1464 = vector.broadcast %broadcast_in_dim3A : i32 to vector<16xi32>
        %gather3A = tpu.vector_load_idx %arg9[%add3A_1440, %broadcast_in_dim3A_1464] : memref<2304x8xf32, #tpu.memory_space<vmem>>[vector<16xi32>, vector<16xi32>], vector<16xf32>,
        %broadcast_in_dim3A_1465 = arith.constant 1 : i32
        %broadcast_in_dim3A_1466 = vector.broadcast %broadcast_in_dim3A_1465 : i32 to vector<16xi32>
        %gather3A_1467 = tpu.vector_load_idx %arg9[%add3A_1440, %broadcast_in_dim3A_1466] : memref<2304x8xf32, #tpu.memory_space<vmem>>[vector<16xi32>, vector<16xi32>], vector<16xf32>,
        %broadcast_in_dim3A_1468 = arith.constant 2 : i32
        %broadcast_in_dim3A_1469 = vector.broadcast %broadcast_in_dim3A_1468 : i32 to vector<16xi32>
        %gather3A_1470 = tpu.vector_load_idx %arg9[%add3A_1440, %broadcast_in_dim3A_1469] : memref<2304x8xf32, #tpu.memory_space<vmem>>[vector<16xi32>, vector<16xi32>], vector<16xf32>,
        %broadcast_in_dim3A_1471 = arith.constant 3 : i32
        %broadcast_in_dim3A_1472 = vector.broadcast %broadcast_in_dim3A_1471 : i32 to vector<16xi32>
        %gather3A_1473 = tpu.vector_load_idx %arg9[%add3A_1440, %broadcast_in_dim3A_1472] : memref<2304x8xf32, #tpu.memory_space<vmem>>[vector<16xi32>, vector<16xi32>], vector<16xf32>,
        %broadcast_in_dim3A_1474 = arith.constant 4 : i32
        %broadcast_in_dim3A_1475 = vector.broadcast %broadcast_in_dim3A_1474 : i32 to vector<16xi32>
        %gather3A_1476 = tpu.vector_load_idx %arg9[%add3A_1440, %broadcast_in_dim3A_1475] : memref<2304x8xf32, #tpu.memory_space<vmem>>[vector<16xi32>, vector<16xi32>], vector<16xf32>,
        %broadcast_in_dim3A_1477 = arith.constant 5 : i32
        %broadcast_in_dim3A_1478 = vector.broadcast %broadcast_in_dim3A_1477 : i32 to vector<16xi32>
        %gather3A_1479 = tpu.vector_load_idx %arg9[%add3A_1440, %broadcast_in_dim3A_1478] : memref<2304x8xf32, #tpu.memory_space<vmem>>[vector<16xi32>, vector<16xi32>], vector<16xf32>,
        %broadcast_in_dim3A_1480 = arith.constant 6 : i32
        %broadcast_in_dim3A_1481 = vector.broadcast %broadcast_in_dim3A_1480 : i32 to vector<16xi32>
        %gather3A_1482 = tpu.vector_load_idx %arg9[%add3A_1440, %broadcast_in_dim3A_1481] : memref<2304x8xf32, #tpu.memory_space<vmem>>[vector<16xi32>, vector<16xi32>], vector<16xf32>,
        %broadcast_in_dim3A_1483 = arith.constant 7 : i32
        %broadcast_in_dim3A_1484 = vector.broadcast %broadcast_in_dim3A_1483 : i32 to vector<16xi32>
        %gather3A_1485 = tpu.vector_load_idx %arg9[%add3A_1440, %broadcast_in_dim3A_1484] : memref<2304x8xf32, #tpu.memory_space<vmem>>[vector<16xi32>, vector<16xi32>], vector<16xf32>,
        %mul3A_1486 = arith.mulf %get3A_1459, %gather3A : vector<16xf32>
        %mul3A_1487 = arith.mulf %get3A_1463, %gather3A_1467 : vector<16xf32>
        %add3A_1488 = arith.addf %mul3A_1486, %mul3A_1487 : vector<16xf32>
        %mul3A_1489 = arith.mulf %get3A_1459, %gather3A_1470 : vector<16xf32>
        %mul3A_1490 = arith.mulf %get3A_1463, %gather3A_1473 : vector<16xf32>
        %add3A_1491 = arith.addf %mul3A_1489, %mul3A_1490 : vector<16xf32>
        %mul3A_1492 = arith.mulf %get3A_1459, %gather3A_1476 : vector<16xf32>
        %mul3A_1493 = arith.mulf %get3A_1463, %gather3A_1479 : vector<16xf32>
        %add3A_1494 = arith.addf %mul3A_1492, %mul3A_1493 : vector<16xf32>
        %mul3A_1495 = arith.mulf %get3A_1459, %gather3A_1482 : vector<16xf32>
        %mul3A_1496 = arith.mulf %get3A_1463, %gather3A_1485 : vector<16xf32>
        %add3A_1497 = arith.addf %mul3A_1495, %mul3A_1496 : vector<16xf32>
        %mul3A_1498 = arith.mulf %get3A_1451, %add3A_1488 : vector<16xf32>
        %mul3A_1499 = arith.mulf %get3A_1455, %add3A_1491 : vector<16xf32>
        %add3A_1500 = arith.addf %mul3A_1498, %mul3A_1499 : vector<16xf32>
        %mul3A_1501 = arith.mulf %get3A_1451, %add3A_1494 : vector<16xf32>
        %mul3A_1502 = arith.mulf %get3A_1455, %add3A_1497 : vector<16xf32>
        %add3A_1503 = arith.addf %mul3A_1501, %mul3A_1502 : vector<16xf32>
        %mul3A_1504 = arith.mulf %get3A_1443, %add3A_1500 : vector<16xf32>
        %mul3A_1505 = arith.mulf %get3A_1447, %add3A_1503 : vector<16xf32>
        %add3A_1506 = arith.addf %mul3A_1504, %mul3A_1505 : vector<16xf32>
        %swap3A = arith.index_cast %mul3A_1438 : i32 to index
        %swap3A_1507 = tpu.vector_load %arg13[%swap3A] {strides = array<i32>} : memref<2304xf32, #tpu.memory_space<vmem>>, vector<16xf32>,
        tpu.vector_store %arg13[%swap3A], %add3A_1506 {strides = array<i32>} : memref<2304xf32, #tpu.memory_space<vmem>>, vector<16xf32>,
      }
      %scan3A_1069 = arith.constant 144 : i32
      %mul3A_1070 = arith.constant 2304 : i32
      %mul3A_1071 = arith.muli %mul3A_709, %mul3A_1070 : i32
      %add3A_1072 = arith.addi %mul3A_2, %mul3A_1071 : i32
      "tpu.region"() ({
        %run_scoped3A = tpu.sem_alloc : memref<!tpu.dma_semaphore, #tpu.memory_space<semaphore_mem>>
        %dma_start3A_1436 = tpu.memref_slice %arg4[%add3A_1072] : memref<1769472xf32, #tpu.memory_space<hbm>> -> memref<2304xf32, #tpu.memory_space<hbm>>
        %dma_start3A_1437 = tpu.memref_slice %arg4[%add3A_1072] : memref<1769472xf32, #tpu.memory_space<hbm>> -> memref<2304xf32, #tpu.memory_space<hbm>>
        tpu.enqueue_dma source(%arg13 : memref<2304xf32, #tpu.memory_space<vmem>>) target(%dma_start3A_1437 : memref<2304xf32, #tpu.memory_space<hbm>>) target_semaphore(%run_scoped3A : memref<!tpu.dma_semaphore, #tpu.memory_space<semaphore_mem>>)
        %dma_wait3A_1438 = tpu.memref_slice %arg4[%add3A_1072] : memref<1769472xf32, #tpu.memory_space<hbm>> -> memref<2304xf32, #tpu.memory_space<hbm>>
        %dma_wait3A_1439 = tpu.memref_slice %arg4[%add3A_1072] : memref<1769472xf32, #tpu.memory_space<hbm>> -> memref<2304xf32, #tpu.memory_space<hbm>>
        tpu.wait_dma2 semaphore(%run_scoped3A : memref<!tpu.dma_semaphore, #tpu.memory_space<semaphore_mem>>) src(%arg13 : memref<2304xf32, #tpu.memory_space<vmem>>) dst(%dma_wait3A_1439 : memref<2304xf32, #tpu.memory_space<hbm>>)
        tpu.yield
      }) : () -> ()
      %dma_wait3A_1073 = arith.constant 0 : i32
      %dma_wait3A_1074 = arith.constant 0 : i32
      %dma_wait3A_1075 = tpu.memref_slice %arg5[%dma_wait3A_1073, %dma_wait3A_1074] : memref<3x2304xf32, #tpu.memory_space<vmem>> -> memref<1x2304xf32, #tpu.memory_space<vmem>>
      %dma_wait3A_1076 = tpu.memref_squeeze %dma_wait3A_1075 : memref<1x2304xf32, #tpu.memory_space<vmem>> -> memref<2304xf32, #tpu.memory_space<vmem>>
      %dma_wait3A_1077 = arith.constant 0 : i32
      %dma_wait3A_1078 = tpu.memref_slice %arg3[%dma_wait3A_1077] : memref<5308416xf32, #tpu.memory_space<hbm>> -> memref<2304xf32, #tpu.memory_space<hbm>>
      %dma_wait3A_1079 = arith.constant 0 : i32
      %dma_wait3A_1080 = tpu.memref_slice %arg5[%dma_wait3A_1073, %dma_wait3A_1079] : memref<3x2304xf32, #tpu.memory_space<vmem>> -> memref<1x2304xf32, #tpu.memory_space<vmem>>
      %dma_wait3A_1081 = tpu.memref_squeeze %dma_wait3A_1080 : memref<1x2304xf32, #tpu.memory_space<vmem>> -> memref<2304xf32, #tpu.memory_space<vmem>>
      %dma_wait3A_1082 = arith.constant 0 : i32
      %dma_wait3A_1083 = tpu.memref_slice %arg3[%dma_wait3A_1082] : memref<5308416xf32, #tpu.memory_space<hbm>> -> memref<2304xf32, #tpu.memory_space<hbm>>
      tpu.wait_dma2 semaphore(%arg16 : memref<!tpu.dma_semaphore, #tpu.memory_space<semaphore_mem>>) src(%dma_wait3A_1083 : memref<2304xf32, #tpu.memory_space<hbm>>) dst(%dma_wait3A_1081 : memref<2304xf32, #tpu.memory_space<vmem>>)
      %dma_wait3A_1084 = arith.constant 1 : i32
      %dma_wait3A_1085 = arith.constant 0 : i32
      %dma_wait3A_1086 = tpu.memref_slice %arg5[%dma_wait3A_1084, %dma_wait3A_1085] : memref<3x2304xf32, #tpu.memory_space<vmem>> -> memref<1x2304xf32, #tpu.memory_space<vmem>>
      %dma_wait3A_1087 = tpu.memref_squeeze %dma_wait3A_1086 : memref<1x2304xf32, #tpu.memory_space<vmem>> -> memref<2304xf32, #tpu.memory_space<vmem>>
      %dma_wait3A_1088 = arith.constant 0 : i32
      %dma_wait3A_1089 = tpu.memref_slice %arg3[%dma_wait3A_1088] : memref<5308416xf32, #tpu.memory_space<hbm>> -> memref<2304xf32, #tpu.memory_space<hbm>>
      %dma_wait3A_1090 = arith.constant 0 : i32
      %dma_wait3A_1091 = tpu.memref_slice %arg5[%dma_wait3A_1084, %dma_wait3A_1090] : memref<3x2304xf32, #tpu.memory_space<vmem>> -> memref<1x2304xf32, #tpu.memory_space<vmem>>
      %dma_wait3A_1092 = tpu.memref_squeeze %dma_wait3A_1091 : memref<1x2304xf32, #tpu.memory_space<vmem>> -> memref<2304xf32, #tpu.memory_space<vmem>>
      %dma_wait3A_1093 = arith.constant 0 : i32
      %dma_wait3A_1094 = tpu.memref_slice %arg3[%dma_wait3A_1093] : memref<5308416xf32, #tpu.memory_space<hbm>> -> memref<2304xf32, #tpu.memory_space<hbm>>
      tpu.wait_dma2 semaphore(%arg16 : memref<!tpu.dma_semaphore, #tpu.memory_space<semaphore_mem>>) src(%dma_wait3A_1094 : memref<2304xf32, #tpu.memory_space<hbm>>) dst(%dma_wait3A_1092 : memref<2304xf32, #tpu.memory_space<vmem>>)
      %dma_wait3A_1095 = arith.constant 2 : i32
      %dma_wait3A_1096 = arith.constant 0 : i32
      %dma_wait3A_1097 = tpu.memref_slice %arg5[%dma_wait3A_1095, %dma_wait3A_1096] : memref<3x2304xf32, #tpu.memory_space<vmem>> -> memref<1x2304xf32, #tpu.memory_space<vmem>>
      %dma_wait3A_1098 = tpu.memref_squeeze %dma_wait3A_1097 : memref<1x2304xf32, #tpu.memory_space<vmem>> -> memref<2304xf32, #tpu.memory_space<vmem>>
      %dma_wait3A_1099 = arith.constant 0 : i32
      %dma_wait3A_1100 = tpu.memref_slice %arg3[%dma_wait3A_1099] : memref<5308416xf32, #tpu.memory_space<hbm>> -> memref<2304xf32, #tpu.memory_space<hbm>>
      %dma_wait3A_1101 = arith.constant 0 : i32
      %dma_wait3A_1102 = tpu.memref_slice %arg5[%dma_wait3A_1095, %dma_wait3A_1101] : memref<3x2304xf32, #tpu.memory_space<vmem>> -> memref<1x2304xf32, #tpu.memory_space<vmem>>
      %dma_wait3A_1103 = tpu.memref_squeeze %dma_wait3A_1102 : memref<1x2304xf32, #tpu.memory_space<vmem>> -> memref<2304xf32, #tpu.memory_space<vmem>>
      %dma_wait3A_1104 = arith.constant 0 : i32
      %dma_wait3A_1105 = tpu.memref_slice %arg3[%dma_wait3A_1104] : memref<5308416xf32, #tpu.memory_space<hbm>> -> memref<2304xf32, #tpu.memory_space<hbm>>
      tpu.wait_dma2 semaphore(%arg16 : memref<!tpu.dma_semaphore, #tpu.memory_space<semaphore_mem>>) src(%dma_wait3A_1105 : memref<2304xf32, #tpu.memory_space<hbm>>) dst(%dma_wait3A_1103 : memref<2304xf32, #tpu.memory_space<vmem>>)
      %add3A_1106 = arith.constant 2 : i32
      %add3A_1107 = arith.addi %mul3A_709, %add3A_1106 : i32
      %mul3A_1108 = arith.constant 2304 : i32
      %mul3A_1109 = arith.muli %add3A_1107, %mul3A_1108 : i32
      %add3A_1110 = arith.addi %mul3A_2, %mul3A_1109 : i32
      %jit3A_1111 = arith.constant 9216 : i32
      %div3A_1112 = arith.divsi %add3A_1110, %jit3A_1111 : i32
      %sign3A_1113 = arith.constant 0 : i32
      %sign3A_1114 = arith.cmpi sgt, %add3A_1110, %sign3A_1113 : i32
      %sign3A_1115 = arith.extui %sign3A_1114 : i1 to i32
      %sign3A_1116 = arith.constant 0 : i32
      %sign3A_1117 = arith.cmpi slt, %add3A_1110, %sign3A_1116 : i32
      %sign3A_1118 = arith.extui %sign3A_1117 : i1 to i32
      %sign3A_1119 = arith.subi %sign3A_1115, %sign3A_1118 : i32
      %sign3A_1120 = arith.constant 0 : i32
      %sign3A_1121 = arith.cmpi sgt, %jit3A_1111, %sign3A_1120 : i32
      %sign3A_1122 = arith.extui %sign3A_1121 : i1 to i32
      %sign3A_1123 = arith.constant 0 : i32
      %sign3A_1124 = arith.cmpi slt, %jit3A_1111, %sign3A_1123 : i32
      %sign3A_1125 = arith.extui %sign3A_1124 : i1 to i32
      %sign3A_1126 = arith.subi %sign3A_1122, %sign3A_1125 : i32
      %ne3A_1127 = arith.cmpi ne, %sign3A_1119, %sign3A_1126 : i32
      %rem3A_1128 = arith.remsi %add3A_1110, %jit3A_1111 : i32
      %ne3A_1129 = arith.constant 0 : i32
      %ne3A_1130 = arith.cmpi ne, %rem3A_1128, %ne3A_1129 : i32
      %and3A_1131 = arith.andi %ne3A_1127, %ne3A_1130 : i1
      %sub3A_1132 = arith.constant 1 : i32
      %sub3A_1133 = arith.subi %div3A_1112, %sub3A_1132 : i32
      %select_n3A_1134 = arith.select %and3A_1131, %sub3A_1133, %div3A_1112 : i32
      %mul3A_1135 = arith.constant 9216 : i32
      %mul3A_1136 = arith.muli %select_n3A_1134, %mul3A_1135 : i32
      %sub3A_1137 = arith.subi %add3A_1110, %mul3A_1136 : i32
      %ge3A_1138 = arith.constant 96 : i32
      %ge3A_1139 = arith.cmpi sge, %select_n3A_1134, %ge3A_1138 : i32
      %convert_element_type3A_1140 = arith.extui %ge3A_1139 : i1 to i32
      %mul3A_1141 = arith.constant 96 : i32
      %mul3A_1142 = arith.muli %convert_element_type3A_1140, %mul3A_1141 : i32
      %sub3A_1143 = arith.subi %select_n3A_1134, %mul3A_1142 : i32
      %jit3A_1144 = arith.constant 96 : i32
      %div3A_1145 = arith.divsi %sub3A_1137, %jit3A_1144 : i32
      %sign3A_1146 = arith.constant 0 : i32
      %sign3A_1147 = arith.cmpi sgt, %sub3A_1137, %sign3A_1146 : i32
      %sign3A_1148 = arith.extui %sign3A_1147 : i1 to i32
      %sign3A_1149 = arith.constant 0 : i32
      %sign3A_1150 = arith.cmpi slt, %sub3A_1137, %sign3A_1149 : i32
      %sign3A_1151 = arith.extui %sign3A_1150 : i1 to i32
      %sign3A_1152 = arith.subi %sign3A_1148, %sign3A_1151 : i32
      %sign3A_1153 = arith.constant 0 : i32
      %sign3A_1154 = arith.cmpi sgt, %jit3A_1144, %sign3A_1153 : i32
      %sign3A_1155 = arith.extui %sign3A_1154 : i1 to i32
      %sign3A_1156 = arith.constant 0 : i32
      %sign3A_1157 = arith.cmpi slt, %jit3A_1144, %sign3A_1156 : i32
      %sign3A_1158 = arith.extui %sign3A_1157 : i1 to i32
      %sign3A_1159 = arith.subi %sign3A_1155, %sign3A_1158 : i32
      %ne3A_1160 = arith.cmpi ne, %sign3A_1152, %sign3A_1159 : i32
      %rem3A_1161 = arith.remsi %sub3A_1137, %jit3A_1144 : i32
      %ne3A_1162 = arith.constant 0 : i32
      %ne3A_1163 = arith.cmpi ne, %rem3A_1161, %ne3A_1162 : i32
      %and3A_1164 = arith.andi %ne3A_1160, %ne3A_1163 : i1
      %sub3A_1165 = arith.constant 1 : i32
      %sub3A_1166 = arith.subi %div3A_1145, %sub3A_1165 : i32
      %select_n3A_1167 = arith.select %and3A_1164, %sub3A_1166, %div3A_1145 : i32
      %convert_element_type3A_1168 = arith.sitofp %sub3A_1143 : i32 to f32
      %scan3A_1169 = arith.constant 0 : i32
      %scan3A_1170 = arith.constant 144 : i32
      %scan3A_1171 = arith.addi %scan3A_1169, %scan3A_1170 : i32
      %scan3A_1172 = arith.constant 1 : i32
      scf.for %scan3A_1436 = %scan3A_1169 to %scan3A_1171 step %scan3A_1172  : i32 {
        %mul3A_1437 = arith.constant 16 : i32
        %mul3A_1438 = arith.muli %scan3A_1436, %mul3A_1437 : i32
        %jit3A_1439 = arith.constant 6 : i32
        %div3A_1440 = arith.divsi %scan3A_1436, %jit3A_1439 : i32
        %sign3A_1441 = arith.constant 0 : i32
        %sign3A_1442 = arith.cmpi sgt, %scan3A_1436, %sign3A_1441 : i32
        %sign3A_1443 = arith.extui %sign3A_1442 : i1 to i32
        %sign3A_1444 = arith.constant 0 : i32
        %sign3A_1445 = arith.cmpi slt, %scan3A_1436, %sign3A_1444 : i32
        %sign3A_1446 = arith.extui %sign3A_1445 : i1 to i32
        %sign3A_1447 = arith.subi %sign3A_1443, %sign3A_1446 : i32
        %sign3A_1448 = arith.constant 0 : i32
        %sign3A_1449 = arith.cmpi sgt, %jit3A_1439, %sign3A_1448 : i32
        %sign3A_1450 = arith.extui %sign3A_1449 : i1 to i32
        %sign3A_1451 = arith.constant 0 : i32
        %sign3A_1452 = arith.cmpi slt, %jit3A_1439, %sign3A_1451 : i32
        %sign3A_1453 = arith.extui %sign3A_1452 : i1 to i32
        %sign3A_1454 = arith.subi %sign3A_1450, %sign3A_1453 : i32
        %ne3A_1455 = arith.cmpi ne, %sign3A_1447, %sign3A_1454 : i32
        %rem3A_1456 = arith.remsi %scan3A_1436, %jit3A_1439 : i32
        %ne3A_1457 = arith.constant 0 : i32
        %ne3A_1458 = arith.cmpi ne, %rem3A_1456, %ne3A_1457 : i32
        %and3A_1459 = arith.andi %ne3A_1455, %ne3A_1458 : i1
        %sub3A_1460 = arith.constant 1 : i32
        %sub3A_1461 = arith.subi %div3A_1440, %sub3A_1460 : i32
        %select_n3A_1462 = arith.select %and3A_1459, %sub3A_1461, %div3A_1440 : i32
        %add3A_1463 = arith.addi %select_n3A_1167, %select_n3A_1462 : i32
        %jit3A_1464 = arith.constant 6 : i32
        %eq3A = arith.constant 0 : i32
        %eq3A_1465 = arith.cmpi eq, %jit3A_1464, %eq3A : i32
        %jit3A_1466 = arith.constant 1 : i32
        %select_n3A_1467 = arith.select %eq3A_1465, %jit3A_1466, %jit3A_1464 : i32
        %rem3A_1468 = arith.remsi %scan3A_1436, %select_n3A_1467 : i32
        %ne3A_1469 = arith.constant 0 : i32
        %ne3A_1470 = arith.cmpi ne, %rem3A_1468, %ne3A_1469 : i32
        %lt3A = arith.constant 0 : i32
        %lt3A_1471 = arith.cmpi slt, %rem3A_1468, %lt3A : i32
        %lt3A_1472 = arith.constant 0 : i32
        %lt3A_1473 = arith.cmpi slt, %select_n3A_1467, %lt3A_1472 : i32
        %ne3A_1474 = arith.xori %lt3A_1471, %lt3A_1473 : i1
        %and3A_1475 = arith.andi %ne3A_1474, %ne3A_1470 : i1
        %add3A_1476 = arith.addi %rem3A_1468, %select_n3A_1467 : i32
        %select_n3A_1477 = arith.select %and3A_1475, %add3A_1476, %rem3A_1468 : i32
        %mul3A_1478 = arith.constant 16 : i32
        %mul3A_1479 = arith.muli %select_n3A_1477, %mul3A_1478 : i32
        %add3A_1480 = vector.broadcast %mul3A_1479 : i32 to vector<16xi32>
        %add3A_1481 = arith.addi %add3A_1480, %iota3A : vector<16xi32>
        %get3A = arith.constant 0 : i32
        %get3A_1482 = arith.index_cast %get3A : i32 to index
        %get3A_1483 = arith.index_cast %mul3A_1438 : i32 to index
        %get3A_1484 = tpu.vector_load %arg5[%get3A_1482, %get3A_1483] {strides = array<i32>} : memref<3x2304xf32, #tpu.memory_space<vmem>>, vector<16xf32>,
        %get3A_1485 = arith.constant 1 : i32
        %get3A_1486 = arith.index_cast %get3A_1485 : i32 to index
        %get3A_1487 = arith.index_cast %mul3A_1438 : i32 to index
        %get3A_1488 = tpu.vector_load %arg5[%get3A_1486, %get3A_1487] {strides = array<i32>} : memref<3x2304xf32, #tpu.memory_space<vmem>>, vector<16xf32>,
        %get3A_1489 = arith.constant 2 : i32
        %get3A_1490 = arith.index_cast %get3A_1489 : i32 to index
        %get3A_1491 = arith.index_cast %mul3A_1438 : i32 to index
        %get3A_1492 = tpu.vector_load %arg5[%get3A_1490, %get3A_1491] {strides = array<i32>} : memref<3x2304xf32, #tpu.memory_space<vmem>>, vector<16xf32>,
        %convert_element_type3A_1493 = arith.sitofp %add3A_1463 : i32 to f32
        %add3A_1494 = vector.broadcast %convert_element_type3A_1493 : f32 to vector<16xf32>
        %add3A_1495 = arith.addf %get3A_1484, %add3A_1494 : vector<16xf32>
        %add3A_1496 = arith.constant 1.000000e+00 : f32
        %add3A_1497 = vector.broadcast %add3A_1496 : f32 to vector<16xf32>
        %add3A_1498 = arith.addf %add3A_1495, %add3A_1497 : vector<16xf32>
        %add3A_1499 = vector.broadcast %convert_element_type3A_1168 : f32 to vector<16xf32>
        %add3A_1500 = arith.addf %get3A_1488, %add3A_1499 : vector<16xf32>
        %add3A_1501 = arith.constant 1.000000e+00 : f32
        %add3A_1502 = vector.broadcast %add3A_1501 : f32 to vector<16xf32>
        %add3A_1503 = arith.addf %add3A_1500, %add3A_1502 : vector<16xf32>
        %convert_element_type3A_1504 = arith.sitofp %add3A_1481 : vector<16xi32> to vector<16xf32>
        %add3A_1505 = arith.addf %get3A_1492, %convert_element_type3A_1504 : vector<16xf32>
        %add3A_1506 = arith.constant 1.000000e+00 : f32
        %add3A_1507 = vector.broadcast %add3A_1506 : f32 to vector<16xf32>
        %add3A_1508 = arith.addf %add3A_1505, %add3A_1507 : vector<16xf32>
        %add3A_1509 = arith.constant 1.024000e+03 : f32
        %add3A_1510 = vector.broadcast %add3A_1509 : f32 to vector<16xf32>
        %add3A_1511 = arith.addf %add3A_1498, %add3A_1510 : vector<16xf32>
        %convert_element_type3A_1512 = arith.fptosi %add3A_1511 : vector<16xf32> to vector<16xi32>
        %sub3A_1513 = arith.constant 1024 : i32
        %sub3A_1514 = vector.broadcast %sub3A_1513 : i32 to vector<16xi32>
        %sub3A_1515 = arith.subi %convert_element_type3A_1512, %sub3A_1514 : vector<16xi32>
        %add3A_1516 = arith.constant 1.024000e+03 : f32
        %add3A_1517 = vector.broadcast %add3A_1516 : f32 to vector<16xf32>
        %add3A_1518 = arith.addf %add3A_1503, %add3A_1517 : vector<16xf32>
        %convert_element_type3A_1519 = arith.fptosi %add3A_1518 : vector<16xf32> to vector<16xi32>
        %sub3A_1520 = arith.constant 1024 : i32
        %sub3A_1521 = vector.broadcast %sub3A_1520 : i32 to vector<16xi32>
        %sub3A_1522 = arith.subi %convert_element_type3A_1519, %sub3A_1521 : vector<16xi32>
        %add3A_1523 = arith.constant 1.024000e+03 : f32
        %add3A_1524 = vector.broadcast %add3A_1523 : f32 to vector<16xf32>
        %add3A_1525 = arith.addf %add3A_1508, %add3A_1524 : vector<16xf32>
        %convert_element_type3A_1526 = arith.fptosi %add3A_1525 : vector<16xf32> to vector<16xi32>
        %sub3A_1527 = arith.constant 1024 : i32
        %sub3A_1528 = vector.broadcast %sub3A_1527 : i32 to vector<16xi32>
        %sub3A_1529 = arith.subi %convert_element_type3A_1526, %sub3A_1528 : vector<16xi32>
        %max3A = arith.constant 0 : i32
        %max3A_1530 = vector.broadcast %max3A : i32 to vector<16xi32>
        %max3A_1531 = arith.maxsi %sub3A_1515, %max3A_1530 : vector<16xi32>
        %min3A = arith.constant 97 : i32
        %min3A_1532 = vector.broadcast %min3A : i32 to vector<16xi32>
        %min3A_1533 = arith.minsi %max3A_1531, %min3A_1532 : vector<16xi32>
        %max3A_1534 = arith.constant 0 : i32
        %max3A_1535 = vector.broadcast %max3A_1534 : i32 to vector<16xi32>
        %max3A_1536 = arith.maxsi %sub3A_1522, %max3A_1535 : vector<16xi32>
        %min3A_1537 = arith.constant 97 : i32
        %min3A_1538 = vector.broadcast %min3A_1537 : i32 to vector<16xi32>
        %min3A_1539 = arith.minsi %max3A_1536, %min3A_1538 : vector<16xi32>
        %max3A_1540 = arith.constant 0 : i32
        %max3A_1541 = vector.broadcast %max3A_1540 : i32 to vector<16xi32>
        %max3A_1542 = arith.maxsi %sub3A_1529, %max3A_1541 : vector<16xi32>
        %min3A_1543 = arith.constant 97 : i32
        %min3A_1544 = vector.broadcast %min3A_1543 : i32 to vector<16xi32>
        %min3A_1545 = arith.minsi %max3A_1542, %min3A_1544 : vector<16xi32>
        %add3A_1546 = arith.constant 1 : i32
        %add3A_1547 = vector.broadcast %add3A_1546 : i32 to vector<16xi32>
        %add3A_1548 = arith.addi %sub3A_1515, %add3A_1547 : vector<16xi32>
        %convert_element_type3A_1549 = arith.sitofp %add3A_1548 : vector<16xi32> to vector<16xf32>
        %sub3A_1550 = arith.subf %convert_element_type3A_1549, %add3A_1498 : vector<16xf32>
        %add3A_1551 = arith.constant 1 : i32
        %add3A_1552 = vector.broadcast %add3A_1551 : i32 to vector<16xi32>
        %add3A_1553 = arith.addi %sub3A_1522, %add3A_1552 : vector<16xi32>
        %convert_element_type3A_1554 = arith.sitofp %add3A_1553 : vector<16xi32> to vector<16xf32>
        %sub3A_1555 = arith.subf %convert_element_type3A_1554, %add3A_1503 : vector<16xf32>
        %add3A_1556 = arith.constant 1 : i32
        %add3A_1557 = vector.broadcast %add3A_1556 : i32 to vector<16xi32>
        %add3A_1558 = arith.addi %sub3A_1529, %add3A_1557 : vector<16xi32>
        %convert_element_type3A_1559 = arith.sitofp %add3A_1558 : vector<16xi32> to vector<16xf32>
        %sub3A_1560 = arith.subf %convert_element_type3A_1559, %add3A_1508 : vector<16xf32>
        %broadcast_in_dim3A = arith.constant 0.000000e+00 : f32
        %broadcast_in_dim3A_1561 = vector.broadcast %broadcast_in_dim3A : f32 to vector<16xf32>
        %ge3A_1562 = arith.constant 0 : i32
        %ge3A_1563 = vector.broadcast %ge3A_1562 : i32 to vector<16xi32>
        %ge3A_1564 = arith.cmpi sge, %sub3A_1515, %ge3A_1563 : vector<16xi32>
        %sub3A_1565 = arith.constant 1.000000e+00 : f32
        %sub3A_1566 = vector.broadcast %sub3A_1565 : f32 to vector<16xf32>
        %sub3A_1567 = arith.subf %sub3A_1566, %sub3A_1550 : vector<16xf32>
        %select_n3A_1568 = arith.select %ge3A_1564, %sub3A_1567, %broadcast_in_dim3A_1561 : vector<16xi1>, vector<16xf32>
        %ge3A_1569 = arith.constant 0 : i32
        %ge3A_1570 = vector.broadcast %ge3A_1569 : i32 to vector<16xi32>
        %ge3A_1571 = arith.cmpi sge, %sub3A_1522, %ge3A_1570 : vector<16xi32>
        %sub3A_1572 = arith.constant 1.000000e+00 : f32
        %sub3A_1573 = vector.broadcast %sub3A_1572 : f32 to vector<16xf32>
        %sub3A_1574 = arith.subf %sub3A_1573, %sub3A_1555 : vector<16xf32>
        %select_n3A_1575 = arith.select %ge3A_1571, %sub3A_1574, %broadcast_in_dim3A_1561 : vector<16xi1>, vector<16xf32>
        %ge3A_1576 = arith.constant 0 : i32
        %ge3A_1577 = vector.broadcast %ge3A_1576 : i32 to vector<16xi32>
        %ge3A_1578 = arith.cmpi sge, %sub3A_1529, %ge3A_1577 : vector<16xi32>
        %sub3A_1579 = arith.constant 1.000000e+00 : f32
        %sub3A_1580 = vector.broadcast %sub3A_1579 : f32 to vector<16xf32>
        %sub3A_1581 = arith.subf %sub3A_1580, %sub3A_1560 : vector<16xf32>
        %select_n3A_1582 = arith.select %ge3A_1578, %sub3A_1581, %broadcast_in_dim3A_1561 : vector<16xi1>, vector<16xf32>
        %mul3A_1583 = arith.constant 98 : i32
        %mul3A_1584 = arith.muli %convert_element_type3A_1140, %mul3A_1583 : i32
        %add3A_1585 = vector.broadcast %mul3A_1584 : i32 to vector<16xi32>
        %add3A_1586 = arith.addi %add3A_1585, %min3A_1539 : vector<16xi32>
        %mul3A_1587 = arith.constant 98 : i32
        %mul3A_1588 = vector.broadcast %mul3A_1587 : i32 to vector<16xi32>
        %mul3A_1589 = arith.muli %add3A_1586, %mul3A_1588 : vector<16xi32>
        %add3A_1590 = arith.addi %mul3A_1589, %min3A_1533 : vector<16xi32>
        %mul3A_1591 = arith.constant 98 : i32
        %mul3A_1592 = vector.broadcast %mul3A_1591 : i32 to vector<16xi32>
        %mul3A_1593 = arith.muli %add3A_1590, %mul3A_1592 : vector<16xi32>
        %add3A_1594 = arith.addi %mul3A_1593, %min3A_1545 : vector<16xi32>
        %jit3A_1595 = arith.constant 8 : i32
        %div3A_1596 = arith.divsi %scan3A_1436, %jit3A_1595 : i32
        %sign3A_1597 = arith.constant 0 : i32
        %sign3A_1598 = arith.cmpi sgt, %scan3A_1436, %sign3A_1597 : i32
        %sign3A_1599 = arith.extui %sign3A_1598 : i1 to i32
        %sign3A_1600 = arith.constant 0 : i32
        %sign3A_1601 = arith.cmpi slt, %scan3A_1436, %sign3A_1600 : i32
        %sign3A_1602 = arith.extui %sign3A_1601 : i1 to i32
        %sign3A_1603 = arith.subi %sign3A_1599, %sign3A_1602 : i32
        %sign3A_1604 = arith.constant 0 : i32
        %sign3A_1605 = arith.cmpi sgt, %jit3A_1595, %sign3A_1604 : i32
        %sign3A_1606 = arith.extui %sign3A_1605 : i1 to i32
        %sign3A_1607 = arith.constant 0 : i32
        %sign3A_1608 = arith.cmpi slt, %jit3A_1595, %sign3A_1607 : i32
        %sign3A_1609 = arith.extui %sign3A_1608 : i1 to i32
        %sign3A_1610 = arith.subi %sign3A_1606, %sign3A_1609 : i32
        %ne3A_1611 = arith.cmpi ne, %sign3A_1603, %sign3A_1610 : i32
        %rem3A_1612 = arith.remsi %scan3A_1436, %jit3A_1595 : i32
        %ne3A_1613 = arith.constant 0 : i32
        %ne3A_1614 = arith.cmpi ne, %rem3A_1612, %ne3A_1613 : i32
        %and3A_1615 = arith.andi %ne3A_1611, %ne3A_1614 : i1
        %sub3A_1616 = arith.constant 1 : i32
        %sub3A_1617 = arith.subi %div3A_1596, %sub3A_1616 : i32
        %select_n3A_1618 = arith.select %and3A_1615, %sub3A_1617, %div3A_1596 : i32
        %jit3A_1619 = arith.constant 8 : i32
        %eq3A_1620 = arith.constant 0 : i32
        %eq3A_1621 = arith.cmpi eq, %jit3A_1619, %eq3A_1620 : i32
        %jit3A_1622 = arith.constant 1 : i32
        %select_n3A_1623 = arith.select %eq3A_1621, %jit3A_1622, %jit3A_1619 : i32
        %rem3A_1624 = arith.remsi %scan3A_1436, %select_n3A_1623 : i32
        %ne3A_1625 = arith.constant 0 : i32
        %ne3A_1626 = arith.cmpi ne, %rem3A_1624, %ne3A_1625 : i32
        %lt3A_1627 = arith.constant 0 : i32
        %lt3A_1628 = arith.cmpi slt, %rem3A_1624, %lt3A_1627 : i32
        %lt3A_1629 = arith.constant 0 : i32
        %lt3A_1630 = arith.cmpi slt, %select_n3A_1623, %lt3A_1629 : i32
        %ne3A_1631 = arith.xori %lt3A_1628, %lt3A_1630 : i1
        %and3A_1632 = arith.andi %ne3A_1631, %ne3A_1626 : i1
        %add3A_1633 = arith.addi %rem3A_1624, %select_n3A_1623 : i32
        %select_n3A_1634 = arith.select %and3A_1632, %add3A_1633, %rem3A_1624 : i32
        %mul3A_1635 = arith.constant 16 : i32
        %mul3A_1636 = arith.muli %select_n3A_1634, %mul3A_1635 : i32
        %swap3A = arith.index_cast %select_n3A_1618 : i32 to index
        %swap3A_1637 = arith.index_cast %mul3A_1636 : i32 to index
        %swap3A_1638 = tpu.vector_load %arg7[%swap3A, %swap3A_1637] {strides = array<i32>} : memref<18x128xi32, #tpu.memory_space<vmem>>, vector<16xi32>,
        tpu.vector_store %arg7[%swap3A, %swap3A_1637], %add3A_1594 {strides = array<i32>} : memref<18x128xi32, #tpu.memory_space<vmem>>, vector<16xi32>,
        %swap3A_1639 = arith.constant 0 : i32
        %swap3A_1640 = arith.index_cast %swap3A_1639 : i32 to index
        %swap3A_1641 = arith.index_cast %mul3A_1438 : i32 to index
        %swap3A_1642 = tpu.vector_load %arg11[%swap3A_1640, %swap3A_1641] {strides = array<i32>} : memref<6x2304xf32, #tpu.memory_space<vmem>>, vector<16xf32>,
        tpu.vector_store %arg11[%swap3A_1640, %swap3A_1641], %sub3A_1555 {strides = array<i32>} : memref<6x2304xf32, #tpu.memory_space<vmem>>, vector<16xf32>,
        %swap3A_1643 = arith.constant 1 : i32
        %swap3A_1644 = arith.index_cast %swap3A_1643 : i32 to index
        %swap3A_1645 = arith.index_cast %mul3A_1438 : i32 to index
        %swap3A_1646 = tpu.vector_load %arg11[%swap3A_1644, %swap3A_1645] {strides = array<i32>} : memref<6x2304xf32, #tpu.memory_space<vmem>>, vector<16xf32>,
        tpu.vector_store %arg11[%swap3A_1644, %swap3A_1645], %select_n3A_1575 {strides = array<i32>} : memref<6x2304xf32, #tpu.memory_space<vmem>>, vector<16xf32>,
        %swap3A_1647 = arith.constant 2 : i32
        %swap3A_1648 = arith.index_cast %swap3A_1647 : i32 to index
        %swap3A_1649 = arith.index_cast %mul3A_1438 : i32 to index
        %swap3A_1650 = tpu.vector_load %arg11[%swap3A_1648, %swap3A_1649] {strides = array<i32>} : memref<6x2304xf32, #tpu.memory_space<vmem>>, vector<16xf32>,
        tpu.vector_store %arg11[%swap3A_1648, %swap3A_1649], %sub3A_1550 {strides = array<i32>} : memref<6x2304xf32, #tpu.memory_space<vmem>>, vector<16xf32>,
        %swap3A_1651 = arith.constant 3 : i32
        %swap3A_1652 = arith.index_cast %swap3A_1651 : i32 to index
        %swap3A_1653 = arith.index_cast %mul3A_1438 : i32 to index
        %swap3A_1654 = tpu.vector_load %arg11[%swap3A_1652, %swap3A_1653] {strides = array<i32>} : memref<6x2304xf32, #tpu.memory_space<vmem>>, vector<16xf32>,
        tpu.vector_store %arg11[%swap3A_1652, %swap3A_1653], %select_n3A_1568 {strides = array<i32>} : memref<6x2304xf32, #tpu.memory_space<vmem>>, vector<16xf32>,
        %swap3A_1655 = arith.constant 4 : i32
        %swap3A_1656 = arith.index_cast %swap3A_1655 : i32 to index
        %swap3A_1657 = arith.index_cast %mul3A_1438 : i32 to index
        %swap3A_1658 = tpu.vector_load %arg11[%swap3A_1656, %swap3A_1657] {strides = array<i32>} : memref<6x2304xf32, #tpu.memory_space<vmem>>, vector<16xf32>,
        tpu.vector_store %arg11[%swap3A_1656, %swap3A_1657], %sub3A_1560 {strides = array<i32>} : memref<6x2304xf32, #tpu.memory_space<vmem>>, vector<16xf32>,
        %swap3A_1659 = arith.constant 5 : i32
        %swap3A_1660 = arith.index_cast %swap3A_1659 : i32 to index
        %swap3A_1661 = arith.index_cast %mul3A_1438 : i32 to index
        %swap3A_1662 = tpu.vector_load %arg11[%swap3A_1660, %swap3A_1661] {strides = array<i32>} : memref<6x2304xf32, #tpu.memory_space<vmem>>, vector<16xf32>,
        tpu.vector_store %arg11[%swap3A_1660, %swap3A_1661], %select_n3A_1582 {strides = array<i32>} : memref<6x2304xf32, #tpu.memory_space<vmem>>, vector<16xf32>,
      }
      %scan3A_1173 = arith.constant 144 : i32
      %dma_wait3A_1174 = arith.constant 0 : i32
      %dma_wait3A_1175 = arith.constant 0 : i32
      %dma_wait3A_1176 = tpu.memref_slice %arg2[%dma_wait3A_1174, %dma_wait3A_1175] : memref<1882384x8xf32, #tpu.memory_space<hbm>> -> memref<2304x8xf32, #tpu.memory_space<hbm>>
      %dma_wait3A_1177 = arith.constant 0 : i32
      %dma_wait3A_1178 = arith.constant 0 : i32
      %dma_wait3A_1179 = tpu.memref_slice %arg2[%dma_wait3A_1177, %dma_wait3A_1178] : memref<1882384x8xf32, #tpu.memory_space<hbm>> -> memref<2304x8xf32, #tpu.memory_space<hbm>>
      tpu.wait_dma2 semaphore(%arg15 : memref<!tpu.dma_semaphore, #tpu.memory_space<semaphore_mem>>) src(%dma_wait3A_1179 : memref<2304x8xf32, #tpu.memory_space<hbm>>) dst(%arg10 : memref<2304x8xf32, #tpu.memory_space<vmem>>)
      %dma_start3A_1180 = arith.constant 0 : i32
      %dma_start3A_1181 = arith.constant 0 : i32
      %dma_start3A_1182 = arith.constant 0 : i32
      %dma_start3A_1183 = tpu.memref_slice %arg9[%dma_start3A_1181, %dma_start3A_1182] : memref<2304x8xf32, #tpu.memory_space<vmem>> -> memref<128x8xf32, #tpu.memory_space<vmem>>
      %dma_start3A_1184 = arith.constant 0 : i32
      %dma_start3A_1185 = tpu.memref_slice %arg7[%dma_start3A_1180, %dma_start3A_1184] : memref<18x128xi32, #tpu.memory_space<vmem>> -> memref<1x128xi32, #tpu.memory_space<vmem>>
      %dma_start3A_1186 = tpu.memref_squeeze %dma_start3A_1185 : memref<1x128xi32, #tpu.memory_space<vmem>> -> memref<128xi32, #tpu.memory_space<vmem>>
      %dma_start3A_1187 = arith.constant 0 : i32
      %dma_start3A_1188 = arith.constant 0 : i32
      %dma_start3A_1189 = tpu.memref_slice %arg2[%dma_start3A_1187, %dma_start3A_1188] : memref<1882384x8xf32, #tpu.memory_space<hbm>> -> memref<1882384x8xf32, #tpu.memory_space<hbm>>
      tpu.enqueue_indirect_dma source(%dma_start3A_1189 : memref<1882384x8xf32, #tpu.memory_space<hbm>>) target(%dma_start3A_1183 : memref<128x8xf32, #tpu.memory_space<vmem>>) offsets(%dma_start3A_1186 : memref<128xi32, #tpu.memory_space<vmem>>) semaphore(%arg14 : memref<!tpu.dma_semaphore, #tpu.memory_space<semaphore_mem>>)
      %dma_start3A_1190 = arith.constant 1 : i32
      %dma_start3A_1191 = arith.constant 128 : i32
      %dma_start3A_1192 = arith.constant 0 : i32
      %dma_start3A_1193 = tpu.memref_slice %arg9[%dma_start3A_1191, %dma_start3A_1192] : memref<2304x8xf32, #tpu.memory_space<vmem>> -> memref<128x8xf32, #tpu.memory_space<vmem>>
      %dma_start3A_1194 = arith.constant 0 : i32
      %dma_start3A_1195 = tpu.memref_slice %arg7[%dma_start3A_1190, %dma_start3A_1194] : memref<18x128xi32, #tpu.memory_space<vmem>> -> memref<1x128xi32, #tpu.memory_space<vmem>>
      %dma_start3A_1196 = tpu.memref_squeeze %dma_start3A_1195 : memref<1x128xi32, #tpu.memory_space<vmem>> -> memref<128xi32, #tpu.memory_space<vmem>>
      %dma_start3A_1197 = arith.constant 0 : i32
      %dma_start3A_1198 = arith.constant 0 : i32
      %dma_start3A_1199 = tpu.memref_slice %arg2[%dma_start3A_1197, %dma_start3A_1198] : memref<1882384x8xf32, #tpu.memory_space<hbm>> -> memref<1882384x8xf32, #tpu.memory_space<hbm>>
      tpu.enqueue_indirect_dma source(%dma_start3A_1199 : memref<1882384x8xf32, #tpu.memory_space<hbm>>) target(%dma_start3A_1193 : memref<128x8xf32, #tpu.memory_space<vmem>>) offsets(%dma_start3A_1196 : memref<128xi32, #tpu.memory_space<vmem>>) semaphore(%arg14 : memref<!tpu.dma_semaphore, #tpu.memory_space<semaphore_mem>>)
      %dma_start3A_1200 = arith.constant 2 : i32
      %dma_start3A_1201 = arith.constant 256 : i32
      %dma_start3A_1202 = arith.constant 0 : i32
      %dma_start3A_1203 = tpu.memref_slice %arg9[%dma_start3A_1201, %dma_start3A_1202] : memref<2304x8xf32, #tpu.memory_space<vmem>> -> memref<128x8xf32, #tpu.memory_space<vmem>>
      %dma_start3A_1204 = arith.constant 0 : i32
      %dma_start3A_1205 = tpu.memref_slice %arg7[%dma_start3A_1200, %dma_start3A_1204] : memref<18x128xi32, #tpu.memory_space<vmem>> -> memref<1x128xi32, #tpu.memory_space<vmem>>
      %dma_start3A_1206 = tpu.memref_squeeze %dma_start3A_1205 : memref<1x128xi32, #tpu.memory_space<vmem>> -> memref<128xi32, #tpu.memory_space<vmem>>
      %dma_start3A_1207 = arith.constant 0 : i32
      %dma_start3A_1208 = arith.constant 0 : i32
      %dma_start3A_1209 = tpu.memref_slice %arg2[%dma_start3A_1207, %dma_start3A_1208] : memref<1882384x8xf32, #tpu.memory_space<hbm>> -> memref<1882384x8xf32, #tpu.memory_space<hbm>>
      tpu.enqueue_indirect_dma source(%dma_start3A_1209 : memref<1882384x8xf32, #tpu.memory_space<hbm>>) target(%dma_start3A_1203 : memref<128x8xf32, #tpu.memory_space<vmem>>) offsets(%dma_start3A_1206 : memref<128xi32, #tpu.memory_space<vmem>>) semaphore(%arg14 : memref<!tpu.dma_semaphore, #tpu.memory_space<semaphore_mem>>)
      %dma_start3A_1210 = arith.constant 3 : i32
      %dma_start3A_1211 = arith.constant 384 : i32
      %dma_start3A_1212 = arith.constant 0 : i32
      %dma_start3A_1213 = tpu.memref_slice %arg9[%dma_start3A_1211, %dma_start3A_1212] : memref<2304x8xf32, #tpu.memory_space<vmem>> -> memref<128x8xf32, #tpu.memory_space<vmem>>
      %dma_start3A_1214 = arith.constant 0 : i32
      %dma_start3A_1215 = tpu.memref_slice %arg7[%dma_start3A_1210, %dma_start3A_1214] : memref<18x128xi32, #tpu.memory_space<vmem>> -> memref<1x128xi32, #tpu.memory_space<vmem>>
      %dma_start3A_1216 = tpu.memref_squeeze %dma_start3A_1215 : memref<1x128xi32, #tpu.memory_space<vmem>> -> memref<128xi32, #tpu.memory_space<vmem>>
      %dma_start3A_1217 = arith.constant 0 : i32
      %dma_start3A_1218 = arith.constant 0 : i32
      %dma_start3A_1219 = tpu.memref_slice %arg2[%dma_start3A_1217, %dma_start3A_1218] : memref<1882384x8xf32, #tpu.memory_space<hbm>> -> memref<1882384x8xf32, #tpu.memory_space<hbm>>
      tpu.enqueue_indirect_dma source(%dma_start3A_1219 : memref<1882384x8xf32, #tpu.memory_space<hbm>>) target(%dma_start3A_1213 : memref<128x8xf32, #tpu.memory_space<vmem>>) offsets(%dma_start3A_1216 : memref<128xi32, #tpu.memory_space<vmem>>) semaphore(%arg14 : memref<!tpu.dma_semaphore, #tpu.memory_space<semaphore_mem>>)
      %dma_start3A_1220 = arith.constant 4 : i32
      %dma_start3A_1221 = arith.constant 512 : i32
      %dma_start3A_1222 = arith.constant 0 : i32
      %dma_start3A_1223 = tpu.memref_slice %arg9[%dma_start3A_1221, %dma_start3A_1222] : memref<2304x8xf32, #tpu.memory_space<vmem>> -> memref<128x8xf32, #tpu.memory_space<vmem>>
      %dma_start3A_1224 = arith.constant 0 : i32
      %dma_start3A_1225 = tpu.memref_slice %arg7[%dma_start3A_1220, %dma_start3A_1224] : memref<18x128xi32, #tpu.memory_space<vmem>> -> memref<1x128xi32, #tpu.memory_space<vmem>>
      %dma_start3A_1226 = tpu.memref_squeeze %dma_start3A_1225 : memref<1x128xi32, #tpu.memory_space<vmem>> -> memref<128xi32, #tpu.memory_space<vmem>>
      %dma_start3A_1227 = arith.constant 0 : i32
      %dma_start3A_1228 = arith.constant 0 : i32
      %dma_start3A_1229 = tpu.memref_slice %arg2[%dma_start3A_1227, %dma_start3A_1228] : memref<1882384x8xf32, #tpu.memory_space<hbm>> -> memref<1882384x8xf32, #tpu.memory_space<hbm>>
      tpu.enqueue_indirect_dma source(%dma_start3A_1229 : memref<1882384x8xf32, #tpu.memory_space<hbm>>) target(%dma_start3A_1223 : memref<128x8xf32, #tpu.memory_space<vmem>>) offsets(%dma_start3A_1226 : memref<128xi32, #tpu.memory_space<vmem>>) semaphore(%arg14 : memref<!tpu.dma_semaphore, #tpu.memory_space<semaphore_mem>>)
      %dma_start3A_1230 = arith.constant 5 : i32
      %dma_start3A_1231 = arith.constant 640 : i32
      %dma_start3A_1232 = arith.constant 0 : i32
      %dma_start3A_1233 = tpu.memref_slice %arg9[%dma_start3A_1231, %dma_start3A_1232] : memref<2304x8xf32, #tpu.memory_space<vmem>> -> memref<128x8xf32, #tpu.memory_space<vmem>>
      %dma_start3A_1234 = arith.constant 0 : i32
      %dma_start3A_1235 = tpu.memref_slice %arg7[%dma_start3A_1230, %dma_start3A_1234] : memref<18x128xi32, #tpu.memory_space<vmem>> -> memref<1x128xi32, #tpu.memory_space<vmem>>
      %dma_start3A_1236 = tpu.memref_squeeze %dma_start3A_1235 : memref<1x128xi32, #tpu.memory_space<vmem>> -> memref<128xi32, #tpu.memory_space<vmem>>
      %dma_start3A_1237 = arith.constant 0 : i32
      %dma_start3A_1238 = arith.constant 0 : i32
      %dma_start3A_1239 = tpu.memref_slice %arg2[%dma_start3A_1237, %dma_start3A_1238] : memref<1882384x8xf32, #tpu.memory_space<hbm>> -> memref<1882384x8xf32, #tpu.memory_space<hbm>>
      tpu.enqueue_indirect_dma source(%dma_start3A_1239 : memref<1882384x8xf32, #tpu.memory_space<hbm>>) target(%dma_start3A_1233 : memref<128x8xf32, #tpu.memory_space<vmem>>) offsets(%dma_start3A_1236 : memref<128xi32, #tpu.memory_space<vmem>>) semaphore(%arg14 : memref<!tpu.dma_semaphore, #tpu.memory_space<semaphore_mem>>)
      %dma_start3A_1240 = arith.constant 6 : i32
      %dma_start3A_1241 = arith.constant 768 : i32
      %dma_start3A_1242 = arith.constant 0 : i32
      %dma_start3A_1243 = tpu.memref_slice %arg9[%dma_start3A_1241, %dma_start3A_1242] : memref<2304x8xf32, #tpu.memory_space<vmem>> -> memref<128x8xf32, #tpu.memory_space<vmem>>
      %dma_start3A_1244 = arith.constant 0 : i32
      %dma_start3A_1245 = tpu.memref_slice %arg7[%dma_start3A_1240, %dma_start3A_1244] : memref<18x128xi32, #tpu.memory_space<vmem>> -> memref<1x128xi32, #tpu.memory_space<vmem>>
      %dma_start3A_1246 = tpu.memref_squeeze %dma_start3A_1245 : memref<1x128xi32, #tpu.memory_space<vmem>> -> memref<128xi32, #tpu.memory_space<vmem>>
      %dma_start3A_1247 = arith.constant 0 : i32
      %dma_start3A_1248 = arith.constant 0 : i32
      %dma_start3A_1249 = tpu.memref_slice %arg2[%dma_start3A_1247, %dma_start3A_1248] : memref<1882384x8xf32, #tpu.memory_space<hbm>> -> memref<1882384x8xf32, #tpu.memory_space<hbm>>
      tpu.enqueue_indirect_dma source(%dma_start3A_1249 : memref<1882384x8xf32, #tpu.memory_space<hbm>>) target(%dma_start3A_1243 : memref<128x8xf32, #tpu.memory_space<vmem>>) offsets(%dma_start3A_1246 : memref<128xi32, #tpu.memory_space<vmem>>) semaphore(%arg14 : memref<!tpu.dma_semaphore, #tpu.memory_space<semaphore_mem>>)
      %dma_start3A_1250 = arith.constant 7 : i32
      %dma_start3A_1251 = arith.constant 896 : i32
      %dma_start3A_1252 = arith.constant 0 : i32
      %dma_start3A_1253 = tpu.memref_slice %arg9[%dma_start3A_1251, %dma_start3A_1252] : memref<2304x8xf32, #tpu.memory_space<vmem>> -> memref<128x8xf32, #tpu.memory_space<vmem>>
      %dma_start3A_1254 = arith.constant 0 : i32
      %dma_start3A_1255 = tpu.memref_slice %arg7[%dma_start3A_1250, %dma_start3A_1254] : memref<18x128xi32, #tpu.memory_space<vmem>> -> memref<1x128xi32, #tpu.memory_space<vmem>>
      %dma_start3A_1256 = tpu.memref_squeeze %dma_start3A_1255 : memref<1x128xi32, #tpu.memory_space<vmem>> -> memref<128xi32, #tpu.memory_space<vmem>>
      %dma_start3A_1257 = arith.constant 0 : i32
      %dma_start3A_1258 = arith.constant 0 : i32
      %dma_start3A_1259 = tpu.memref_slice %arg2[%dma_start3A_1257, %dma_start3A_1258] : memref<1882384x8xf32, #tpu.memory_space<hbm>> -> memref<1882384x8xf32, #tpu.memory_space<hbm>>
      tpu.enqueue_indirect_dma source(%dma_start3A_1259 : memref<1882384x8xf32, #tpu.memory_space<hbm>>) target(%dma_start3A_1253 : memref<128x8xf32, #tpu.memory_space<vmem>>) offsets(%dma_start3A_1256 : memref<128xi32, #tpu.memory_space<vmem>>) semaphore(%arg14 : memref<!tpu.dma_semaphore, #tpu.memory_space<semaphore_mem>>)
      %dma_start3A_1260 = arith.constant 8 : i32
      %dma_start3A_1261 = arith.constant 1024 : i32
      %dma_start3A_1262 = arith.constant 0 : i32
      %dma_start3A_1263 = tpu.memref_slice %arg9[%dma_start3A_1261, %dma_start3A_1262] : memref<2304x8xf32, #tpu.memory_space<vmem>> -> memref<128x8xf32, #tpu.memory_space<vmem>>
      %dma_start3A_1264 = arith.constant 0 : i32
      %dma_start3A_1265 = tpu.memref_slice %arg7[%dma_start3A_1260, %dma_start3A_1264] : memref<18x128xi32, #tpu.memory_space<vmem>> -> memref<1x128xi32, #tpu.memory_space<vmem>>
      %dma_start3A_1266 = tpu.memref_squeeze %dma_start3A_1265 : memref<1x128xi32, #tpu.memory_space<vmem>> -> memref<128xi32, #tpu.memory_space<vmem>>
      %dma_start3A_1267 = arith.constant 0 : i32
      %dma_start3A_1268 = arith.constant 0 : i32
      %dma_start3A_1269 = tpu.memref_slice %arg2[%dma_start3A_1267, %dma_start3A_1268] : memref<1882384x8xf32, #tpu.memory_space<hbm>> -> memref<1882384x8xf32, #tpu.memory_space<hbm>>
      tpu.enqueue_indirect_dma source(%dma_start3A_1269 : memref<1882384x8xf32, #tpu.memory_space<hbm>>) target(%dma_start3A_1263 : memref<128x8xf32, #tpu.memory_space<vmem>>) offsets(%dma_start3A_1266 : memref<128xi32, #tpu.memory_space<vmem>>) semaphore(%arg14 : memref<!tpu.dma_semaphore, #tpu.memory_space<semaphore_mem>>)
      %dma_start3A_1270 = arith.constant 9 : i32
      %dma_start3A_1271 = arith.constant 1152 : i32
      %dma_start3A_1272 = arith.constant 0 : i32
      %dma_start3A_1273 = tpu.memref_slice %arg9[%dma_start3A_1271, %dma_start3A_1272] : memref<2304x8xf32, #tpu.memory_space<vmem>> -> memref<128x8xf32, #tpu.memory_space<vmem>>
      %dma_start3A_1274 = arith.constant 0 : i32
      %dma_start3A_1275 = tpu.memref_slice %arg7[%dma_start3A_1270, %dma_start3A_1274] : memref<18x128xi32, #tpu.memory_space<vmem>> -> memref<1x128xi32, #tpu.memory_space<vmem>>
      %dma_start3A_1276 = tpu.memref_squeeze %dma_start3A_1275 : memref<1x128xi32, #tpu.memory_space<vmem>> -> memref<128xi32, #tpu.memory_space<vmem>>
      %dma_start3A_1277 = arith.constant 0 : i32
      %dma_start3A_1278 = arith.constant 0 : i32
      %dma_start3A_1279 = tpu.memref_slice %arg2[%dma_start3A_1277, %dma_start3A_1278] : memref<1882384x8xf32, #tpu.memory_space<hbm>> -> memref<1882384x8xf32, #tpu.memory_space<hbm>>
      tpu.enqueue_indirect_dma source(%dma_start3A_1279 : memref<1882384x8xf32, #tpu.memory_space<hbm>>) target(%dma_start3A_1273 : memref<128x8xf32, #tpu.memory_space<vmem>>) offsets(%dma_start3A_1276 : memref<128xi32, #tpu.memory_space<vmem>>) semaphore(%arg14 : memref<!tpu.dma_semaphore, #tpu.memory_space<semaphore_mem>>)
      %dma_start3A_1280 = arith.constant 10 : i32
      %dma_start3A_1281 = arith.constant 1280 : i32
      %dma_start3A_1282 = arith.constant 0 : i32
      %dma_start3A_1283 = tpu.memref_slice %arg9[%dma_start3A_1281, %dma_start3A_1282] : memref<2304x8xf32, #tpu.memory_space<vmem>> -> memref<128x8xf32, #tpu.memory_space<vmem>>
      %dma_start3A_1284 = arith.constant 0 : i32
      %dma_start3A_1285 = tpu.memref_slice %arg7[%dma_start3A_1280, %dma_start3A_1284] : memref<18x128xi32, #tpu.memory_space<vmem>> -> memref<1x128xi32, #tpu.memory_space<vmem>>
      %dma_start3A_1286 = tpu.memref_squeeze %dma_start3A_1285 : memref<1x128xi32, #tpu.memory_space<vmem>> -> memref<128xi32, #tpu.memory_space<vmem>>
      %dma_start3A_1287 = arith.constant 0 : i32
      %dma_start3A_1288 = arith.constant 0 : i32
      %dma_start3A_1289 = tpu.memref_slice %arg2[%dma_start3A_1287, %dma_start3A_1288] : memref<1882384x8xf32, #tpu.memory_space<hbm>> -> memref<1882384x8xf32, #tpu.memory_space<hbm>>
      tpu.enqueue_indirect_dma source(%dma_start3A_1289 : memref<1882384x8xf32, #tpu.memory_space<hbm>>) target(%dma_start3A_1283 : memref<128x8xf32, #tpu.memory_space<vmem>>) offsets(%dma_start3A_1286 : memref<128xi32, #tpu.memory_space<vmem>>) semaphore(%arg14 : memref<!tpu.dma_semaphore, #tpu.memory_space<semaphore_mem>>)
      %dma_start3A_1290 = arith.constant 11 : i32
      %dma_start3A_1291 = arith.constant 1408 : i32
      %dma_start3A_1292 = arith.constant 0 : i32
      %dma_start3A_1293 = tpu.memref_slice %arg9[%dma_start3A_1291, %dma_start3A_1292] : memref<2304x8xf32, #tpu.memory_space<vmem>> -> memref<128x8xf32, #tpu.memory_space<vmem>>
      %dma_start3A_1294 = arith.constant 0 : i32
      %dma_start3A_1295 = tpu.memref_slice %arg7[%dma_start3A_1290, %dma_start3A_1294] : memref<18x128xi32, #tpu.memory_space<vmem>> -> memref<1x128xi32, #tpu.memory_space<vmem>>
      %dma_start3A_1296 = tpu.memref_squeeze %dma_start3A_1295 : memref<1x128xi32, #tpu.memory_space<vmem>> -> memref<128xi32, #tpu.memory_space<vmem>>
      %dma_start3A_1297 = arith.constant 0 : i32
      %dma_start3A_1298 = arith.constant 0 : i32
      %dma_start3A_1299 = tpu.memref_slice %arg2[%dma_start3A_1297, %dma_start3A_1298] : memref<1882384x8xf32, #tpu.memory_space<hbm>> -> memref<1882384x8xf32, #tpu.memory_space<hbm>>
      tpu.enqueue_indirect_dma source(%dma_start3A_1299 : memref<1882384x8xf32, #tpu.memory_space<hbm>>) target(%dma_start3A_1293 : memref<128x8xf32, #tpu.memory_space<vmem>>) offsets(%dma_start3A_1296 : memref<128xi32, #tpu.memory_space<vmem>>) semaphore(%arg14 : memref<!tpu.dma_semaphore, #tpu.memory_space<semaphore_mem>>)
      %dma_start3A_1300 = arith.constant 12 : i32
      %dma_start3A_1301 = arith.constant 1536 : i32
      %dma_start3A_1302 = arith.constant 0 : i32
      %dma_start3A_1303 = tpu.memref_slice %arg9[%dma_start3A_1301, %dma_start3A_1302] : memref<2304x8xf32, #tpu.memory_space<vmem>> -> memref<128x8xf32, #tpu.memory_space<vmem>>
      %dma_start3A_1304 = arith.constant 0 : i32
      %dma_start3A_1305 = tpu.memref_slice %arg7[%dma_start3A_1300, %dma_start3A_1304] : memref<18x128xi32, #tpu.memory_space<vmem>> -> memref<1x128xi32, #tpu.memory_space<vmem>>
      %dma_start3A_1306 = tpu.memref_squeeze %dma_start3A_1305 : memref<1x128xi32, #tpu.memory_space<vmem>> -> memref<128xi32, #tpu.memory_space<vmem>>
      %dma_start3A_1307 = arith.constant 0 : i32
      %dma_start3A_1308 = arith.constant 0 : i32
      %dma_start3A_1309 = tpu.memref_slice %arg2[%dma_start3A_1307, %dma_start3A_1308] : memref<1882384x8xf32, #tpu.memory_space<hbm>> -> memref<1882384x8xf32, #tpu.memory_space<hbm>>
      tpu.enqueue_indirect_dma source(%dma_start3A_1309 : memref<1882384x8xf32, #tpu.memory_space<hbm>>) target(%dma_start3A_1303 : memref<128x8xf32, #tpu.memory_space<vmem>>) offsets(%dma_start3A_1306 : memref<128xi32, #tpu.memory_space<vmem>>) semaphore(%arg14 : memref<!tpu.dma_semaphore, #tpu.memory_space<semaphore_mem>>)
      %dma_start3A_1310 = arith.constant 13 : i32
      %dma_start3A_1311 = arith.constant 1664 : i32
      %dma_start3A_1312 = arith.constant 0 : i32
      %dma_start3A_1313 = tpu.memref_slice %arg9[%dma_start3A_1311, %dma_start3A_1312] : memref<2304x8xf32, #tpu.memory_space<vmem>> -> memref<128x8xf32, #tpu.memory_space<vmem>>
      %dma_start3A_1314 = arith.constant 0 : i32
      %dma_start3A_1315 = tpu.memref_slice %arg7[%dma_start3A_1310, %dma_start3A_1314] : memref<18x128xi32, #tpu.memory_space<vmem>> -> memref<1x128xi32, #tpu.memory_space<vmem>>
      %dma_start3A_1316 = tpu.memref_squeeze %dma_start3A_1315 : memref<1x128xi32, #tpu.memory_space<vmem>> -> memref<128xi32, #tpu.memory_space<vmem>>
      %dma_start3A_1317 = arith.constant 0 : i32
      %dma_start3A_1318 = arith.constant 0 : i32
      %dma_start3A_1319 = tpu.memref_slice %arg2[%dma_start3A_1317, %dma_start3A_1318] : memref<1882384x8xf32, #tpu.memory_space<hbm>> -> memref<1882384x8xf32, #tpu.memory_space<hbm>>
      tpu.enqueue_indirect_dma source(%dma_start3A_1319 : memref<1882384x8xf32, #tpu.memory_space<hbm>>) target(%dma_start3A_1313 : memref<128x8xf32, #tpu.memory_space<vmem>>) offsets(%dma_start3A_1316 : memref<128xi32, #tpu.memory_space<vmem>>) semaphore(%arg14 : memref<!tpu.dma_semaphore, #tpu.memory_space<semaphore_mem>>)
      %dma_start3A_1320 = arith.constant 14 : i32
      %dma_start3A_1321 = arith.constant 1792 : i32
      %dma_start3A_1322 = arith.constant 0 : i32
      %dma_start3A_1323 = tpu.memref_slice %arg9[%dma_start3A_1321, %dma_start3A_1322] : memref<2304x8xf32, #tpu.memory_space<vmem>> -> memref<128x8xf32, #tpu.memory_space<vmem>>
      %dma_start3A_1324 = arith.constant 0 : i32
      %dma_start3A_1325 = tpu.memref_slice %arg7[%dma_start3A_1320, %dma_start3A_1324] : memref<18x128xi32, #tpu.memory_space<vmem>> -> memref<1x128xi32, #tpu.memory_space<vmem>>
      %dma_start3A_1326 = tpu.memref_squeeze %dma_start3A_1325 : memref<1x128xi32, #tpu.memory_space<vmem>> -> memref<128xi32, #tpu.memory_space<vmem>>
      %dma_start3A_1327 = arith.constant 0 : i32
      %dma_start3A_1328 = arith.constant 0 : i32
      %dma_start3A_1329 = tpu.memref_slice %arg2[%dma_start3A_1327, %dma_start3A_1328] : memref<1882384x8xf32, #tpu.memory_space<hbm>> -> memref<1882384x8xf32, #tpu.memory_space<hbm>>
      tpu.enqueue_indirect_dma source(%dma_start3A_1329 : memref<1882384x8xf32, #tpu.memory_space<hbm>>) target(%dma_start3A_1323 : memref<128x8xf32, #tpu.memory_space<vmem>>) offsets(%dma_start3A_1326 : memref<128xi32, #tpu.memory_space<vmem>>) semaphore(%arg14 : memref<!tpu.dma_semaphore, #tpu.memory_space<semaphore_mem>>)
      %dma_start3A_1330 = arith.constant 15 : i32
      %dma_start3A_1331 = arith.constant 1920 : i32
      %dma_start3A_1332 = arith.constant 0 : i32
      %dma_start3A_1333 = tpu.memref_slice %arg9[%dma_start3A_1331, %dma_start3A_1332] : memref<2304x8xf32, #tpu.memory_space<vmem>> -> memref<128x8xf32, #tpu.memory_space<vmem>>
      %dma_start3A_1334 = arith.constant 0 : i32
      %dma_start3A_1335 = tpu.memref_slice %arg7[%dma_start3A_1330, %dma_start3A_1334] : memref<18x128xi32, #tpu.memory_space<vmem>> -> memref<1x128xi32, #tpu.memory_space<vmem>>
      %dma_start3A_1336 = tpu.memref_squeeze %dma_start3A_1335 : memref<1x128xi32, #tpu.memory_space<vmem>> -> memref<128xi32, #tpu.memory_space<vmem>>
      %dma_start3A_1337 = arith.constant 0 : i32
      %dma_start3A_1338 = arith.constant 0 : i32
      %dma_start3A_1339 = tpu.memref_slice %arg2[%dma_start3A_1337, %dma_start3A_1338] : memref<1882384x8xf32, #tpu.memory_space<hbm>> -> memref<1882384x8xf32, #tpu.memory_space<hbm>>
      tpu.enqueue_indirect_dma source(%dma_start3A_1339 : memref<1882384x8xf32, #tpu.memory_space<hbm>>) target(%dma_start3A_1333 : memref<128x8xf32, #tpu.memory_space<vmem>>) offsets(%dma_start3A_1336 : memref<128xi32, #tpu.memory_space<vmem>>) semaphore(%arg14 : memref<!tpu.dma_semaphore, #tpu.memory_space<semaphore_mem>>)
      %dma_start3A_1340 = arith.constant 16 : i32
      %dma_start3A_1341 = arith.constant 2048 : i32
      %dma_start3A_1342 = arith.constant 0 : i32
      %dma_start3A_1343 = tpu.memref_slice %arg9[%dma_start3A_1341, %dma_start3A_1342] : memref<2304x8xf32, #tpu.memory_space<vmem>> -> memref<128x8xf32, #tpu.memory_space<vmem>>
      %dma_start3A_1344 = arith.constant 0 : i32
      %dma_start3A_1345 = tpu.memref_slice %arg7[%dma_start3A_1340, %dma_start3A_1344] : memref<18x128xi32, #tpu.memory_space<vmem>> -> memref<1x128xi32, #tpu.memory_space<vmem>>
      %dma_start3A_1346 = tpu.memref_squeeze %dma_start3A_1345 : memref<1x128xi32, #tpu.memory_space<vmem>> -> memref<128xi32, #tpu.memory_space<vmem>>
      %dma_start3A_1347 = arith.constant 0 : i32
      %dma_start3A_1348 = arith.constant 0 : i32
      %dma_start3A_1349 = tpu.memref_slice %arg2[%dma_start3A_1347, %dma_start3A_1348] : memref<1882384x8xf32, #tpu.memory_space<hbm>> -> memref<1882384x8xf32, #tpu.memory_space<hbm>>
      tpu.enqueue_indirect_dma source(%dma_start3A_1349 : memref<1882384x8xf32, #tpu.memory_space<hbm>>) target(%dma_start3A_1343 : memref<128x8xf32, #tpu.memory_space<vmem>>) offsets(%dma_start3A_1346 : memref<128xi32, #tpu.memory_space<vmem>>) semaphore(%arg14 : memref<!tpu.dma_semaphore, #tpu.memory_space<semaphore_mem>>)
      %dma_start3A_1350 = arith.constant 17 : i32
      %dma_start3A_1351 = arith.constant 2176 : i32
      %dma_start3A_1352 = arith.constant 0 : i32
      %dma_start3A_1353 = tpu.memref_slice %arg9[%dma_start3A_1351, %dma_start3A_1352] : memref<2304x8xf32, #tpu.memory_space<vmem>> -> memref<128x8xf32, #tpu.memory_space<vmem>>
      %dma_start3A_1354 = arith.constant 0 : i32
      %dma_start3A_1355 = tpu.memref_slice %arg7[%dma_start3A_1350, %dma_start3A_1354] : memref<18x128xi32, #tpu.memory_space<vmem>> -> memref<1x128xi32, #tpu.memory_space<vmem>>
      %dma_start3A_1356 = tpu.memref_squeeze %dma_start3A_1355 : memref<1x128xi32, #tpu.memory_space<vmem>> -> memref<128xi32, #tpu.memory_space<vmem>>
      %dma_start3A_1357 = arith.constant 0 : i32
      %dma_start3A_1358 = arith.constant 0 : i32
      %dma_start3A_1359 = tpu.memref_slice %arg2[%dma_start3A_1357, %dma_start3A_1358] : memref<1882384x8xf32, #tpu.memory_space<hbm>> -> memref<1882384x8xf32, #tpu.memory_space<hbm>>
      tpu.enqueue_indirect_dma source(%dma_start3A_1359 : memref<1882384x8xf32, #tpu.memory_space<hbm>>) target(%dma_start3A_1353 : memref<128x8xf32, #tpu.memory_space<vmem>>) offsets(%dma_start3A_1356 : memref<128xi32, #tpu.memory_space<vmem>>) semaphore(%arg14 : memref<!tpu.dma_semaphore, #tpu.memory_space<semaphore_mem>>)
      %add3A_1360 = arith.constant 2 : i32
      %add3A_1361 = arith.addi %add3A_711, %add3A_1360 : i32
      %mul3A_1362 = arith.constant 2304 : i32
      %mul3A_1363 = arith.muli %add3A_1361, %mul3A_1362 : i32
      %add3A_1364 = arith.addi %mul3A_2, %mul3A_1363 : i32
      %jit3A_1365 = arith.constant 9216 : i32
      %div3A_1366 = arith.divsi %add3A_1364, %jit3A_1365 : i32
      %sign3A_1367 = arith.constant 0 : i32
      %sign3A_1368 = arith.cmpi sgt, %add3A_1364, %sign3A_1367 : i32
      %sign3A_1369 = arith.extui %sign3A_1368 : i1 to i32
      %sign3A_1370 = arith.constant 0 : i32
      %sign3A_1371 = arith.cmpi slt, %add3A_1364, %sign3A_1370 : i32
      %sign3A_1372 = arith.extui %sign3A_1371 : i1 to i32
      %sign3A_1373 = arith.subi %sign3A_1369, %sign3A_1372 : i32
      %sign3A_1374 = arith.constant 0 : i32
      %sign3A_1375 = arith.cmpi sgt, %jit3A_1365, %sign3A_1374 : i32
      %sign3A_1376 = arith.extui %sign3A_1375 : i1 to i32
      %sign3A_1377 = arith.constant 0 : i32
      %sign3A_1378 = arith.cmpi slt, %jit3A_1365, %sign3A_1377 : i32
      %sign3A_1379 = arith.extui %sign3A_1378 : i1 to i32
      %sign3A_1380 = arith.subi %sign3A_1376, %sign3A_1379 : i32
      %ne3A_1381 = arith.cmpi ne, %sign3A_1373, %sign3A_1380 : i32
      %rem3A_1382 = arith.remsi %add3A_1364, %jit3A_1365 : i32
      %ne3A_1383 = arith.constant 0 : i32
      %ne3A_1384 = arith.cmpi ne, %rem3A_1382, %ne3A_1383 : i32
      %and3A_1385 = arith.andi %ne3A_1381, %ne3A_1384 : i1
      %sub3A_1386 = arith.constant 1 : i32
      %sub3A_1387 = arith.subi %div3A_1366, %sub3A_1386 : i32
      %select_n3A_1388 = arith.select %and3A_1385, %sub3A_1387, %div3A_1366 : i32
      %mul3A_1389 = arith.constant 9216 : i32
      %mul3A_1390 = arith.muli %select_n3A_1388, %mul3A_1389 : i32
      %sub3A_1391 = arith.subi %add3A_1364, %mul3A_1390 : i32
      %mul3A_1392 = arith.constant 27648 : i32
      %mul3A_1393 = arith.muli %select_n3A_1388, %mul3A_1392 : i32
      %add3A_1394 = arith.addi %mul3A_1393, %sub3A_1391 : i32
      %add3A_1395 = arith.constant 0 : i32
      %add3A_1396 = arith.addi %add3A_1394, %add3A_1395 : i32
      %dma_start3A_1397 = arith.constant 0 : i32
      %dma_start3A_1398 = arith.constant 0 : i32
      %dma_start3A_1399 = tpu.memref_slice %arg6[%dma_start3A_1397, %dma_start3A_1398] : memref<3x2304xf32, #tpu.memory_space<vmem>> -> memref<1x2304xf32, #tpu.memory_space<vmem>>
      %dma_start3A_1400 = tpu.memref_squeeze %dma_start3A_1399 : memref<1x2304xf32, #tpu.memory_space<vmem>> -> memref<2304xf32, #tpu.memory_space<vmem>>
      %dma_start3A_1401 = tpu.memref_slice %arg3[%add3A_1396] : memref<5308416xf32, #tpu.memory_space<hbm>> -> memref<2304xf32, #tpu.memory_space<hbm>>
      %dma_start3A_1402 = arith.constant 0 : i32
      %dma_start3A_1403 = tpu.memref_slice %arg6[%dma_start3A_1397, %dma_start3A_1402] : memref<3x2304xf32, #tpu.memory_space<vmem>> -> memref<1x2304xf32, #tpu.memory_space<vmem>>
      %dma_start3A_1404 = tpu.memref_squeeze %dma_start3A_1403 : memref<1x2304xf32, #tpu.memory_space<vmem>> -> memref<2304xf32, #tpu.memory_space<vmem>>
      %dma_start3A_1405 = tpu.memref_slice %arg3[%add3A_1396] : memref<5308416xf32, #tpu.memory_space<hbm>> -> memref<2304xf32, #tpu.memory_space<hbm>>
      tpu.enqueue_dma source(%dma_start3A_1405 : memref<2304xf32, #tpu.memory_space<hbm>>) target(%dma_start3A_1404 : memref<2304xf32, #tpu.memory_space<vmem>>) target_semaphore(%arg17 : memref<!tpu.dma_semaphore, #tpu.memory_space<semaphore_mem>>)
      %add3A_1406 = arith.constant 9216 : i32
      %add3A_1407 = arith.addi %add3A_1394, %add3A_1406 : i32
      %dma_start3A_1408 = arith.constant 1 : i32
      %dma_start3A_1409 = arith.constant 0 : i32
      %dma_start3A_1410 = tpu.memref_slice %arg6[%dma_start3A_1408, %dma_start3A_1409] : memref<3x2304xf32, #tpu.memory_space<vmem>> -> memref<1x2304xf32, #tpu.memory_space<vmem>>
      %dma_start3A_1411 = tpu.memref_squeeze %dma_start3A_1410 : memref<1x2304xf32, #tpu.memory_space<vmem>> -> memref<2304xf32, #tpu.memory_space<vmem>>
      %dma_start3A_1412 = tpu.memref_slice %arg3[%add3A_1407] : memref<5308416xf32, #tpu.memory_space<hbm>> -> memref<2304xf32, #tpu.memory_space<hbm>>
      %dma_start3A_1413 = arith.constant 0 : i32
      %dma_start3A_1414 = tpu.memref_slice %arg6[%dma_start3A_1408, %dma_start3A_1413] : memref<3x2304xf32, #tpu.memory_space<vmem>> -> memref<1x2304xf32, #tpu.memory_space<vmem>>
      %dma_start3A_1415 = tpu.memref_squeeze %dma_start3A_1414 : memref<1x2304xf32, #tpu.memory_space<vmem>> -> memref<2304xf32, #tpu.memory_space<vmem>>
      %dma_start3A_1416 = tpu.memref_slice %arg3[%add3A_1407] : memref<5308416xf32, #tpu.memory_space<hbm>> -> memref<2304xf32, #tpu.memory_space<hbm>>
      tpu.enqueue_dma source(%dma_start3A_1416 : memref<2304xf32, #tpu.memory_space<hbm>>) target(%dma_start3A_1415 : memref<2304xf32, #tpu.memory_space<vmem>>) target_semaphore(%arg17 : memref<!tpu.dma_semaphore, #tpu.memory_space<semaphore_mem>>)
      %add3A_1417 = arith.constant 18432 : i32
      %add3A_1418 = arith.addi %add3A_1394, %add3A_1417 : i32
      %dma_start3A_1419 = arith.constant 2 : i32
      %dma_start3A_1420 = arith.constant 0 : i32
      %dma_start3A_1421 = tpu.memref_slice %arg6[%dma_start3A_1419, %dma_start3A_1420] : memref<3x2304xf32, #tpu.memory_space<vmem>> -> memref<1x2304xf32, #tpu.memory_space<vmem>>
      %dma_start3A_1422 = tpu.memref_squeeze %dma_start3A_1421 : memref<1x2304xf32, #tpu.memory_space<vmem>> -> memref<2304xf32, #tpu.memory_space<vmem>>
      %dma_start3A_1423 = tpu.memref_slice %arg3[%add3A_1418] : memref<5308416xf32, #tpu.memory_space<hbm>> -> memref<2304xf32, #tpu.memory_space<hbm>>
      %dma_start3A_1424 = arith.constant 0 : i32
      %dma_start3A_1425 = tpu.memref_slice %arg6[%dma_start3A_1419, %dma_start3A_1424] : memref<3x2304xf32, #tpu.memory_space<vmem>> -> memref<1x2304xf32, #tpu.memory_space<vmem>>
      %dma_start3A_1426 = tpu.memref_squeeze %dma_start3A_1425 : memref<1x2304xf32, #tpu.memory_space<vmem>> -> memref<2304xf32, #tpu.memory_space<vmem>>
      %dma_start3A_1427 = tpu.memref_slice %arg3[%add3A_1418] : memref<5308416xf32, #tpu.memory_space<hbm>> -> memref<2304xf32, #tpu.memory_space<hbm>>
      tpu.enqueue_dma source(%dma_start3A_1427 : memref<2304xf32, #tpu.memory_space<hbm>>) target(%dma_start3A_1426 : memref<2304xf32, #tpu.memory_space<vmem>>) target_semaphore(%arg17 : memref<!tpu.dma_semaphore, #tpu.memory_space<semaphore_mem>>)
      %scan3A_1428 = arith.constant 0 : i32
      %scan3A_1429 = arith.constant 144 : i32
      %scan3A_1430 = arith.addi %scan3A_1428, %scan3A_1429 : i32
      %scan3A_1431 = arith.constant 1 : i32
      scf.for %scan3A_1436 = %scan3A_1428 to %scan3A_1430 step %scan3A_1431  : i32 {
        %mul3A_1437 = arith.constant 16 : i32
        %mul3A_1438 = arith.muli %scan3A_1436, %mul3A_1437 : i32
        %add3A_1439 = vector.broadcast %mul3A_1438 : i32 to vector<16xi32>
        %add3A_1440 = arith.addi %add3A_1439, %iota3A : vector<16xi32>
        %get3A = arith.constant 0 : i32
        %get3A_1441 = arith.index_cast %get3A : i32 to index
        %get3A_1442 = arith.index_cast %mul3A_1438 : i32 to index
        %get3A_1443 = tpu.vector_load %arg12[%get3A_1441, %get3A_1442] {strides = array<i32>} : memref<6x2304xf32, #tpu.memory_space<vmem>>, vector<16xf32>,
        %get3A_1444 = arith.constant 1 : i32
        %get3A_1445 = arith.index_cast %get3A_1444 : i32 to index
        %get3A_1446 = arith.index_cast %mul3A_1438 : i32 to index
        %get3A_1447 = tpu.vector_load %arg12[%get3A_1445, %get3A_1446] {strides = array<i32>} : memref<6x2304xf32, #tpu.memory_space<vmem>>, vector<16xf32>,
        %get3A_1448 = arith.constant 2 : i32
        %get3A_1449 = arith.index_cast %get3A_1448 : i32 to index
        %get3A_1450 = arith.index_cast %mul3A_1438 : i32 to index
        %get3A_1451 = tpu.vector_load %arg12[%get3A_1449, %get3A_1450] {strides = array<i32>} : memref<6x2304xf32, #tpu.memory_space<vmem>>, vector<16xf32>,
        %get3A_1452 = arith.constant 3 : i32
        %get3A_1453 = arith.index_cast %get3A_1452 : i32 to index
        %get3A_1454 = arith.index_cast %mul3A_1438 : i32 to index
        %get3A_1455 = tpu.vector_load %arg12[%get3A_1453, %get3A_1454] {strides = array<i32>} : memref<6x2304xf32, #tpu.memory_space<vmem>>, vector<16xf32>,
        %get3A_1456 = arith.constant 4 : i32
        %get3A_1457 = arith.index_cast %get3A_1456 : i32 to index
        %get3A_1458 = arith.index_cast %mul3A_1438 : i32 to index
        %get3A_1459 = tpu.vector_load %arg12[%get3A_1457, %get3A_1458] {strides = array<i32>} : memref<6x2304xf32, #tpu.memory_space<vmem>>, vector<16xf32>,
        %get3A_1460 = arith.constant 5 : i32
        %get3A_1461 = arith.index_cast %get3A_1460 : i32 to index
        %get3A_1462 = arith.index_cast %mul3A_1438 : i32 to index
        %get3A_1463 = tpu.vector_load %arg12[%get3A_1461, %get3A_1462] {strides = array<i32>} : memref<6x2304xf32, #tpu.memory_space<vmem>>, vector<16xf32>,
        %broadcast_in_dim3A = arith.constant 0 : i32
        %broadcast_in_dim3A_1464 = vector.broadcast %broadcast_in_dim3A : i32 to vector<16xi32>
        %gather3A = tpu.vector_load_idx %arg10[%add3A_1440, %broadcast_in_dim3A_1464] : memref<2304x8xf32, #tpu.memory_space<vmem>>[vector<16xi32>, vector<16xi32>], vector<16xf32>,
        %broadcast_in_dim3A_1465 = arith.constant 1 : i32
        %broadcast_in_dim3A_1466 = vector.broadcast %broadcast_in_dim3A_1465 : i32 to vector<16xi32>
        %gather3A_1467 = tpu.vector_load_idx %arg10[%add3A_1440, %broadcast_in_dim3A_1466] : memref<2304x8xf32, #tpu.memory_space<vmem>>[vector<16xi32>, vector<16xi32>], vector<16xf32>,
        %broadcast_in_dim3A_1468 = arith.constant 2 : i32
        %broadcast_in_dim3A_1469 = vector.broadcast %broadcast_in_dim3A_1468 : i32 to vector<16xi32>
        %gather3A_1470 = tpu.vector_load_idx %arg10[%add3A_1440, %broadcast_in_dim3A_1469] : memref<2304x8xf32, #tpu.memory_space<vmem>>[vector<16xi32>, vector<16xi32>], vector<16xf32>,
        %broadcast_in_dim3A_1471 = arith.constant 3 : i32
        %broadcast_in_dim3A_1472 = vector.broadcast %broadcast_in_dim3A_1471 : i32 to vector<16xi32>
        %gather3A_1473 = tpu.vector_load_idx %arg10[%add3A_1440, %broadcast_in_dim3A_1472] : memref<2304x8xf32, #tpu.memory_space<vmem>>[vector<16xi32>, vector<16xi32>], vector<16xf32>,
        %broadcast_in_dim3A_1474 = arith.constant 4 : i32
        %broadcast_in_dim3A_1475 = vector.broadcast %broadcast_in_dim3A_1474 : i32 to vector<16xi32>
        %gather3A_1476 = tpu.vector_load_idx %arg10[%add3A_1440, %broadcast_in_dim3A_1475] : memref<2304x8xf32, #tpu.memory_space<vmem>>[vector<16xi32>, vector<16xi32>], vector<16xf32>,
        %broadcast_in_dim3A_1477 = arith.constant 5 : i32
        %broadcast_in_dim3A_1478 = vector.broadcast %broadcast_in_dim3A_1477 : i32 to vector<16xi32>
        %gather3A_1479 = tpu.vector_load_idx %arg10[%add3A_1440, %broadcast_in_dim3A_1478] : memref<2304x8xf32, #tpu.memory_space<vmem>>[vector<16xi32>, vector<16xi32>], vector<16xf32>,
        %broadcast_in_dim3A_1480 = arith.constant 6 : i32
        %broadcast_in_dim3A_1481 = vector.broadcast %broadcast_in_dim3A_1480 : i32 to vector<16xi32>
        %gather3A_1482 = tpu.vector_load_idx %arg10[%add3A_1440, %broadcast_in_dim3A_1481] : memref<2304x8xf32, #tpu.memory_space<vmem>>[vector<16xi32>, vector<16xi32>], vector<16xf32>,
        %broadcast_in_dim3A_1483 = arith.constant 7 : i32
        %broadcast_in_dim3A_1484 = vector.broadcast %broadcast_in_dim3A_1483 : i32 to vector<16xi32>
        %gather3A_1485 = tpu.vector_load_idx %arg10[%add3A_1440, %broadcast_in_dim3A_1484] : memref<2304x8xf32, #tpu.memory_space<vmem>>[vector<16xi32>, vector<16xi32>], vector<16xf32>,
        %mul3A_1486 = arith.mulf %get3A_1459, %gather3A : vector<16xf32>
        %mul3A_1487 = arith.mulf %get3A_1463, %gather3A_1467 : vector<16xf32>
        %add3A_1488 = arith.addf %mul3A_1486, %mul3A_1487 : vector<16xf32>
        %mul3A_1489 = arith.mulf %get3A_1459, %gather3A_1470 : vector<16xf32>
        %mul3A_1490 = arith.mulf %get3A_1463, %gather3A_1473 : vector<16xf32>
        %add3A_1491 = arith.addf %mul3A_1489, %mul3A_1490 : vector<16xf32>
        %mul3A_1492 = arith.mulf %get3A_1459, %gather3A_1476 : vector<16xf32>
        %mul3A_1493 = arith.mulf %get3A_1463, %gather3A_1479 : vector<16xf32>
        %add3A_1494 = arith.addf %mul3A_1492, %mul3A_1493 : vector<16xf32>
        %mul3A_1495 = arith.mulf %get3A_1459, %gather3A_1482 : vector<16xf32>
        %mul3A_1496 = arith.mulf %get3A_1463, %gather3A_1485 : vector<16xf32>
        %add3A_1497 = arith.addf %mul3A_1495, %mul3A_1496 : vector<16xf32>
        %mul3A_1498 = arith.mulf %get3A_1451, %add3A_1488 : vector<16xf32>
        %mul3A_1499 = arith.mulf %get3A_1455, %add3A_1491 : vector<16xf32>
        %add3A_1500 = arith.addf %mul3A_1498, %mul3A_1499 : vector<16xf32>
        %mul3A_1501 = arith.mulf %get3A_1451, %add3A_1494 : vector<16xf32>
        %mul3A_1502 = arith.mulf %get3A_1455, %add3A_1497 : vector<16xf32>
        %add3A_1503 = arith.addf %mul3A_1501, %mul3A_1502 : vector<16xf32>
        %mul3A_1504 = arith.mulf %get3A_1443, %add3A_1500 : vector<16xf32>
        %mul3A_1505 = arith.mulf %get3A_1447, %add3A_1503 : vector<16xf32>
        %add3A_1506 = arith.addf %mul3A_1504, %mul3A_1505 : vector<16xf32>
        %swap3A = arith.index_cast %mul3A_1438 : i32 to index
        %swap3A_1507 = tpu.vector_load %arg13[%swap3A] {strides = array<i32>} : memref<2304xf32, #tpu.memory_space<vmem>>, vector<16xf32>,
        tpu.vector_store %arg13[%swap3A], %add3A_1506 {strides = array<i32>} : memref<2304xf32, #tpu.memory_space<vmem>>, vector<16xf32>,
      }
      %scan3A_1432 = arith.constant 144 : i32
      %mul3A_1433 = arith.constant 2304 : i32
      %mul3A_1434 = arith.muli %add3A_711, %mul3A_1433 : i32
      %add3A_1435 = arith.addi %mul3A_2, %mul3A_1434 : i32
      "tpu.region"() ({
        %run_scoped3A = tpu.sem_alloc : memref<!tpu.dma_semaphore, #tpu.memory_space<semaphore_mem>>
        %dma_start3A_1436 = tpu.memref_slice %arg4[%add3A_1435] : memref<1769472xf32, #tpu.memory_space<hbm>> -> memref<2304xf32, #tpu.memory_space<hbm>>
        %dma_start3A_1437 = tpu.memref_slice %arg4[%add3A_1435] : memref<1769472xf32, #tpu.memory_space<hbm>> -> memref<2304xf32, #tpu.memory_space<hbm>>
        tpu.enqueue_dma source(%arg13 : memref<2304xf32, #tpu.memory_space<vmem>>) target(%dma_start3A_1437 : memref<2304xf32, #tpu.memory_space<hbm>>) target_semaphore(%run_scoped3A : memref<!tpu.dma_semaphore, #tpu.memory_space<semaphore_mem>>)
        %dma_wait3A_1438 = tpu.memref_slice %arg4[%add3A_1435] : memref<1769472xf32, #tpu.memory_space<hbm>> -> memref<2304xf32, #tpu.memory_space<hbm>>
        %dma_wait3A_1439 = tpu.memref_slice %arg4[%add3A_1435] : memref<1769472xf32, #tpu.memory_space<hbm>> -> memref<2304xf32, #tpu.memory_space<hbm>>
        tpu.wait_dma2 semaphore(%run_scoped3A : memref<!tpu.dma_semaphore, #tpu.memory_space<semaphore_mem>>) src(%arg13 : memref<2304xf32, #tpu.memory_space<vmem>>) dst(%dma_wait3A_1439 : memref<2304xf32, #tpu.memory_space<hbm>>)
        tpu.yield
      }) : () -> ()
    }
    %scan3A_402 = arith.constant 11 : i32
    %dma_wait3A_403 = arith.constant 0 : i32
    %dma_wait3A_404 = arith.constant 0 : i32
    %dma_wait3A_405 = tpu.memref_slice %arg6[%dma_wait3A_403, %dma_wait3A_404] : memref<3x2304xf32, #tpu.memory_space<vmem>> -> memref<1x2304xf32, #tpu.memory_space<vmem>>
    %dma_wait3A_406 = tpu.memref_squeeze %dma_wait3A_405 : memref<1x2304xf32, #tpu.memory_space<vmem>> -> memref<2304xf32, #tpu.memory_space<vmem>>
    %dma_wait3A_407 = arith.constant 0 : i32
    %dma_wait3A_408 = tpu.memref_slice %arg3[%dma_wait3A_407] : memref<5308416xf32, #tpu.memory_space<hbm>> -> memref<2304xf32, #tpu.memory_space<hbm>>
    %dma_wait3A_409 = arith.constant 0 : i32
    %dma_wait3A_410 = tpu.memref_slice %arg6[%dma_wait3A_403, %dma_wait3A_409] : memref<3x2304xf32, #tpu.memory_space<vmem>> -> memref<1x2304xf32, #tpu.memory_space<vmem>>
    %dma_wait3A_411 = tpu.memref_squeeze %dma_wait3A_410 : memref<1x2304xf32, #tpu.memory_space<vmem>> -> memref<2304xf32, #tpu.memory_space<vmem>>
    %dma_wait3A_412 = arith.constant 0 : i32
    %dma_wait3A_413 = tpu.memref_slice %arg3[%dma_wait3A_412] : memref<5308416xf32, #tpu.memory_space<hbm>> -> memref<2304xf32, #tpu.memory_space<hbm>>
    tpu.wait_dma2 semaphore(%arg17 : memref<!tpu.dma_semaphore, #tpu.memory_space<semaphore_mem>>) src(%dma_wait3A_413 : memref<2304xf32, #tpu.memory_space<hbm>>) dst(%dma_wait3A_411 : memref<2304xf32, #tpu.memory_space<vmem>>)
    %dma_wait3A_414 = arith.constant 1 : i32
    %dma_wait3A_415 = arith.constant 0 : i32
    %dma_wait3A_416 = tpu.memref_slice %arg6[%dma_wait3A_414, %dma_wait3A_415] : memref<3x2304xf32, #tpu.memory_space<vmem>> -> memref<1x2304xf32, #tpu.memory_space<vmem>>
    %dma_wait3A_417 = tpu.memref_squeeze %dma_wait3A_416 : memref<1x2304xf32, #tpu.memory_space<vmem>> -> memref<2304xf32, #tpu.memory_space<vmem>>
    %dma_wait3A_418 = arith.constant 0 : i32
    %dma_wait3A_419 = tpu.memref_slice %arg3[%dma_wait3A_418] : memref<5308416xf32, #tpu.memory_space<hbm>> -> memref<2304xf32, #tpu.memory_space<hbm>>
    %dma_wait3A_420 = arith.constant 0 : i32
    %dma_wait3A_421 = tpu.memref_slice %arg6[%dma_wait3A_414, %dma_wait3A_420] : memref<3x2304xf32, #tpu.memory_space<vmem>> -> memref<1x2304xf32, #tpu.memory_space<vmem>>
    %dma_wait3A_422 = tpu.memref_squeeze %dma_wait3A_421 : memref<1x2304xf32, #tpu.memory_space<vmem>> -> memref<2304xf32, #tpu.memory_space<vmem>>
    %dma_wait3A_423 = arith.constant 0 : i32
    %dma_wait3A_424 = tpu.memref_slice %arg3[%dma_wait3A_423] : memref<5308416xf32, #tpu.memory_space<hbm>> -> memref<2304xf32, #tpu.memory_space<hbm>>
    tpu.wait_dma2 semaphore(%arg17 : memref<!tpu.dma_semaphore, #tpu.memory_space<semaphore_mem>>) src(%dma_wait3A_424 : memref<2304xf32, #tpu.memory_space<hbm>>) dst(%dma_wait3A_422 : memref<2304xf32, #tpu.memory_space<vmem>>)
    %dma_wait3A_425 = arith.constant 2 : i32
    %dma_wait3A_426 = arith.constant 0 : i32
    %dma_wait3A_427 = tpu.memref_slice %arg6[%dma_wait3A_425, %dma_wait3A_426] : memref<3x2304xf32, #tpu.memory_space<vmem>> -> memref<1x2304xf32, #tpu.memory_space<vmem>>
    %dma_wait3A_428 = tpu.memref_squeeze %dma_wait3A_427 : memref<1x2304xf32, #tpu.memory_space<vmem>> -> memref<2304xf32, #tpu.memory_space<vmem>>
    %dma_wait3A_429 = arith.constant 0 : i32
    %dma_wait3A_430 = tpu.memref_slice %arg3[%dma_wait3A_429] : memref<5308416xf32, #tpu.memory_space<hbm>> -> memref<2304xf32, #tpu.memory_space<hbm>>
    %dma_wait3A_431 = arith.constant 0 : i32
    %dma_wait3A_432 = tpu.memref_slice %arg6[%dma_wait3A_425, %dma_wait3A_431] : memref<3x2304xf32, #tpu.memory_space<vmem>> -> memref<1x2304xf32, #tpu.memory_space<vmem>>
    %dma_wait3A_433 = tpu.memref_squeeze %dma_wait3A_432 : memref<1x2304xf32, #tpu.memory_space<vmem>> -> memref<2304xf32, #tpu.memory_space<vmem>>
    %dma_wait3A_434 = arith.constant 0 : i32
    %dma_wait3A_435 = tpu.memref_slice %arg3[%dma_wait3A_434] : memref<5308416xf32, #tpu.memory_space<hbm>> -> memref<2304xf32, #tpu.memory_space<hbm>>
    tpu.wait_dma2 semaphore(%arg17 : memref<!tpu.dma_semaphore, #tpu.memory_space<semaphore_mem>>) src(%dma_wait3A_435 : memref<2304xf32, #tpu.memory_space<hbm>>) dst(%dma_wait3A_433 : memref<2304xf32, #tpu.memory_space<vmem>>)
    %add3A_436 = arith.constant 52992 : i32
    %add3A_437 = arith.addi %mul3A_2, %add3A_436 : i32
    %jit3A_438 = arith.constant 9216 : i32
    %div3A_439 = arith.divsi %add3A_437, %jit3A_438 : i32
    %sign3A_440 = arith.constant 0 : i32
    %sign3A_441 = arith.cmpi sgt, %add3A_437, %sign3A_440 : i32
    %sign3A_442 = arith.extui %sign3A_441 : i1 to i32
    %sign3A_443 = arith.constant 0 : i32
    %sign3A_444 = arith.cmpi slt, %add3A_437, %sign3A_443 : i32
    %sign3A_445 = arith.extui %sign3A_444 : i1 to i32
    %sign3A_446 = arith.subi %sign3A_442, %sign3A_445 : i32
    %sign3A_447 = arith.constant 0 : i32
    %sign3A_448 = arith.cmpi sgt, %jit3A_438, %sign3A_447 : i32
    %sign3A_449 = arith.extui %sign3A_448 : i1 to i32
    %sign3A_450 = arith.constant 0 : i32
    %sign3A_451 = arith.cmpi slt, %jit3A_438, %sign3A_450 : i32
    %sign3A_452 = arith.extui %sign3A_451 : i1 to i32
    %sign3A_453 = arith.subi %sign3A_449, %sign3A_452 : i32
    %ne3A_454 = arith.cmpi ne, %sign3A_446, %sign3A_453 : i32
    %rem3A_455 = arith.remsi %add3A_437, %jit3A_438 : i32
    %ne3A_456 = arith.constant 0 : i32
    %ne3A_457 = arith.cmpi ne, %rem3A_455, %ne3A_456 : i32
    %and3A_458 = arith.andi %ne3A_454, %ne3A_457 : i1
    %sub3A_459 = arith.constant 1 : i32
    %sub3A_460 = arith.subi %div3A_439, %sub3A_459 : i32
    %select_n3A_461 = arith.select %and3A_458, %sub3A_460, %div3A_439 : i32
    %mul3A_462 = arith.constant 9216 : i32
    %mul3A_463 = arith.muli %select_n3A_461, %mul3A_462 : i32
    %sub3A_464 = arith.subi %add3A_437, %mul3A_463 : i32
    %ge3A_465 = arith.constant 96 : i32
    %ge3A_466 = arith.cmpi sge, %select_n3A_461, %ge3A_465 : i32
    %convert_element_type3A_467 = arith.extui %ge3A_466 : i1 to i32
    %mul3A_468 = arith.constant 96 : i32
    %mul3A_469 = arith.muli %convert_element_type3A_467, %mul3A_468 : i32
    %sub3A_470 = arith.subi %select_n3A_461, %mul3A_469 : i32
    %jit3A_471 = arith.constant 96 : i32
    %div3A_472 = arith.divsi %sub3A_464, %jit3A_471 : i32
    %sign3A_473 = arith.constant 0 : i32
    %sign3A_474 = arith.cmpi sgt, %sub3A_464, %sign3A_473 : i32
    %sign3A_475 = arith.extui %sign3A_474 : i1 to i32
    %sign3A_476 = arith.constant 0 : i32
    %sign3A_477 = arith.cmpi slt, %sub3A_464, %sign3A_476 : i32
    %sign3A_478 = arith.extui %sign3A_477 : i1 to i32
    %sign3A_479 = arith.subi %sign3A_475, %sign3A_478 : i32
    %sign3A_480 = arith.constant 0 : i32
    %sign3A_481 = arith.cmpi sgt, %jit3A_471, %sign3A_480 : i32
    %sign3A_482 = arith.extui %sign3A_481 : i1 to i32
    %sign3A_483 = arith.constant 0 : i32
    %sign3A_484 = arith.cmpi slt, %jit3A_471, %sign3A_483 : i32
    %sign3A_485 = arith.extui %sign3A_484 : i1 to i32
    %sign3A_486 = arith.subi %sign3A_482, %sign3A_485 : i32
    %ne3A_487 = arith.cmpi ne, %sign3A_479, %sign3A_486 : i32
    %rem3A_488 = arith.remsi %sub3A_464, %jit3A_471 : i32
    %ne3A_489 = arith.constant 0 : i32
    %ne3A_490 = arith.cmpi ne, %rem3A_488, %ne3A_489 : i32
    %and3A_491 = arith.andi %ne3A_487, %ne3A_490 : i1
    %sub3A_492 = arith.constant 1 : i32
    %sub3A_493 = arith.subi %div3A_472, %sub3A_492 : i32
    %select_n3A_494 = arith.select %and3A_491, %sub3A_493, %div3A_472 : i32
    %convert_element_type3A_495 = arith.sitofp %sub3A_470 : i32 to f32
    %scan3A_496 = arith.constant 0 : i32
    %scan3A_497 = arith.constant 144 : i32
    %scan3A_498 = arith.addi %scan3A_496, %scan3A_497 : i32
    %scan3A_499 = arith.constant 1 : i32
    scf.for %scan3A_707 = %scan3A_496 to %scan3A_498 step %scan3A_499  : i32 {
      %mul3A_708 = arith.constant 16 : i32
      %mul3A_709 = arith.muli %scan3A_707, %mul3A_708 : i32
      %jit3A_710 = arith.constant 6 : i32
      %div3A_711 = arith.divsi %scan3A_707, %jit3A_710 : i32
      %sign3A_712 = arith.constant 0 : i32
      %sign3A_713 = arith.cmpi sgt, %scan3A_707, %sign3A_712 : i32
      %sign3A_714 = arith.extui %sign3A_713 : i1 to i32
      %sign3A_715 = arith.constant 0 : i32
      %sign3A_716 = arith.cmpi slt, %scan3A_707, %sign3A_715 : i32
      %sign3A_717 = arith.extui %sign3A_716 : i1 to i32
      %sign3A_718 = arith.subi %sign3A_714, %sign3A_717 : i32
      %sign3A_719 = arith.constant 0 : i32
      %sign3A_720 = arith.cmpi sgt, %jit3A_710, %sign3A_719 : i32
      %sign3A_721 = arith.extui %sign3A_720 : i1 to i32
      %sign3A_722 = arith.constant 0 : i32
      %sign3A_723 = arith.cmpi slt, %jit3A_710, %sign3A_722 : i32
      %sign3A_724 = arith.extui %sign3A_723 : i1 to i32
      %sign3A_725 = arith.subi %sign3A_721, %sign3A_724 : i32
      %ne3A_726 = arith.cmpi ne, %sign3A_718, %sign3A_725 : i32
      %rem3A_727 = arith.remsi %scan3A_707, %jit3A_710 : i32
      %ne3A_728 = arith.constant 0 : i32
      %ne3A_729 = arith.cmpi ne, %rem3A_727, %ne3A_728 : i32
      %and3A_730 = arith.andi %ne3A_726, %ne3A_729 : i1
      %sub3A_731 = arith.constant 1 : i32
      %sub3A_732 = arith.subi %div3A_711, %sub3A_731 : i32
      %select_n3A_733 = arith.select %and3A_730, %sub3A_732, %div3A_711 : i32
      %add3A_734 = arith.addi %select_n3A_494, %select_n3A_733 : i32
      %jit3A_735 = arith.constant 6 : i32
      %eq3A = arith.constant 0 : i32
      %eq3A_736 = arith.cmpi eq, %jit3A_735, %eq3A : i32
      %jit3A_737 = arith.constant 1 : i32
      %select_n3A_738 = arith.select %eq3A_736, %jit3A_737, %jit3A_735 : i32
      %rem3A_739 = arith.remsi %scan3A_707, %select_n3A_738 : i32
      %ne3A_740 = arith.constant 0 : i32
      %ne3A_741 = arith.cmpi ne, %rem3A_739, %ne3A_740 : i32
      %lt3A = arith.constant 0 : i32
      %lt3A_742 = arith.cmpi slt, %rem3A_739, %lt3A : i32
      %lt3A_743 = arith.constant 0 : i32
      %lt3A_744 = arith.cmpi slt, %select_n3A_738, %lt3A_743 : i32
      %ne3A_745 = arith.xori %lt3A_742, %lt3A_744 : i1
      %and3A_746 = arith.andi %ne3A_745, %ne3A_741 : i1
      %add3A_747 = arith.addi %rem3A_739, %select_n3A_738 : i32
      %select_n3A_748 = arith.select %and3A_746, %add3A_747, %rem3A_739 : i32
      %mul3A_749 = arith.constant 16 : i32
      %mul3A_750 = arith.muli %select_n3A_748, %mul3A_749 : i32
      %add3A_751 = vector.broadcast %mul3A_750 : i32 to vector<16xi32>
      %add3A_752 = arith.addi %add3A_751, %iota3A : vector<16xi32>
      %get3A = arith.constant 0 : i32
      %get3A_753 = arith.index_cast %get3A : i32 to index
      %get3A_754 = arith.index_cast %mul3A_709 : i32 to index
      %get3A_755 = tpu.vector_load %arg6[%get3A_753, %get3A_754] {strides = array<i32>} : memref<3x2304xf32, #tpu.memory_space<vmem>>, vector<16xf32>,
      %get3A_756 = arith.constant 1 : i32
      %get3A_757 = arith.index_cast %get3A_756 : i32 to index
      %get3A_758 = arith.index_cast %mul3A_709 : i32 to index
      %get3A_759 = tpu.vector_load %arg6[%get3A_757, %get3A_758] {strides = array<i32>} : memref<3x2304xf32, #tpu.memory_space<vmem>>, vector<16xf32>,
      %get3A_760 = arith.constant 2 : i32
      %get3A_761 = arith.index_cast %get3A_760 : i32 to index
      %get3A_762 = arith.index_cast %mul3A_709 : i32 to index
      %get3A_763 = tpu.vector_load %arg6[%get3A_761, %get3A_762] {strides = array<i32>} : memref<3x2304xf32, #tpu.memory_space<vmem>>, vector<16xf32>,
      %convert_element_type3A_764 = arith.sitofp %add3A_734 : i32 to f32
      %add3A_765 = vector.broadcast %convert_element_type3A_764 : f32 to vector<16xf32>
      %add3A_766 = arith.addf %get3A_755, %add3A_765 : vector<16xf32>
      %add3A_767 = arith.constant 1.000000e+00 : f32
      %add3A_768 = vector.broadcast %add3A_767 : f32 to vector<16xf32>
      %add3A_769 = arith.addf %add3A_766, %add3A_768 : vector<16xf32>
      %add3A_770 = vector.broadcast %convert_element_type3A_495 : f32 to vector<16xf32>
      %add3A_771 = arith.addf %get3A_759, %add3A_770 : vector<16xf32>
      %add3A_772 = arith.constant 1.000000e+00 : f32
      %add3A_773 = vector.broadcast %add3A_772 : f32 to vector<16xf32>
      %add3A_774 = arith.addf %add3A_771, %add3A_773 : vector<16xf32>
      %convert_element_type3A_775 = arith.sitofp %add3A_752 : vector<16xi32> to vector<16xf32>
      %add3A_776 = arith.addf %get3A_763, %convert_element_type3A_775 : vector<16xf32>
      %add3A_777 = arith.constant 1.000000e+00 : f32
      %add3A_778 = vector.broadcast %add3A_777 : f32 to vector<16xf32>
      %add3A_779 = arith.addf %add3A_776, %add3A_778 : vector<16xf32>
      %add3A_780 = arith.constant 1.024000e+03 : f32
      %add3A_781 = vector.broadcast %add3A_780 : f32 to vector<16xf32>
      %add3A_782 = arith.addf %add3A_769, %add3A_781 : vector<16xf32>
      %convert_element_type3A_783 = arith.fptosi %add3A_782 : vector<16xf32> to vector<16xi32>
      %sub3A_784 = arith.constant 1024 : i32
      %sub3A_785 = vector.broadcast %sub3A_784 : i32 to vector<16xi32>
      %sub3A_786 = arith.subi %convert_element_type3A_783, %sub3A_785 : vector<16xi32>
      %add3A_787 = arith.constant 1.024000e+03 : f32
      %add3A_788 = vector.broadcast %add3A_787 : f32 to vector<16xf32>
      %add3A_789 = arith.addf %add3A_774, %add3A_788 : vector<16xf32>
      %convert_element_type3A_790 = arith.fptosi %add3A_789 : vector<16xf32> to vector<16xi32>
      %sub3A_791 = arith.constant 1024 : i32
      %sub3A_792 = vector.broadcast %sub3A_791 : i32 to vector<16xi32>
      %sub3A_793 = arith.subi %convert_element_type3A_790, %sub3A_792 : vector<16xi32>
      %add3A_794 = arith.constant 1.024000e+03 : f32
      %add3A_795 = vector.broadcast %add3A_794 : f32 to vector<16xf32>
      %add3A_796 = arith.addf %add3A_779, %add3A_795 : vector<16xf32>
      %convert_element_type3A_797 = arith.fptosi %add3A_796 : vector<16xf32> to vector<16xi32>
      %sub3A_798 = arith.constant 1024 : i32
      %sub3A_799 = vector.broadcast %sub3A_798 : i32 to vector<16xi32>
      %sub3A_800 = arith.subi %convert_element_type3A_797, %sub3A_799 : vector<16xi32>
      %max3A = arith.constant 0 : i32
      %max3A_801 = vector.broadcast %max3A : i32 to vector<16xi32>
      %max3A_802 = arith.maxsi %sub3A_786, %max3A_801 : vector<16xi32>
      %min3A = arith.constant 97 : i32
      %min3A_803 = vector.broadcast %min3A : i32 to vector<16xi32>
      %min3A_804 = arith.minsi %max3A_802, %min3A_803 : vector<16xi32>
      %max3A_805 = arith.constant 0 : i32
      %max3A_806 = vector.broadcast %max3A_805 : i32 to vector<16xi32>
      %max3A_807 = arith.maxsi %sub3A_793, %max3A_806 : vector<16xi32>
      %min3A_808 = arith.constant 97 : i32
      %min3A_809 = vector.broadcast %min3A_808 : i32 to vector<16xi32>
      %min3A_810 = arith.minsi %max3A_807, %min3A_809 : vector<16xi32>
      %max3A_811 = arith.constant 0 : i32
      %max3A_812 = vector.broadcast %max3A_811 : i32 to vector<16xi32>
      %max3A_813 = arith.maxsi %sub3A_800, %max3A_812 : vector<16xi32>
      %min3A_814 = arith.constant 97 : i32
      %min3A_815 = vector.broadcast %min3A_814 : i32 to vector<16xi32>
      %min3A_816 = arith.minsi %max3A_813, %min3A_815 : vector<16xi32>
      %add3A_817 = arith.constant 1 : i32
      %add3A_818 = vector.broadcast %add3A_817 : i32 to vector<16xi32>
      %add3A_819 = arith.addi %sub3A_786, %add3A_818 : vector<16xi32>
      %convert_element_type3A_820 = arith.sitofp %add3A_819 : vector<16xi32> to vector<16xf32>
      %sub3A_821 = arith.subf %convert_element_type3A_820, %add3A_769 : vector<16xf32>
      %add3A_822 = arith.constant 1 : i32
      %add3A_823 = vector.broadcast %add3A_822 : i32 to vector<16xi32>
      %add3A_824 = arith.addi %sub3A_793, %add3A_823 : vector<16xi32>
      %convert_element_type3A_825 = arith.sitofp %add3A_824 : vector<16xi32> to vector<16xf32>
      %sub3A_826 = arith.subf %convert_element_type3A_825, %add3A_774 : vector<16xf32>
      %add3A_827 = arith.constant 1 : i32
      %add3A_828 = vector.broadcast %add3A_827 : i32 to vector<16xi32>
      %add3A_829 = arith.addi %sub3A_800, %add3A_828 : vector<16xi32>
      %convert_element_type3A_830 = arith.sitofp %add3A_829 : vector<16xi32> to vector<16xf32>
      %sub3A_831 = arith.subf %convert_element_type3A_830, %add3A_779 : vector<16xf32>
      %broadcast_in_dim3A = arith.constant 0.000000e+00 : f32
      %broadcast_in_dim3A_832 = vector.broadcast %broadcast_in_dim3A : f32 to vector<16xf32>
      %ge3A_833 = arith.constant 0 : i32
      %ge3A_834 = vector.broadcast %ge3A_833 : i32 to vector<16xi32>
      %ge3A_835 = arith.cmpi sge, %sub3A_786, %ge3A_834 : vector<16xi32>
      %sub3A_836 = arith.constant 1.000000e+00 : f32
      %sub3A_837 = vector.broadcast %sub3A_836 : f32 to vector<16xf32>
      %sub3A_838 = arith.subf %sub3A_837, %sub3A_821 : vector<16xf32>
      %select_n3A_839 = arith.select %ge3A_835, %sub3A_838, %broadcast_in_dim3A_832 : vector<16xi1>, vector<16xf32>
      %ge3A_840 = arith.constant 0 : i32
      %ge3A_841 = vector.broadcast %ge3A_840 : i32 to vector<16xi32>
      %ge3A_842 = arith.cmpi sge, %sub3A_793, %ge3A_841 : vector<16xi32>
      %sub3A_843 = arith.constant 1.000000e+00 : f32
      %sub3A_844 = vector.broadcast %sub3A_843 : f32 to vector<16xf32>
      %sub3A_845 = arith.subf %sub3A_844, %sub3A_826 : vector<16xf32>
      %select_n3A_846 = arith.select %ge3A_842, %sub3A_845, %broadcast_in_dim3A_832 : vector<16xi1>, vector<16xf32>
      %ge3A_847 = arith.constant 0 : i32
      %ge3A_848 = vector.broadcast %ge3A_847 : i32 to vector<16xi32>
      %ge3A_849 = arith.cmpi sge, %sub3A_800, %ge3A_848 : vector<16xi32>
      %sub3A_850 = arith.constant 1.000000e+00 : f32
      %sub3A_851 = vector.broadcast %sub3A_850 : f32 to vector<16xf32>
      %sub3A_852 = arith.subf %sub3A_851, %sub3A_831 : vector<16xf32>
      %select_n3A_853 = arith.select %ge3A_849, %sub3A_852, %broadcast_in_dim3A_832 : vector<16xi1>, vector<16xf32>
      %mul3A_854 = arith.constant 98 : i32
      %mul3A_855 = arith.muli %convert_element_type3A_467, %mul3A_854 : i32
      %add3A_856 = vector.broadcast %mul3A_855 : i32 to vector<16xi32>
      %add3A_857 = arith.addi %add3A_856, %min3A_810 : vector<16xi32>
      %mul3A_858 = arith.constant 98 : i32
      %mul3A_859 = vector.broadcast %mul3A_858 : i32 to vector<16xi32>
      %mul3A_860 = arith.muli %add3A_857, %mul3A_859 : vector<16xi32>
      %add3A_861 = arith.addi %mul3A_860, %min3A_804 : vector<16xi32>
      %mul3A_862 = arith.constant 98 : i32
      %mul3A_863 = vector.broadcast %mul3A_862 : i32 to vector<16xi32>
      %mul3A_864 = arith.muli %add3A_861, %mul3A_863 : vector<16xi32>
      %add3A_865 = arith.addi %mul3A_864, %min3A_816 : vector<16xi32>
      %jit3A_866 = arith.constant 8 : i32
      %div3A_867 = arith.divsi %scan3A_707, %jit3A_866 : i32
      %sign3A_868 = arith.constant 0 : i32
      %sign3A_869 = arith.cmpi sgt, %scan3A_707, %sign3A_868 : i32
      %sign3A_870 = arith.extui %sign3A_869 : i1 to i32
      %sign3A_871 = arith.constant 0 : i32
      %sign3A_872 = arith.cmpi slt, %scan3A_707, %sign3A_871 : i32
      %sign3A_873 = arith.extui %sign3A_872 : i1 to i32
      %sign3A_874 = arith.subi %sign3A_870, %sign3A_873 : i32
      %sign3A_875 = arith.constant 0 : i32
      %sign3A_876 = arith.cmpi sgt, %jit3A_866, %sign3A_875 : i32
      %sign3A_877 = arith.extui %sign3A_876 : i1 to i32
      %sign3A_878 = arith.constant 0 : i32
      %sign3A_879 = arith.cmpi slt, %jit3A_866, %sign3A_878 : i32
      %sign3A_880 = arith.extui %sign3A_879 : i1 to i32
      %sign3A_881 = arith.subi %sign3A_877, %sign3A_880 : i32
      %ne3A_882 = arith.cmpi ne, %sign3A_874, %sign3A_881 : i32
      %rem3A_883 = arith.remsi %scan3A_707, %jit3A_866 : i32
      %ne3A_884 = arith.constant 0 : i32
      %ne3A_885 = arith.cmpi ne, %rem3A_883, %ne3A_884 : i32
      %and3A_886 = arith.andi %ne3A_882, %ne3A_885 : i1
      %sub3A_887 = arith.constant 1 : i32
      %sub3A_888 = arith.subi %div3A_867, %sub3A_887 : i32
      %select_n3A_889 = arith.select %and3A_886, %sub3A_888, %div3A_867 : i32
      %jit3A_890 = arith.constant 8 : i32
      %eq3A_891 = arith.constant 0 : i32
      %eq3A_892 = arith.cmpi eq, %jit3A_890, %eq3A_891 : i32
      %jit3A_893 = arith.constant 1 : i32
      %select_n3A_894 = arith.select %eq3A_892, %jit3A_893, %jit3A_890 : i32
      %rem3A_895 = arith.remsi %scan3A_707, %select_n3A_894 : i32
      %ne3A_896 = arith.constant 0 : i32
      %ne3A_897 = arith.cmpi ne, %rem3A_895, %ne3A_896 : i32
      %lt3A_898 = arith.constant 0 : i32
      %lt3A_899 = arith.cmpi slt, %rem3A_895, %lt3A_898 : i32
      %lt3A_900 = arith.constant 0 : i32
      %lt3A_901 = arith.cmpi slt, %select_n3A_894, %lt3A_900 : i32
      %ne3A_902 = arith.xori %lt3A_899, %lt3A_901 : i1
      %and3A_903 = arith.andi %ne3A_902, %ne3A_897 : i1
      %add3A_904 = arith.addi %rem3A_895, %select_n3A_894 : i32
      %select_n3A_905 = arith.select %and3A_903, %add3A_904, %rem3A_895 : i32
      %mul3A_906 = arith.constant 16 : i32
      %mul3A_907 = arith.muli %select_n3A_905, %mul3A_906 : i32
      %swap3A = arith.index_cast %select_n3A_889 : i32 to index
      %swap3A_908 = arith.index_cast %mul3A_907 : i32 to index
      %swap3A_909 = tpu.vector_load %arg8[%swap3A, %swap3A_908] {strides = array<i32>} : memref<18x128xi32, #tpu.memory_space<vmem>>, vector<16xi32>,
      tpu.vector_store %arg8[%swap3A, %swap3A_908], %add3A_865 {strides = array<i32>} : memref<18x128xi32, #tpu.memory_space<vmem>>, vector<16xi32>,
      %swap3A_910 = arith.constant 0 : i32
      %swap3A_911 = arith.index_cast %swap3A_910 : i32 to index
      %swap3A_912 = arith.index_cast %mul3A_709 : i32 to index
      %swap3A_913 = tpu.vector_load %arg12[%swap3A_911, %swap3A_912] {strides = array<i32>} : memref<6x2304xf32, #tpu.memory_space<vmem>>, vector<16xf32>,
      tpu.vector_store %arg12[%swap3A_911, %swap3A_912], %sub3A_826 {strides = array<i32>} : memref<6x2304xf32, #tpu.memory_space<vmem>>, vector<16xf32>,
      %swap3A_914 = arith.constant 1 : i32
      %swap3A_915 = arith.index_cast %swap3A_914 : i32 to index
      %swap3A_916 = arith.index_cast %mul3A_709 : i32 to index
      %swap3A_917 = tpu.vector_load %arg12[%swap3A_915, %swap3A_916] {strides = array<i32>} : memref<6x2304xf32, #tpu.memory_space<vmem>>, vector<16xf32>,
      tpu.vector_store %arg12[%swap3A_915, %swap3A_916], %select_n3A_846 {strides = array<i32>} : memref<6x2304xf32, #tpu.memory_space<vmem>>, vector<16xf32>,
      %swap3A_918 = arith.constant 2 : i32
      %swap3A_919 = arith.index_cast %swap3A_918 : i32 to index
      %swap3A_920 = arith.index_cast %mul3A_709 : i32 to index
      %swap3A_921 = tpu.vector_load %arg12[%swap3A_919, %swap3A_920] {strides = array<i32>} : memref<6x2304xf32, #tpu.memory_space<vmem>>, vector<16xf32>,
      tpu.vector_store %arg12[%swap3A_919, %swap3A_920], %sub3A_821 {strides = array<i32>} : memref<6x2304xf32, #tpu.memory_space<vmem>>, vector<16xf32>,
      %swap3A_922 = arith.constant 3 : i32
      %swap3A_923 = arith.index_cast %swap3A_922 : i32 to index
      %swap3A_924 = arith.index_cast %mul3A_709 : i32 to index
      %swap3A_925 = tpu.vector_load %arg12[%swap3A_923, %swap3A_924] {strides = array<i32>} : memref<6x2304xf32, #tpu.memory_space<vmem>>, vector<16xf32>,
      tpu.vector_store %arg12[%swap3A_923, %swap3A_924], %select_n3A_839 {strides = array<i32>} : memref<6x2304xf32, #tpu.memory_space<vmem>>, vector<16xf32>,
      %swap3A_926 = arith.constant 4 : i32
      %swap3A_927 = arith.index_cast %swap3A_926 : i32 to index
      %swap3A_928 = arith.index_cast %mul3A_709 : i32 to index
      %swap3A_929 = tpu.vector_load %arg12[%swap3A_927, %swap3A_928] {strides = array<i32>} : memref<6x2304xf32, #tpu.memory_space<vmem>>, vector<16xf32>,
      tpu.vector_store %arg12[%swap3A_927, %swap3A_928], %sub3A_831 {strides = array<i32>} : memref<6x2304xf32, #tpu.memory_space<vmem>>, vector<16xf32>,
      %swap3A_930 = arith.constant 5 : i32
      %swap3A_931 = arith.index_cast %swap3A_930 : i32 to index
      %swap3A_932 = arith.index_cast %mul3A_709 : i32 to index
      %swap3A_933 = tpu.vector_load %arg12[%swap3A_931, %swap3A_932] {strides = array<i32>} : memref<6x2304xf32, #tpu.memory_space<vmem>>, vector<16xf32>,
      tpu.vector_store %arg12[%swap3A_931, %swap3A_932], %select_n3A_853 {strides = array<i32>} : memref<6x2304xf32, #tpu.memory_space<vmem>>, vector<16xf32>,
    }
    %scan3A_500 = arith.constant 144 : i32
    %dma_wait3A_501 = arith.constant 0 : i32
    %dma_wait3A_502 = arith.constant 0 : i32
    %dma_wait3A_503 = tpu.memref_slice %arg2[%dma_wait3A_501, %dma_wait3A_502] : memref<1882384x8xf32, #tpu.memory_space<hbm>> -> memref<2304x8xf32, #tpu.memory_space<hbm>>
    %dma_wait3A_504 = arith.constant 0 : i32
    %dma_wait3A_505 = arith.constant 0 : i32
    %dma_wait3A_506 = tpu.memref_slice %arg2[%dma_wait3A_504, %dma_wait3A_505] : memref<1882384x8xf32, #tpu.memory_space<hbm>> -> memref<2304x8xf32, #tpu.memory_space<hbm>>
    tpu.wait_dma2 semaphore(%arg14 : memref<!tpu.dma_semaphore, #tpu.memory_space<semaphore_mem>>) src(%dma_wait3A_506 : memref<2304x8xf32, #tpu.memory_space<hbm>>) dst(%arg9 : memref<2304x8xf32, #tpu.memory_space<vmem>>)
    %dma_start3A_507 = arith.constant 0 : i32
    %dma_start3A_508 = arith.constant 0 : i32
    %dma_start3A_509 = arith.constant 0 : i32
    %dma_start3A_510 = tpu.memref_slice %arg10[%dma_start3A_508, %dma_start3A_509] : memref<2304x8xf32, #tpu.memory_space<vmem>> -> memref<128x8xf32, #tpu.memory_space<vmem>>
    %dma_start3A_511 = arith.constant 0 : i32
    %dma_start3A_512 = tpu.memref_slice %arg8[%dma_start3A_507, %dma_start3A_511] : memref<18x128xi32, #tpu.memory_space<vmem>> -> memref<1x128xi32, #tpu.memory_space<vmem>>
    %dma_start3A_513 = tpu.memref_squeeze %dma_start3A_512 : memref<1x128xi32, #tpu.memory_space<vmem>> -> memref<128xi32, #tpu.memory_space<vmem>>
    %dma_start3A_514 = arith.constant 0 : i32
    %dma_start3A_515 = arith.constant 0 : i32
    %dma_start3A_516 = tpu.memref_slice %arg2[%dma_start3A_514, %dma_start3A_515] : memref<1882384x8xf32, #tpu.memory_space<hbm>> -> memref<1882384x8xf32, #tpu.memory_space<hbm>>
    tpu.enqueue_indirect_dma source(%dma_start3A_516 : memref<1882384x8xf32, #tpu.memory_space<hbm>>) target(%dma_start3A_510 : memref<128x8xf32, #tpu.memory_space<vmem>>) offsets(%dma_start3A_513 : memref<128xi32, #tpu.memory_space<vmem>>) semaphore(%arg15 : memref<!tpu.dma_semaphore, #tpu.memory_space<semaphore_mem>>)
    %dma_start3A_517 = arith.constant 1 : i32
    %dma_start3A_518 = arith.constant 128 : i32
    %dma_start3A_519 = arith.constant 0 : i32
    %dma_start3A_520 = tpu.memref_slice %arg10[%dma_start3A_518, %dma_start3A_519] : memref<2304x8xf32, #tpu.memory_space<vmem>> -> memref<128x8xf32, #tpu.memory_space<vmem>>
    %dma_start3A_521 = arith.constant 0 : i32
    %dma_start3A_522 = tpu.memref_slice %arg8[%dma_start3A_517, %dma_start3A_521] : memref<18x128xi32, #tpu.memory_space<vmem>> -> memref<1x128xi32, #tpu.memory_space<vmem>>
    %dma_start3A_523 = tpu.memref_squeeze %dma_start3A_522 : memref<1x128xi32, #tpu.memory_space<vmem>> -> memref<128xi32, #tpu.memory_space<vmem>>
    %dma_start3A_524 = arith.constant 0 : i32
    %dma_start3A_525 = arith.constant 0 : i32
    %dma_start3A_526 = tpu.memref_slice %arg2[%dma_start3A_524, %dma_start3A_525] : memref<1882384x8xf32, #tpu.memory_space<hbm>> -> memref<1882384x8xf32, #tpu.memory_space<hbm>>
    tpu.enqueue_indirect_dma source(%dma_start3A_526 : memref<1882384x8xf32, #tpu.memory_space<hbm>>) target(%dma_start3A_520 : memref<128x8xf32, #tpu.memory_space<vmem>>) offsets(%dma_start3A_523 : memref<128xi32, #tpu.memory_space<vmem>>) semaphore(%arg15 : memref<!tpu.dma_semaphore, #tpu.memory_space<semaphore_mem>>)
    %dma_start3A_527 = arith.constant 2 : i32
    %dma_start3A_528 = arith.constant 256 : i32
    %dma_start3A_529 = arith.constant 0 : i32
    %dma_start3A_530 = tpu.memref_slice %arg10[%dma_start3A_528, %dma_start3A_529] : memref<2304x8xf32, #tpu.memory_space<vmem>> -> memref<128x8xf32, #tpu.memory_space<vmem>>
    %dma_start3A_531 = arith.constant 0 : i32
    %dma_start3A_532 = tpu.memref_slice %arg8[%dma_start3A_527, %dma_start3A_531] : memref<18x128xi32, #tpu.memory_space<vmem>> -> memref<1x128xi32, #tpu.memory_space<vmem>>
    %dma_start3A_533 = tpu.memref_squeeze %dma_start3A_532 : memref<1x128xi32, #tpu.memory_space<vmem>> -> memref<128xi32, #tpu.memory_space<vmem>>
    %dma_start3A_534 = arith.constant 0 : i32
    %dma_start3A_535 = arith.constant 0 : i32
    %dma_start3A_536 = tpu.memref_slice %arg2[%dma_start3A_534, %dma_start3A_535] : memref<1882384x8xf32, #tpu.memory_space<hbm>> -> memref<1882384x8xf32, #tpu.memory_space<hbm>>
    tpu.enqueue_indirect_dma source(%dma_start3A_536 : memref<1882384x8xf32, #tpu.memory_space<hbm>>) target(%dma_start3A_530 : memref<128x8xf32, #tpu.memory_space<vmem>>) offsets(%dma_start3A_533 : memref<128xi32, #tpu.memory_space<vmem>>) semaphore(%arg15 : memref<!tpu.dma_semaphore, #tpu.memory_space<semaphore_mem>>)
    %dma_start3A_537 = arith.constant 3 : i32
    %dma_start3A_538 = arith.constant 384 : i32
    %dma_start3A_539 = arith.constant 0 : i32
    %dma_start3A_540 = tpu.memref_slice %arg10[%dma_start3A_538, %dma_start3A_539] : memref<2304x8xf32, #tpu.memory_space<vmem>> -> memref<128x8xf32, #tpu.memory_space<vmem>>
    %dma_start3A_541 = arith.constant 0 : i32
    %dma_start3A_542 = tpu.memref_slice %arg8[%dma_start3A_537, %dma_start3A_541] : memref<18x128xi32, #tpu.memory_space<vmem>> -> memref<1x128xi32, #tpu.memory_space<vmem>>
    %dma_start3A_543 = tpu.memref_squeeze %dma_start3A_542 : memref<1x128xi32, #tpu.memory_space<vmem>> -> memref<128xi32, #tpu.memory_space<vmem>>
    %dma_start3A_544 = arith.constant 0 : i32
    %dma_start3A_545 = arith.constant 0 : i32
    %dma_start3A_546 = tpu.memref_slice %arg2[%dma_start3A_544, %dma_start3A_545] : memref<1882384x8xf32, #tpu.memory_space<hbm>> -> memref<1882384x8xf32, #tpu.memory_space<hbm>>
    tpu.enqueue_indirect_dma source(%dma_start3A_546 : memref<1882384x8xf32, #tpu.memory_space<hbm>>) target(%dma_start3A_540 : memref<128x8xf32, #tpu.memory_space<vmem>>) offsets(%dma_start3A_543 : memref<128xi32, #tpu.memory_space<vmem>>) semaphore(%arg15 : memref<!tpu.dma_semaphore, #tpu.memory_space<semaphore_mem>>)
    %dma_start3A_547 = arith.constant 4 : i32
    %dma_start3A_548 = arith.constant 512 : i32
    %dma_start3A_549 = arith.constant 0 : i32
    %dma_start3A_550 = tpu.memref_slice %arg10[%dma_start3A_548, %dma_start3A_549] : memref<2304x8xf32, #tpu.memory_space<vmem>> -> memref<128x8xf32, #tpu.memory_space<vmem>>
    %dma_start3A_551 = arith.constant 0 : i32
    %dma_start3A_552 = tpu.memref_slice %arg8[%dma_start3A_547, %dma_start3A_551] : memref<18x128xi32, #tpu.memory_space<vmem>> -> memref<1x128xi32, #tpu.memory_space<vmem>>
    %dma_start3A_553 = tpu.memref_squeeze %dma_start3A_552 : memref<1x128xi32, #tpu.memory_space<vmem>> -> memref<128xi32, #tpu.memory_space<vmem>>
    %dma_start3A_554 = arith.constant 0 : i32
    %dma_start3A_555 = arith.constant 0 : i32
    %dma_start3A_556 = tpu.memref_slice %arg2[%dma_start3A_554, %dma_start3A_555] : memref<1882384x8xf32, #tpu.memory_space<hbm>> -> memref<1882384x8xf32, #tpu.memory_space<hbm>>
    tpu.enqueue_indirect_dma source(%dma_start3A_556 : memref<1882384x8xf32, #tpu.memory_space<hbm>>) target(%dma_start3A_550 : memref<128x8xf32, #tpu.memory_space<vmem>>) offsets(%dma_start3A_553 : memref<128xi32, #tpu.memory_space<vmem>>) semaphore(%arg15 : memref<!tpu.dma_semaphore, #tpu.memory_space<semaphore_mem>>)
    %dma_start3A_557 = arith.constant 5 : i32
    %dma_start3A_558 = arith.constant 640 : i32
    %dma_start3A_559 = arith.constant 0 : i32
    %dma_start3A_560 = tpu.memref_slice %arg10[%dma_start3A_558, %dma_start3A_559] : memref<2304x8xf32, #tpu.memory_space<vmem>> -> memref<128x8xf32, #tpu.memory_space<vmem>>
    %dma_start3A_561 = arith.constant 0 : i32
    %dma_start3A_562 = tpu.memref_slice %arg8[%dma_start3A_557, %dma_start3A_561] : memref<18x128xi32, #tpu.memory_space<vmem>> -> memref<1x128xi32, #tpu.memory_space<vmem>>
    %dma_start3A_563 = tpu.memref_squeeze %dma_start3A_562 : memref<1x128xi32, #tpu.memory_space<vmem>> -> memref<128xi32, #tpu.memory_space<vmem>>
    %dma_start3A_564 = arith.constant 0 : i32
    %dma_start3A_565 = arith.constant 0 : i32
    %dma_start3A_566 = tpu.memref_slice %arg2[%dma_start3A_564, %dma_start3A_565] : memref<1882384x8xf32, #tpu.memory_space<hbm>> -> memref<1882384x8xf32, #tpu.memory_space<hbm>>
    tpu.enqueue_indirect_dma source(%dma_start3A_566 : memref<1882384x8xf32, #tpu.memory_space<hbm>>) target(%dma_start3A_560 : memref<128x8xf32, #tpu.memory_space<vmem>>) offsets(%dma_start3A_563 : memref<128xi32, #tpu.memory_space<vmem>>) semaphore(%arg15 : memref<!tpu.dma_semaphore, #tpu.memory_space<semaphore_mem>>)
    %dma_start3A_567 = arith.constant 6 : i32
    %dma_start3A_568 = arith.constant 768 : i32
    %dma_start3A_569 = arith.constant 0 : i32
    %dma_start3A_570 = tpu.memref_slice %arg10[%dma_start3A_568, %dma_start3A_569] : memref<2304x8xf32, #tpu.memory_space<vmem>> -> memref<128x8xf32, #tpu.memory_space<vmem>>
    %dma_start3A_571 = arith.constant 0 : i32
    %dma_start3A_572 = tpu.memref_slice %arg8[%dma_start3A_567, %dma_start3A_571] : memref<18x128xi32, #tpu.memory_space<vmem>> -> memref<1x128xi32, #tpu.memory_space<vmem>>
    %dma_start3A_573 = tpu.memref_squeeze %dma_start3A_572 : memref<1x128xi32, #tpu.memory_space<vmem>> -> memref<128xi32, #tpu.memory_space<vmem>>
    %dma_start3A_574 = arith.constant 0 : i32
    %dma_start3A_575 = arith.constant 0 : i32
    %dma_start3A_576 = tpu.memref_slice %arg2[%dma_start3A_574, %dma_start3A_575] : memref<1882384x8xf32, #tpu.memory_space<hbm>> -> memref<1882384x8xf32, #tpu.memory_space<hbm>>
    tpu.enqueue_indirect_dma source(%dma_start3A_576 : memref<1882384x8xf32, #tpu.memory_space<hbm>>) target(%dma_start3A_570 : memref<128x8xf32, #tpu.memory_space<vmem>>) offsets(%dma_start3A_573 : memref<128xi32, #tpu.memory_space<vmem>>) semaphore(%arg15 : memref<!tpu.dma_semaphore, #tpu.memory_space<semaphore_mem>>)
    %dma_start3A_577 = arith.constant 7 : i32
    %dma_start3A_578 = arith.constant 896 : i32
    %dma_start3A_579 = arith.constant 0 : i32
    %dma_start3A_580 = tpu.memref_slice %arg10[%dma_start3A_578, %dma_start3A_579] : memref<2304x8xf32, #tpu.memory_space<vmem>> -> memref<128x8xf32, #tpu.memory_space<vmem>>
    %dma_start3A_581 = arith.constant 0 : i32
    %dma_start3A_582 = tpu.memref_slice %arg8[%dma_start3A_577, %dma_start3A_581] : memref<18x128xi32, #tpu.memory_space<vmem>> -> memref<1x128xi32, #tpu.memory_space<vmem>>
    %dma_start3A_583 = tpu.memref_squeeze %dma_start3A_582 : memref<1x128xi32, #tpu.memory_space<vmem>> -> memref<128xi32, #tpu.memory_space<vmem>>
    %dma_start3A_584 = arith.constant 0 : i32
    %dma_start3A_585 = arith.constant 0 : i32
    %dma_start3A_586 = tpu.memref_slice %arg2[%dma_start3A_584, %dma_start3A_585] : memref<1882384x8xf32, #tpu.memory_space<hbm>> -> memref<1882384x8xf32, #tpu.memory_space<hbm>>
    tpu.enqueue_indirect_dma source(%dma_start3A_586 : memref<1882384x8xf32, #tpu.memory_space<hbm>>) target(%dma_start3A_580 : memref<128x8xf32, #tpu.memory_space<vmem>>) offsets(%dma_start3A_583 : memref<128xi32, #tpu.memory_space<vmem>>) semaphore(%arg15 : memref<!tpu.dma_semaphore, #tpu.memory_space<semaphore_mem>>)
    %dma_start3A_587 = arith.constant 8 : i32
    %dma_start3A_588 = arith.constant 1024 : i32
    %dma_start3A_589 = arith.constant 0 : i32
    %dma_start3A_590 = tpu.memref_slice %arg10[%dma_start3A_588, %dma_start3A_589] : memref<2304x8xf32, #tpu.memory_space<vmem>> -> memref<128x8xf32, #tpu.memory_space<vmem>>
    %dma_start3A_591 = arith.constant 0 : i32
    %dma_start3A_592 = tpu.memref_slice %arg8[%dma_start3A_587, %dma_start3A_591] : memref<18x128xi32, #tpu.memory_space<vmem>> -> memref<1x128xi32, #tpu.memory_space<vmem>>
    %dma_start3A_593 = tpu.memref_squeeze %dma_start3A_592 : memref<1x128xi32, #tpu.memory_space<vmem>> -> memref<128xi32, #tpu.memory_space<vmem>>
    %dma_start3A_594 = arith.constant 0 : i32
    %dma_start3A_595 = arith.constant 0 : i32
    %dma_start3A_596 = tpu.memref_slice %arg2[%dma_start3A_594, %dma_start3A_595] : memref<1882384x8xf32, #tpu.memory_space<hbm>> -> memref<1882384x8xf32, #tpu.memory_space<hbm>>
    tpu.enqueue_indirect_dma source(%dma_start3A_596 : memref<1882384x8xf32, #tpu.memory_space<hbm>>) target(%dma_start3A_590 : memref<128x8xf32, #tpu.memory_space<vmem>>) offsets(%dma_start3A_593 : memref<128xi32, #tpu.memory_space<vmem>>) semaphore(%arg15 : memref<!tpu.dma_semaphore, #tpu.memory_space<semaphore_mem>>)
    %dma_start3A_597 = arith.constant 9 : i32
    %dma_start3A_598 = arith.constant 1152 : i32
    %dma_start3A_599 = arith.constant 0 : i32
    %dma_start3A_600 = tpu.memref_slice %arg10[%dma_start3A_598, %dma_start3A_599] : memref<2304x8xf32, #tpu.memory_space<vmem>> -> memref<128x8xf32, #tpu.memory_space<vmem>>
    %dma_start3A_601 = arith.constant 0 : i32
    %dma_start3A_602 = tpu.memref_slice %arg8[%dma_start3A_597, %dma_start3A_601] : memref<18x128xi32, #tpu.memory_space<vmem>> -> memref<1x128xi32, #tpu.memory_space<vmem>>
    %dma_start3A_603 = tpu.memref_squeeze %dma_start3A_602 : memref<1x128xi32, #tpu.memory_space<vmem>> -> memref<128xi32, #tpu.memory_space<vmem>>
    %dma_start3A_604 = arith.constant 0 : i32
    %dma_start3A_605 = arith.constant 0 : i32
    %dma_start3A_606 = tpu.memref_slice %arg2[%dma_start3A_604, %dma_start3A_605] : memref<1882384x8xf32, #tpu.memory_space<hbm>> -> memref<1882384x8xf32, #tpu.memory_space<hbm>>
    tpu.enqueue_indirect_dma source(%dma_start3A_606 : memref<1882384x8xf32, #tpu.memory_space<hbm>>) target(%dma_start3A_600 : memref<128x8xf32, #tpu.memory_space<vmem>>) offsets(%dma_start3A_603 : memref<128xi32, #tpu.memory_space<vmem>>) semaphore(%arg15 : memref<!tpu.dma_semaphore, #tpu.memory_space<semaphore_mem>>)
    %dma_start3A_607 = arith.constant 10 : i32
    %dma_start3A_608 = arith.constant 1280 : i32
    %dma_start3A_609 = arith.constant 0 : i32
    %dma_start3A_610 = tpu.memref_slice %arg10[%dma_start3A_608, %dma_start3A_609] : memref<2304x8xf32, #tpu.memory_space<vmem>> -> memref<128x8xf32, #tpu.memory_space<vmem>>
    %dma_start3A_611 = arith.constant 0 : i32
    %dma_start3A_612 = tpu.memref_slice %arg8[%dma_start3A_607, %dma_start3A_611] : memref<18x128xi32, #tpu.memory_space<vmem>> -> memref<1x128xi32, #tpu.memory_space<vmem>>
    %dma_start3A_613 = tpu.memref_squeeze %dma_start3A_612 : memref<1x128xi32, #tpu.memory_space<vmem>> -> memref<128xi32, #tpu.memory_space<vmem>>
    %dma_start3A_614 = arith.constant 0 : i32
    %dma_start3A_615 = arith.constant 0 : i32
    %dma_start3A_616 = tpu.memref_slice %arg2[%dma_start3A_614, %dma_start3A_615] : memref<1882384x8xf32, #tpu.memory_space<hbm>> -> memref<1882384x8xf32, #tpu.memory_space<hbm>>
    tpu.enqueue_indirect_dma source(%dma_start3A_616 : memref<1882384x8xf32, #tpu.memory_space<hbm>>) target(%dma_start3A_610 : memref<128x8xf32, #tpu.memory_space<vmem>>) offsets(%dma_start3A_613 : memref<128xi32, #tpu.memory_space<vmem>>) semaphore(%arg15 : memref<!tpu.dma_semaphore, #tpu.memory_space<semaphore_mem>>)
    %dma_start3A_617 = arith.constant 11 : i32
    %dma_start3A_618 = arith.constant 1408 : i32
    %dma_start3A_619 = arith.constant 0 : i32
    %dma_start3A_620 = tpu.memref_slice %arg10[%dma_start3A_618, %dma_start3A_619] : memref<2304x8xf32, #tpu.memory_space<vmem>> -> memref<128x8xf32, #tpu.memory_space<vmem>>
    %dma_start3A_621 = arith.constant 0 : i32
    %dma_start3A_622 = tpu.memref_slice %arg8[%dma_start3A_617, %dma_start3A_621] : memref<18x128xi32, #tpu.memory_space<vmem>> -> memref<1x128xi32, #tpu.memory_space<vmem>>
    %dma_start3A_623 = tpu.memref_squeeze %dma_start3A_622 : memref<1x128xi32, #tpu.memory_space<vmem>> -> memref<128xi32, #tpu.memory_space<vmem>>
    %dma_start3A_624 = arith.constant 0 : i32
    %dma_start3A_625 = arith.constant 0 : i32
    %dma_start3A_626 = tpu.memref_slice %arg2[%dma_start3A_624, %dma_start3A_625] : memref<1882384x8xf32, #tpu.memory_space<hbm>> -> memref<1882384x8xf32, #tpu.memory_space<hbm>>
    tpu.enqueue_indirect_dma source(%dma_start3A_626 : memref<1882384x8xf32, #tpu.memory_space<hbm>>) target(%dma_start3A_620 : memref<128x8xf32, #tpu.memory_space<vmem>>) offsets(%dma_start3A_623 : memref<128xi32, #tpu.memory_space<vmem>>) semaphore(%arg15 : memref<!tpu.dma_semaphore, #tpu.memory_space<semaphore_mem>>)
    %dma_start3A_627 = arith.constant 12 : i32
    %dma_start3A_628 = arith.constant 1536 : i32
    %dma_start3A_629 = arith.constant 0 : i32
    %dma_start3A_630 = tpu.memref_slice %arg10[%dma_start3A_628, %dma_start3A_629] : memref<2304x8xf32, #tpu.memory_space<vmem>> -> memref<128x8xf32, #tpu.memory_space<vmem>>
    %dma_start3A_631 = arith.constant 0 : i32
    %dma_start3A_632 = tpu.memref_slice %arg8[%dma_start3A_627, %dma_start3A_631] : memref<18x128xi32, #tpu.memory_space<vmem>> -> memref<1x128xi32, #tpu.memory_space<vmem>>
    %dma_start3A_633 = tpu.memref_squeeze %dma_start3A_632 : memref<1x128xi32, #tpu.memory_space<vmem>> -> memref<128xi32, #tpu.memory_space<vmem>>
    %dma_start3A_634 = arith.constant 0 : i32
    %dma_start3A_635 = arith.constant 0 : i32
    %dma_start3A_636 = tpu.memref_slice %arg2[%dma_start3A_634, %dma_start3A_635] : memref<1882384x8xf32, #tpu.memory_space<hbm>> -> memref<1882384x8xf32, #tpu.memory_space<hbm>>
    tpu.enqueue_indirect_dma source(%dma_start3A_636 : memref<1882384x8xf32, #tpu.memory_space<hbm>>) target(%dma_start3A_630 : memref<128x8xf32, #tpu.memory_space<vmem>>) offsets(%dma_start3A_633 : memref<128xi32, #tpu.memory_space<vmem>>) semaphore(%arg15 : memref<!tpu.dma_semaphore, #tpu.memory_space<semaphore_mem>>)
    %dma_start3A_637 = arith.constant 13 : i32
    %dma_start3A_638 = arith.constant 1664 : i32
    %dma_start3A_639 = arith.constant 0 : i32
    %dma_start3A_640 = tpu.memref_slice %arg10[%dma_start3A_638, %dma_start3A_639] : memref<2304x8xf32, #tpu.memory_space<vmem>> -> memref<128x8xf32, #tpu.memory_space<vmem>>
    %dma_start3A_641 = arith.constant 0 : i32
    %dma_start3A_642 = tpu.memref_slice %arg8[%dma_start3A_637, %dma_start3A_641] : memref<18x128xi32, #tpu.memory_space<vmem>> -> memref<1x128xi32, #tpu.memory_space<vmem>>
    %dma_start3A_643 = tpu.memref_squeeze %dma_start3A_642 : memref<1x128xi32, #tpu.memory_space<vmem>> -> memref<128xi32, #tpu.memory_space<vmem>>
    %dma_start3A_644 = arith.constant 0 : i32
    %dma_start3A_645 = arith.constant 0 : i32
    %dma_start3A_646 = tpu.memref_slice %arg2[%dma_start3A_644, %dma_start3A_645] : memref<1882384x8xf32, #tpu.memory_space<hbm>> -> memref<1882384x8xf32, #tpu.memory_space<hbm>>
    tpu.enqueue_indirect_dma source(%dma_start3A_646 : memref<1882384x8xf32, #tpu.memory_space<hbm>>) target(%dma_start3A_640 : memref<128x8xf32, #tpu.memory_space<vmem>>) offsets(%dma_start3A_643 : memref<128xi32, #tpu.memory_space<vmem>>) semaphore(%arg15 : memref<!tpu.dma_semaphore, #tpu.memory_space<semaphore_mem>>)
    %dma_start3A_647 = arith.constant 14 : i32
    %dma_start3A_648 = arith.constant 1792 : i32
    %dma_start3A_649 = arith.constant 0 : i32
    %dma_start3A_650 = tpu.memref_slice %arg10[%dma_start3A_648, %dma_start3A_649] : memref<2304x8xf32, #tpu.memory_space<vmem>> -> memref<128x8xf32, #tpu.memory_space<vmem>>
    %dma_start3A_651 = arith.constant 0 : i32
    %dma_start3A_652 = tpu.memref_slice %arg8[%dma_start3A_647, %dma_start3A_651] : memref<18x128xi32, #tpu.memory_space<vmem>> -> memref<1x128xi32, #tpu.memory_space<vmem>>
    %dma_start3A_653 = tpu.memref_squeeze %dma_start3A_652 : memref<1x128xi32, #tpu.memory_space<vmem>> -> memref<128xi32, #tpu.memory_space<vmem>>
    %dma_start3A_654 = arith.constant 0 : i32
    %dma_start3A_655 = arith.constant 0 : i32
    %dma_start3A_656 = tpu.memref_slice %arg2[%dma_start3A_654, %dma_start3A_655] : memref<1882384x8xf32, #tpu.memory_space<hbm>> -> memref<1882384x8xf32, #tpu.memory_space<hbm>>
    tpu.enqueue_indirect_dma source(%dma_start3A_656 : memref<1882384x8xf32, #tpu.memory_space<hbm>>) target(%dma_start3A_650 : memref<128x8xf32, #tpu.memory_space<vmem>>) offsets(%dma_start3A_653 : memref<128xi32, #tpu.memory_space<vmem>>) semaphore(%arg15 : memref<!tpu.dma_semaphore, #tpu.memory_space<semaphore_mem>>)
    %dma_start3A_657 = arith.constant 15 : i32
    %dma_start3A_658 = arith.constant 1920 : i32
    %dma_start3A_659 = arith.constant 0 : i32
    %dma_start3A_660 = tpu.memref_slice %arg10[%dma_start3A_658, %dma_start3A_659] : memref<2304x8xf32, #tpu.memory_space<vmem>> -> memref<128x8xf32, #tpu.memory_space<vmem>>
    %dma_start3A_661 = arith.constant 0 : i32
    %dma_start3A_662 = tpu.memref_slice %arg8[%dma_start3A_657, %dma_start3A_661] : memref<18x128xi32, #tpu.memory_space<vmem>> -> memref<1x128xi32, #tpu.memory_space<vmem>>
    %dma_start3A_663 = tpu.memref_squeeze %dma_start3A_662 : memref<1x128xi32, #tpu.memory_space<vmem>> -> memref<128xi32, #tpu.memory_space<vmem>>
    %dma_start3A_664 = arith.constant 0 : i32
    %dma_start3A_665 = arith.constant 0 : i32
    %dma_start3A_666 = tpu.memref_slice %arg2[%dma_start3A_664, %dma_start3A_665] : memref<1882384x8xf32, #tpu.memory_space<hbm>> -> memref<1882384x8xf32, #tpu.memory_space<hbm>>
    tpu.enqueue_indirect_dma source(%dma_start3A_666 : memref<1882384x8xf32, #tpu.memory_space<hbm>>) target(%dma_start3A_660 : memref<128x8xf32, #tpu.memory_space<vmem>>) offsets(%dma_start3A_663 : memref<128xi32, #tpu.memory_space<vmem>>) semaphore(%arg15 : memref<!tpu.dma_semaphore, #tpu.memory_space<semaphore_mem>>)
    %dma_start3A_667 = arith.constant 16 : i32
    %dma_start3A_668 = arith.constant 2048 : i32
    %dma_start3A_669 = arith.constant 0 : i32
    %dma_start3A_670 = tpu.memref_slice %arg10[%dma_start3A_668, %dma_start3A_669] : memref<2304x8xf32, #tpu.memory_space<vmem>> -> memref<128x8xf32, #tpu.memory_space<vmem>>
    %dma_start3A_671 = arith.constant 0 : i32
    %dma_start3A_672 = tpu.memref_slice %arg8[%dma_start3A_667, %dma_start3A_671] : memref<18x128xi32, #tpu.memory_space<vmem>> -> memref<1x128xi32, #tpu.memory_space<vmem>>
    %dma_start3A_673 = tpu.memref_squeeze %dma_start3A_672 : memref<1x128xi32, #tpu.memory_space<vmem>> -> memref<128xi32, #tpu.memory_space<vmem>>
    %dma_start3A_674 = arith.constant 0 : i32
    %dma_start3A_675 = arith.constant 0 : i32
    %dma_start3A_676 = tpu.memref_slice %arg2[%dma_start3A_674, %dma_start3A_675] : memref<1882384x8xf32, #tpu.memory_space<hbm>> -> memref<1882384x8xf32, #tpu.memory_space<hbm>>
    tpu.enqueue_indirect_dma source(%dma_start3A_676 : memref<1882384x8xf32, #tpu.memory_space<hbm>>) target(%dma_start3A_670 : memref<128x8xf32, #tpu.memory_space<vmem>>) offsets(%dma_start3A_673 : memref<128xi32, #tpu.memory_space<vmem>>) semaphore(%arg15 : memref<!tpu.dma_semaphore, #tpu.memory_space<semaphore_mem>>)
    %dma_start3A_677 = arith.constant 17 : i32
    %dma_start3A_678 = arith.constant 2176 : i32
    %dma_start3A_679 = arith.constant 0 : i32
    %dma_start3A_680 = tpu.memref_slice %arg10[%dma_start3A_678, %dma_start3A_679] : memref<2304x8xf32, #tpu.memory_space<vmem>> -> memref<128x8xf32, #tpu.memory_space<vmem>>
    %dma_start3A_681 = arith.constant 0 : i32
    %dma_start3A_682 = tpu.memref_slice %arg8[%dma_start3A_677, %dma_start3A_681] : memref<18x128xi32, #tpu.memory_space<vmem>> -> memref<1x128xi32, #tpu.memory_space<vmem>>
    %dma_start3A_683 = tpu.memref_squeeze %dma_start3A_682 : memref<1x128xi32, #tpu.memory_space<vmem>> -> memref<128xi32, #tpu.memory_space<vmem>>
    %dma_start3A_684 = arith.constant 0 : i32
    %dma_start3A_685 = arith.constant 0 : i32
    %dma_start3A_686 = tpu.memref_slice %arg2[%dma_start3A_684, %dma_start3A_685] : memref<1882384x8xf32, #tpu.memory_space<hbm>> -> memref<1882384x8xf32, #tpu.memory_space<hbm>>
    tpu.enqueue_indirect_dma source(%dma_start3A_686 : memref<1882384x8xf32, #tpu.memory_space<hbm>>) target(%dma_start3A_680 : memref<128x8xf32, #tpu.memory_space<vmem>>) offsets(%dma_start3A_683 : memref<128xi32, #tpu.memory_space<vmem>>) semaphore(%arg15 : memref<!tpu.dma_semaphore, #tpu.memory_space<semaphore_mem>>)
    %scan3A_687 = arith.constant 0 : i32
    %scan3A_688 = arith.constant 144 : i32
    %scan3A_689 = arith.addi %scan3A_687, %scan3A_688 : i32
    %scan3A_690 = arith.constant 1 : i32
    scf.for %scan3A_707 = %scan3A_687 to %scan3A_689 step %scan3A_690  : i32 {
      %mul3A_708 = arith.constant 16 : i32
      %mul3A_709 = arith.muli %scan3A_707, %mul3A_708 : i32
      %add3A_710 = vector.broadcast %mul3A_709 : i32 to vector<16xi32>
      %add3A_711 = arith.addi %add3A_710, %iota3A : vector<16xi32>
      %get3A = arith.constant 0 : i32
      %get3A_712 = arith.index_cast %get3A : i32 to index
      %get3A_713 = arith.index_cast %mul3A_709 : i32 to index
      %get3A_714 = tpu.vector_load %arg11[%get3A_712, %get3A_713] {strides = array<i32>} : memref<6x2304xf32, #tpu.memory_space<vmem>>, vector<16xf32>,
      %get3A_715 = arith.constant 1 : i32
      %get3A_716 = arith.index_cast %get3A_715 : i32 to index
      %get3A_717 = arith.index_cast %mul3A_709 : i32 to index
      %get3A_718 = tpu.vector_load %arg11[%get3A_716, %get3A_717] {strides = array<i32>} : memref<6x2304xf32, #tpu.memory_space<vmem>>, vector<16xf32>,
      %get3A_719 = arith.constant 2 : i32
      %get3A_720 = arith.index_cast %get3A_719 : i32 to index
      %get3A_721 = arith.index_cast %mul3A_709 : i32 to index
      %get3A_722 = tpu.vector_load %arg11[%get3A_720, %get3A_721] {strides = array<i32>} : memref<6x2304xf32, #tpu.memory_space<vmem>>, vector<16xf32>,
      %get3A_723 = arith.constant 3 : i32
      %get3A_724 = arith.index_cast %get3A_723 : i32 to index
      %get3A_725 = arith.index_cast %mul3A_709 : i32 to index
      %get3A_726 = tpu.vector_load %arg11[%get3A_724, %get3A_725] {strides = array<i32>} : memref<6x2304xf32, #tpu.memory_space<vmem>>, vector<16xf32>,
      %get3A_727 = arith.constant 4 : i32
      %get3A_728 = arith.index_cast %get3A_727 : i32 to index
      %get3A_729 = arith.index_cast %mul3A_709 : i32 to index
      %get3A_730 = tpu.vector_load %arg11[%get3A_728, %get3A_729] {strides = array<i32>} : memref<6x2304xf32, #tpu.memory_space<vmem>>, vector<16xf32>,
      %get3A_731 = arith.constant 5 : i32
      %get3A_732 = arith.index_cast %get3A_731 : i32 to index
      %get3A_733 = arith.index_cast %mul3A_709 : i32 to index
      %get3A_734 = tpu.vector_load %arg11[%get3A_732, %get3A_733] {strides = array<i32>} : memref<6x2304xf32, #tpu.memory_space<vmem>>, vector<16xf32>,
      %broadcast_in_dim3A = arith.constant 0 : i32
      %broadcast_in_dim3A_735 = vector.broadcast %broadcast_in_dim3A : i32 to vector<16xi32>
      %gather3A = tpu.vector_load_idx %arg9[%add3A_711, %broadcast_in_dim3A_735] : memref<2304x8xf32, #tpu.memory_space<vmem>>[vector<16xi32>, vector<16xi32>], vector<16xf32>,
      %broadcast_in_dim3A_736 = arith.constant 1 : i32
      %broadcast_in_dim3A_737 = vector.broadcast %broadcast_in_dim3A_736 : i32 to vector<16xi32>
      %gather3A_738 = tpu.vector_load_idx %arg9[%add3A_711, %broadcast_in_dim3A_737] : memref<2304x8xf32, #tpu.memory_space<vmem>>[vector<16xi32>, vector<16xi32>], vector<16xf32>,
      %broadcast_in_dim3A_739 = arith.constant 2 : i32
      %broadcast_in_dim3A_740 = vector.broadcast %broadcast_in_dim3A_739 : i32 to vector<16xi32>
      %gather3A_741 = tpu.vector_load_idx %arg9[%add3A_711, %broadcast_in_dim3A_740] : memref<2304x8xf32, #tpu.memory_space<vmem>>[vector<16xi32>, vector<16xi32>], vector<16xf32>,
      %broadcast_in_dim3A_742 = arith.constant 3 : i32
      %broadcast_in_dim3A_743 = vector.broadcast %broadcast_in_dim3A_742 : i32 to vector<16xi32>
      %gather3A_744 = tpu.vector_load_idx %arg9[%add3A_711, %broadcast_in_dim3A_743] : memref<2304x8xf32, #tpu.memory_space<vmem>>[vector<16xi32>, vector<16xi32>], vector<16xf32>,
      %broadcast_in_dim3A_745 = arith.constant 4 : i32
      %broadcast_in_dim3A_746 = vector.broadcast %broadcast_in_dim3A_745 : i32 to vector<16xi32>
      %gather3A_747 = tpu.vector_load_idx %arg9[%add3A_711, %broadcast_in_dim3A_746] : memref<2304x8xf32, #tpu.memory_space<vmem>>[vector<16xi32>, vector<16xi32>], vector<16xf32>,
      %broadcast_in_dim3A_748 = arith.constant 5 : i32
      %broadcast_in_dim3A_749 = vector.broadcast %broadcast_in_dim3A_748 : i32 to vector<16xi32>
      %gather3A_750 = tpu.vector_load_idx %arg9[%add3A_711, %broadcast_in_dim3A_749] : memref<2304x8xf32, #tpu.memory_space<vmem>>[vector<16xi32>, vector<16xi32>], vector<16xf32>,
      %broadcast_in_dim3A_751 = arith.constant 6 : i32
      %broadcast_in_dim3A_752 = vector.broadcast %broadcast_in_dim3A_751 : i32 to vector<16xi32>
      %gather3A_753 = tpu.vector_load_idx %arg9[%add3A_711, %broadcast_in_dim3A_752] : memref<2304x8xf32, #tpu.memory_space<vmem>>[vector<16xi32>, vector<16xi32>], vector<16xf32>,
      %broadcast_in_dim3A_754 = arith.constant 7 : i32
      %broadcast_in_dim3A_755 = vector.broadcast %broadcast_in_dim3A_754 : i32 to vector<16xi32>
      %gather3A_756 = tpu.vector_load_idx %arg9[%add3A_711, %broadcast_in_dim3A_755] : memref<2304x8xf32, #tpu.memory_space<vmem>>[vector<16xi32>, vector<16xi32>], vector<16xf32>,
      %mul3A_757 = arith.mulf %get3A_730, %gather3A : vector<16xf32>
      %mul3A_758 = arith.mulf %get3A_734, %gather3A_738 : vector<16xf32>
      %add3A_759 = arith.addf %mul3A_757, %mul3A_758 : vector<16xf32>
      %mul3A_760 = arith.mulf %get3A_730, %gather3A_741 : vector<16xf32>
      %mul3A_761 = arith.mulf %get3A_734, %gather3A_744 : vector<16xf32>
      %add3A_762 = arith.addf %mul3A_760, %mul3A_761 : vector<16xf32>
      %mul3A_763 = arith.mulf %get3A_730, %gather3A_747 : vector<16xf32>
      %mul3A_764 = arith.mulf %get3A_734, %gather3A_750 : vector<16xf32>
      %add3A_765 = arith.addf %mul3A_763, %mul3A_764 : vector<16xf32>
      %mul3A_766 = arith.mulf %get3A_730, %gather3A_753 : vector<16xf32>
      %mul3A_767 = arith.mulf %get3A_734, %gather3A_756 : vector<16xf32>
      %add3A_768 = arith.addf %mul3A_766, %mul3A_767 : vector<16xf32>
      %mul3A_769 = arith.mulf %get3A_722, %add3A_759 : vector<16xf32>
      %mul3A_770 = arith.mulf %get3A_726, %add3A_762 : vector<16xf32>
      %add3A_771 = arith.addf %mul3A_769, %mul3A_770 : vector<16xf32>
      %mul3A_772 = arith.mulf %get3A_722, %add3A_765 : vector<16xf32>
      %mul3A_773 = arith.mulf %get3A_726, %add3A_768 : vector<16xf32>
      %add3A_774 = arith.addf %mul3A_772, %mul3A_773 : vector<16xf32>
      %mul3A_775 = arith.mulf %get3A_714, %add3A_771 : vector<16xf32>
      %mul3A_776 = arith.mulf %get3A_718, %add3A_774 : vector<16xf32>
      %add3A_777 = arith.addf %mul3A_775, %mul3A_776 : vector<16xf32>
      %swap3A = arith.index_cast %mul3A_709 : i32 to index
      %swap3A_778 = tpu.vector_load %arg13[%swap3A] {strides = array<i32>} : memref<2304xf32, #tpu.memory_space<vmem>>, vector<16xf32>,
      tpu.vector_store %arg13[%swap3A], %add3A_777 {strides = array<i32>} : memref<2304xf32, #tpu.memory_space<vmem>>, vector<16xf32>,
    }
    %scan3A_691 = arith.constant 144 : i32
    %add3A_692 = arith.constant 50688 : i32
    %add3A_693 = arith.addi %mul3A_2, %add3A_692 : i32
    "tpu.region"() ({
      %run_scoped3A = tpu.sem_alloc : memref<!tpu.dma_semaphore, #tpu.memory_space<semaphore_mem>>
      %dma_start3A_707 = tpu.memref_slice %arg4[%add3A_693] : memref<1769472xf32, #tpu.memory_space<hbm>> -> memref<2304xf32, #tpu.memory_space<hbm>>
      %dma_start3A_708 = tpu.memref_slice %arg4[%add3A_693] : memref<1769472xf32, #tpu.memory_space<hbm>> -> memref<2304xf32, #tpu.memory_space<hbm>>
      tpu.enqueue_dma source(%arg13 : memref<2304xf32, #tpu.memory_space<vmem>>) target(%dma_start3A_708 : memref<2304xf32, #tpu.memory_space<hbm>>) target_semaphore(%run_scoped3A : memref<!tpu.dma_semaphore, #tpu.memory_space<semaphore_mem>>)
      %dma_wait3A_709 = tpu.memref_slice %arg4[%add3A_693] : memref<1769472xf32, #tpu.memory_space<hbm>> -> memref<2304xf32, #tpu.memory_space<hbm>>
      %dma_wait3A_710 = tpu.memref_slice %arg4[%add3A_693] : memref<1769472xf32, #tpu.memory_space<hbm>> -> memref<2304xf32, #tpu.memory_space<hbm>>
      tpu.wait_dma2 semaphore(%run_scoped3A : memref<!tpu.dma_semaphore, #tpu.memory_space<semaphore_mem>>) src(%arg13 : memref<2304xf32, #tpu.memory_space<vmem>>) dst(%dma_wait3A_710 : memref<2304xf32, #tpu.memory_space<hbm>>)
      tpu.yield
    }) : () -> ()
    %dma_wait3A_694 = arith.constant 0 : i32
    %dma_wait3A_695 = arith.constant 0 : i32
    %dma_wait3A_696 = tpu.memref_slice %arg2[%dma_wait3A_694, %dma_wait3A_695] : memref<1882384x8xf32, #tpu.memory_space<hbm>> -> memref<2304x8xf32, #tpu.memory_space<hbm>>
    %dma_wait3A_697 = arith.constant 0 : i32
    %dma_wait3A_698 = arith.constant 0 : i32
    %dma_wait3A_699 = tpu.memref_slice %arg2[%dma_wait3A_697, %dma_wait3A_698] : memref<1882384x8xf32, #tpu.memory_space<hbm>> -> memref<2304x8xf32, #tpu.memory_space<hbm>>
    tpu.wait_dma2 semaphore(%arg15 : memref<!tpu.dma_semaphore, #tpu.memory_space<semaphore_mem>>) src(%dma_wait3A_699 : memref<2304x8xf32, #tpu.memory_space<hbm>>) dst(%arg10 : memref<2304x8xf32, #tpu.memory_space<vmem>>)
    %scan3A_700 = arith.constant 0 : i32
    %scan3A_701 = arith.constant 144 : i32
    %scan3A_702 = arith.addi %scan3A_700, %scan3A_701 : i32
    %scan3A_703 = arith.constant 1 : i32
    scf.for %scan3A_707 = %scan3A_700 to %scan3A_702 step %scan3A_703  : i32 {
      %mul3A_708 = arith.constant 16 : i32
      %mul3A_709 = arith.muli %scan3A_707, %mul3A_708 : i32
      %add3A_710 = vector.broadcast %mul3A_709 : i32 to vector<16xi32>
      %add3A_711 = arith.addi %add3A_710, %iota3A : vector<16xi32>
      %get3A = arith.constant 0 : i32
      %get3A_712 = arith.index_cast %get3A : i32 to index
      %get3A_713 = arith.index_cast %mul3A_709 : i32 to index
      %get3A_714 = tpu.vector_load %arg12[%get3A_712, %get3A_713] {strides = array<i32>} : memref<6x2304xf32, #tpu.memory_space<vmem>>, vector<16xf32>,
      %get3A_715 = arith.constant 1 : i32
      %get3A_716 = arith.index_cast %get3A_715 : i32 to index
      %get3A_717 = arith.index_cast %mul3A_709 : i32 to index
      %get3A_718 = tpu.vector_load %arg12[%get3A_716, %get3A_717] {strides = array<i32>} : memref<6x2304xf32, #tpu.memory_space<vmem>>, vector<16xf32>,
      %get3A_719 = arith.constant 2 : i32
      %get3A_720 = arith.index_cast %get3A_719 : i32 to index
      %get3A_721 = arith.index_cast %mul3A_709 : i32 to index
      %get3A_722 = tpu.vector_load %arg12[%get3A_720, %get3A_721] {strides = array<i32>} : memref<6x2304xf32, #tpu.memory_space<vmem>>, vector<16xf32>,
      %get3A_723 = arith.constant 3 : i32
      %get3A_724 = arith.index_cast %get3A_723 : i32 to index
      %get3A_725 = arith.index_cast %mul3A_709 : i32 to index
      %get3A_726 = tpu.vector_load %arg12[%get3A_724, %get3A_725] {strides = array<i32>} : memref<6x2304xf32, #tpu.memory_space<vmem>>, vector<16xf32>,
      %get3A_727 = arith.constant 4 : i32
      %get3A_728 = arith.index_cast %get3A_727 : i32 to index
      %get3A_729 = arith.index_cast %mul3A_709 : i32 to index
      %get3A_730 = tpu.vector_load %arg12[%get3A_728, %get3A_729] {strides = array<i32>} : memref<6x2304xf32, #tpu.memory_space<vmem>>, vector<16xf32>,
      %get3A_731 = arith.constant 5 : i32
      %get3A_732 = arith.index_cast %get3A_731 : i32 to index
      %get3A_733 = arith.index_cast %mul3A_709 : i32 to index
      %get3A_734 = tpu.vector_load %arg12[%get3A_732, %get3A_733] {strides = array<i32>} : memref<6x2304xf32, #tpu.memory_space<vmem>>, vector<16xf32>,
      %broadcast_in_dim3A = arith.constant 0 : i32
      %broadcast_in_dim3A_735 = vector.broadcast %broadcast_in_dim3A : i32 to vector<16xi32>
      %gather3A = tpu.vector_load_idx %arg10[%add3A_711, %broadcast_in_dim3A_735] : memref<2304x8xf32, #tpu.memory_space<vmem>>[vector<16xi32>, vector<16xi32>], vector<16xf32>,
      %broadcast_in_dim3A_736 = arith.constant 1 : i32
      %broadcast_in_dim3A_737 = vector.broadcast %broadcast_in_dim3A_736 : i32 to vector<16xi32>
      %gather3A_738 = tpu.vector_load_idx %arg10[%add3A_711, %broadcast_in_dim3A_737] : memref<2304x8xf32, #tpu.memory_space<vmem>>[vector<16xi32>, vector<16xi32>], vector<16xf32>,
      %broadcast_in_dim3A_739 = arith.constant 2 : i32
      %broadcast_in_dim3A_740 = vector.broadcast %broadcast_in_dim3A_739 : i32 to vector<16xi32>
      %gather3A_741 = tpu.vector_load_idx %arg10[%add3A_711, %broadcast_in_dim3A_740] : memref<2304x8xf32, #tpu.memory_space<vmem>>[vector<16xi32>, vector<16xi32>], vector<16xf32>,
      %broadcast_in_dim3A_742 = arith.constant 3 : i32
      %broadcast_in_dim3A_743 = vector.broadcast %broadcast_in_dim3A_742 : i32 to vector<16xi32>
      %gather3A_744 = tpu.vector_load_idx %arg10[%add3A_711, %broadcast_in_dim3A_743] : memref<2304x8xf32, #tpu.memory_space<vmem>>[vector<16xi32>, vector<16xi32>], vector<16xf32>,
      %broadcast_in_dim3A_745 = arith.constant 4 : i32
      %broadcast_in_dim3A_746 = vector.broadcast %broadcast_in_dim3A_745 : i32 to vector<16xi32>
      %gather3A_747 = tpu.vector_load_idx %arg10[%add3A_711, %broadcast_in_dim3A_746] : memref<2304x8xf32, #tpu.memory_space<vmem>>[vector<16xi32>, vector<16xi32>], vector<16xf32>,
      %broadcast_in_dim3A_748 = arith.constant 5 : i32
      %broadcast_in_dim3A_749 = vector.broadcast %broadcast_in_dim3A_748 : i32 to vector<16xi32>
      %gather3A_750 = tpu.vector_load_idx %arg10[%add3A_711, %broadcast_in_dim3A_749] : memref<2304x8xf32, #tpu.memory_space<vmem>>[vector<16xi32>, vector<16xi32>], vector<16xf32>,
      %broadcast_in_dim3A_751 = arith.constant 6 : i32
      %broadcast_in_dim3A_752 = vector.broadcast %broadcast_in_dim3A_751 : i32 to vector<16xi32>
      %gather3A_753 = tpu.vector_load_idx %arg10[%add3A_711, %broadcast_in_dim3A_752] : memref<2304x8xf32, #tpu.memory_space<vmem>>[vector<16xi32>, vector<16xi32>], vector<16xf32>,
      %broadcast_in_dim3A_754 = arith.constant 7 : i32
      %broadcast_in_dim3A_755 = vector.broadcast %broadcast_in_dim3A_754 : i32 to vector<16xi32>
      %gather3A_756 = tpu.vector_load_idx %arg10[%add3A_711, %broadcast_in_dim3A_755] : memref<2304x8xf32, #tpu.memory_space<vmem>>[vector<16xi32>, vector<16xi32>], vector<16xf32>,
      %mul3A_757 = arith.mulf %get3A_730, %gather3A : vector<16xf32>
      %mul3A_758 = arith.mulf %get3A_734, %gather3A_738 : vector<16xf32>
      %add3A_759 = arith.addf %mul3A_757, %mul3A_758 : vector<16xf32>
      %mul3A_760 = arith.mulf %get3A_730, %gather3A_741 : vector<16xf32>
      %mul3A_761 = arith.mulf %get3A_734, %gather3A_744 : vector<16xf32>
      %add3A_762 = arith.addf %mul3A_760, %mul3A_761 : vector<16xf32>
      %mul3A_763 = arith.mulf %get3A_730, %gather3A_747 : vector<16xf32>
      %mul3A_764 = arith.mulf %get3A_734, %gather3A_750 : vector<16xf32>
      %add3A_765 = arith.addf %mul3A_763, %mul3A_764 : vector<16xf32>
      %mul3A_766 = arith.mulf %get3A_730, %gather3A_753 : vector<16xf32>
      %mul3A_767 = arith.mulf %get3A_734, %gather3A_756 : vector<16xf32>
      %add3A_768 = arith.addf %mul3A_766, %mul3A_767 : vector<16xf32>
      %mul3A_769 = arith.mulf %get3A_722, %add3A_759 : vector<16xf32>
      %mul3A_770 = arith.mulf %get3A_726, %add3A_762 : vector<16xf32>
      %add3A_771 = arith.addf %mul3A_769, %mul3A_770 : vector<16xf32>
      %mul3A_772 = arith.mulf %get3A_722, %add3A_765 : vector<16xf32>
      %mul3A_773 = arith.mulf %get3A_726, %add3A_768 : vector<16xf32>
      %add3A_774 = arith.addf %mul3A_772, %mul3A_773 : vector<16xf32>
      %mul3A_775 = arith.mulf %get3A_714, %add3A_771 : vector<16xf32>
      %mul3A_776 = arith.mulf %get3A_718, %add3A_774 : vector<16xf32>
      %add3A_777 = arith.addf %mul3A_775, %mul3A_776 : vector<16xf32>
      %swap3A = arith.index_cast %mul3A_709 : i32 to index
      %swap3A_778 = tpu.vector_load %arg13[%swap3A] {strides = array<i32>} : memref<2304xf32, #tpu.memory_space<vmem>>, vector<16xf32>,
      tpu.vector_store %arg13[%swap3A], %add3A_777 {strides = array<i32>} : memref<2304xf32, #tpu.memory_space<vmem>>, vector<16xf32>,
    }
    %scan3A_704 = arith.constant 144 : i32
    %add3A_705 = arith.constant 52992 : i32
    %add3A_706 = arith.addi %mul3A_2, %add3A_705 : i32
    "tpu.region"() ({
      %run_scoped3A = tpu.sem_alloc : memref<!tpu.dma_semaphore, #tpu.memory_space<semaphore_mem>>
      %dma_start3A_707 = tpu.memref_slice %arg4[%add3A_706] : memref<1769472xf32, #tpu.memory_space<hbm>> -> memref<2304xf32, #tpu.memory_space<hbm>>
      %dma_start3A_708 = tpu.memref_slice %arg4[%add3A_706] : memref<1769472xf32, #tpu.memory_space<hbm>> -> memref<2304xf32, #tpu.memory_space<hbm>>
      tpu.enqueue_dma source(%arg13 : memref<2304xf32, #tpu.memory_space<vmem>>) target(%dma_start3A_708 : memref<2304xf32, #tpu.memory_space<hbm>>) target_semaphore(%run_scoped3A : memref<!tpu.dma_semaphore, #tpu.memory_space<semaphore_mem>>)
      %dma_wait3A_709 = tpu.memref_slice %arg4[%add3A_706] : memref<1769472xf32, #tpu.memory_space<hbm>> -> memref<2304xf32, #tpu.memory_space<hbm>>
      %dma_wait3A_710 = tpu.memref_slice %arg4[%add3A_706] : memref<1769472xf32, #tpu.memory_space<hbm>> -> memref<2304xf32, #tpu.memory_space<hbm>>
      tpu.wait_dma2 semaphore(%run_scoped3A : memref<!tpu.dma_semaphore, #tpu.memory_space<semaphore_mem>>) src(%arg13 : memref<2304xf32, #tpu.memory_space<vmem>>) dst(%dma_wait3A_710 : memref<2304xf32, #tpu.memory_space<hbm>>)
      tpu.yield
    }) : () -> ()
    return
  }
}

</mosaic_0001>

<sc_bundles>
// kernel: kernel.4.cloned.1.call-start
scs
__scs_entry_jumppad:
0x0: {  	(pc) =	sbr.rel $0x88, $3  }
0x1: {  	(tag) =	ssettag $0x0;
	lr =	simm.s32 $0x1  }
0x2: {  	[smem:$0x3F9F] =	sst lr;
	_ =	strace $0xD0000000  }
0x3: {  	_ = 	snop  }
0x4: {  	_ = 	snop  }
0x5: {  	_ = 	snop  }
0x6: {  	_ = 	snop  }
0x7: {  	_ = 	snop  }
__scs_overlays_trampoline_lowered:
0x8: {  	[smem:$0x3FAE] =	sst s0  }
0x9: {  	[smem:$0x3FAF] =	sst s1  }
0xa: {  	[smem:$0x3FB0] =	sst s2  }
0xb: {  	[smem:$0x3FB1] =	sst s3  }
0xc: {  	[smem:$0x3FB2] =	sst s4  }
0xd: {  	[smem:$0x3FB3] =	sst s5  }
0xe: {  	[smem:$0x3FB4] =	sst s6  }
0xf: {  	[smem:$0x3FB5] =	sst s7  }
0x10: {  	[smem:$0x3FB6] =	sst s8  }
0x11: {  	[smem:$0x3FB7] =	sst s9;
	s0 =	simm.s32 @!p0 $0x0  }
0x12: {  	s1 =	sld [smem:$0x3F9D];
	s0 =	simm.s32 @p0 $0x1  }
0x13: {  	[smem:$0x3FB8] =	sst s0;
	s0 =	simm.s32 @!p1 $0x0  }
0x14: {  	s2 =	sld [smem:$0x3F9C];
	s0 =	simm.s32 @p1 $0x1  }
0x15: {  	[smem:$0x3FB9] =	sst s0;
	s0 =	simm.s32 @!p2 $0x0  }
0x16: {  	s3 =	sld [smem:$0x3FDB];
	s0 =	simm.s32 @p2 $0x1  }
0x17: {  	s4 =	simm.s32 $0x1BF5;
	[smem:$0x3FBB] =	sst s0  }
0x18: {  	s0 =	sld [smem:$0x3F9E];
	_ =	swait.ge [sflag:s4], $0x0  }
0x19: {  	s7 =	sld [smem:$0x3F9F]  }
0x1a: {  	s8 =	sadd.s32 $0xFFFFE003, lr  }
0x1b: {  	s9 =	sadd.s32 $0xFFFFFEF7, lr;
	s5 =	simm.s32 $0xFFFFFFFF;
	p2 =	slt.u32 s8, $0xFFFFF086  }
0x1c: {  	p1 =	slt.u32 s9, $0xF7A;
	s5 =	simm.s32 @!p2 $0x0  }
0x1d: {  	s5 =	simm.s32 @p1 $0x1;
	p0 =	seq.s32 s7, s2  }
0x1e: {  	s7 =	smul.u32 @!p0 $0xF7A, s2;
	p2 =	seq.s32 @!p0 s5, $0x0  }
0x1f: {  	s9 =	smul.u32 $0xF7A, s1;
	s8 =	simm.s32 @!p0 $0x1BF5;
	p2 =	por !p2, p0  }
0x20: {  	[sflag:s8] =	ssyncset.s32 @!p0 $0xFFFFF086;
	s6 =	sadd.s32 @!p0 s3, s7;
	s7 =	simm.s32 @!p0 $0x108  }
0x21: {  	s3 =	sadd.s32 s3, s9;
	s6 =	sadd.s32 @!p0 $0x88, s6;
	s7 =	simm.s32 @p2 $0x1082  }
0x22: {  	[simem:s7], [sflag:s8] =	dma.local @!p0 [hbm:s6], $0xF7A  }
0x23: {  	s9 =	sor.u32 $0xD0000000, s2;
	s6 =	simm.s32 $0x108;
	_ =	swait.ge @!p0 [sflag:s8], $0x0  }
0x24: {  	s3 =	sadd.s32 $0x88, s3;
	s6 =	simm.s32 @!p1 $0x1082;
	[sflag:s4] =	ssyncset.s32 $0xFFFFF086  }
0x25: {  	[simem:s6], [sflag:s4] =	dma.local [hbm:s3], $0xF7A  }
0x26: {  	[smem:$0x3F9F] =	sst s1;
	(tag) =	ssettag s2;
	_ =	strace s9  }
0x27: {  	s1 =	sld [smem:$0x3FAF]  }
0x28: {  	s2 =	sld [smem:$0x3FB0]  }
0x29: {  	s4 =	sld [smem:$0x3FB2]  }
0x2a: {  	p0 =	seq.s32 s5, $0x0;
	s5 =	sld [smem:$0x3FB3]  }
0x2b: {  	s6 =	sld [smem:$0x3FB4]  }
0x2c: {  	s7 =	sld [smem:$0x3FB5]  }
0x2d: {  	s3 =	simm.s32 $0x108;
	s8 =	sld [smem:$0x3FB6]  }
0x2e: {  	s3 =	simm.s32 @!p0 $0x1082;
	s9 =	sld [smem:$0x3FB7]  }
0x2f: {  	lr =	sadd.s32 s0, s3;
	s0 =	sld [smem:$0x3FAE]  }
0x30: {  	s3 =	sld [smem:$0x3FB1]  }
0x31: {  	[smem:$0x3FBA] =	sst s10  }
0x32: {  	s10 =	sld [smem:$0x3FB8];
	_ =	sdelay $0x3  }
0x33: {  	p0 =	seq.s32 s10, $0x1;
	s10 =	sld [smem:$0x3FBA];
	_ =	sdelay $0x3  }
0x34: {  	[smem:$0x3FBA] =	sst s10  }
0x35: {  	s10 =	sld [smem:$0x3FB9];
	_ =	sdelay $0x3  }
0x36: {  	p1 =	seq.s32 s10, $0x1;
	s10 =	sld [smem:$0x3FBA];
	_ =	sdelay $0x3  }
0x37: {  	[smem:$0x3FBA] =	sst s10  }
0x38: {  	s10 =	sld [smem:$0x3FBB]  }
0x39: {  	_ = 	snop;
	(pc) =	sbr.ind lr, $3  }
0x3a: {  	_ = 	snop  }
0x3b: {  	_ = 	snop  }
0x3c: {  	p2 =	seq.s32 s10, $0x1;
	s10 =	sld [smem:$0x3FBA]  }
0x3d: {  	_ =	shalt  }
0x3e: {  	_ =	shalt  }
0x3f: {  	_ =	shalt  }
0x40: {  	_ =	shalt  }
0x41: {  	_ =	shalt  }
0x42: {  	_ =	shalt  }
0x43: {  	_ =	shalt  }
0x44: {  	_ =	shalt  }
0x45: {  	_ =	shalt  }
0x46: {  	_ =	shalt  }
0x47: {  	_ =	shalt  }
0x48: {  	_ =	shalt  }
0x49: {  	_ =	shalt  }
0x4a: {  	_ =	shalt  }
0x4b: {  	_ =	shalt  }
0x4c: {  	_ =	shalt  }
0x4d: {  	_ =	shalt  }
0x4e: {  	_ =	shalt  }
0x4f: {  	_ =	shalt  }
0x50: {  	_ =	shalt  }
0x51: {  	_ =	shalt  }
0x52: {  	_ =	shalt  }
0x53: {  	_ =	shalt  }
0x54: {  	_ =	shalt  }
0x55: {  	_ =	shalt  }
0x56: {  	_ =	shalt  }
0x57: {  	_ =	shalt  }
0x58: {  	_ =	shalt  }
0x59: {  	_ =	shalt  }
0x5a: {  	_ =	shalt  }
0x5b: {  	_ =	shalt  }
0x5c: {  	_ =	shalt  }
0x5d: {  	_ =	shalt  }
0x5e: {  	_ =	shalt  }
0x5f: {  	_ =	shalt  }
0x60: {  	_ =	shalt  }
0x61: {  	_ =	shalt  }
0x62: {  	_ =	shalt  }
0x63: {  	_ =	shalt  }
0x64: {  	_ =	shalt  }
0x65: {  	_ =	shalt  }
0x66: {  	_ =	shalt  }
0x67: {  	_ =	shalt  }
0x68: {  	_ =	shalt  }
0x69: {  	_ =	shalt  }
0x6a: {  	_ =	shalt  }
0x6b: {  	_ =	shalt  }
0x6c: {  	_ =	shalt  }
0x6d: {  	_ =	shalt  }
0x6e: {  	_ =	shalt  }
0x6f: {  	_ =	shalt  }
0x70: {  	_ =	shalt  }
0x71: {  	_ =	shalt  }
0x72: {  	_ =	shalt  }
0x73: {  	_ =	shalt  }
0x74: {  	_ =	shalt  }
0x75: {  	_ =	shalt  }
0x76: {  	_ =	shalt  }
0x77: {  	_ =	shalt  }
0x78: {  	_ =	shalt  }
0x79: {  	_ =	shalt  }
0x7a: {  	_ =	shalt  }
0x7b: {  	_ =	shalt  }
0x7c: {  	_ =	shalt  }
0x7d: {  	_ =	shalt  }
0x7e: {  	_ =	shalt  }
0x7f: {  	_ =	shalt  }
0x80: {  	_ =	shalt  }
0x81: {  	_ =	shalt  }
0x82: {  	_ =	shalt  }
0x83: {  	_ =	shalt  }
0x84: {  	_ =	shalt  }
0x85: {  	_ =	shalt  }
0x86: {  	_ =	shalt  }
0x87: {  	_ =	shalt  }
.Lfunc_end0:
.L_simem_size_0:
called_computation_lowered:
.L_overlay_start_0:
0x88: {  	s2 =	sld [smem:$0x3FD9]  }
0x89: {  	s3 =	sld [smem:$0x3FFE];
	_ =	sdelay $0x1  }
0x8a: {  	s1 =	srdreg.scid  }
0x8b: {  	s0 =	sand.u32 $0x1, s1  }
0x8c: {  	s17 =	sshll.u32 s0, $0xA;
	s2 =	sadd.s32 s3, s2  }
0x8d: {  	s2 =	sadd.s32 s2, s17  }
0x8e: {  	[smem:$0x3FC6] =	sst s2  }
0x8f: {  	_ = 	snop  }
0x90: {  	s2 =	sld [smem:$0x3FD0];
	(tm) =	ssettm $0x1  }
0x91: {  	s18 =	sld [smem:$0x3FFB];
	_ =	sdelay $0x3  }
0x92: {  	_ =	strace s18  }
0x93: {  	s3 =	sld [smem:$0x3FFC];
	_ =	sdelay $0x3  }
0x94: {  	_ =	strace s3  }
0x95: {  	s3 =	sld [smem:$0x3FFD];
	_ =	sdelay $0x3  }
0x96: {  	_ =	strace s3  }
0x97: {  	_ =	strace $0x8FFFFFFF  }
0x98: {  	s19 =	sld [smem:$0x3FDB];
	_ =	sdelay $0x1  }
0x99: {  	s4 =	simm.s32 $_scs_section_size  }
0x9a: {  	s5 =	simm.s32 $_size__tile_overlayer_lowered;
	s6 =	simm.s32 $_tile_overlayer_lowered  }
0x9b: {  	s22 =	simm.s32 $0x1BFF;
	s21 =	sshll.u32 s6, $0x1;
	s3 =	sadd.s32 s4, s19  }
0x9c: {  	s7 =	simm.s32 $0x0;
	s20 =	sshll.u32 s5, $0x1;
	s5 =	sadd.s32 s21, s3  }
0x9d: {  	[timem:s7], [sflag:s22] =	dma.local [hbm:s5], s20  }
0x9e: {  	_ =	swait.ge [sflag:s22], s20  }
0x9f: {  	s4 =	ssub.s32 $0x0, s20;
	[sflag:s22] =	ssyncset.done $0x0  }
0xa0: {  	[sflag:s22] =	ssyncadd.s32 s4;
	_ =	sdelay $0x1  }
0xa1: {  	s23 =	simm.s32 $0x1B8B  }
0xa2: {  	_ =	swait.ge [sflag:s23], $0x1  }
0xa3: {  	[sflag:s23] =	ssyncset.done $0x0  }
0xa4: {  	s25 =	simm.s32 $0x1B8E;
	s24 =	sld [smem:$0x3FFE];
	[sflag:s23] =	ssyncadd.s32 $0xFFFFFFFF  }
0xa5: {  	s26 =	simm.s32 $execute0_lowered;
	[smem:$0x3FD2] =	sst s25  }
0xa6: {  	s5 =	sshll.u32 s26, $0x1;
	_ =	strace $0x80000046;
	[dreg:$0x1] =	wrdreg $0xFFFFFFFF  }
0xa7: {  	s28 =	simm.s32 $_size_execute0_lowered;
	s3 =	sadd.s32 s3, s5;
	[dreg:$0x0] =	wrdreg $0x0  }
0xa8: {  	s5 =	sshll.u32 s28, $0x1;
	[dreg:$0x2] =	wrdreg s3  }
0xa9: {  	[dreg:$0x3] =	wrdreg s5  }
0xaa: {  	[dreg:$0x4] =	wrdreg $0xC0  }
0xab: {  	_ =	task [dreg:s7], $0x5FFFF  }
0xac: {  	[dreg:$0x1] =	wrdreg $0xFFFFFFFF  }
0xad: {  	[dreg:$0x0] =	wrdreg $0x60  }
0xae: {  	[dreg:$0x2] =	wrdreg s2  }
0xaf: {  	[dreg:$0x3] =	wrdreg s24  }
0xb0: {  	[dreg:$0x4] =	wrdreg $0x9  }
0xb1: {  	_ =	task.clear_ibuf [dreg:s7], $0x5FFFF;
	_ =	strace $0x90000046  }
0xb2: {  	s29 =	simm.s32 $0x9;
	_ =	strace $0x80000048  }
0xb3: {  	_ =	swait.ge [sflag:s29], $0x1  }
0xb4: {  	[sflag:s29] =	ssyncadd.s32 $0xFFFFFFFF  }
0xb5: {  	_ =	strace $0x90000048  }
0xb6: {  	_ =	sfence  }
0xb7: {  	s30 =	sld [smem:$0x0];
	_ =	sdelay $0x2  }
0xb8: {  	s31 =	sshll.u32 s1, $0xD;
	s1 =	sshrl.u32 s1, $0x2  }
0xb9: {  	s3 =	sand.u32 $0x4000, s31;
	s1 =	sadd.s32 s1, s30  }
0xba: {  	s0 =	sor.u32 s3, s0;
	s1 =	sshll.u32 s1, $0x11  }
0xbb: {  	s0 =	sor.u32 s1, s0  }
0xbc: {  	s0 =	sadd.s32 $0x8F2B, s0  }
0xbd: {  	[sflag:s0] =	ssyncadd.remote.s32 $0x1  }
0xbe: {  	_ =	sfence.sel $0xFFFF  }
0xbf: {  	[dreg:$0x0] =	wrdreg $0xFFFFFFFF;
	(pc) =	sbr.abs _section_cstart, $3  }
0xc0: {  	[dreg:$0x1] =	wrdreg $0xFFFFFFFF  }
0xc1: {  	_ =	task.clear_ibuf [dreg:s7], $0x2FFFF;
	_ =	strace $0x9FFFFFFF  }
0xc2: {  	(tm) =	ssettm $0x7FFFFFFF  }
0xc3: {  	_ =	shalt  }
tec
execute0_lowered:
.L_overlay_start_1:
0x0: {  	(tag) =	ssettag $0x1  }
0x1: {  	s1 =	rddreg [dreg:$0x0]  }
0x2: {  	s0 =	rddreg [dreg:$0x1]  }
0x3: {  	s3 =	simm.s32 $0x0;
	s2 =	srdreg.scid;
	s7 =	stileid.u32  }
0x4: {  	s5 =	simm.s32 $0x31;
	s15 =	simm.s32 $0x1450;
	s16 =	simm.s32 $0x28A0  }
0x5: {  	s17 =	simm.s32 $0x3CF0;
	s18 =	simm.s32 $0x1;
	s19 =	simm.s32 $0x5140  }
0x6: {  	s20 =	simm.s32 $0x2;
	s21 =	simm.s32 $0xE750;
	s22 =	simm.s32 $0x3  }
0x7: {  	s23 =	simm.s32 $0x4;
	[smem:$0x7FF] =	sst s3;
	s2 =	sand.u32 $0x1, s2  }
0x8: {  	s4 =	smul.u32 $0x63, s7;
	s7 =	sshll.u32 s7, $0x1;
	p0 =	seq.s32 s2, $0x1  }
0x9: {  	s14 =	sadd.s32 $0x27C40, s0;
	s6 =	ssub.s32 $0x2, s2;
	s5 =	simm.s32 @!p0 $0x0  }
0xa: {  	_ =	strace $0x80000047;
	s8 =	sshrl.u32 s6, $0x1;
	s5 =	sadd.s32 s5, s4  }
0xb: {  	s4 =	sor.u32 s2, s7;
	s25 =	ssub.s32 s6, s8;
	s24 =	smul.u32 $0x68, s5  }
0xc: {  	s5 =	sadd.s32 $0x2400, s0;
	s26 =	smin.u32 s4, $0x7;
	s11 =	sor.u32 $0x60, s4  }
0xd: {  	s13 =	smax.u32 s25, $0x1;
	s10 =	smul.u32 $0x9610, s26;
	s28 =	sshrl.u32 s24, $0x3  }
0xe: {  	v0 =	vimm.s32 $0x6A690201;
	v1 =	vimm.s32 $0x69680100;
	s9 =	sadd.s32 $0x2838, s24;
	s2 =	sadd.s32 $0x2ABB8, s24;
	s24 =	simm.s32 $0x0  }
0xf: {  	v2 =	vlaneseq.u32;
	v0 =	vunpack.c.0.s8.s32 v0;
	v1 =	vunpack.c.0.s8.s32 v1;
	s6 =	sadd.s32 s1, s28;
	s29 =	sshrl.u32 s9, $0x3;
	s2 =	sshrl.u32 s2, $0x3  }
0x10: {  	v2 =	vshrl.u32 v2, $0x2;
	s10 =	sshrl.u32 s10, $0x3;
	s8 =	sadd.s32 s1, s29;
	s30 =	sadd.s32 $0x5070, s6  }
0x11: {  	v2 =	vand.u32 $0x1, v2;
	v0 =	vcombine.low v1, v0;
	s9 =	sadd.s32 s1, s2;
	s31 =	sadd.s32 s5, s10;
	[dreg:$0x3] =	wrdreg s8  }
0x12: {  	v1 =	vmul.u32 $0x1450, v2;
	s10 =	sor.u32 $0x40, s4;
	[dreg:$0x4] =	wrdreg s30;
	s12 =	sadd.s32 $0x1C2300, s31  }
.LBB2_1:
0x13: {  	[tilespmem:s3], [sflag:$0x1] =	stream.linear.gather [hbm4b:s6+s3], $0x1450, $0x38;
	[tilespmem:$0x17D60] =	vst v63  }
0x14: {  	s0 =	rddreg [dreg:$0x3]  }
0x15: {  	[tilespmem:s15], [sflag:$0x1] =	stream.linear.gather [hbm4b:s0+s3], $0x1450, $0x38;
	[tilespmem:$0x17D60] =	vst v63  }
0x16: {  	s31 =	rddreg [dreg:$0x4]  }
0x17: {  	[tilespmem:s16], [sflag:$0x2] =	stream.linear.gather [hbm4b:s31+s3], $0x1450, $0x38;
	[tilespmem:$0x17D60] =	vst v63  }
0x18: {  	s25 =	simm.s32 $0x0  }
0x19: {  	[tilespmem:s17], [sflag:$0x2] =	stream.linear.gather [hbm4b:s9+s3], $0x1450, $0x38;
	[tilespmem:$0x17D60] =	vst v63  }
.LBB2_2:
0x1a: {  	_ =	swait.ge [sflag:s18], $0x1450  }
0x1b: {  	[sflag:s18] =	ssyncset.done $0x0  }
0x1c: {  	[sflag:s18] =	ssyncadd.s32 $0xFFFFEBB0  }
0x1d: {  	_ =	swait.ge [sflag:s18], $0x1450  }
0x1e: {  	p0 =	seq.s32 s25, $0x0;
	[sflag:s18] =	ssyncset.done $0x0  }
0x1f: {  	s0 =	simm.s32 @!p0 $0x3;
	[sflag:s18] =	ssyncadd.s32 $0xFFFFEBB0  }
0x20: {  	_ =	swait.ge @!p0 [sflag:s0], $0x9610  }
0x21: {  	s26 =	sshll.u32 s25, $0x6;
	s28 =	simm.s32 $0x0;
	[sflag:s0] =	ssyncset.done @!p0 $0x0  }
0x22: {  	s29 =	simm.s32 $0x5170;
	s30 =	simm.s32 $0x0;
	[sflag:s0] =	ssyncadd.s32 @!p0 $0xFFFF69F0  }
.LBB2_3:
0x23: {  	s0 =	sadd.s32 $0x0, s28  }
0x24: {  	v2 =	vadd.s32 s0, v0  }
0x25: {  	v2 =	vand.u32 $0x7FFF, v2  }
0x26: {  	v2 =	vadd.s32 v1, v2;
	_ =	sdelay $0x2  }
0x27: {  	s2 =	sadd.s32 $0x2, s0  }
0x28: {  	v3 =	vadd.s32 s2, v0  }
0x29: {  	v3 =	vand.u32 $0x7FFFFFFF, v3;
	v2 =	vld.idx.msk [tilespmem:v2+s3+$0x0], $0xffff  }
0x2a: {  	v3 =	vadd.s32 v1, v3;
	_ =	sdelay $0x2  }
0x2b: {  	s7 =	sadd.s32 $0x4, s0  }
0x2c: {  	[tilespmem:s29+$0xFFFFFFD0] =	vst v2;
	v2 =	vadd.s32 s7, v0  }
0x2d: {  	v3 =	vld.idx.msk [tilespmem:v3+s3+$0x0], $0xffff;
	v2 =	vand.u32 $0x7FFFFFFF, v2  }
0x2e: {  	v2 =	vadd.s32 v1, v2;
	_ =	sdelay $0x2  }
0x2f: {  	s8 =	sadd.s32 $0x6, s0  }
0x30: {  	[tilespmem:s29+$0xFFFFFFE0] =	vst v3;
	v3 =	vadd.s32 s8, v0  }
0x31: {  	v2 =	vld.idx.msk [tilespmem:v2+s3+$0x0], $0xffff;
	v3 =	vand.u32 $0x7FFFFFFF, v3  }
0x32: {  	v3 =	vadd.s32 v1, v3;
	_ =	sdelay $0x2  }
0x33: {  	s7 =	sadd.s32 $0x8, s0  }
0x34: {  	[tilespmem:s29+$0xFFFFFFF0] =	vst v2;
	v2 =	vadd.s32 s7, v0  }
0x35: {  	v3 =	vld.idx.msk [tilespmem:v3+s3+$0x0], $0xffff;
	v2 =	vand.u32 $0x7FFFFFFF, v2  }
0x36: {  	v2 =	vadd.s32 v1, v2;
	_ =	sdelay $0x2  }
0x37: {  	s8 =	sadd.s32 $0xA, s0  }
0x38: {  	[tilespmem:s29+$0x0] =	vst v3;
	v3 =	vadd.s32 s8, v0  }
0x39: {  	v2 =	vld.idx.msk [tilespmem:v2+s3+$0x0], $0xffff;
	v3 =	vand.u32 $0x7FFFFFFF, v3  }
0x3a: {  	v3 =	vadd.s32 v1, v3;
	_ =	sdelay $0x2  }
0x3b: {  	s0 =	sadd.s32 $0xC, s0  }
0x3c: {  	[tilespmem:s29+$0x10] =	vst v2;
	v2 =	vadd.s32 s0, v0  }
0x3d: {  	v3 =	vld.idx.msk [tilespmem:v3+s3+$0x0], $0xffff;
	v2 =	vand.u32 $0x7FFFFFFF, v2  }
0x3e: {  	v2 =	vadd.s32 v1, v2;
	_ =	sdelay $0x3  }
0x3f: {  	s31 =	sadd.s32 $0xE, s28;
	s2 =	simm.s32 $0x1C;
	s0 =	smov.u32 s29;
	[tilespmem:s29+$0x20] =	vst v3  }
.LBB2_4:
0x40: {  	p1 =	sne.s32 s2, $0x54;
	v3 =	vadd.s32 s31, v0;
	v2 =	vld.idx.msk [tilespmem:v2+s3+$0x0], $0xffff  }
0x41: {  	v3 =	vand.u32 $0x7FFF, v3  }
0x42: {  	v3 =	vadd.s32 v1, v3;
	_ =	sdelay $0x3  }
0x43: {  	s7 =	sadd.s32 $0x2, s31;
	[tilespmem:s0+$0x30] =	vst v2  }
0x44: {  	v2 =	vld.idx.msk [tilespmem:v3+s3+$0x0], $0xffff;
	v3 =	vadd.s32 s7, v0  }
0x45: {  	v3 =	vand.u32 $0x7FFFFFFF, v3  }
0x46: {  	v3 =	vadd.s32 v1, v3;
	_ =	sdelay $0x2  }
0x47: {  	s0 =	sadd.s32 $0x70, s0  }
0x48: {  	s7 =	sadd.s32 $0x4, s31;
	[tilespmem:s0+$0xFFFFFFD0] =	vst v2  }
0x49: {  	v2 =	vld.idx.msk [tilespmem:v3+s3+$0x0], $0xffff;
	v3 =	vadd.s32 s7, v0  }
0x4a: {  	v3 =	vand.u32 $0x7FFFFFFF, v3  }
0x4b: {  	v3 =	vadd.s32 v1, v3;
	_ =	sdelay $0x3  }
0x4c: {  	s7 =	sadd.s32 $0x6, s31;
	[tilespmem:s0+$0xFFFFFFE0] =	vst v2  }
0x4d: {  	v2 =	vld.idx.msk [tilespmem:v3+s3+$0x0], $0xffff;
	v3 =	vadd.s32 s7, v0  }
0x4e: {  	v3 =	vand.u32 $0x7FFFFFFF, v3  }
0x4f: {  	v3 =	vadd.s32 v1, v3;
	_ =	sdelay $0x3  }
0x50: {  	s7 =	sadd.s32 $0x8, s31;
	[tilespmem:s0+$0xFFFFFFF0] =	vst v2  }
0x51: {  	v2 =	vld.idx.msk [tilespmem:v3+s3+$0x0], $0xffff;
	v3 =	vadd.s32 s7, v0  }
0x52: {  	v3 =	vand.u32 $0x7FFFFFFF, v3  }
0x53: {  	v3 =	vadd.s32 v1, v3;
	_ =	sdelay $0x3  }
0x54: {  	s7 =	sadd.s32 $0xA, s31;
	[tilespmem:s0+$0x0] =	vst v2  }
0x55: {  	v2 =	vld.idx.msk [tilespmem:v3+s3+$0x0], $0xffff;
	v3 =	vadd.s32 s7, v0  }
0x56: {  	v3 =	vand.u32 $0x7FFFFFFF, v3  }
0x57: {  	v3 =	vadd.s32 v1, v3;
	_ =	sdelay $0x3  }
0x58: {  	s7 =	sadd.s32 $0xC, s31;
	[tilespmem:s0+$0x10] =	vst v2  }
0x59: {  	v2 =	vadd.s32 s7, v0;
	v3 =	vld.idx.msk [tilespmem:v3+s3+$0x0], $0xffff  }
0x5a: {  	v2 =	vand.u32 $0x7FFFFFFF, v2  }
.Ltmp0:
0x5b: {  	v2 =	vadd.s32 v1, v2;
	(pc) =	sbr.rel @p1 .LBB2_4-.Ltmp0, $2  }
0x5c: {  	_ =	sdelay $0x2  }
0x5d: {  	s31 =	sadd.s32 s2, s28;
	s2 =	sadd.s32 $0xE, s2;
	[tilespmem:s0+$0x20] =	vst v3  }
0x5e: {  	_ =	sdelay $0x2  }
0x5f: {  	v3 =	vadd.s32 s31, v0  }
0x60: {  	v2 =	vld.idx.msk [tilespmem:v2+s3+$0x0], $0xffff;
	v3 =	vand.u32 $0x7FFF, v3  }
0x61: {  	v3 =	vadd.s32 v1, v3;
	_ =	sdelay $0x2  }
0x62: {  	s2 =	sadd.s32 $0x2, s31  }
0x63: {  	[tilespmem:s0+$0x30] =	vst v2;
	v2 =	vadd.s32 s2, v0  }
0x64: {  	v2 =	vand.u32 $0x7FFFFFFF, v2;
	v3 =	vld.idx.msk [tilespmem:v3+s3+$0x0], $0xffff  }
0x65: {  	v2 =	vadd.s32 v1, v2;
	_ =	sdelay $0x2  }
0x66: {  	s7 =	sadd.s32 $0x4, s31;
	s0 =	sadd.s32 $0x70, s0  }
0x67: {  	[tilespmem:s0+$0xFFFFFFD0] =	vst v3;
	v3 =	vadd.s32 s7, v0  }
0x68: {  	v2 =	vld.idx.msk [tilespmem:v2+s3+$0x0], $0xffff;
	v3 =	vand.u32 $0x7FFFFFFF, v3  }
0x69: {  	v3 =	vadd.s32 v1, v3;
	_ =	sdelay $0x2  }
0x6a: {  	s8 =	sadd.s32 $0x6, s31  }
0x6b: {  	[tilespmem:s0+$0xFFFFFFE0] =	vst v2;
	v2 =	vadd.s32 s8, v0  }
0x6c: {  	v3 =	vld.idx.msk [tilespmem:v3+s3+$0x0], $0xffff;
	v2 =	vand.u32 $0x7FFFFFFF, v2  }
0x6d: {  	v2 =	vadd.s32 v1, v2;
	_ =	sdelay $0x2  }
0x6e: {  	s7 =	sadd.s32 $0x8, s31  }
0x6f: {  	[tilespmem:s0+$0xFFFFFFF0] =	vst v3;
	v3 =	vadd.s32 s7, v0  }
0x70: {  	v2 =	vld.idx.msk [tilespmem:v2+s3+$0x0], $0xffff;
	v3 =	vand.u32 $0x7FFFFFFF, v3  }
0x71: {  	v3 =	vadd.s32 v1, v3;
	_ =	sdelay $0x2  }
0x72: {  	s8 =	sadd.s32 $0xA, s31  }
0x73: {  	[tilespmem:s0+$0x0] =	vst v2;
	v2 =	vadd.s32 s8, v0  }
0x74: {  	v3 =	vld.idx.msk [tilespmem:v3+s3+$0x0], $0xffff;
	v2 =	vand.u32 $0x7FFFFFFF, v2  }
0x75: {  	v2 =	vadd.s32 v1, v2;
	_ =	sdelay $0x2  }
0x76: {  	s31 =	sadd.s32 $0xC, s31  }
0x77: {  	[tilespmem:s0+$0x10] =	vst v3;
	v3 =	vadd.s32 s31, v0  }
0x78: {  	v2 =	vld.idx.msk [tilespmem:v2+s3+$0x0], $0xffff;
	v3 =	vand.u32 $0x7FFFFFFF, v3  }
0x79: {  	v3 =	vadd.s32 v1, v3;
	_ =	sdelay $0x3  }
0x7a: {  	s30 =	sadd.s32 $0x1, s30;
	[tilespmem:s0+$0x20] =	vst v2  }
0x7b: {  	p1 =	sne.s32 s30, $0x31;
	v2 =	vld.idx.msk [tilespmem:v3+s3+$0x0], $0xffff  }
.Ltmp1:
0x7c: {  	_ = 	snop;
	(pc) =	sbr.rel @p1 .LBB2_3-.Ltmp1, $2  }
0x7d: {  	_ =	sdelay $0x2  }
0x7e: {  	s28 =	sadd.s32 $0x68, s28;
	s29 =	sadd.s32 $0x310, s29;
	[tilespmem:s0+$0x30] =	vst v2  }
0x7f: {  	s0 =	sadd.s32 s10, s26  }
0x80: {  	s2 =	simm.s32 $0xFFFFFF9E;
	p1 =	sgt.u32 s0, $0xC3;
	s0 =	smin.u32 s0, $0x187  }
0x81: {  	s7 =	simm.s32 $0x63;
	s2 =	simm.s32 @!p1 $0x0;
	s28 =	sshrl.u32 s0, $0x1  }
0x82: {  	s7 =	simm.s32 @!p1 $0x0;
	s2 =	sadd.s32 s28, s2  }
0x83: {  	s0 =	sand.u32 $0x1, s0;
	s28 =	sor.u32 s4, s26;
	s2 =	sadd.s32 s7, s2  }
0x84: {  	p1 =	seq.s32 s0, $0x1;
	s0 =	simm.s32 $0x31;
	s2 =	smul.u32 $0x63, s2  }
0x85: {  	s28 =	smul.u32 $0x12C2, s28;
	s0 =	simm.s32 @!p1 $0x0  }
0x86: {  	s0 =	sadd.s32 s0, s2  }
0x87: {  	s8 =	sadd.s32 s5, s28;
	s0 =	smul.u32 $0x68, s0  }
0x88: {  	[hbm4b:s8+s3] =	stream.linear.scatter [tilespmem:s19], [sflag:$0x3], $0x9610, $0x38;
	[tilespmem:$0x17D60] =	vst v63  }
0x89: {  	s30 =	sshrl.u32 s0, $0x3;
	s0 =	sadd.s32 $0x2838, s0  }
0x8a: {  	s2 =	sadd.s32 s1, s30;
	s0 =	sshrl.u32 s0, $0x3  }
0x8b: {  	[tilespmem:s3], [sflag:$0x1] =	stream.linear.gather [hbm4b:s2+s3], $0x1450, $0x38;
	[tilespmem:$0x17D60] =	vst v63  }
0x8c: {  	s0 =	sadd.s32 s1, s0  }
0x8d: {  	[tilespmem:s15], [sflag:$0x1] =	stream.linear.gather [hbm4b:s0+s3], $0x1450, $0x38;
	[tilespmem:$0x17D60] =	vst v63  }
0x8e: {  	_ =	swait.ge [sflag:s20], $0x1450  }
0x8f: {  	[sflag:s20] =	ssyncset.done $0x0  }
0x90: {  	[sflag:s20] =	ssyncadd.s32 $0xFFFFEBB0  }
0x91: {  	_ =	swait.ge [sflag:s20], $0x1450  }
0x92: {  	[sflag:s20] =	ssyncset.done $0x0  }
0x93: {  	s0 =	simm.s32 @!p0 $0x4;
	[sflag:s20] =	ssyncadd.s32 $0xFFFFEBB0  }
0x94: {  	_ =	swait.ge @!p0 [sflag:s0], $0x9610  }
0x95: {  	s29 =	simm.s32 $0x0;
	[sflag:s0] =	ssyncset.done @!p0 $0x0  }
0x96: {  	s31 =	simm.s32 $0x0;
	s2 =	simm.s32 $0xE780;
	[sflag:s0] =	ssyncadd.s32 @!p0 $0xFFFF69F0  }
.LBB2_7:
0x97: {  	s0 =	sadd.s32 $0x0, s29  }
0x98: {  	v2 =	vadd.s32 s0, v0  }
0x99: {  	v2 =	vand.u32 $0x7FFF, v2  }
0x9a: {  	v2 =	vadd.s32 v1, v2;
	_ =	sdelay $0x2  }
0x9b: {  	s7 =	sadd.s32 $0x2, s0  }
0x9c: {  	v3 =	vadd.s32 s7, v0  }
0x9d: {  	v3 =	vand.u32 $0x7FFFFFFF, v3;
	v2 =	vld.idx.msk [tilespmem:v2+s16+$0x0], $0xffff  }
0x9e: {  	v3 =	vadd.s32 v1, v3;
	_ =	sdelay $0x2  }
0x9f: {  	s8 =	sadd.s32 $0x4, s0  }
0xa0: {  	[tilespmem:s2+$0xFFFFFFD0] =	vst v2;
	v2 =	vadd.s32 s8, v0  }
0xa1: {  	v3 =	vld.idx.msk [tilespmem:v3+s16+$0x0], $0xffff;
	v2 =	vand.u32 $0x7FFFFFFF, v2  }
0xa2: {  	v2 =	vadd.s32 v1, v2;
	_ =	sdelay $0x2  }
0xa3: {  	s8 =	sadd.s32 $0x6, s0  }
0xa4: {  	[tilespmem:s2+$0xFFFFFFE0] =	vst v3;
	v3 =	vadd.s32 s8, v0  }
0xa5: {  	v2 =	vld.idx.msk [tilespmem:v2+s16+$0x0], $0xffff;
	v3 =	vand.u32 $0x7FFFFFFF, v3  }
0xa6: {  	v3 =	vadd.s32 v1, v3;
	_ =	sdelay $0x2  }
0xa7: {  	s8 =	sadd.s32 $0x8, s0  }
0xa8: {  	[tilespmem:s2+$0xFFFFFFF0] =	vst v2;
	v2 =	vadd.s32 s8, v0  }
0xa9: {  	v3 =	vld.idx.msk [tilespmem:v3+s16+$0x0], $0xffff;
	v2 =	vand.u32 $0x7FFFFFFF, v2  }
0xaa: {  	v2 =	vadd.s32 v1, v2;
	_ =	sdelay $0x2  }
0xab: {  	s8 =	sadd.s32 $0xA, s0  }
0xac: {  	[tilespmem:s2+$0x0] =	vst v3;
	v3 =	vadd.s32 s8, v0  }
0xad: {  	v2 =	vld.idx.msk [tilespmem:v2+s16+$0x0], $0xffff;
	v3 =	vand.u32 $0x7FFFFFFF, v3  }
0xae: {  	v3 =	vadd.s32 v1, v3;
	_ =	sdelay $0x2  }
0xaf: {  	s0 =	sadd.s32 $0xC, s0  }
0xb0: {  	[tilespmem:s2+$0x10] =	vst v2;
	v2 =	vadd.s32 s0, v0  }
0xb1: {  	v3 =	vld.idx.msk [tilespmem:v3+s16+$0x0], $0xffff;
	v2 =	vand.u32 $0x7FFFFFFF, v2  }
0xb2: {  	v2 =	vadd.s32 v1, v2;
	_ =	sdelay $0x3  }
0xb3: {  	s30 =	smov.u32 s2;
	s7 =	simm.s32 $0x1C;
	s0 =	sadd.s32 $0xE, s29;
	[tilespmem:s2+$0x20] =	vst v3  }
.LBB2_8:
0xb4: {  	p0 =	sne.s32 s7, $0x54;
	v3 =	vadd.s32 s0, v0;
	v2 =	vld.idx.msk [tilespmem:v2+s16+$0x0], $0xffff  }
0xb5: {  	v3 =	vand.u32 $0x7FFF, v3  }
0xb6: {  	v3 =	vadd.s32 v1, v3;
	_ =	sdelay $0x3  }
0xb7: {  	s8 =	sadd.s32 $0x2, s0;
	[tilespmem:s30+$0x30] =	vst v2  }
0xb8: {  	v2 =	vld.idx.msk [tilespmem:v3+s16+$0x0], $0xffff;
	v3 =	vadd.s32 s8, v0  }
0xb9: {  	v3 =	vand.u32 $0x7FFFFFFF, v3  }
0xba: {  	v3 =	vadd.s32 v1, v3;
	_ =	sdelay $0x2  }
0xbb: {  	s30 =	sadd.s32 $0x70, s30  }
0xbc: {  	s8 =	sadd.s32 $0x4, s0;
	[tilespmem:s30+$0xFFFFFFD0] =	vst v2  }
0xbd: {  	v2 =	vld.idx.msk [tilespmem:v3+s16+$0x0], $0xffff;
	v3 =	vadd.s32 s8, v0  }
0xbe: {  	v3 =	vand.u32 $0x7FFFFFFF, v3  }
0xbf: {  	v3 =	vadd.s32 v1, v3;
	_ =	sdelay $0x3  }
0xc0: {  	s8 =	sadd.s32 $0x6, s0;
	[tilespmem:s30+$0xFFFFFFE0] =	vst v2  }
0xc1: {  	v2 =	vld.idx.msk [tilespmem:v3+s16+$0x0], $0xffff;
	v3 =	vadd.s32 s8, v0  }
0xc2: {  	v3 =	vand.u32 $0x7FFFFFFF, v3  }
0xc3: {  	v3 =	vadd.s32 v1, v3;
	_ =	sdelay $0x3  }
0xc4: {  	s8 =	sadd.s32 $0x8, s0;
	[tilespmem:s30+$0xFFFFFFF0] =	vst v2  }
0xc5: {  	v2 =	vld.idx.msk [tilespmem:v3+s16+$0x0], $0xffff;
	v3 =	vadd.s32 s8, v0  }
0xc6: {  	v3 =	vand.u32 $0x7FFFFFFF, v3  }
0xc7: {  	v3 =	vadd.s32 v1, v3;
	_ =	sdelay $0x3  }
0xc8: {  	s8 =	sadd.s32 $0xA, s0;
	[tilespmem:s30+$0x0] =	vst v2  }
0xc9: {  	v2 =	vld.idx.msk [tilespmem:v3+s16+$0x0], $0xffff;
	v3 =	vadd.s32 s8, v0  }
0xca: {  	v3 =	vand.u32 $0x7FFFFFFF, v3  }
0xcb: {  	v3 =	vadd.s32 v1, v3;
	_ =	sdelay $0x3  }
0xcc: {  	s0 =	sadd.s32 $0xC, s0;
	[tilespmem:s30+$0x10] =	vst v2  }
0xcd: {  	v2 =	vadd.s32 s0, v0;
	v3 =	vld.idx.msk [tilespmem:v3+s16+$0x0], $0xffff  }
0xce: {  	v2 =	vand.u32 $0x7FFFFFFF, v2  }
.Ltmp2:
0xcf: {  	v2 =	vadd.s32 v1, v2;
	(pc) =	sbr.rel @p0 .LBB2_8-.Ltmp2, $2  }
0xd0: {  	_ =	sdelay $0x2  }
0xd1: {  	s0 =	sadd.s32 s7, s29;
	s7 =	sadd.s32 $0xE, s7;
	[tilespmem:s30+$0x20] =	vst v3  }
0xd2: {  	_ =	sdelay $0x2  }
0xd3: {  	v3 =	vadd.s32 s0, v0  }
0xd4: {  	v2 =	vld.idx.msk [tilespmem:v2+s16+$0x0], $0xffff;
	v3 =	vand.u32 $0x7FFF, v3  }
0xd5: {  	v3 =	vadd.s32 v1, v3;
	_ =	sdelay $0x2  }
0xd6: {  	s7 =	sadd.s32 $0x2, s0  }
0xd7: {  	[tilespmem:s30+$0x30] =	vst v2;
	v2 =	vadd.s32 s7, v0  }
0xd8: {  	v2 =	vand.u32 $0x7FFFFFFF, v2;
	v3 =	vld.idx.msk [tilespmem:v3+s16+$0x0], $0xffff  }
0xd9: {  	v2 =	vadd.s32 v1, v2;
	_ =	sdelay $0x2  }
0xda: {  	s8 =	sadd.s32 $0x4, s0;
	s7 =	sadd.s32 $0x70, s30  }
0xdb: {  	[tilespmem:s7+$0xFFFFFFD0] =	vst v3;
	v3 =	vadd.s32 s8, v0  }
0xdc: {  	v2 =	vld.idx.msk [tilespmem:v2+s16+$0x0], $0xffff;
	v3 =	vand.u32 $0x7FFFFFFF, v3  }
0xdd: {  	v3 =	vadd.s32 v1, v3;
	_ =	sdelay $0x2  }
0xde: {  	s30 =	sadd.s32 $0x6, s0  }
0xdf: {  	[tilespmem:s7+$0xFFFFFFE0] =	vst v2;
	v2 =	vadd.s32 s30, v0  }
0xe0: {  	v3 =	vld.idx.msk [tilespmem:v3+s16+$0x0], $0xffff;
	v2 =	vand.u32 $0x7FFFFFFF, v2  }
0xe1: {  	v2 =	vadd.s32 v1, v2;
	_ =	sdelay $0x2  }
0xe2: {  	s30 =	sadd.s32 $0x8, s0  }
0xe3: {  	[tilespmem:s7+$0xFFFFFFF0] =	vst v3;
	v3 =	vadd.s32 s30, v0  }
0xe4: {  	v2 =	vld.idx.msk [tilespmem:v2+s16+$0x0], $0xffff;
	v3 =	vand.u32 $0x7FFFFFFF, v3  }
0xe5: {  	v3 =	vadd.s32 v1, v3;
	_ =	sdelay $0x2  }
0xe6: {  	s30 =	sadd.s32 $0xA, s0  }
0xe7: {  	[tilespmem:s7+$0x0] =	vst v2;
	v2 =	vadd.s32 s30, v0  }
0xe8: {  	v3 =	vld.idx.msk [tilespmem:v3+s16+$0x0], $0xffff;
	v2 =	vand.u32 $0x7FFFFFFF, v2  }
0xe9: {  	v2 =	vadd.s32 v1, v2;
	_ =	sdelay $0x2  }
0xea: {  	s30 =	sadd.s32 $0xC, s0  }
0xeb: {  	[tilespmem:s7+$0x10] =	vst v3;
	v3 =	vadd.s32 s30, v0  }
0xec: {  	v2 =	vld.idx.msk [tilespmem:v2+s16+$0x0], $0xffff;
	v3 =	vand.u32 $0x7FFFFFFF, v3  }
0xed: {  	v3 =	vadd.s32 v1, v3;
	_ =	sdelay $0x3  }
0xee: {  	s31 =	sadd.s32 $0x1, s31;
	[tilespmem:s7+$0x20] =	vst v2  }
0xef: {  	p0 =	sne.s32 s31, $0x31;
	v2 =	vld.idx.msk [tilespmem:v3+s16+$0x0], $0xffff  }
.Ltmp3:
0xf0: {  	_ = 	snop;
	(pc) =	sbr.rel @p0 .LBB2_7-.Ltmp3, $2  }
0xf1: {  	_ =	sdelay $0x2  }
0xf2: {  	s29 =	sadd.s32 $0x68, s29;
	s2 =	sadd.s32 $0x310, s2;
	[tilespmem:s7+$0x30] =	vst v2  }
0xf3: {  	p0 =	seq.s32 s25, $0x5  }
.Ltmp4:
0xf4: {  	_ = 	snop;
	(pc) =	sbr.rel @p0 .LBB2_12-.Ltmp4, $3  }
0xf5: {  	_ =	sdelay $0x1  }
0xf6: {  	s0 =	sadd.s32 s14, s28  }
0xf7: {  	[hbm4b:s0+s3] =	stream.linear.scatter [tilespmem:s21], [sflag:$0x4], $0x9610, $0x38;
	[tilespmem:$0x17D60] =	vst v63  }
0xf8: {  	s0 =	sadd.s32 s11, s26  }
0xf9: {  	s2 =	simm.s32 $0xFFFFFF9E;
	p0 =	sgt.u32 s0, $0xC3;
	s0 =	smin.u32 s0, $0x187  }
0xfa: {  	s7 =	simm.s32 $0x63;
	s2 =	simm.s32 @!p0 $0x0;
	s8 =	sshrl.u32 s0, $0x1  }
0xfb: {  	s7 =	simm.s32 @!p0 $0x0;
	s2 =	sadd.s32 s8, s2  }
0xfc: {  	s0 =	sand.u32 $0x1, s0;
	s2 =	sadd.s32 s7, s2  }
0xfd: {  	p0 =	seq.s32 s0, $0x1;
	s0 =	simm.s32 $0x31;
	s2 =	smul.u32 $0x63, s2  }
0xfe: {  	s0 =	simm.s32 @!p0 $0x0  }
0xff: {  	s0 =	sadd.s32 s0, s2  }
0x100: {  	s0 =	smul.u32 $0x68, s0;
	_ =	sdelay $0x1  }
.Ltmp5:
0x101: {  	s31 =	sshrl.u32 s0, $0x3;
	s0 =	sadd.s32 $0x2838, s0;
	(pc) =	sbr.rel .LBB2_2-.Ltmp5, $4  }
0x102: {  	s2 =	sadd.s32 s1, s31;
	s0 =	sshrl.u32 s0, $0x3  }
0x103: {  	[tilespmem:s16], [sflag:$0x2] =	stream.linear.gather [hbm4b:s2+s3], $0x1450, $0x38;
	[tilespmem:$0x17D60] =	vst v63  }
0x104: {  	s25 =	sadd.s32 $0x1, s25;
	s0 =	sadd.s32 s1, s0  }
0x105: {  	[tilespmem:s17], [sflag:$0x2] =	stream.linear.gather [hbm4b:s0+s3], $0x1450, $0x38;
	[tilespmem:$0x17D60] =	vst v63  }
.LBB2_12:
0x106: {  	_ =	swait.ge [sflag:s18], $0x1450  }
0x107: {  	[sflag:s18] =	ssyncset.done $0x0  }
0x108: {  	[sflag:s18] =	ssyncadd.s32 $0xFFFFEBB0  }
0x109: {  	_ =	swait.ge [sflag:s18], $0x1450  }
0x10a: {  	[sflag:s18] =	ssyncset.done $0x0  }
0x10b: {  	[sflag:s18] =	ssyncadd.s32 $0xFFFFEBB0  }
0x10c: {  	_ =	swait.ge [sflag:s22], $0x9610  }
0x10d: {  	s25 =	simm.s32 $0x0;
	[sflag:s22] =	ssyncset.done $0x0  }
0x10e: {  	s26 =	simm.s32 $0x5170;
	s28 =	simm.s32 $0x0;
	[sflag:s22] =	ssyncadd.s32 $0xFFFF69F0  }
.LBB2_13:
0x10f: {  	s0 =	sadd.s32 $0x0, s25  }
0x110: {  	v2 =	vadd.s32 s0, v0  }
0x111: {  	v2 =	vand.u32 $0x7FFF, v2  }
0x112: {  	v2 =	vadd.s32 v1, v2;
	_ =	sdelay $0x2  }
0x113: {  	s2 =	sadd.s32 $0x2, s0  }
0x114: {  	v3 =	vadd.s32 s2, v0  }
0x115: {  	v3 =	vand.u32 $0x7FFFFFFF, v3;
	v2 =	vld.idx.msk [tilespmem:v2+s3+$0x0], $0xffff  }
0x116: {  	v3 =	vadd.s32 v1, v3;
	_ =	sdelay $0x2  }
0x117: {  	s8 =	sadd.s32 $0x4, s0  }
0x118: {  	[tilespmem:s26+$0xFFFFFFD0] =	vst v2;
	v2 =	vadd.s32 s8, v0  }
0x119: {  	v3 =	vld.idx.msk [tilespmem:v3+s3+$0x0], $0xffff;
	v2 =	vand.u32 $0x7FFFFFFF, v2  }
0x11a: {  	v2 =	vadd.s32 v1, v2;
	_ =	sdelay $0x2  }
0x11b: {  	s29 =	sadd.s32 $0x6, s0  }
0x11c: {  	[tilespmem:s26+$0xFFFFFFE0] =	vst v3;
	v3 =	vadd.s32 s29, v0  }
0x11d: {  	v2 =	vld.idx.msk [tilespmem:v2+s3+$0x0], $0xffff;
	v3 =	vand.u32 $0x7FFFFFFF, v3  }
0x11e: {  	v3 =	vadd.s32 v1, v3;
	_ =	sdelay $0x2  }
0x11f: {  	s30 =	sadd.s32 $0x8, s0  }
0x120: {  	[tilespmem:s26+$0xFFFFFFF0] =	vst v2;
	v2 =	vadd.s32 s30, v0  }
0x121: {  	v3 =	vld.idx.msk [tilespmem:v3+s3+$0x0], $0xffff;
	v2 =	vand.u32 $0x7FFFFFFF, v2  }
0x122: {  	v2 =	vadd.s32 v1, v2;
	_ =	sdelay $0x2  }
0x123: {  	s31 =	sadd.s32 $0xA, s0  }
0x124: {  	[tilespmem:s26+$0x0] =	vst v3;
	v3 =	vadd.s32 s31, v0  }
0x125: {  	v2 =	vld.idx.msk [tilespmem:v2+s3+$0x0], $0xffff;
	v3 =	vand.u32 $0x7FFFFFFF, v3  }
0x126: {  	v3 =	vadd.s32 v1, v3;
	_ =	sdelay $0x2  }
0x127: {  	s0 =	sadd.s32 $0xC, s0  }
0x128: {  	[tilespmem:s26+$0x10] =	vst v2;
	v2 =	vadd.s32 s0, v0  }
0x129: {  	v3 =	vld.idx.msk [tilespmem:v3+s3+$0x0], $0xffff;
	v2 =	vand.u32 $0x7FFFFFFF, v2  }
0x12a: {  	v2 =	vadd.s32 v1, v2;
	_ =	sdelay $0x3  }
0x12b: {  	s7 =	simm.s32 $0x1C;
	s2 =	smov.u32 s26;
	s0 =	sadd.s32 $0xE, s25;
	[tilespmem:s26+$0x20] =	vst v3  }
.LBB2_14:
0x12c: {  	p0 =	sne.s32 s7, $0x54;
	v3 =	vadd.s32 s0, v0;
	v2 =	vld.idx.msk [tilespmem:v2+s3+$0x0], $0xffff  }
0x12d: {  	v3 =	vand.u32 $0x7FFF, v3  }
0x12e: {  	v3 =	vadd.s32 v1, v3;
	_ =	sdelay $0x3  }
0x12f: {  	s8 =	sadd.s32 $0x2, s0;
	[tilespmem:s2+$0x30] =	vst v2  }
0x130: {  	v2 =	vld.idx.msk [tilespmem:v3+s3+$0x0], $0xffff;
	v3 =	vadd.s32 s8, v0  }
0x131: {  	v3 =	vand.u32 $0x7FFFFFFF, v3  }
0x132: {  	v3 =	vadd.s32 v1, v3;
	_ =	sdelay $0x2  }
0x133: {  	s2 =	sadd.s32 $0x70, s2  }
0x134: {  	s8 =	sadd.s32 $0x4, s0;
	[tilespmem:s2+$0xFFFFFFD0] =	vst v2  }
0x135: {  	v2 =	vld.idx.msk [tilespmem:v3+s3+$0x0], $0xffff;
	v3 =	vadd.s32 s8, v0  }
0x136: {  	v3 =	vand.u32 $0x7FFFFFFF, v3  }
0x137: {  	v3 =	vadd.s32 v1, v3;
	_ =	sdelay $0x3  }
0x138: {  	s8 =	sadd.s32 $0x6, s0;
	[tilespmem:s2+$0xFFFFFFE0] =	vst v2  }
0x139: {  	v2 =	vld.idx.msk [tilespmem:v3+s3+$0x0], $0xffff;
	v3 =	vadd.s32 s8, v0  }
0x13a: {  	v3 =	vand.u32 $0x7FFFFFFF, v3  }
0x13b: {  	v3 =	vadd.s32 v1, v3;
	_ =	sdelay $0x3  }
0x13c: {  	s8 =	sadd.s32 $0x8, s0;
	[tilespmem:s2+$0xFFFFFFF0] =	vst v2  }
0x13d: {  	v2 =	vld.idx.msk [tilespmem:v3+s3+$0x0], $0xffff;
	v3 =	vadd.s32 s8, v0  }
0x13e: {  	v3 =	vand.u32 $0x7FFFFFFF, v3  }
0x13f: {  	v3 =	vadd.s32 v1, v3;
	_ =	sdelay $0x3  }
0x140: {  	s8 =	sadd.s32 $0xA, s0;
	[tilespmem:s2+$0x0] =	vst v2  }
0x141: {  	v2 =	vld.idx.msk [tilespmem:v3+s3+$0x0], $0xffff;
	v3 =	vadd.s32 s8, v0  }
0x142: {  	v3 =	vand.u32 $0x7FFFFFFF, v3  }
0x143: {  	v3 =	vadd.s32 v1, v3;
	_ =	sdelay $0x3  }
0x144: {  	s0 =	sadd.s32 $0xC, s0;
	[tilespmem:s2+$0x10] =	vst v2  }
0x145: {  	v2 =	vadd.s32 s0, v0;
	v3 =	vld.idx.msk [tilespmem:v3+s3+$0x0], $0xffff  }
0x146: {  	v2 =	vand.u32 $0x7FFFFFFF, v2  }
.Ltmp6:
0x147: {  	v2 =	vadd.s32 v1, v2;
	(pc) =	sbr.rel @p0 .LBB2_14-.Ltmp6, $2  }
0x148: {  	_ =	sdelay $0x2  }
0x149: {  	s0 =	sadd.s32 s7, s25;
	s7 =	sadd.s32 $0xE, s7;
	[tilespmem:s2+$0x20] =	vst v3  }
0x14a: {  	_ =	sdelay $0x2  }
0x14b: {  	v3 =	vadd.s32 s0, v0  }
0x14c: {  	v2 =	vld.idx.msk [tilespmem:v2+s3+$0x0], $0xffff;
	v3 =	vand.u32 $0x7FFF, v3  }
0x14d: {  	v3 =	vadd.s32 v1, v3;
	_ =	sdelay $0x2  }
0x14e: {  	s7 =	sadd.s32 $0x2, s0  }
0x14f: {  	[tilespmem:s2+$0x30] =	vst v2;
	v2 =	vadd.s32 s7, v0  }
0x150: {  	v2 =	vand.u32 $0x7FFFFFFF, v2;
	v3 =	vld.idx.msk [tilespmem:v3+s3+$0x0], $0xffff  }
0x151: {  	v2 =	vadd.s32 v1, v2;
	_ =	sdelay $0x2  }
0x152: {  	s31 =	sadd.s32 $0x4, s0;
	s2 =	sadd.s32 $0x70, s2  }
0x153: {  	[tilespmem:s2+$0xFFFFFFD0] =	vst v3;
	v3 =	vadd.s32 s31, v0  }
0x154: {  	v2 =	vld.idx.msk [tilespmem:v2+s3+$0x0], $0xffff;
	v3 =	vand.u32 $0x7FFFFFFF, v3  }
0x155: {  	v3 =	vadd.s32 v1, v3;
	_ =	sdelay $0x2  }
0x156: {  	s8 =	sadd.s32 $0x6, s0  }
0x157: {  	[tilespmem:s2+$0xFFFFFFE0] =	vst v2;
	v2 =	vadd.s32 s8, v0  }
0x158: {  	v3 =	vld.idx.msk [tilespmem:v3+s3+$0x0], $0xffff;
	v2 =	vand.u32 $0x7FFFFFFF, v2  }
0x159: {  	v2 =	vadd.s32 v1, v2;
	_ =	sdelay $0x2  }
0x15a: {  	s29 =	sadd.s32 $0x8, s0  }
0x15b: {  	[tilespmem:s2+$0xFFFFFFF0] =	vst v3;
	v3 =	vadd.s32 s29, v0  }
0x15c: {  	v2 =	vld.idx.msk [tilespmem:v2+s3+$0x0], $0xffff;
	v3 =	vand.u32 $0x7FFFFFFF, v3  }
0x15d: {  	v3 =	vadd.s32 v1, v3;
	_ =	sdelay $0x2  }
0x15e: {  	s30 =	sadd.s32 $0xA, s0  }
0x15f: {  	[tilespmem:s2+$0x0] =	vst v2;
	v2 =	vadd.s32 s30, v0  }
0x160: {  	v3 =	vld.idx.msk [tilespmem:v3+s3+$0x0], $0xffff;
	v2 =	vand.u32 $0x7FFFFFFF, v2  }
0x161: {  	v2 =	vadd.s32 v1, v2;
	_ =	sdelay $0x2  }
0x162: {  	s31 =	sadd.s32 $0xC, s0  }
0x163: {  	[tilespmem:s2+$0x10] =	vst v3;
	v3 =	vadd.s32 s31, v0  }
0x164: {  	v2 =	vld.idx.msk [tilespmem:v2+s3+$0x0], $0xffff;
	v3 =	vand.u32 $0x7FFFFFFF, v3  }
0x165: {  	v3 =	vadd.s32 v1, v3;
	_ =	sdelay $0x3  }
0x166: {  	s28 =	sadd.s32 $0x1, s28;
	[tilespmem:s2+$0x20] =	vst v2  }
0x167: {  	p0 =	sne.s32 s28, $0x31;
	v2 =	vld.idx.msk [tilespmem:v3+s3+$0x0], $0xffff  }
.Ltmp7:
0x168: {  	_ = 	snop;
	(pc) =	sbr.rel @p0 .LBB2_13-.Ltmp7, $2  }
0x169: {  	_ =	sdelay $0x2  }
0x16a: {  	s25 =	sadd.s32 $0x68, s25;
	s26 =	sadd.s32 $0x310, s26;
	[tilespmem:s2+$0x30] =	vst v2  }
0x16b: {  	[hbm4b:s12+s3] =	stream.linear.scatter [tilespmem:s19], [sflag:$0x3], $0x9610, $0x38;
	[tilespmem:$0x17D60] =	vst v63  }
0x16c: {  	s24 =	sadd.s32 $0x1, s24  }
0x16d: {  	_ =	swait.ge [sflag:s22], $0x9610;
	p0 =	sne.s32 s24, s13  }
.Ltmp8:
0x16e: {  	[sflag:s22] =	ssyncset.done $0x0;
	(pc) =	sbr.rel @p0 .LBB2_1-.Ltmp8, $4  }
0x16f: {  	[sflag:s22] =	ssyncadd.s32 $0xFFFF69F0  }
0x170: {  	_ =	swait.ge [sflag:s23], $0x9610  }
0x171: {  	[sflag:s23] =	ssyncset.done $0x0  }
0x172: {  	[sflag:s23] =	ssyncadd.s32 $0xFFFF69F0  }
0x173: {  	_ =	sfence.sel $0x180000  }
0x174: {  	[bflag:$0x0] =	sbarrier.arrive $0xFFFF  }
0x175: {  	_ =	strace $0x90000047  }
0x176: {  	s0 =	stileid.u32;
	[bflag:$0x2] =	sbarrier.arrive $0xFFFF  }
0x177: {  	p0 =	sne.s32 s0, $0x0;
	s0 =	rddreg [dreg:$0x2]  }
0x178: {  	s0 =	sadd.s32 @!p0 $0x100000, s0  }
0x179: {  	[sflag:s0] =	ssyncadd.tile.s32 @!p0 $0x1;
	_ =	shalt  }
.Lfunc_end2:
_tile_overlayer_lowered:
.L_overlay_start_2:
0x17a: {  	(tag) =	ssettag $0x2  }
0x17b: {  	s0 =	rddreg [dreg:$0x0];
	s2 =	stileid.u32  }
0x17c: {  	s1 =	rddreg [dreg:$0x1];
	p0 =	sne.s32 s2, $0x0  }
0x17d: {  	s3 =	rddreg [dreg:$0x2];
	[bflag:$0x3] =	sbarrier.arrive $0xFFFF;
	s2 =	simm.s32 @!p0 $0x1C05  }
0x17e: {  	[timem:s3], [sflag:s2] =	dma.local @!p0 [hbm:s0], s1  }
0x17f: {  	s0 =	simm.s32 @!p0 $0x5  }
0x180: {  	_ =	swait.ge @!p0 [sflag:s0], s1  }
0x181: {  	s1 =	ssub.s32 @!p0 $0x0, s1;
	[sflag:s0] =	ssyncset.done @!p0 $0x0  }
0x182: {  	[sflag:s0] =	ssyncadd.s32 @!p0 s1  }
0x183: {  	[bflag:$0x3] =	sbarrier.arrive $0xFFFF  }
0x184: {  	_ =	shalt  }

// kernel: kernel.7.cloned.1.call-start
scs
__scs_entry_jumppad:
0x0: {  	(pc) =	sbr.rel $0x88, $3  }
0x1: {  	(tag) =	ssettag $0x0;
	lr =	simm.s32 $0x1  }
0x2: {  	[smem:$0x3F9F] =	sst lr;
	_ =	strace $0xD0000000  }
0x3: {  	_ = 	snop  }
0x4: {  	_ = 	snop  }
0x5: {  	_ = 	snop  }
0x6: {  	_ = 	snop  }
0x7: {  	_ = 	snop  }
__scs_overlays_trampoline_lowered:
0x8: {  	[smem:$0x3FAE] =	sst s0  }
0x9: {  	[smem:$0x3FAF] =	sst s1  }
0xa: {  	[smem:$0x3FB0] =	sst s2  }
0xb: {  	[smem:$0x3FB1] =	sst s3  }
0xc: {  	[smem:$0x3FB2] =	sst s4  }
0xd: {  	[smem:$0x3FB3] =	sst s5  }
0xe: {  	[smem:$0x3FB4] =	sst s6  }
0xf: {  	[smem:$0x3FB5] =	sst s7  }
0x10: {  	[smem:$0x3FB6] =	sst s8  }
0x11: {  	[smem:$0x3FB7] =	sst s9;
	s0 =	simm.s32 @!p0 $0x0  }
0x12: {  	s1 =	sld [smem:$0x3F9D];
	s0 =	simm.s32 @p0 $0x1  }
0x13: {  	[smem:$0x3FB8] =	sst s0;
	s0 =	simm.s32 @!p1 $0x0  }
0x14: {  	s2 =	sld [smem:$0x3F9C];
	s0 =	simm.s32 @p1 $0x1  }
0x15: {  	[smem:$0x3FB9] =	sst s0;
	s0 =	simm.s32 @!p2 $0x0  }
0x16: {  	s3 =	sld [smem:$0x3FDB];
	s0 =	simm.s32 @p2 $0x1  }
0x17: {  	s4 =	simm.s32 $0x1BF5;
	[smem:$0x3FBB] =	sst s0  }
0x18: {  	s0 =	sld [smem:$0x3F9E];
	_ =	swait.ge [sflag:s4], $0x0  }
0x19: {  	s7 =	sld [smem:$0x3F9F]  }
0x1a: {  	s8 =	sadd.s32 $0xFFFFE003, lr  }
0x1b: {  	s9 =	sadd.s32 $0xFFFFFEF7, lr;
	s5 =	simm.s32 $0xFFFFFFFF;
	p2 =	slt.u32 s8, $0xFFFFF086  }
0x1c: {  	p1 =	slt.u32 s9, $0xF7A;
	s5 =	simm.s32 @!p2 $0x0  }
0x1d: {  	s5 =	simm.s32 @p1 $0x1;
	p0 =	seq.s32 s7, s2  }
0x1e: {  	s7 =	smul.u32 @!p0 $0xF7A, s2;
	p2 =	seq.s32 @!p0 s5, $0x0  }
0x1f: {  	s9 =	smul.u32 $0xF7A, s1;
	s8 =	simm.s32 @!p0 $0x1BF5;
	p2 =	por !p2, p0  }
0x20: {  	[sflag:s8] =	ssyncset.s32 @!p0 $0xFFFFF086;
	s6 =	sadd.s32 @!p0 s3, s7;
	s7 =	simm.s32 @!p0 $0x108  }
0x21: {  	s3 =	sadd.s32 s3, s9;
	s6 =	sadd.s32 @!p0 $0x88, s6;
	s7 =	simm.s32 @p2 $0x1082  }
0x22: {  	[simem:s7], [sflag:s8] =	dma.local @!p0 [hbm:s6], $0xF7A  }
0x23: {  	s9 =	sor.u32 $0xD0000000, s2;
	s6 =	simm.s32 $0x108;
	_ =	swait.ge @!p0 [sflag:s8], $0x0  }
0x24: {  	s3 =	sadd.s32 $0x88, s3;
	s6 =	simm.s32 @!p1 $0x1082;
	[sflag:s4] =	ssyncset.s32 $0xFFFFF086  }
0x25: {  	[simem:s6], [sflag:s4] =	dma.local [hbm:s3], $0xF7A  }
0x26: {  	[smem:$0x3F9F] =	sst s1;
	(tag) =	ssettag s2;
	_ =	strace s9  }
0x27: {  	s1 =	sld [smem:$0x3FAF]  }
0x28: {  	s2 =	sld [smem:$0x3FB0]  }
0x29: {  	s4 =	sld [smem:$0x3FB2]  }
0x2a: {  	p0 =	seq.s32 s5, $0x0;
	s5 =	sld [smem:$0x3FB3]  }
0x2b: {  	s6 =	sld [smem:$0x3FB4]  }
0x2c: {  	s7 =	sld [smem:$0x3FB5]  }
0x2d: {  	s3 =	simm.s32 $0x108;
	s8 =	sld [smem:$0x3FB6]  }
0x2e: {  	s3 =	simm.s32 @!p0 $0x1082;
	s9 =	sld [smem:$0x3FB7]  }
0x2f: {  	lr =	sadd.s32 s0, s3;
	s0 =	sld [smem:$0x3FAE]  }
0x30: {  	s3 =	sld [smem:$0x3FB1]  }
0x31: {  	[smem:$0x3FBA] =	sst s10  }
0x32: {  	s10 =	sld [smem:$0x3FB8];
	_ =	sdelay $0x3  }
0x33: {  	p0 =	seq.s32 s10, $0x1;
	s10 =	sld [smem:$0x3FBA];
	_ =	sdelay $0x3  }
0x34: {  	[smem:$0x3FBA] =	sst s10  }
0x35: {  	s10 =	sld [smem:$0x3FB9];
	_ =	sdelay $0x3  }
0x36: {  	p1 =	seq.s32 s10, $0x1;
	s10 =	sld [smem:$0x3FBA];
	_ =	sdelay $0x3  }
0x37: {  	[smem:$0x3FBA] =	sst s10  }
0x38: {  	s10 =	sld [smem:$0x3FBB]  }
0x39: {  	_ = 	snop;
	(pc) =	sbr.ind lr, $3  }
0x3a: {  	_ = 	snop  }
0x3b: {  	_ = 	snop  }
0x3c: {  	p2 =	seq.s32 s10, $0x1;
	s10 =	sld [smem:$0x3FBA]  }
0x3d: {  	_ =	shalt  }
0x3e: {  	_ =	shalt  }
0x3f: {  	_ =	shalt  }
0x40: {  	_ =	shalt  }
0x41: {  	_ =	shalt  }
0x42: {  	_ =	shalt  }
0x43: {  	_ =	shalt  }
0x44: {  	_ =	shalt  }
0x45: {  	_ =	shalt  }
0x46: {  	_ =	shalt  }
0x47: {  	_ =	shalt  }
0x48: {  	_ =	shalt  }
0x49: {  	_ =	shalt  }
0x4a: {  	_ =	shalt  }
0x4b: {  	_ =	shalt  }
0x4c: {  	_ =	shalt  }
0x4d: {  	_ =	shalt  }
0x4e: {  	_ =	shalt  }
0x4f: {  	_ =	shalt  }
0x50: {  	_ =	shalt  }
0x51: {  	_ =	shalt  }
0x52: {  	_ =	shalt  }
0x53: {  	_ =	shalt  }
0x54: {  	_ =	shalt  }
0x55: {  	_ =	shalt  }
0x56: {  	_ =	shalt  }
0x57: {  	_ =	shalt  }
0x58: {  	_ =	shalt  }
0x59: {  	_ =	shalt  }
0x5a: {  	_ =	shalt  }
0x5b: {  	_ =	shalt  }
0x5c: {  	_ =	shalt  }
0x5d: {  	_ =	shalt  }
0x5e: {  	_ =	shalt  }
0x5f: {  	_ =	shalt  }
0x60: {  	_ =	shalt  }
0x61: {  	_ =	shalt  }
0x62: {  	_ =	shalt  }
0x63: {  	_ =	shalt  }
0x64: {  	_ =	shalt  }
0x65: {  	_ =	shalt  }
0x66: {  	_ =	shalt  }
0x67: {  	_ =	shalt  }
0x68: {  	_ =	shalt  }
0x69: {  	_ =	shalt  }
0x6a: {  	_ =	shalt  }
0x6b: {  	_ =	shalt  }
0x6c: {  	_ =	shalt  }
0x6d: {  	_ =	shalt  }
0x6e: {  	_ =	shalt  }
0x6f: {  	_ =	shalt  }
0x70: {  	_ =	shalt  }
0x71: {  	_ =	shalt  }
0x72: {  	_ =	shalt  }
0x73: {  	_ =	shalt  }
0x74: {  	_ =	shalt  }
0x75: {  	_ =	shalt  }
0x76: {  	_ =	shalt  }
0x77: {  	_ =	shalt  }
0x78: {  	_ =	shalt  }
0x79: {  	_ =	shalt  }
0x7a: {  	_ =	shalt  }
0x7b: {  	_ =	shalt  }
0x7c: {  	_ =	shalt  }
0x7d: {  	_ =	shalt  }
0x7e: {  	_ =	shalt  }
0x7f: {  	_ =	shalt  }
0x80: {  	_ =	shalt  }
0x81: {  	_ =	shalt  }
0x82: {  	_ =	shalt  }
0x83: {  	_ =	shalt  }
0x84: {  	_ =	shalt  }
0x85: {  	_ =	shalt  }
0x86: {  	_ =	shalt  }
0x87: {  	_ =	shalt  }
.Lfunc_end0:
.L_simem_size_0:
called_computation.1_lowered:
.L_overlay_start_0:
0x88: {  	s2 =	sld [smem:$0x3FD9]  }
0x89: {  	s3 =	sld [smem:$0x3FFE];
	_ =	sdelay $0x1  }
0x8a: {  	s1 =	srdreg.scid  }
0x8b: {  	s0 =	sand.u32 $0x1, s1  }
0x8c: {  	s16 =	sshll.u32 s0, $0xA;
	s2 =	sadd.s32 s3, s2  }
0x8d: {  	s2 =	sadd.s32 s2, s16  }
0x8e: {  	[smem:$0x3FC6] =	sst s2  }
0x8f: {  	_ = 	snop  }
0x90: {  	(tm) =	ssettm $0x1  }
0x91: {  	s17 =	sld [smem:$0x3FFB];
	_ =	sdelay $0x3  }
0x92: {  	_ =	strace s17  }
0x93: {  	s2 =	sld [smem:$0x3FFC];
	_ =	sdelay $0x3  }
0x94: {  	_ =	strace s2  }
0x95: {  	s2 =	sld [smem:$0x3FFD];
	_ =	sdelay $0x3  }
0x96: {  	_ =	strace s2  }
0x97: {  	_ =	strace $0x8FFFFFFF  }
0x98: {  	s18 =	sld [smem:$0x3FDB];
	_ =	sdelay $0x1  }
0x99: {  	s19 =	simm.s32 $_scs_section_size  }
0x9a: {  	s4 =	simm.s32 $_size__tile_overlayer_lowered;
	s5 =	simm.s32 $_tile_overlayer_lowered  }
0x9b: {  	s22 =	simm.s32 $0x1BFF;
	s21 =	sshll.u32 s5, $0x1;
	s2 =	sadd.s32 s19, s18  }
0x9c: {  	s6 =	simm.s32 $0x0;
	s20 =	sshll.u32 s4, $0x1;
	s4 =	sadd.s32 s21, s2  }
0x9d: {  	[timem:s6], [sflag:s22] =	dma.local [hbm:s4], s20  }
0x9e: {  	_ =	swait.ge [sflag:s22], s20  }
0x9f: {  	s3 =	ssub.s32 $0x0, s20;
	[sflag:s22] =	ssyncset.done $0x0  }
0xa0: {  	[sflag:s22] =	ssyncadd.s32 s3;
	_ =	sdelay $0x1  }
0xa1: {  	s23 =	simm.s32 $0x1B8B  }
0xa2: {  	_ =	swait.ge [sflag:s23], $0x1  }
0xa3: {  	[sflag:s23] =	ssyncset.done $0x0  }
0xa4: {  	s25 =	simm.s32 $0x1B8E;
	s24 =	sld [smem:$0x3FFE];
	[sflag:s23] =	ssyncadd.s32 $0xFFFFFFFF  }
0xa5: {  	s26 =	simm.s32 $execute0_lowered;
	[smem:$0x3FD2] =	sst s25  }
0xa6: {  	s4 =	sshll.u32 s26, $0x1;
	_ =	strace $0x80000049;
	[dreg:$0x1] =	wrdreg $0xFFFFFFFF  }
0xa7: {  	s28 =	simm.s32 $_size_execute0_lowered;
	s2 =	sadd.s32 s2, s4;
	[dreg:$0x0] =	wrdreg $0x0  }
0xa8: {  	s4 =	sshll.u32 s28, $0x1;
	[dreg:$0x2] =	wrdreg s2  }
0xa9: {  	[dreg:$0x3] =	wrdreg s4  }
0xaa: {  	[dreg:$0x4] =	wrdreg $0xC0  }
0xab: {  	_ =	task [dreg:s6], $0x5FFFF  }
0xac: {  	[dreg:$0x1] =	wrdreg $0xFFFFFFFF  }
0xad: {  	[dreg:$0x0] =	wrdreg $0x60  }
0xae: {  	[dreg:$0x2] =	wrdreg s24  }
0xaf: {  	[dreg:$0x3] =	wrdreg $0x9  }
0xb0: {  	_ =	task.clear_ibuf [dreg:s6], $0x4FFFF;
	_ =	strace $0x90000049  }
0xb1: {  	s29 =	simm.s32 $0x9;
	_ =	strace $0x8000004B  }
0xb2: {  	_ =	swait.ge [sflag:s29], $0x1  }
0xb3: {  	[sflag:s29] =	ssyncadd.s32 $0xFFFFFFFF  }
0xb4: {  	_ =	strace $0x9000004B  }
0xb5: {  	_ =	sfence  }
0xb6: {  	s30 =	sld [smem:$0x0];
	_ =	sdelay $0x2  }
0xb7: {  	s31 =	sshll.u32 s1, $0xD;
	s1 =	sshrl.u32 s1, $0x2  }
0xb8: {  	s3 =	sand.u32 $0x4000, s31;
	s1 =	sadd.s32 s1, s30  }
0xb9: {  	s0 =	sor.u32 s3, s0;
	s1 =	sshll.u32 s1, $0x11  }
0xba: {  	s0 =	sor.u32 s1, s0  }
0xbb: {  	s0 =	sadd.s32 $0x8F2B, s0  }
0xbc: {  	[sflag:s0] =	ssyncadd.remote.s32 $0x1  }
0xbd: {  	_ =	sfence.sel $0xFFFF  }
0xbe: {  	[dreg:$0x0] =	wrdreg $0xFFFFFFFF;
	(pc) =	sbr.abs _section_cstart, $3  }
0xbf: {  	[dreg:$0x1] =	wrdreg $0xFFFFFFFF  }
0xc0: {  	_ =	task.clear_ibuf [dreg:s6], $0x2FFFF;
	_ =	strace $0x9FFFFFFF  }
0xc1: {  	(tm) =	ssettm $0x7FFFFFFF  }
tec
execute0_lowered:
.L_overlay_start_1:
0x0: {  	(tag) =	ssettag $0x1  }
0x1: {  	s0 =	srdreg.scid  }
0x2: {  	s3 =	stileid.u32;
	s6 =	rddreg [dreg:$0x0];
	s21 =	simm.s32 $0x0  }
0x3: {  	s16 =	simm.s32 $0xFFFFFFA0;
	s29 =	simm.s32 $0x4;
	s31 =	simm.s32 $0x9000  }
0x4: {  	s0 =	sand.u32 $0x1, s0;
	s1 =	sshll.u32 s3, $0x1;
	[smem:$0x7FF] =	sst s21  }
0x5: {  	s4 =	sadd.s32 $0x2400, s6;
	s5 =	sadd.s32 $0x1CDE00, s6;
	s1 =	sor.u32 s0, s1  }
0x6: {  	s6 =	sadd.s32 $0x26FE00, s6;
	p0 =	sgt.u32 s3, $0x7;
	s2 =	smul.u32 $0xD800, s1  }
0x7: {  	_ =	strace $0x8000004A;
	s0 =	ssub.s32 $0x2, s0;
	s8 =	smul.u32 $0x28800, s1  }
0x8: {  	s16 =	simm.s32 @!p0 $0x0;
	s12 =	sshrl.u32 s0, $0x1;
	s1 =	smul.u32 $0x6, s1  }
0x9: {  	s12 =	ssub.s32 s0, s12;
	s9 =	sadd.s32 $0xCF00, s2;
	s8 =	sshrl.u32 s8, $0x3  }
0xa: {  	s18 =	sadd.s32 s16, s1;
	s7 =	smulhi.u32 $0x38E38F, s9;
	s15 =	sadd.s32 s5, s8  }
0xb: {  	s26 =	sshrl.u32 s2, $0x3;
	s0 =	scvt.s32.f32 s18;
	s17 =	sadd.s32 $0x480, s15  }
0xc: {  	[dreg:$0x2] =	wrdreg s15;
	s22 =	sadd.s32 $0x900, s15;
	s10 =	sshrl.u32 s7, $0x3  }
0xd: {  	s7 =	sadd.s32 $0x900, s2;
	[dreg:$0x3] =	wrdreg s17;
	s11 =	smul.u32 $0xFFFFDC00, s10  }
0xe: {  	s15 =	sadd.s32 $0x1B00, s2;
	[dreg:$0x4] =	wrdreg s22;
	s13 =	smulhi.u32 $0x38E38F, s7  }
0xf: {  	s10 =	sadd.s32 s16, s10;
	s16 =	simm.s32 $0x1;
	s11 =	sadd.s32 s9, s11  }
0x10: {  	s10 =	scvt.s32.f32 s10;
	s30 =	smulhi.u32 $0x2AAAAAAB, s11;
	s14 =	sshra.s32 s11, $0x1F  }
0x11: {  	s19 =	sshrl.u32 s13, $0x3;
	s9 =	sshrl.u32 s9, $0x3;
	s14 =	smul.u32 $0x2AAAAAAB, s14  }
0x12: {  	s1 =	smul.u32 $0x4800, s19;
	s24 =	ssub.s32 $0x0, s11;
	p6 =	slt.s32 s11, $0x0  }
0x13: {  	s28 =	sadd.s32 s6, s9;
	s9 =	simm.s32 $0x14400;
	s8 =	sadd.s32 s14, s30  }
0x14: {  	v3 =	vmov s10;
	s10 =	simm.s32 $0x5;
	s20 =	sshrl.u32 s8, $0x1F;
	s8 =	sshra.s32 s8, $0x4  }
0x15: {  	[dreg:$0x9] =	wrdreg s28;
	s1 =	sadd.s32 s7, s1;
	s13 =	sadd.s32 s20, s8  }
0x16: {  	s1 =	sshrl.u32 s1, $0x3;
	s14 =	sadd.s32 $0x1200, s2;
	s23 =	smul.u32 $0xFFFFFFA0, s13  }
0x17: {  	s30 =	smax.u32 s12, $0x1;
	s1 =	sadd.s32 s5, s1;
	s8 =	simm.s32 $0x62  }
0x18: {  	s25 =	sadd.s32 $0x480, s1;
	[dreg:$0x5] =	wrdreg s1;
	p1 =	sne.s32 s23, s24  }
0x19: {  	s1 =	sadd.s32 $0x900, s1;
	s8 =	simm.s32 @!p0 $0x0;
	p0 =	por !p6, !p1  }
0x1a: {  	[dreg:$0x7] =	wrdreg s1;
	s1 =	simm.s32 $0x1;
	p0 =	por !p0, !p0  }
0x1b: {  	s12 =	simm.s32 $0x2;
	[dreg:$0xa] =	wrdreg s30;
	s1 =	simm.s32 @!p0 $0x0  }
0x1c: {  	[dreg:$0x6] =	wrdreg s25;
	s17 =	ssub.s32 s13, s1;
	s1 =	sadd.s32 s6, s26  }
0x1d: {  	v1 =	vlaneseq.u32;
	s23 =	simm.s32 $0x3;
	s24 =	simm.s32 $0x80;
	s1 =	sadd.s32 $0x18C0, s1  }
0x1e: {  	v4 =	vmul.u32 $0x8, v1;
	v0 =	vmov s0;
	v2 =	vmov s8;
	s26 =	simm.s32 $0x4800;
	[dreg:$0x8] =	wrdreg s1;
	s1 =	simm.s32 $0x0  }
.LBB2_1:
0x1f: {  	[dreg:$0xb] =	wrdreg s1  }
0x20: {  	s0 =	rddreg [dreg:$0x2]  }
0x21: {  	[tilespmem:s21], [sflag:$0x3] =	stream.linear.gather [hbm4b:s0+s21], $0x900, $0x38;
	[tilespmem:$0x14D00] =	vst v63  }
0x22: {  	s13 =	rddreg [dreg:$0x3];
	s18 =	simm.s32 $0x900  }
0x23: {  	[tilespmem:s18], [sflag:$0x3] =	stream.linear.gather [hbm4b:s13+s21], $0x900, $0x38;
	[tilespmem:$0x14D00] =	vst v63  }
0x24: {  	s19 =	rddreg [dreg:$0x4];
	s20 =	simm.s32 $0x1200  }
0x25: {  	[tilespmem:s20], [sflag:$0x3] =	stream.linear.gather [hbm4b:s19+s21], $0x900, $0x38;
	[tilespmem:$0x14D00] =	vst v63  }
0x26: {  	_ =	swait.ge [sflag:s23], $0x900  }
0x27: {  	[sflag:s23] =	ssyncset.done $0x0  }
0x28: {  	[sflag:s23] =	ssyncadd.s32 $0xFFFFF700  }
0x29: {  	_ =	swait.ge [sflag:s23], $0x900  }
0x2a: {  	[sflag:s23] =	ssyncset.done $0x0  }
0x2b: {  	[sflag:s23] =	ssyncadd.s32 $0xFFFFF700  }
0x2c: {  	_ =	swait.ge [sflag:s23], $0x900  }
0x2d: {  	[sflag:s23] =	ssyncset.done $0x0  }
0x2e: {  	s8 =	simm.s32 $0x0;
	[sflag:s23] =	ssyncadd.s32 $0xFFFFF700  }
0x2f: {  	s22 =	smul.u32 $0xAB, s21;
	v5 =	vld [tilespmem:s8+$0x900];
	_ =	sdelay $0x1  }
0x30: {  	s0 =	sshrl.u32 s22, $0xA;
	v6 =	vld [tilespmem:s8+$0x0]  }
0x31: {  	s25 =	smul.u32 $0x6, s0  }
0x32: {  	s0 =	sand.u32 $0x3F, s0  }
0x33: {  	s0 =	scvt.s32.f32 s0;
	s1 =	ssub.s32 $0x0, s25;
	v5 =	vadd.f32 v5, v0  }
0x34: {  	s1 =	sshll.u32 s1, $0x4;
	v7 =	vld [tilespmem:s8+$0x1200]  }
0x35: {  	s1 =	sand.u32 $0xF0, s1;
	v8 =	vadd.f32 $1.000000000e+00, v5;
	v5 =	vadd.f32 s0, v6  }
0x36: {  	v6 =	vor.u32 s1, v1  }
0x37: {  	v6 =	vcvt.s32.f32 v6;
	v9 =	vadd.f32 $1.024000000e+03, v8;
	v5 =	vadd.f32 $1.000000000e+00, v5;
	_ =	sdelay $0x1  }
0x38: {  	v6 =	vadd.f32 v6, v7;
	v7 =	vtrunc.f32 v9;
	v9 =	vadd.f32 $1.024000000e+03, v5  }
0x39: {  	v7 =	vcvt.f32.s32 v7  }
0x3a: {  	v10 =	vadd.f32 $1.000000000e+00, v6;
	v6 =	vtrunc.f32 v9  }
0x3b: {  	v9 =	vadd.s32 $0xFFFFFC00, v7;
	v6 =	vcvt.f32.s32 v6  }
0x3c: {  	v11 =	vadd.f32 $1.024000000e+03, v10;
	v7 =	vadd.s32 $0xFFFFFC01, v7;
	vm0 =	vgt.s32 v9, $0x0  }
0x3d: {  	v7 =	vcvt.s32.f32 v7;
	v12 =	vnsel vm0, $0x0, v9;
	v13 =	vadd.s32 $0xFFFFFC00, v6  }
0x3e: {  	v11 =	vtrunc.f32 v11;
	v6 =	vadd.s32 $0xFFFFFC01, v6;
	v12 =	vmin.u32 v12, $0x61  }
0x3f: {  	vm12 =	vgt.s32 v13, $0x0;
	v11 =	vcvt.f32.s32 v11;
	v12 =	vadd.s32 v2, v12  }
0x40: {  	v6 =	vcvt.s32.f32 v6;
	v14 =	vnsel vm12, $0x0, v13;
	v12 =	vmul.u32 $0x62, v12  }
0x41: {  	v15 =	vadd.s32 $0xFFFFFC00, v11;
	v14 =	vmin.u32 v14, $0x61;
	v11 =	vadd.s32 $0xFFFFFC01, v11  }
0x42: {  	vm13 =	vgt.s32 v15, $0x0;
	v11 =	vcvt.s32.f32 v11;
	v12 =	vadd.s32 v14, v12  }
0x43: {  	s28 =	sand.u32 $0x3E00, s21;
	v5 =	vsub.f32 v6, v5;
	v62 =	vnsel vm13, $0x0, v15;
	v12 =	vmul.u32 $0x62, v12  }
0x44: {  	s30 =	sand.u32 $0x70, s21;
	s0 =	sshrl.u32 s28, $0x2;
	v6 =	vsub.f32 v7, v8;
	v14 =	vmin.u32 v62, $0x61;
	v8 =	vsub.f32 v11, v10  }
0x45: {  	s0 =	sor.u32 s30, s0;
	v10 =	vsub.f32 $1.000000000e+00, v5;
	v12 =	vadd.s32 v14, v12  }
0x46: {  	s18 =	simm.s32 $0x10;
	s19 =	simm.s32 $0x1;
	vm14 =	vgt.s32 v13, $0xFFFFFFFF;
	v11 =	vsub.f32 $1.000000000e+00, v6;
	v63 =	vsub.f32 $1.000000000e+00, v8;
	[tilespmem:s0+$0x3600] =	vst v12  }
0x47: {  	s21 =	smul.u32 $0xAB, s19;
	vm15 =	vgt.s32 v9, $0xFFFFFFFF;
	vm1 =	vgt.s32 v15, $0xFFFFFFFF;
	v13 =	vnsel vm14, $0x0, v10;
	v7 =	vld [tilespmem:s18+$0x900];
	[tilespmem:s8+$0xFC00] =	vst v8  }
0x48: {  	s11 =	simm.s32 $0x40;
	s13 =	simm.s32 $0x0;
	s1 =	simm.s32 $0x2;
	v10 =	vnsel vm15, $0x0, v11;
	v9 =	vnsel vm1, $0x0, v63;
	v8 =	vld [tilespmem:s18+$0x0];
	[tilespmem:s8+$0xF300] =	vst v13  }
.LBB2_2:
0x49: {  	s0 =	sshrl.u32 s21, $0xA  }
0x4a: {  	[tilespmem:s8+$0xE100] =	vst v10;
	s13 =	sadd.s32 $0x10, s13;
	s21 =	smov.u32 s1;
	s20 =	sadd.s32 $0x1, s1  }
0x4b: {  	p0 =	sne.s32 s1, $0x8F;
	s1 =	smul.u32 $0x6, s0;
	s0 =	sand.u32 $0x3F, s0;
	[tilespmem:s8+$0xD800] =	vst v6  }
0x4c: {  	s0 =	scvt.s32.f32 s0;
	[tilespmem:s8+$0x10500] =	vst v9  }
0x4d: {  	s1 =	ssub.s32 s19, s1;
	v6 =	vadd.f32 v7, v0;
	[tilespmem:s8+$0xEA00] =	vst v5;
	s19 =	smov.u32 s21;
	s8 =	smov.u32 s18  }
0x4e: {  	s1 =	sshll.u32 s1, $0x4;
	v5 =	vld [tilespmem:s8+$0x1200];
	v7 =	vadd.f32 s0, v8  }
0x4f: {  	s0 =	sand.u32 $0xF0, s1;
	v6 =	vadd.f32 $1.000000000e+00, v6  }
0x50: {  	v8 =	vor.u32 s0, v1;
	v7 =	vadd.f32 $1.000000000e+00, v7  }
0x51: {  	v8 =	vcvt.s32.f32 v8;
	v9 =	vadd.f32 $1.024000000e+03, v6  }
0x52: {  	v10 =	vadd.f32 $1.024000000e+03, v7  }
0x53: {  	v5 =	vadd.f32 v8, v5;
	v8 =	vtrunc.f32 v9  }
0x54: {  	v9 =	vtrunc.f32 v10;
	v8 =	vcvt.f32.s32 v8  }
0x55: {  	v10 =	vadd.f32 $1.000000000e+00, v5;
	v5 =	vcvt.f32.s32 v9  }
0x56: {  	v9 =	vadd.s32 $0xFFFFFC00, v8;
	v8 =	vadd.s32 $0xFFFFFC01, v8  }
0x57: {  	v11 =	vadd.s32 $0xFFFFFC00, v5;
	v12 =	vadd.f32 $1.024000000e+03, v10;
	vm0 =	vgt.s32 v9, $0x0  }
0x58: {  	v5 =	vadd.s32 $0xFFFFFC01, v5;
	vm1 =	vgt.s32 v11, $0x0;
	v13 =	vnsel vm0, $0x0, v9  }
0x59: {  	v12 =	vtrunc.f32 v12;
	v14 =	vnsel vm1, $0x0, v11;
	v13 =	vmin.u32 v13, $0x61  }
0x5a: {  	v5 =	vcvt.s32.f32 v5;
	v12 =	vcvt.f32.s32 v12;
	v13 =	vadd.s32 v2, v13  }
0x5b: {  	v8 =	vcvt.s32.f32 v8;
	v13 =	vmul.u32 $0x62, v13  }
0x5c: {  	v14 =	vmin.u32 v14, $0x61;
	v15 =	vadd.s32 $0xFFFFFC00, v12;
	v12 =	vadd.s32 $0xFFFFFC01, v12  }
0x5d: {  	vm0 =	vgt.s32 v15, $0x0;
	v12 =	vcvt.s32.f32 v12;
	v13 =	vadd.s32 v14, v13  }
0x5e: {  	s0 =	sand.u32 $0x3E00, s11;
	v5 =	vsub.f32 v5, v7;
	v14 =	vnsel vm0, $0x0, v15;
	v7 =	vmul.u32 $0x62, v13  }
.Ltmp0:
0x5f: {  	s1 =	sand.u32 $0x70, s13;
	s0 =	sshrl.u32 s0, $0x2;
	v6 =	vsub.f32 v8, v6;
	v13 =	vmin.u32 v14, $0x61;
	v8 =	vsub.f32 v12, v10;
	(pc) =	sbr.rel @p0 .LBB2_2-.Ltmp0, $4  }
0x60: {  	s11 =	sadd.s32 $0x40, s11;
	s0 =	sor.u32 s1, s0;
	v10 =	vsub.f32 $1.000000000e+00, v5;
	v7 =	vadd.s32 v13, v7  }
0x61: {  	s18 =	sshra.s32 s11, $0x2;
	vm0 =	vgt.s32 v11, $0xFFFFFFFF;
	v11 =	vsub.f32 $1.000000000e+00, v6;
	v12 =	vsub.f32 $1.000000000e+00, v8;
	[tilespmem:s0+$0x3600] =	vst v7  }
0x62: {  	s21 =	smul.u32 $0xAB, s19;
	vm1 =	vgt.s32 v15, $0xFFFFFFFF;
	v13 =	vnsel vm0, $0x0, v10;
	vm0 =	vgt.s32 v9, $0xFFFFFFFF;
	v7 =	vld [tilespmem:s18+$0x900];
	[tilespmem:s8+$0xFC00] =	vst v8  }
0x63: {  	s1 =	smov.u32 s20;
	v10 =	vnsel vm0, $0x0, v11;
	v8 =	vld [tilespmem:s18+$0x0];
	v9 =	vnsel vm1, $0x0, v12;
	[tilespmem:s8+$0xF300] =	vst v13  }
0x64: {  	s0 =	sshrl.u32 s21, $0xA;
	[tilespmem:s8+$0xE100] =	vst v10  }
0x65: {  	[tilespmem:s8+$0xD800] =	vst v6;
	s1 =	smul.u32 $0x6, s0  }
0x66: {  	[tilespmem:s8+$0x10500] =	vst v9;
	s0 =	sand.u32 $0x3F, s0  }
0x67: {  	[tilespmem:s8+$0xEA00] =	vst v5;
	s0 =	scvt.s32.f32 s0;
	s1 =	ssub.s32 s19, s1;
	v5 =	vadd.f32 v7, v0  }
0x68: {  	v7 =	vld [tilespmem:s18+$0x1200];
	s8 =	sshll.u32 s1, $0x4  }
0x69: {  	v6 =	vadd.f32 s0, v8;
	s0 =	sand.u32 $0xF0, s8;
	v5 =	vadd.f32 $1.000000000e+00, v5  }
0x6a: {  	v52 =	vor.u32 s0, v1  }
0x6b: {  	v6 =	vadd.f32 $1.000000000e+00, v6;
	v8 =	vcvt.s32.f32 v52;
	v53 =	vadd.f32 $1.024000000e+03, v5;
	_ =	sdelay $0x1  }
0x6c: {  	v54 =	vadd.f32 $1.024000000e+03, v6;
	v7 =	vadd.f32 v8, v7;
	v55 =	vtrunc.f32 v53  }
0x6d: {  	v8 =	vcvt.f32.s32 v55  }
0x6e: {  	v56 =	vtrunc.f32 v54;
	v7 =	vadd.f32 $1.000000000e+00, v7  }
0x6f: {  	v9 =	vcvt.f32.s32 v56;
	v57 =	vadd.s32 $0xFFFFFC00, v8  }
0x70: {  	v8 =	vadd.s32 $0xFFFFFC01, v8;
	v12 =	vadd.f32 $1.024000000e+03, v7;
	vm0 =	vgt.s32 v57, $0x0  }
0x71: {  	v11 =	vadd.s32 $0xFFFFFC00, v9;
	v9 =	vadd.s32 $0xFFFFFC01, v9;
	v13 =	vnsel vm0, $0x0, v57  }
0x72: {  	vm1 =	vgt.s32 v11, $0x0;
	v12 =	vtrunc.f32 v12;
	v13 =	vmin.u32 v13, $0x61  }
0x73: {  	v9 =	vcvt.s32.f32 v9;
	v12 =	vcvt.f32.s32 v12;
	v13 =	vadd.s32 v2, v13  }
0x74: {  	v8 =	vcvt.s32.f32 v8;
	v14 =	vnsel vm1, $0x0, v11;
	v13 =	vmul.u32 $0x62, v13  }
0x75: {  	v14 =	vmin.u32 v14, $0x61;
	v6 =	vsub.f32 v9, v6;
	v15 =	vadd.s32 $0xFFFFFC00, v12  }
0x76: {  	v12 =	vadd.s32 $0xFFFFFC01, v12;
	vm12 =	vgt.s32 v15, $0x0;
	v13 =	vadd.s32 v14, v13  }
0x77: {  	s20 =	sand.u32 $0x3E00, s11;
	s19 =	sadd.s32 $0x10, s13;
	v12 =	vcvt.s32.f32 v12;
	v58 =	vnsel vm12, $0x0, v15;
	v59 =	vmul.u32 $0x62, v13  }
0x78: {  	s1 =	sshrl.u32 s20, $0x2;
	s0 =	sand.u32 $0x70, s19;
	v5 =	vsub.f32 v8, v5;
	v60 =	vmin.u32 v58, $0x61  }
0x79: {  	s0 =	sor.u32 s0, s1;
	v61 =	vsub.f32 $1.000000000e+00, v6;
	v7 =	vsub.f32 v12, v7;
	v9 =	vadd.s32 v60, v59  }
0x7a: {  	vm13 =	vgt.s32 v11, $0xFFFFFFFF;
	v62 =	vsub.f32 $1.000000000e+00, v5;
	[tilespmem:s0+$0x3600] =	vst v9  }
0x7b: {  	vm14 =	vgt.s32 v57, $0xFFFFFFFF;
	v8 =	vnsel vm13, $0x0, v61;
	[tilespmem:s18+$0xFC00] =	vst v7  }
0x7c: {  	v63 =	vnsel vm14, $0x0, v62;
	[tilespmem:s18+$0xF300] =	vst v8  }
0x7d: {  	v7 =	vsub.f32 $1.000000000e+00, v7;
	[tilespmem:s18+$0xE100] =	vst v63  }
0x7e: {  	vm15 =	vgt.s32 v15, $0xFFFFFFFF;
	[tilespmem:s18+$0xD800] =	vst v5  }
0x7f: {  	[tilespmem:s18+$0xEA00] =	vst v6;
	v7 =	vnsel vm15, $0x0, v7  }
0x80: {  	s21 =	simm.s32 $0x3600;
	[tilespmem:s18+$0x10500] =	vst v7  }
0x81: {  	[tilespmem:s26], [sflag:$0x1] =	stream.indirect.gather [hbm4b:s4+s24], $0x8, s21, s24, $0xb8;
	[tilespmem:$0x14D00] =	vst v63  }
0x82: {  	s22 =	simm.s32 $0x3680;
	s25 =	simm.s32 $0x4C00  }
0x83: {  	[tilespmem:s25], [sflag:$0x1] =	stream.indirect.gather [hbm4b:s4+s24], $0x8, s22, s24, $0xb8;
	[tilespmem:$0x14D00] =	vst v63  }
0x84: {  	s28 =	simm.s32 $0x3700;
	s30 =	simm.s32 $0x5000  }
0x85: {  	[tilespmem:s30], [sflag:$0x1] =	stream.indirect.gather [hbm4b:s4+s24], $0x8, s28, s24, $0xb8;
	[tilespmem:$0x14D00] =	vst v63  }
0x86: {  	s3 =	simm.s32 $0x3780;
	s8 =	simm.s32 $0x5400  }
0x87: {  	[tilespmem:s8], [sflag:$0x1] =	stream.indirect.gather [hbm4b:s4+s24], $0x8, s3, s24, $0xb8;
	[tilespmem:$0x14D00] =	vst v63  }
0x88: {  	s11 =	simm.s32 $0x3800;
	s13 =	simm.s32 $0x5800  }
0x89: {  	[tilespmem:s13], [sflag:$0x1] =	stream.indirect.gather [hbm4b:s4+s24], $0x8, s11, s24, $0xb8;
	[tilespmem:$0x14D00] =	vst v63  }
0x8a: {  	s19 =	simm.s32 $0x5C00;
	s18 =	simm.s32 $0x3880  }
0x8b: {  	[tilespmem:s19], [sflag:$0x1] =	stream.indirect.gather [hbm4b:s4+s24], $0x8, s18, s24, $0xb8;
	[tilespmem:$0x14D00] =	vst v63  }
0x8c: {  	s20 =	simm.s32 $0x3900;
	s21 =	simm.s32 $0x6000  }
0x8d: {  	[tilespmem:s21], [sflag:$0x1] =	stream.indirect.gather [hbm4b:s4+s24], $0x8, s20, s24, $0xb8;
	[tilespmem:$0x14D00] =	vst v63  }
0x8e: {  	s22 =	simm.s32 $0x3980;
	s25 =	simm.s32 $0x6400  }
0x8f: {  	[tilespmem:s25], [sflag:$0x1] =	stream.indirect.gather [hbm4b:s4+s24], $0x8, s22, s24, $0xb8;
	[tilespmem:$0x14D00] =	vst v63  }
0x90: {  	s28 =	simm.s32 $0x3A00;
	s30 =	simm.s32 $0x6800  }
0x91: {  	[tilespmem:s30], [sflag:$0x1] =	stream.indirect.gather [hbm4b:s4+s24], $0x8, s28, s24, $0xb8;
	[tilespmem:$0x14D00] =	vst v63  }
0x92: {  	s3 =	simm.s32 $0x3A80;
	s8 =	simm.s32 $0x6C00  }
0x93: {  	[tilespmem:s8], [sflag:$0x1] =	stream.indirect.gather [hbm4b:s4+s24], $0x8, s3, s24, $0xb8;
	[tilespmem:$0x14D00] =	vst v63  }
0x94: {  	s11 =	simm.s32 $0x3B00;
	s13 =	simm.s32 $0x7000  }
0x95: {  	[tilespmem:s13], [sflag:$0x1] =	stream.indirect.gather [hbm4b:s4+s24], $0x8, s11, s24, $0xb8;
	[tilespmem:$0x14D00] =	vst v63  }
0x96: {  	s18 =	simm.s32 $0x3B80;
	s19 =	simm.s32 $0x7400  }
0x97: {  	[tilespmem:s19], [sflag:$0x1] =	stream.indirect.gather [hbm4b:s4+s24], $0x8, s18, s24, $0xb8;
	[tilespmem:$0x14D00] =	vst v63  }
0x98: {  	s20 =	simm.s32 $0x3C00;
	s21 =	simm.s32 $0x7800  }
0x99: {  	[tilespmem:s21], [sflag:$0x1] =	stream.indirect.gather [hbm4b:s4+s24], $0x8, s20, s24, $0xb8;
	[tilespmem:$0x14D00] =	vst v63  }
0x9a: {  	s22 =	simm.s32 $0x3C80;
	s25 =	simm.s32 $0x7C00  }
0x9b: {  	[tilespmem:s25], [sflag:$0x1] =	stream.indirect.gather [hbm4b:s4+s24], $0x8, s22, s24, $0xb8;
	[tilespmem:$0x14D00] =	vst v63  }
0x9c: {  	s28 =	simm.s32 $0x3D00;
	s30 =	simm.s32 $0x8000  }
0x9d: {  	[tilespmem:s30], [sflag:$0x1] =	stream.indirect.gather [hbm4b:s4+s24], $0x8, s28, s24, $0xb8;
	[tilespmem:$0x14D00] =	vst v63  }
0x9e: {  	s3 =	simm.s32 $0x3D80;
	s8 =	simm.s32 $0x8400  }
0x9f: {  	[tilespmem:s8], [sflag:$0x1] =	stream.indirect.gather [hbm4b:s4+s24], $0x8, s3, s24, $0xb8;
	[tilespmem:$0x14D00] =	vst v63  }
0xa0: {  	s11 =	simm.s32 $0x3E00;
	s13 =	simm.s32 $0x8800  }
0xa1: {  	[tilespmem:s13], [sflag:$0x1] =	stream.indirect.gather [hbm4b:s4+s24], $0x8, s11, s24, $0xb8;
	[tilespmem:$0x14D00] =	vst v63  }
0xa2: {  	s18 =	simm.s32 $0x3E80;
	s19 =	simm.s32 $0x8C00  }
0xa3: {  	[tilespmem:s19], [sflag:$0x1] =	stream.indirect.gather [hbm4b:s4+s24], $0x8, s18, s24, $0xb8;
	[tilespmem:$0x14D00] =	vst v63  }
0xa4: {  	s20 =	rddreg [dreg:$0x5];
	s21 =	simm.s32 $0x1B00;
	s13 =	simm.s32 $0x0  }
0xa5: {  	[tilespmem:s21], [sflag:$0x4] =	stream.linear.gather [hbm4b:s20+s13], $0x900, $0x38;
	[tilespmem:$0x14D00] =	vst v63  }
0xa6: {  	s22 =	rddreg [dreg:$0x6];
	s25 =	simm.s32 $0x2400  }
0xa7: {  	[tilespmem:s25], [sflag:$0x4] =	stream.linear.gather [hbm4b:s22+s13], $0x900, $0x38;
	[tilespmem:$0x14D00] =	vst v63  }
0xa8: {  	s28 =	rddreg [dreg:$0x7];
	s30 =	simm.s32 $0x2D00;
	s18 =	simm.s32 $0x0  }
0xa9: {  	[tilespmem:s30], [sflag:$0x4] =	stream.linear.gather [hbm4b:s28+s13], $0x900, $0x38;
	[tilespmem:$0x14D00] =	vst v63  }
.LBB2_4:
0xaa: {  	s20 =	smul.u32 $0x1200, s18;
	_ =	sdelay $0x1  }
0xab: {  	s19 =	sadd.s32 s20, s7  }
0xac: {  	s0 =	smulhi.u32 $0x38E38E39, s19;
	_ =	sdelay $0x1  }
0xad: {  	s0 =	sshrl.u32 s0, $0xB  }
0xae: {  	s1 =	smul.u32 $0xFFFFDC00, s0;
	_ =	sdelay $0x1  }
0xaf: {  	_ =	swait.ge [sflag:s29], $0x900;
	s1 =	sadd.s32 s19, s1  }
0xb0: {  	[sflag:s29] =	ssyncset.done $0x0;
	s8 =	smulhi.u32 $0x2AAAAAAB, s1;
	s11 =	sshra.s32 s1, $0x1F  }
0xb1: {  	[sflag:s29] =	ssyncadd.s32 $0xFFFFF700;
	s11 =	smul.u32 $0x2AAAAAAB, s11  }
0xb2: {  	_ =	swait.ge [sflag:s29], $0x900  }
0xb3: {  	[sflag:s29] =	ssyncset.done $0x0;
	s8 =	sadd.s32 s11, s8  }
0xb4: {  	[sflag:s29] =	ssyncadd.s32 $0xFFFFF700;
	s11 =	sshrl.u32 s8, $0x1F;
	s8 =	sshra.s32 s8, $0x4  }
0xb5: {  	_ =	swait.ge [sflag:s29], $0x900;
	s11 =	sadd.s32 s11, s8  }
0xb6: {  	s21 =	simm.s32 $0xFFFFFFA0;
	[sflag:s29] =	ssyncset.done $0x0;
	s8 =	smul.u32 $0xFFFFFFA0, s11  }
0xb7: {  	p0 =	sgt.u32 s19, $0xD7FFF;
	[sflag:s29] =	ssyncadd.s32 $0xFFFFF700;
	s22 =	ssub.s32 $0x0, s1  }
0xb8: {  	p1 =	slt.s32 s1, $0x0;
	p2 =	sne.s32 s8, s22;
	s8 =	simm.s32 $0x0  }
0xb9: {  	s21 =	simm.s32 @!p0 $0x0;
	s22 =	smul.u32 $0xAB, s13;
	p1 =	por !p1, !p2;
	v5 =	vld [tilespmem:s8+$0x2400]  }
0xba: {  	s0 =	sadd.s32 s0, s21;
	s21 =	simm.s32 $0x1;
	p1 =	por !p1, !p1  }
0xbb: {  	s0 =	scvt.s32.f32 s0;
	v7 =	vld [tilespmem:s8+$0x1B00];
	s1 =	sshrl.u32 s22, $0xA;
	s21 =	simm.s32 @!p1 $0x0  }
0xbc: {  	s25 =	smul.u32 $0x6, s1;
	s3 =	sand.u32 $0x3F, s1;
	s11 =	ssub.s32 s11, s21  }
0xbd: {  	v6 =	vmov s0;
	s0 =	sadd.s32 s3, s11  }
0xbe: {  	s21 =	ssub.s32 $0x0, s25;
	v5 =	vadd.f32 v5, v6;
	s0 =	scvt.s32.f32 s0  }
0xbf: {  	v8 =	vld [tilespmem:s8+$0x2D00];
	s1 =	sshll.u32 s21, $0x4  }
0xc0: {  	s1 =	sand.u32 $0xF0, s1;
	v9 =	vadd.f32 $1.000000000e+00, v5;
	v5 =	vadd.f32 s0, v7  }
0xc1: {  	v7 =	vor.u32 s1, v1  }
0xc2: {  	v7 =	vcvt.s32.f32 v7;
	v10 =	vadd.f32 $1.024000000e+03, v9;
	v11 =	vadd.f32 $1.000000000e+00, v5;
	_ =	sdelay $0x1  }
0xc3: {  	v5 =	vadd.f32 v7, v8;
	v7 =	vtrunc.f32 v10;
	v8 =	vadd.f32 $1.024000000e+03, v11  }
0xc4: {  	v7 =	vcvt.f32.s32 v7  }
0xc5: {  	v10 =	vadd.f32 $1.000000000e+00, v5;
	v5 =	vtrunc.f32 v8  }
0xc6: {  	s0 =	simm.s32 $0x62;
	v12 =	vadd.s32 $0xFFFFFC00, v7;
	v8 =	vcvt.f32.s32 v5  }
0xc7: {  	s0 =	simm.s32 @!p0 $0x0;
	v13 =	vadd.f32 $1.024000000e+03, v10;
	v7 =	vadd.s32 $0xFFFFFC01, v7;
	vm0 =	vgt.s32 v12, $0x0  }
0xc8: {  	v5 =	vmov s0;
	v7 =	vcvt.s32.f32 v7;
	v14 =	vnsel vm0, $0x0, v12  }
0xc9: {  	v15 =	vadd.s32 $0xFFFFFC00, v8;
	v13 =	vtrunc.f32 v13;
	v14 =	vmin.u32 v14, $0x61  }
0xca: {  	vm12 =	vgt.s32 v15, $0x0;
	v13 =	vcvt.f32.s32 v13;
	v14 =	vadd.s32 v5, v14  }
0xcb: {  	v8 =	vadd.s32 $0xFFFFFC01, v8;
	v16 =	vnsel vm12, $0x0, v15;
	v14 =	vmul.u32 $0x62, v14  }
0xcc: {  	v8 =	vcvt.s32.f32 v8;
	v17 =	vadd.s32 $0xFFFFFC00, v13;
	v16 =	vmin.u32 v16, $0x61  }
0xcd: {  	v13 =	vadd.s32 $0xFFFFFC01, v13;
	vm13 =	vgt.s32 v17, $0x0;
	v14 =	vadd.s32 v16, v14  }
0xce: {  	s22 =	sand.u32 $0x3E00, s13;
	v13 =	vcvt.s32.f32 v13;
	v63 =	vnsel vm13, $0x0, v17;
	v14 =	vmul.u32 $0x62, v14  }
0xcf: {  	s25 =	sand.u32 $0x70, s13;
	s0 =	sshrl.u32 s22, $0x2;
	v8 =	vsub.f32 v8, v11;
	v16 =	vmin.u32 v63, $0x61  }
0xd0: {  	s0 =	sor.u32 s25, s0;
	v7 =	vsub.f32 v7, v9;
	v10 =	vsub.f32 v13, v10;
	v11 =	vadd.s32 v16, v14  }
0xd1: {  	[tilespmem:s0+$0x3F00] =	vst v11;
	v11 =	vsub.f32 $1.000000000e+00, v8  }
0xd2: {  	s28 =	simm.s32 $0x1;
	s25 =	simm.s32 $0x10;
	vm14 =	vgt.s32 v15, $0xFFFFFFFF;
	v13 =	vsub.f32 $1.000000000e+00, v7;
	v14 =	vsub.f32 $1.000000000e+00, v10  }
0xd3: {  	s1 =	smul.u32 $0xAB, s28;
	vm15 =	vgt.s32 v12, $0xFFFFFFFF;
	vm1 =	vgt.s32 v17, $0xFFFFFFFF;
	v9 =	vld [tilespmem:s25+$0x2400];
	[tilespmem:s8+$0x13200] =	vst v10;
	v15 =	vnsel vm14, $0x0, v11  }
0xd4: {  	s30 =	simm.s32 $0x2;
	s21 =	simm.s32 $0x40;
	s22 =	simm.s32 $0x0;
	v12 =	vnsel vm15, $0x0, v13;
	v10 =	vld [tilespmem:s25+$0x1B00];
	v11 =	vnsel vm1, $0x0, v14;
	[tilespmem:s8+$0x12900] =	vst v15  }
.LBB2_5:
0xd5: {  	s1 =	sshrl.u32 s1, $0xA  }
0xd6: {  	[tilespmem:s8+$0x11700] =	vst v12;
	s22 =	sadd.s32 $0x10, s22;
	s3 =	smov.u32 s30;
	s0 =	sadd.s32 $0x1, s30  }
0xd7: {  	p0 =	sne.s32 s30, $0x8F;
	s30 =	sand.u32 $0x3F, s1;
	s1 =	smul.u32 $0x6, s1;
	[tilespmem:s8+$0x10E00] =	vst v7  }
0xd8: {  	s30 =	sadd.s32 s30, s11;
	[tilespmem:s8+$0x12000] =	vst v8  }
0xd9: {  	s1 =	ssub.s32 s28, s1;
	s30 =	scvt.s32.f32 s30;
	v7 =	vadd.f32 v9, v6;
	[tilespmem:s8+$0x13B00] =	vst v11;
	s28 =	smov.u32 s3  }
0xda: {  	s8 =	smov.u32 s25;
	s1 =	sshll.u32 s1, $0x4;
	v8 =	vld [tilespmem:s25+$0x2D00]  }
0xdb: {  	s1 =	sand.u32 $0xF0, s1;
	v9 =	vadd.f32 s30, v10;
	v7 =	vadd.f32 $1.000000000e+00, v7  }
0xdc: {  	v10 =	vor.u32 s1, v1  }
0xdd: {  	v9 =	vadd.f32 $1.000000000e+00, v9;
	v10 =	vcvt.s32.f32 v10;
	v11 =	vadd.f32 $1.024000000e+03, v7;
	_ =	sdelay $0x1  }
0xde: {  	v8 =	vadd.f32 v10, v8;
	v10 =	vadd.f32 $1.024000000e+03, v9;
	v11 =	vtrunc.f32 v11  }
0xdf: {  	v11 =	vcvt.f32.s32 v11  }
0xe0: {  	v12 =	vadd.f32 $1.000000000e+00, v8;
	v8 =	vtrunc.f32 v10  }
0xe1: {  	v8 =	vcvt.f32.s32 v8;
	v10 =	vadd.s32 $0xFFFFFC00, v11;
	v11 =	vadd.s32 $0xFFFFFC01, v11  }
0xe2: {  	v13 =	vadd.f32 $1.024000000e+03, v12;
	vm0 =	vgt.s32 v10, $0x0;
	v11 =	vcvt.s32.f32 v11  }
0xe3: {  	v14 =	vadd.s32 $0xFFFFFC00, v8;
	v15 =	vnsel vm0, $0x0, v10;
	v8 =	vadd.s32 $0xFFFFFC01, v8  }
0xe4: {  	v13 =	vtrunc.f32 v13;
	vm0 =	vgt.s32 v14, $0x0;
	v15 =	vmin.u32 v15, $0x61  }
0xe5: {  	v13 =	vcvt.f32.s32 v13;
	v16 =	vnsel vm0, $0x0, v14;
	v15 =	vadd.s32 v5, v15  }
0xe6: {  	v8 =	vcvt.s32.f32 v8;
	v7 =	vsub.f32 v11, v7;
	v11 =	vmul.u32 $0x62, v15  }
0xe7: {  	v16 =	vmin.u32 v16, $0x61;
	v15 =	vadd.s32 $0xFFFFFC00, v13;
	v13 =	vadd.s32 $0xFFFFFC01, v13  }
0xe8: {  	vm0 =	vgt.s32 v15, $0x0;
	v13 =	vcvt.s32.f32 v13;
	v11 =	vadd.s32 v16, v11  }
0xe9: {  	s1 =	sand.u32 $0x3E00, s21;
	v8 =	vsub.f32 v8, v9;
	v16 =	vnsel vm0, $0x0, v15;
	v9 =	vmul.u32 $0x62, v11  }
.Ltmp1:
0xea: {  	s3 =	sand.u32 $0x70, s22;
	s1 =	sshrl.u32 s1, $0x2;
	v11 =	vmin.u32 v16, $0x61;
	v12 =	vsub.f32 v13, v12;
	v13 =	vsub.f32 $1.000000000e+00, v7;
	(pc) =	sbr.rel @p0 .LBB2_5-.Ltmp1, $4  }
0xeb: {  	s21 =	sadd.s32 $0x40, s21;
	s1 =	sor.u32 s3, s1;
	v16 =	vsub.f32 $1.000000000e+00, v8;
	v9 =	vadd.s32 v11, v9  }
0xec: {  	s25 =	sshra.s32 s21, $0x2;
	vm0 =	vgt.s32 v14, $0xFFFFFFFF;
	v11 =	vsub.f32 $1.000000000e+00, v12;
	[tilespmem:s1+$0x3F00] =	vst v9  }
0xed: {  	vm1 =	vgt.s32 v15, $0xFFFFFFFF;
	s1 =	smul.u32 $0xAB, s28;
	v14 =	vnsel vm0, $0x0, v16;
	vm0 =	vgt.s32 v10, $0xFFFFFFFF;
	v9 =	vld [tilespmem:s25+$0x2400];
	[tilespmem:s8+$0x13200] =	vst v12  }
0xee: {  	s30 =	smov.u32 s0;
	v12 =	vnsel vm0, $0x0, v13;
	v10 =	vld [tilespmem:s25+$0x1B00];
	v11 =	vnsel vm1, $0x0, v11;
	[tilespmem:s8+$0x12900] =	vst v14  }
0xef: {  	s0 =	sshrl.u32 s1, $0xA;
	[tilespmem:s8+$0x11700] =	vst v12  }
0xf0: {  	[tilespmem:s8+$0x10E00] =	vst v7;
	s1 =	sand.u32 $0x3F, s0;
	s0 =	smul.u32 $0x6, s0  }
0xf1: {  	[tilespmem:s8+$0x12000] =	vst v8;
	s1 =	sadd.s32 s1, s11  }
0xf2: {  	[tilespmem:s8+$0x13B00] =	vst v11;
	s0 =	ssub.s32 s28, s0;
	s1 =	scvt.s32.f32 s1;
	v6 =	vadd.f32 v9, v6  }
0xf3: {  	v7 =	vld [tilespmem:s25+$0x2D00];
	s0 =	sshll.u32 s0, $0x4  }
0xf4: {  	s0 =	sand.u32 $0xF0, s0;
	v8 =	vadd.f32 s1, v10;
	v6 =	vadd.f32 $1.000000000e+00, v6  }
0xf5: {  	v9 =	vor.u32 s0, v1  }
0xf6: {  	v8 =	vadd.f32 $1.000000000e+00, v8;
	v9 =	vcvt.s32.f32 v9;
	v10 =	vadd.f32 $1.024000000e+03, v6;
	_ =	sdelay $0x1  }
0xf7: {  	v7 =	vadd.f32 v9, v7;
	v9 =	vadd.f32 $1.024000000e+03, v8;
	v10 =	vtrunc.f32 v10  }
0xf8: {  	v10 =	vcvt.f32.s32 v10  }
0xf9: {  	v7 =	vadd.f32 $1.000000000e+00, v7;
	v9 =	vtrunc.f32 v9  }
0xfa: {  	v9 =	vcvt.f32.s32 v9;
	v11 =	vadd.s32 $0xFFFFFC00, v10  }
0xfb: {  	v10 =	vadd.s32 $0xFFFFFC01, v10;
	v12 =	vadd.f32 $1.024000000e+03, v7;
	vm0 =	vgt.s32 v11, $0x0  }
0xfc: {  	v13 =	vadd.s32 $0xFFFFFC00, v9;
	v14 =	vnsel vm0, $0x0, v11;
	v9 =	vadd.s32 $0xFFFFFC01, v9  }
0xfd: {  	v12 =	vtrunc.f32 v12;
	v14 =	vmin.u32 v14, $0x61;
	vm11 =	vgt.s32 v13, $0x0  }
0xfe: {  	v9 =	vcvt.s32.f32 v9;
	v12 =	vcvt.f32.s32 v12;
	v5 =	vadd.s32 v5, v14  }
0xff: {  	v10 =	vcvt.s32.f32 v10;
	v14 =	vnsel vm11, $0x0, v13;
	v5 =	vmul.u32 $0x62, v5  }
0x100: {  	v14 =	vmin.u32 v14, $0x61;
	v8 =	vsub.f32 v9, v8;
	v15 =	vadd.s32 $0xFFFFFC00, v12  }
0x101: {  	v12 =	vadd.s32 $0xFFFFFC01, v12;
	vm12 =	vgt.s32 v15, $0x0;
	v5 =	vadd.s32 v14, v5  }
0x102: {  	s21 =	sand.u32 $0x3E00, s21;
	s11 =	sadd.s32 $0x10, s22;
	v12 =	vcvt.s32.f32 v12;
	v14 =	vnsel vm12, $0x0, v15;
	v5 =	vmul.u32 $0x62, v5  }
0x103: {  	s1 =	sshrl.u32 s21, $0x2;
	s0 =	sand.u32 $0x70, s11;
	v6 =	vsub.f32 v10, v6;
	v9 =	vmin.u32 v14, $0x61  }
0x104: {  	s0 =	sor.u32 s0, s1;
	v10 =	vsub.f32 $1.000000000e+00, v8;
	v7 =	vsub.f32 v12, v7;
	v5 =	vadd.s32 v9, v5  }
0x105: {  	vm13 =	vgt.s32 v13, $0xFFFFFFFF;
	[tilespmem:s0+$0x3F00] =	vst v5  }
0x106: {  	v5 =	vnsel vm13, $0x0, v10;
	[tilespmem:s25+$0x13200] =	vst v7  }
0x107: {  	v9 =	vsub.f32 $1.000000000e+00, v6;
	[tilespmem:s25+$0x12900] =	vst v5  }
0x108: {  	vm14 =	vgt.s32 v11, $0xFFFFFFFF;
	v5 =	vsub.f32 $1.000000000e+00, v7;
	[tilespmem:s25+$0x10E00] =	vst v6  }
0x109: {  	vm15 =	vgt.s32 v15, $0xFFFFFFFF;
	v9 =	vnsel vm14, $0x0, v9;
	[tilespmem:s25+$0x12000] =	vst v8  }
0x10a: {  	[tilespmem:s25+$0x11700] =	vst v9;
	v5 =	vnsel vm15, $0x0, v5  }
0x10b: {  	[tilespmem:s25+$0x13B00] =	vst v5  }
0x10c: {  	_ =	swait.ge [sflag:s16], $0x4800  }
0x10d: {  	[sflag:s16] =	ssyncset.done $0x0  }
0x10e: {  	s22 =	simm.s32 $0x3F00;
	[sflag:s16] =	ssyncadd.s32 $0xFFFFB800  }
0x10f: {  	[tilespmem:s31], [sflag:$0x2] =	stream.indirect.gather [hbm4b:s4+s24], $0x8, s22, s24, $0xb8;
	[tilespmem:$0x14D00] =	vst v63  }
0x110: {  	s30 =	simm.s32 $0x9400;
	s25 =	simm.s32 $0x3F80  }
0x111: {  	[tilespmem:s30], [sflag:$0x2] =	stream.indirect.gather [hbm4b:s4+s24], $0x8, s25, s24, $0xb8;
	[tilespmem:$0x14D00] =	vst v63  }
0x112: {  	s3 =	simm.s32 $0x9800;
	s1 =	simm.s32 $0x4000  }
0x113: {  	[tilespmem:s3], [sflag:$0x2] =	stream.indirect.gather [hbm4b:s4+s24], $0x8, s1, s24, $0xb8;
	[tilespmem:$0x14D00] =	vst v63  }
0x114: {  	s8 =	simm.s32 $0x4080;
	s11 =	simm.s32 $0x9C00  }
0x115: {  	[tilespmem:s11], [sflag:$0x2] =	stream.indirect.gather [hbm4b:s4+s24], $0x8, s8, s24, $0xb8;
	[tilespmem:$0x14D00] =	vst v63  }
0x116: {  	s21 =	simm.s32 $0x4100;
	s22 =	simm.s32 $0xA000  }
0x117: {  	[tilespmem:s22], [sflag:$0x2] =	stream.indirect.gather [hbm4b:s4+s24], $0x8, s21, s24, $0xb8;
	[tilespmem:$0x14D00] =	vst v63  }
0x118: {  	s25 =	simm.s32 $0x4180;
	s30 =	simm.s32 $0xA400  }
0x119: {  	[tilespmem:s30], [sflag:$0x2] =	stream.indirect.gather [hbm4b:s4+s24], $0x8, s25, s24, $0xb8;
	[tilespmem:$0x14D00] =	vst v63  }
0x11a: {  	s1 =	simm.s32 $0x4200;
	s3 =	simm.s32 $0xA800  }
0x11b: {  	[tilespmem:s3], [sflag:$0x2] =	stream.indirect.gather [hbm4b:s4+s24], $0x8, s1, s24, $0xb8;
	[tilespmem:$0x14D00] =	vst v63  }
0x11c: {  	s8 =	simm.s32 $0x4280;
	s11 =	simm.s32 $0xAC00  }
0x11d: {  	[tilespmem:s11], [sflag:$0x2] =	stream.indirect.gather [hbm4b:s4+s24], $0x8, s8, s24, $0xb8;
	[tilespmem:$0x14D00] =	vst v63  }
0x11e: {  	s21 =	simm.s32 $0x4300;
	s22 =	simm.s32 $0xB000  }
0x11f: {  	[tilespmem:s22], [sflag:$0x2] =	stream.indirect.gather [hbm4b:s4+s24], $0x8, s21, s24, $0xb8;
	[tilespmem:$0x14D00] =	vst v63  }
0x120: {  	s25 =	simm.s32 $0x4380;
	s30 =	simm.s32 $0xB400  }
0x121: {  	[tilespmem:s30], [sflag:$0x2] =	stream.indirect.gather [hbm4b:s4+s24], $0x8, s25, s24, $0xb8;
	[tilespmem:$0x14D00] =	vst v63  }
0x122: {  	s1 =	simm.s32 $0x4400;
	s3 =	simm.s32 $0xB800  }
0x123: {  	[tilespmem:s3], [sflag:$0x2] =	stream.indirect.gather [hbm4b:s4+s24], $0x8, s1, s24, $0xb8;
	[tilespmem:$0x14D00] =	vst v63  }
0x124: {  	s8 =	simm.s32 $0x4480;
	s11 =	simm.s32 $0xBC00  }
0x125: {  	[tilespmem:s11], [sflag:$0x2] =	stream.indirect.gather [hbm4b:s4+s24], $0x8, s8, s24, $0xb8;
	[tilespmem:$0x14D00] =	vst v63  }
0x126: {  	s21 =	simm.s32 $0x4500;
	s22 =	simm.s32 $0xC000  }
0x127: {  	[tilespmem:s22], [sflag:$0x2] =	stream.indirect.gather [hbm4b:s4+s24], $0x8, s21, s24, $0xb8;
	[tilespmem:$0x14D00] =	vst v63  }
0x128: {  	s25 =	simm.s32 $0x4580;
	s30 =	simm.s32 $0xC400  }
0x129: {  	[tilespmem:s30], [sflag:$0x2] =	stream.indirect.gather [hbm4b:s4+s24], $0x8, s25, s24, $0xb8;
	[tilespmem:$0x14D00] =	vst v63  }
0x12a: {  	s1 =	simm.s32 $0x4600;
	s3 =	simm.s32 $0xC800  }
0x12b: {  	[tilespmem:s3], [sflag:$0x2] =	stream.indirect.gather [hbm4b:s4+s24], $0x8, s1, s24, $0xb8;
	[tilespmem:$0x14D00] =	vst v63  }
0x12c: {  	s8 =	simm.s32 $0x4680;
	s11 =	simm.s32 $0xCC00  }
0x12d: {  	[tilespmem:s11], [sflag:$0x2] =	stream.indirect.gather [hbm4b:s4+s24], $0x8, s8, s24, $0xb8;
	[tilespmem:$0x14D00] =	vst v63  }
0x12e: {  	s21 =	simm.s32 $0x4700;
	s22 =	simm.s32 $0xD000  }
0x12f: {  	[tilespmem:s22], [sflag:$0x2] =	stream.indirect.gather [hbm4b:s4+s24], $0x8, s21, s24, $0xb8;
	[tilespmem:$0x14D00] =	vst v63  }
0x130: {  	s21 =	sadd.s32 s20, s14  }
0x131: {  	s30 =	simm.s32 $0x4780;
	s3 =	simm.s32 $0xD400;
	s25 =	smulhi.u32 $0x38E38E39, s21  }
0x132: {  	[tilespmem:s3], [sflag:$0x2] =	stream.indirect.gather [hbm4b:s4+s24], $0x8, s30, s24, $0xb8;
	[tilespmem:$0x14D00] =	vst v63  }
0x133: {  	s11 =	sshrl.u32 s25, $0xB  }
0x134: {  	s0 =	smul.u32 $0xFFFFDC00, s11  }
0x135: {  	s8 =	smul.u32 $0x6C00, s11  }
0x136: {  	s22 =	sadd.s32 s21, s0  }
0x137: {  	s0 =	sadd.s32 s8, s22  }
0x138: {  	s3 =	simm.s32 $0x0;
	s1 =	sshrl.u32 s0, $0x3  }
0x139: {  	v5 =	vmov s3;
	s25 =	sadd.s32 $0x2400, s0;
	s1 =	sadd.s32 s5, s1  }
0x13a: {  	v5 =	vshll.u32 v5, $0x3;
	[tilespmem:s3], [sflag:$0x3] =	stream.linear.gather [hbm4b:s1+s3], $0x900, $0x38;
	[tilespmem:$0x14D00] =	vst v63  }
0x13b: {  	v5 =	vor.u32 v4, v5;
	s0 =	sadd.s32 $0x4800, s0;
	s1 =	sshrl.u32 s25, $0x3  }
0x13c: {  	s30 =	simm.s32 $0x900;
	v6 =	vor.u32 $0x1, v5;
	s0 =	sshrl.u32 s0, $0x3;
	s1 =	sadd.s32 s5, s1  }
0x13d: {  	v7 =	vor.u32 $0x2, v5;
	[tilespmem:s30], [sflag:$0x3] =	stream.linear.gather [hbm4b:s1+s3], $0x900, $0x38;
	[tilespmem:$0x14D00] =	vst v63  }
0x13e: {  	v8 =	vor.u32 $0x3, v5;
	s0 =	sadd.s32 s5, s0;
	s25 =	simm.s32 $0x1200  }
0x13f: {  	v9 =	vor.u32 $0x4, v5;
	[tilespmem:s25], [sflag:$0x3] =	stream.linear.gather [hbm4b:s0+s3], $0x900, $0x38;
	[tilespmem:$0x14D00] =	vst v63  }
0x140: {  	v11 =	vor.u32 $0x5, v5;
	v10 =	vld.idx.msk [tilespmem:v5+s26+$0x0], $0xffff  }
0x141: {  	v6 =	vld.idx.msk [tilespmem:v6+s26+$0x0], $0xffff  }
0x142: {  	v12 =	vor.u32 $0x6, v5;
	v7 =	vld.idx.msk [tilespmem:v7+s26+$0x0], $0xffff  }
0x143: {  	v8 =	vld.idx.msk [tilespmem:v8+s26+$0x0], $0xffff  }
0x144: {  	v5 =	vor.u32 $0x7, v5;
	v9 =	vld.idx.msk [tilespmem:v9+s26+$0x0], $0xffff  }
0x145: {  	s8 =	simm.s32 $0xEA00;
	v11 =	vld.idx.msk [tilespmem:v11+s26+$0x0], $0xffff  }
0x146: {  	v13 =	vld [tilespmem:s8+$0x1200]  }
0x147: {  	v12 =	vld.idx.msk [tilespmem:v12+s26+$0x0], $0xffff  }
0x148: {  	v14 =	vld [tilespmem:s8+$0x1B00]  }
0x149: {  	v5 =	vld.idx.msk [tilespmem:v5+s26+$0x0], $0xffff;
	_ =	sdelay $0x1  }
0x14a: {  	v15 =	vld [tilespmem:s8+$0x0];
	v10 =	vmul.f32 v10, v13;
	v7 =	vmul.f32 v7, v13  }
0x14b: {  	v16 =	vld [tilespmem:s8+$0x900];
	v9 =	vmul.f32 v9, v13;
	v12 =	vmul.f32 v12, v13  }
0x14c: {  	v6 =	vmul.f32 v6, v14;
	v8 =	vmul.f32 v8, v14  }
0x14d: {  	v11 =	vmul.f32 v11, v14;
	v5 =	vmul.f32 v5, v14  }
0x14e: {  	v6 =	vadd.f32 v6, v10;
	v7 =	vadd.f32 v8, v7  }
0x14f: {  	v8 =	vld [tilespmem:s8+$0xFFFFEE00];
	v9 =	vadd.f32 v11, v9;
	v5 =	vadd.f32 v5, v12  }
0x150: {  	v10 =	vld [tilespmem:s8+$0xFFFFF700];
	v6 =	vmul.f32 v6, v15;
	v7 =	vmul.f32 v7, v16  }
0x151: {  	v9 =	vmul.f32 v9, v15;
	v5 =	vmul.f32 v5, v16  }
0x152: {  	s30 =	simm.s32 $0x10  }
0x153: {  	v11 =	vmov s30;
	v6 =	vadd.f32 v7, v6;
	v5 =	vadd.f32 v5, v9  }
0x154: {  	v7 =	vshll.u32 v11, $0x3  }
0x155: {  	v7 =	vor.u32 v4, v7;
	v6 =	vmul.f32 v6, v8;
	v5 =	vmul.f32 v5, v10  }
0x156: {  	v12 =	vor.u32 $0x1, v7  }
0x157: {  	v8 =	vor.u32 $0x2, v7;
	v5 =	vadd.f32 v5, v6  }
0x158: {  	s25 =	simm.s32 $0x14400;
	v9 =	vor.u32 $0x3, v7  }
0x159: {  	v10 =	vor.u32 $0x4, v7;
	[tilespmem:s25+$0x0] =	vst v5  }
0x15a: {  	v11 =	vor.u32 $0x5, v7;
	v6 =	vld.idx.msk [tilespmem:v7+s26+$0x0], $0xffff  }
0x15b: {  	s28 =	simm.s32 $0x20;
	v5 =	vld.idx.msk [tilespmem:v12+s26+$0x0], $0xffff;
	v12 =	vor.u32 $0x6, v7  }
.LBB2_7:
0x15c: {  	p0 =	sne.s32 s28, $0x8F0;
	v8 =	vld.idx.msk [tilespmem:v8+s26+$0x0], $0xffff  }
0x15d: {  	v7 =	vor.u32 $0x7, v7;
	v9 =	vld.idx.msk [tilespmem:v9+s26+$0x0], $0xffff  }
0x15e: {  	v10 =	vld.idx.msk [tilespmem:v10+s26+$0x0], $0xffff  }
0x15f: {  	v11 =	vld.idx.msk [tilespmem:v11+s26+$0x0], $0xffff  }
0x160: {  	s8 =	sadd.s32 $0x10, s8;
	v12 =	vld.idx.msk [tilespmem:v12+s26+$0x0], $0xffff  }
0x161: {  	v13 =	vld [tilespmem:s8+$0x1200]  }
0x162: {  	v7 =	vld.idx.msk [tilespmem:v7+s26+$0x0], $0xffff  }
0x163: {  	v14 =	vld [tilespmem:s8+$0x1B00];
	_ =	sdelay $0x2  }
0x164: {  	v15 =	vld [tilespmem:s8+$0x0];
	v6 =	vmul.f32 v6, v13;
	v8 =	vmul.f32 v8, v13  }
0x165: {  	v10 =	vmul.f32 v10, v13;
	v12 =	vmul.f32 v12, v13;
	v16 =	vld [tilespmem:s8+$0x900]  }
0x166: {  	v5 =	vmul.f32 v5, v14;
	v9 =	vmul.f32 v9, v14  }
0x167: {  	v11 =	vmul.f32 v11, v14;
	v7 =	vmul.f32 v7, v14  }
0x168: {  	v5 =	vadd.f32 v5, v6;
	v6 =	vadd.f32 v9, v8  }
0x169: {  	v9 =	vadd.f32 v11, v10;
	v7 =	vadd.f32 v7, v12;
	v8 =	vld [tilespmem:s8+$0xFFFFEE00]  }
0x16a: {  	v10 =	vld [tilespmem:s8+$0xFFFFF700];
	v5 =	vmul.f32 v5, v15;
	v6 =	vmul.f32 v6, v16  }
0x16b: {  	v9 =	vmul.f32 v9, v15;
	v7 =	vmul.f32 v7, v16;
	_ =	sdelay $0x1  }
0x16c: {  	v11 =	vmov s28;
	v5 =	vadd.f32 v6, v5;
	v6 =	vadd.f32 v7, v9  }
0x16d: {  	v7 =	vshll.u32 v11, $0x3  }
0x16e: {  	v7 =	vor.u32 v4, v7;
	v5 =	vmul.f32 v5, v8;
	v6 =	vmul.f32 v6, v10  }
0x16f: {  	v12 =	vor.u32 $0x1, v7  }
.Ltmp2:
0x170: {  	v8 =	vor.u32 $0x2, v7;
	v5 =	vadd.f32 v6, v5;
	(pc) =	sbr.rel @p0 .LBB2_7-.Ltmp2, $4  }
0x171: {  	s25 =	sadd.s32 $0x10, s25;
	v9 =	vor.u32 $0x3, v7  }
0x172: {  	v10 =	vor.u32 $0x4, v7;
	[tilespmem:s25+$0x0] =	vst v5  }
0x173: {  	v11 =	vor.u32 $0x5, v7;
	v6 =	vld.idx.msk [tilespmem:v7+s26+$0x0], $0xffff  }
0x174: {  	s28 =	sadd.s32 $0x10, s28;
	v5 =	vld.idx.msk [tilespmem:v12+s26+$0x0], $0xffff;
	v12 =	vor.u32 $0x6, v7  }
0x175: {  	_ =	sdelay $0x3  }
0x176: {  	v8 =	vld.idx.msk [tilespmem:v8+s26+$0x0], $0xffff  }
0x177: {  	v9 =	vld.idx.msk [tilespmem:v9+s26+$0x0], $0xffff  }
0x178: {  	v7 =	vor.u32 $0x7, v7;
	v10 =	vld.idx.msk [tilespmem:v10+s26+$0x0], $0xffff  }
0x179: {  	v11 =	vld.idx.msk [tilespmem:v11+s26+$0x0], $0xffff;
	s0 =	sadd.s32 $0x10, s8  }
0x17a: {  	v13 =	vld [tilespmem:s0+$0x1200]  }
0x17b: {  	v12 =	vld.idx.msk [tilespmem:v12+s26+$0x0], $0xffff  }
0x17c: {  	v14 =	vld [tilespmem:s0+$0x1B00]  }
0x17d: {  	v7 =	vld.idx.msk [tilespmem:v7+s26+$0x0], $0xffff;
	_ =	sdelay $0x1  }
0x17e: {  	v15 =	vld [tilespmem:s0+$0x0];
	v6 =	vmul.f32 v6, v13;
	v8 =	vmul.f32 v8, v13  }
0x17f: {  	v16 =	vld [tilespmem:s0+$0x900];
	v10 =	vmul.f32 v10, v13;
	v12 =	vmul.f32 v12, v13  }
0x180: {  	v5 =	vmul.f32 v5, v14;
	v9 =	vmul.f32 v9, v14  }
0x181: {  	v11 =	vmul.f32 v11, v14;
	v7 =	vmul.f32 v7, v14  }
0x182: {  	v5 =	vadd.f32 v5, v6;
	v6 =	vadd.f32 v9, v8  }
0x183: {  	v8 =	vld [tilespmem:s0+$0xFFFFEE00];
	v9 =	vadd.f32 v11, v10;
	v7 =	vadd.f32 v7, v12  }
0x184: {  	v10 =	vld [tilespmem:s0+$0xFFFFF700];
	v5 =	vmul.f32 v5, v15;
	v6 =	vmul.f32 v6, v16  }
0x185: {  	v9 =	vmul.f32 v9, v15;
	v7 =	vmul.f32 v7, v16;
	_ =	sdelay $0x1  }
0x186: {  	v5 =	vadd.f32 v6, v5;
	v6 =	vadd.f32 v7, v9;
	_ =	sdelay $0x1  }
0x187: {  	v5 =	vmul.f32 v5, v8;
	v6 =	vmul.f32 v6, v10;
	_ =	sdelay $0x1  }
0x188: {  	s30 =	sadd.s32 s2, s20;
	v5 =	vadd.f32 v6, v5  }
0x189: {  	s1 =	sadd.s32 $0x10, s25;
	s0 =	sshrl.u32 s30, $0x3  }
0x18a: {  	s8 =	simm.s32 $0x0;
	s0 =	sadd.s32 s6, s0;
	[tilespmem:s1+$0x0] =	vst v5  }
0x18b: {  	[hbm4b:s0+s8] =	stream.linear.scatter [tilespmem:s9], [sflag:$0x5], $0x900, $0x38;
	[tilespmem:$0x14D00] =	vst v63  }
0x18c: {  	_ =	swait.ge [sflag:s10], $0x900  }
0x18d: {  	[sflag:s10] =	ssyncset.done $0x0  }
0x18e: {  	[sflag:s10] =	ssyncadd.s32 $0xFFFFF700  }
0x18f: {  	s3 =	smulhi.u32 $0x2AAAAAAB, s22;
	s25 =	sshra.s32 s22, $0x1F;
	_ =	swait.ge [sflag:s23], $0x900  }
0x190: {  	s1 =	smul.u32 $0x2AAAAAAB, s25;
	[sflag:s23] =	ssyncset.done $0x0  }
0x191: {  	[sflag:s23] =	ssyncadd.s32 $0xFFFFF700  }
0x192: {  	p0 =	sgt.u32 s21, $0xD7FFF;
	s0 =	sadd.s32 s1, s3;
	_ =	swait.ge [sflag:s23], $0x900  }
0x193: {  	s1 =	sshrl.u32 s0, $0x1F;
	s0 =	sshra.s32 s0, $0x4;
	[sflag:s23] =	ssyncset.done $0x0  }
0x194: {  	p1 =	slt.s32 s22, $0x1;
	s0 =	sadd.s32 s1, s0;
	[sflag:s23] =	ssyncadd.s32 $0xFFFFF700  }
0x195: {  	s21 =	simm.s32 $0x0;
	s1 =	smul.u32 $0xFFFFFFA0, s0;
	_ =	swait.ge [sflag:s23], $0x900  }
0x196: {  	s30 =	ssub.s32 $0x0, s22;
	s3 =	simm.s32 $0xFFFFFFA0;
	[sflag:s23] =	ssyncset.done $0x0  }
0x197: {  	s3 =	simm.s32 @!p0 $0x0;
	p2 =	sne.s32 s1, s30;
	[sflag:s23] =	ssyncadd.s32 $0xFFFFF700  }
0x198: {  	s25 =	smul.u32 $0xAB, s8;
	s3 =	sadd.s32 s11, s3;
	p1 =	por !p1, !p2;
	v5 =	vld [tilespmem:s21+$0x900]  }
0x199: {  	s11 =	simm.s32 $0x1;
	s3 =	scvt.s32.f32 s3;
	p1 =	por !p1, !p1  }
0x19a: {  	s1 =	sshrl.u32 s25, $0xA;
	s11 =	simm.s32 @!p1 $0x0;
	v7 =	vld [tilespmem:s21+$0x0]  }
0x19b: {  	v6 =	vmov s3;
	s30 =	smul.u32 $0x6, s1;
	s3 =	sand.u32 $0x3F, s1;
	s11 =	ssub.s32 s0, s11  }
0x19c: {  	s0 =	sadd.s32 s3, s11  }
0x19d: {  	s22 =	ssub.s32 $0x0, s30;
	s0 =	scvt.s32.f32 s0;
	v5 =	vadd.f32 v5, v6  }
0x19e: {  	s1 =	sshll.u32 s22, $0x4;
	v8 =	vld [tilespmem:s21+$0x1200]  }
0x19f: {  	s1 =	sand.u32 $0xF0, s1;
	v9 =	vadd.f32 $1.000000000e+00, v5;
	v5 =	vadd.f32 s0, v7  }
0x1a0: {  	v7 =	vor.u32 s1, v1  }
0x1a1: {  	v7 =	vcvt.s32.f32 v7;
	v10 =	vadd.f32 $1.024000000e+03, v9;
	v11 =	vadd.f32 $1.000000000e+00, v5;
	_ =	sdelay $0x1  }
0x1a2: {  	v5 =	vadd.f32 v7, v8;
	v7 =	vtrunc.f32 v10;
	v8 =	vadd.f32 $1.024000000e+03, v11  }
0x1a3: {  	v7 =	vcvt.f32.s32 v7  }
0x1a4: {  	v10 =	vadd.f32 $1.000000000e+00, v5;
	v5 =	vtrunc.f32 v8  }
0x1a5: {  	s0 =	simm.s32 $0x62;
	v12 =	vadd.s32 $0xFFFFFC00, v7;
	v8 =	vcvt.f32.s32 v5  }
0x1a6: {  	s0 =	simm.s32 @!p0 $0x0;
	v13 =	vadd.f32 $1.024000000e+03, v10;
	v7 =	vadd.s32 $0xFFFFFC01, v7;
	vm0 =	vgt.s32 v12, $0x0  }
0x1a7: {  	v5 =	vmov s0;
	v7 =	vcvt.s32.f32 v7;
	v14 =	vnsel vm0, $0x0, v12  }
0x1a8: {  	v15 =	vadd.s32 $0xFFFFFC00, v8;
	v13 =	vtrunc.f32 v13;
	v14 =	vmin.u32 v14, $0x61  }
0x1a9: {  	vm12 =	vgt.s32 v15, $0x0;
	v13 =	vcvt.f32.s32 v13;
	v14 =	vadd.s32 v5, v14  }
0x1aa: {  	v8 =	vadd.s32 $0xFFFFFC01, v8;
	v62 =	vnsel vm12, $0x0, v15;
	v14 =	vmul.u32 $0x62, v14  }
0x1ab: {  	v8 =	vcvt.s32.f32 v8;
	v17 =	vadd.s32 $0xFFFFFC00, v13;
	v16 =	vmin.u32 v62, $0x61  }
0x1ac: {  	v13 =	vadd.s32 $0xFFFFFC01, v13;
	vm13 =	vgt.s32 v17, $0x0;
	v14 =	vadd.s32 v16, v14  }
0x1ad: {  	s25 =	sand.u32 $0x3E00, s8;
	v13 =	vcvt.s32.f32 v13;
	v63 =	vnsel vm13, $0x0, v17;
	v14 =	vmul.u32 $0x62, v14  }
0x1ae: {  	s30 =	sand.u32 $0x70, s8;
	s0 =	sshrl.u32 s25, $0x2;
	v8 =	vsub.f32 v8, v11;
	v16 =	vmin.u32 v63, $0x61  }
0x1af: {  	s0 =	sor.u32 s30, s0;
	v7 =	vsub.f32 v7, v9;
	v10 =	vsub.f32 v13, v10;
	v11 =	vadd.s32 v16, v14  }
0x1b0: {  	[tilespmem:s0+$0x3600] =	vst v11;
	v11 =	vsub.f32 $1.000000000e+00, v8  }
0x1b1: {  	s28 =	simm.s32 $0x1;
	s25 =	simm.s32 $0x10;
	vm14 =	vgt.s32 v15, $0xFFFFFFFF;
	v13 =	vsub.f32 $1.000000000e+00, v7;
	v14 =	vsub.f32 $1.000000000e+00, v10  }
0x1b2: {  	vm15 =	vgt.s32 v12, $0xFFFFFFFF;
	vm1 =	vgt.s32 v17, $0xFFFFFFFF;
	s0 =	smul.u32 $0xAB, s28;
	v9 =	vld [tilespmem:s25+$0x900];
	[tilespmem:s21+$0xFC00] =	vst v10;
	v15 =	vnsel vm14, $0x0, v11  }
0x1b3: {  	s22 =	simm.s32 $0x40;
	s1 =	simm.s32 $0x2;
	v12 =	vnsel vm15, $0x0, v13;
	v10 =	vld [tilespmem:s25+$0x0];
	v11 =	vnsel vm1, $0x0, v14;
	[tilespmem:s21+$0xF300] =	vst v15  }
.LBB2_9:
0x1b4: {  	s0 =	sshrl.u32 s0, $0xA  }
0x1b5: {  	[tilespmem:s21+$0xE100] =	vst v12;
	s8 =	sadd.s32 $0x10, s8;
	s3 =	smov.u32 s1;
	s30 =	sadd.s32 $0x1, s1  }
0x1b6: {  	p0 =	sne.s32 s1, $0x8F;
	s1 =	sand.u32 $0x3F, s0;
	s0 =	smul.u32 $0x6, s0;
	[tilespmem:s21+$0xD800] =	vst v7  }
0x1b7: {  	s1 =	sadd.s32 s1, s11;
	[tilespmem:s21+$0xEA00] =	vst v8  }
0x1b8: {  	s0 =	ssub.s32 s28, s0;
	s1 =	scvt.s32.f32 s1;
	v7 =	vadd.f32 v9, v6;
	[tilespmem:s21+$0x10500] =	vst v11;
	s28 =	smov.u32 s3  }
0x1b9: {  	s21 =	smov.u32 s25;
	s0 =	sshll.u32 s0, $0x4;
	v8 =	vld [tilespmem:s25+$0x1200]  }
0x1ba: {  	s0 =	sand.u32 $0xF0, s0;
	v9 =	vadd.f32 s1, v10;
	v7 =	vadd.f32 $1.000000000e+00, v7  }
0x1bb: {  	v10 =	vor.u32 s0, v1  }
0x1bc: {  	v9 =	vadd.f32 $1.000000000e+00, v9;
	v10 =	vcvt.s32.f32 v10;
	v11 =	vadd.f32 $1.024000000e+03, v7;
	_ =	sdelay $0x1  }
0x1bd: {  	v8 =	vadd.f32 v10, v8;
	v10 =	vadd.f32 $1.024000000e+03, v9;
	v11 =	vtrunc.f32 v11  }
0x1be: {  	v11 =	vcvt.f32.s32 v11  }
0x1bf: {  	v12 =	vadd.f32 $1.000000000e+00, v8;
	v8 =	vtrunc.f32 v10  }
0x1c0: {  	v8 =	vcvt.f32.s32 v8;
	v10 =	vadd.s32 $0xFFFFFC00, v11;
	v11 =	vadd.s32 $0xFFFFFC01, v11  }
0x1c1: {  	v13 =	vadd.f32 $1.024000000e+03, v12;
	vm0 =	vgt.s32 v10, $0x0;
	v11 =	vcvt.s32.f32 v11  }
0x1c2: {  	v14 =	vadd.s32 $0xFFFFFC00, v8;
	v15 =	vnsel vm0, $0x0, v10;
	v8 =	vadd.s32 $0xFFFFFC01, v8  }
0x1c3: {  	v13 =	vtrunc.f32 v13;
	vm0 =	vgt.s32 v14, $0x0;
	v15 =	vmin.u32 v15, $0x61  }
0x1c4: {  	v13 =	vcvt.f32.s32 v13;
	v16 =	vnsel vm0, $0x0, v14;
	v15 =	vadd.s32 v5, v15  }
0x1c5: {  	v8 =	vcvt.s32.f32 v8;
	v7 =	vsub.f32 v11, v7;
	v11 =	vmul.u32 $0x62, v15  }
0x1c6: {  	v16 =	vmin.u32 v16, $0x61;
	v15 =	vadd.s32 $0xFFFFFC00, v13;
	v13 =	vadd.s32 $0xFFFFFC01, v13  }
0x1c7: {  	vm0 =	vgt.s32 v15, $0x0;
	v13 =	vcvt.s32.f32 v13;
	v11 =	vadd.s32 v16, v11  }
0x1c8: {  	s0 =	sand.u32 $0x3E00, s22;
	v8 =	vsub.f32 v8, v9;
	v16 =	vnsel vm0, $0x0, v15;
	v9 =	vmul.u32 $0x62, v11  }
.Ltmp3:
0x1c9: {  	s1 =	sand.u32 $0x70, s8;
	s0 =	sshrl.u32 s0, $0x2;
	v11 =	vmin.u32 v16, $0x61;
	v12 =	vsub.f32 v13, v12;
	v13 =	vsub.f32 $1.000000000e+00, v7;
	(pc) =	sbr.rel @p0 .LBB2_9-.Ltmp3, $4  }
0x1ca: {  	s22 =	sadd.s32 $0x40, s22;
	s0 =	sor.u32 s1, s0;
	v16 =	vsub.f32 $1.000000000e+00, v8;
	v9 =	vadd.s32 v11, v9  }
0x1cb: {  	s25 =	sshra.s32 s22, $0x2;
	vm0 =	vgt.s32 v14, $0xFFFFFFFF;
	v11 =	vsub.f32 $1.000000000e+00, v12;
	[tilespmem:s0+$0x3600] =	vst v9  }
0x1cc: {  	vm1 =	vgt.s32 v15, $0xFFFFFFFF;
	s0 =	smul.u32 $0xAB, s28;
	v14 =	vnsel vm0, $0x0, v16;
	vm0 =	vgt.s32 v10, $0xFFFFFFFF;
	v9 =	vld [tilespmem:s25+$0x900];
	[tilespmem:s21+$0xFC00] =	vst v12  }
0x1cd: {  	s1 =	smov.u32 s30;
	v12 =	vnsel vm0, $0x0, v13;
	v10 =	vld [tilespmem:s25+$0x0];
	v11 =	vnsel vm1, $0x0, v11;
	[tilespmem:s21+$0xF300] =	vst v14  }
0x1ce: {  	s0 =	sshrl.u32 s0, $0xA;
	[tilespmem:s21+$0xE100] =	vst v12  }
0x1cf: {  	[tilespmem:s21+$0xD800] =	vst v7;
	s1 =	sand.u32 $0x3F, s0;
	s0 =	smul.u32 $0x6, s0  }
0x1d0: {  	[tilespmem:s21+$0xEA00] =	vst v8;
	s1 =	sadd.s32 s1, s11  }
0x1d1: {  	[tilespmem:s21+$0x10500] =	vst v11;
	s0 =	ssub.s32 s28, s0;
	s1 =	scvt.s32.f32 s1;
	v6 =	vadd.f32 v9, v6  }
0x1d2: {  	v7 =	vld [tilespmem:s25+$0x1200];
	s0 =	sshll.u32 s0, $0x4  }
0x1d3: {  	v8 =	vadd.f32 s1, v10;
	s0 =	sand.u32 $0xF0, s0;
	v6 =	vadd.f32 $1.000000000e+00, v6  }
0x1d4: {  	v9 =	vor.u32 s0, v1  }
0x1d5: {  	v8 =	vadd.f32 $1.000000000e+00, v8;
	v9 =	vcvt.s32.f32 v9;
	v10 =	vadd.f32 $1.024000000e+03, v6;
	_ =	sdelay $0x1  }
0x1d6: {  	v7 =	vadd.f32 v9, v7;
	v9 =	vadd.f32 $1.024000000e+03, v8;
	v10 =	vtrunc.f32 v10  }
0x1d7: {  	v10 =	vcvt.f32.s32 v10  }
0x1d8: {  	v7 =	vadd.f32 $1.000000000e+00, v7;
	v9 =	vtrunc.f32 v9  }
0x1d9: {  	v9 =	vcvt.f32.s32 v9;
	v11 =	vadd.s32 $0xFFFFFC00, v10  }
0x1da: {  	v10 =	vadd.s32 $0xFFFFFC01, v10;
	v12 =	vadd.f32 $1.024000000e+03, v7;
	vm0 =	vgt.s32 v11, $0x0  }
0x1db: {  	v13 =	vadd.s32 $0xFFFFFC00, v9;
	v14 =	vnsel vm0, $0x0, v11;
	v9 =	vadd.s32 $0xFFFFFC01, v9  }
0x1dc: {  	v12 =	vtrunc.f32 v12;
	v14 =	vmin.u32 v14, $0x61;
	vm11 =	vgt.s32 v13, $0x0  }
0x1dd: {  	v9 =	vcvt.s32.f32 v9;
	v12 =	vcvt.f32.s32 v12;
	v5 =	vadd.s32 v5, v14  }
0x1de: {  	v10 =	vcvt.s32.f32 v10;
	v14 =	vnsel vm11, $0x0, v13;
	v5 =	vmul.u32 $0x62, v5  }
0x1df: {  	v14 =	vmin.u32 v14, $0x61;
	v8 =	vsub.f32 v9, v8;
	v15 =	vadd.s32 $0xFFFFFC00, v12  }
0x1e0: {  	v12 =	vadd.s32 $0xFFFFFC01, v12;
	vm12 =	vgt.s32 v15, $0x0;
	v5 =	vadd.s32 v14, v5  }
0x1e1: {  	s30 =	sand.u32 $0x3E00, s22;
	s28 =	sadd.s32 $0x10, s8;
	v12 =	vcvt.s32.f32 v12;
	v14 =	vnsel vm12, $0x0, v15;
	v5 =	vmul.u32 $0x62, v5  }
0x1e2: {  	s1 =	sshrl.u32 s30, $0x2;
	s0 =	sand.u32 $0x70, s28;
	v6 =	vsub.f32 v10, v6;
	v9 =	vmin.u32 v14, $0x61  }
0x1e3: {  	s0 =	sor.u32 s0, s1;
	v10 =	vsub.f32 $1.000000000e+00, v8;
	v7 =	vsub.f32 v12, v7;
	v5 =	vadd.s32 v9, v5  }
0x1e4: {  	vm13 =	vgt.s32 v13, $0xFFFFFFFF;
	[tilespmem:s0+$0x3600] =	vst v5  }
0x1e5: {  	v5 =	vnsel vm13, $0x0, v10;
	[tilespmem:s25+$0xFC00] =	vst v7  }
0x1e6: {  	v9 =	vsub.f32 $1.000000000e+00, v6;
	[tilespmem:s25+$0xF300] =	vst v5  }
0x1e7: {  	vm14 =	vgt.s32 v11, $0xFFFFFFFF;
	v5 =	vsub.f32 $1.000000000e+00, v7;
	[tilespmem:s25+$0xD800] =	vst v6  }
0x1e8: {  	vm15 =	vgt.s32 v15, $0xFFFFFFFF;
	v9 =	vnsel vm14, $0x0, v9;
	[tilespmem:s25+$0xEA00] =	vst v8  }
0x1e9: {  	[tilespmem:s25+$0xE100] =	vst v9;
	v5 =	vnsel vm15, $0x0, v5  }
0x1ea: {  	[tilespmem:s25+$0x10500] =	vst v5  }
0x1eb: {  	_ =	swait.ge [sflag:s12], $0x4800  }
0x1ec: {  	[sflag:s12] =	ssyncset.done $0x0  }
0x1ed: {  	s1 =	simm.s32 $0x3600;
	[sflag:s12] =	ssyncadd.s32 $0xFFFFB800  }
0x1ee: {  	[tilespmem:s26], [sflag:$0x1] =	stream.indirect.gather [hbm4b:s4+s24], $0x8, s1, s24, $0xb8;
	[tilespmem:$0x14D00] =	vst v63  }
0x1ef: {  	s3 =	simm.s32 $0x3680;
	s8 =	simm.s32 $0x4C00  }
0x1f0: {  	[tilespmem:s8], [sflag:$0x1] =	stream.indirect.gather [hbm4b:s4+s24], $0x8, s3, s24, $0xb8;
	[tilespmem:$0x14D00] =	vst v63  }
0x1f1: {  	s21 =	simm.s32 $0x5000;
	s11 =	simm.s32 $0x3700  }
0x1f2: {  	[tilespmem:s21], [sflag:$0x1] =	stream.indirect.gather [hbm4b:s4+s24], $0x8, s11, s24, $0xb8;
	[tilespmem:$0x14D00] =	vst v63  }
0x1f3: {  	s22 =	simm.s32 $0x3780;
	s25 =	simm.s32 $0x5400  }
0x1f4: {  	[tilespmem:s25], [sflag:$0x1] =	stream.indirect.gather [hbm4b:s4+s24], $0x8, s22, s24, $0xb8;
	[tilespmem:$0x14D00] =	vst v63  }
0x1f5: {  	s30 =	simm.s32 $0x5800;
	s28 =	simm.s32 $0x3800  }
0x1f6: {  	[tilespmem:s30], [sflag:$0x1] =	stream.indirect.gather [hbm4b:s4+s24], $0x8, s28, s24, $0xb8;
	[tilespmem:$0x14D00] =	vst v63  }
0x1f7: {  	s3 =	simm.s32 $0x3880;
	s8 =	simm.s32 $0x5C00  }
0x1f8: {  	[tilespmem:s8], [sflag:$0x1] =	stream.indirect.gather [hbm4b:s4+s24], $0x8, s3, s24, $0xb8;
	[tilespmem:$0x14D00] =	vst v63  }
0x1f9: {  	s11 =	simm.s32 $0x3900;
	s21 =	simm.s32 $0x6000  }
0x1fa: {  	[tilespmem:s21], [sflag:$0x1] =	stream.indirect.gather [hbm4b:s4+s24], $0x8, s11, s24, $0xb8;
	[tilespmem:$0x14D00] =	vst v63  }
0x1fb: {  	s22 =	simm.s32 $0x3980;
	s25 =	simm.s32 $0x6400  }
0x1fc: {  	[tilespmem:s25], [sflag:$0x1] =	stream.indirect.gather [hbm4b:s4+s24], $0x8, s22, s24, $0xb8;
	[tilespmem:$0x14D00] =	vst v63  }
0x1fd: {  	s28 =	simm.s32 $0x3A00;
	s30 =	simm.s32 $0x6800  }
0x1fe: {  	[tilespmem:s30], [sflag:$0x1] =	stream.indirect.gather [hbm4b:s4+s24], $0x8, s28, s24, $0xb8;
	[tilespmem:$0x14D00] =	vst v63  }
0x1ff: {  	s3 =	simm.s32 $0x3A80;
	s8 =	simm.s32 $0x6C00  }
0x200: {  	[tilespmem:s8], [sflag:$0x1] =	stream.indirect.gather [hbm4b:s4+s24], $0x8, s3, s24, $0xb8;
	[tilespmem:$0x14D00] =	vst v63  }
0x201: {  	s11 =	simm.s32 $0x3B00;
	s21 =	simm.s32 $0x7000  }
0x202: {  	[tilespmem:s21], [sflag:$0x1] =	stream.indirect.gather [hbm4b:s4+s24], $0x8, s11, s24, $0xb8;
	[tilespmem:$0x14D00] =	vst v63  }
0x203: {  	s1 =	simm.s32 $0x3C80;
	s22 =	simm.s32 $0x3B80;
	s25 =	simm.s32 $0x7400  }
0x204: {  	[tilespmem:s25], [sflag:$0x1] =	stream.indirect.gather [hbm4b:s4+s24], $0x8, s22, s24, $0xb8;
	[tilespmem:$0x14D00] =	vst v63  }
0x205: {  	s28 =	simm.s32 $0x3C00;
	s30 =	simm.s32 $0x7800;
	s25 =	sadd.s32 s20, s15  }
0x206: {  	[tilespmem:s30], [sflag:$0x1] =	stream.indirect.gather [hbm4b:s4+s24], $0x8, s28, s24, $0xb8;
	[tilespmem:$0x14D00] =	vst v63  }
0x207: {  	s3 =	simm.s32 $0x7C00;
	s8 =	simm.s32 $0x3D00;
	s28 =	smulhi.u32 $0x38E38E39, s25  }
0x208: {  	[tilespmem:s3], [sflag:$0x1] =	stream.indirect.gather [hbm4b:s4+s24], $0x8, s1, s24, $0xb8;
	[tilespmem:$0x14D00] =	vst v63  }
0x209: {  	s11 =	simm.s32 $0x8000;
	s21 =	simm.s32 $0x3D80;
	s1 =	sshrl.u32 s28, $0xB  }
0x20a: {  	[tilespmem:s11], [sflag:$0x1] =	stream.indirect.gather [hbm4b:s4+s24], $0x8, s8, s24, $0xb8;
	[tilespmem:$0x14D00] =	vst v63  }
0x20b: {  	s22 =	simm.s32 $0x8400;
	s20 =	simm.s32 $0x0;
	s1 =	smul.u32 $0x4800, s1  }
0x20c: {  	[tilespmem:s22], [sflag:$0x1] =	stream.indirect.gather [hbm4b:s4+s24], $0x8, s21, s24, $0xb8;
	[tilespmem:$0x14D00] =	vst v63  }
0x20d: {  	s30 =	simm.s32 $0x8800;
	s3 =	simm.s32 $0x3E00;
	s0 =	sadd.s32 s25, s1  }
0x20e: {  	[tilespmem:s30], [sflag:$0x1] =	stream.indirect.gather [hbm4b:s4+s24], $0x8, s3, s24, $0xb8;
	[tilespmem:$0x14D00] =	vst v63  }
0x20f: {  	s8 =	simm.s32 $0x3E80;
	s11 =	simm.s32 $0x8C00;
	s1 =	sshrl.u32 s0, $0x3  }
0x210: {  	[tilespmem:s11], [sflag:$0x1] =	stream.indirect.gather [hbm4b:s4+s24], $0x8, s8, s24, $0xb8;
	[tilespmem:$0x14D00] =	vst v63  }
0x211: {  	v5 =	vmov s20;
	s21 =	simm.s32 $0x1B00;
	s22 =	sadd.s32 $0x2400, s0;
	s1 =	sadd.s32 s5, s1  }
0x212: {  	v5 =	vshll.u32 v5, $0x3;
	[tilespmem:s21], [sflag:$0x4] =	stream.linear.gather [hbm4b:s1+s20], $0x900, $0x38;
	[tilespmem:$0x14D00] =	vst v63  }
0x213: {  	v5 =	vor.u32 v4, v5;
	s0 =	sadd.s32 $0x4800, s0;
	s1 =	sshrl.u32 s22, $0x3  }
0x214: {  	v6 =	vor.u32 $0x1, v5;
	s25 =	simm.s32 $0x2400;
	s0 =	sshrl.u32 s0, $0x3;
	s1 =	sadd.s32 s5, s1  }
0x215: {  	v7 =	vor.u32 $0x2, v5;
	[tilespmem:s25], [sflag:$0x4] =	stream.linear.gather [hbm4b:s1+s20], $0x900, $0x38;
	[tilespmem:$0x14D00] =	vst v63  }
0x216: {  	v8 =	vor.u32 $0x3, v5;
	s28 =	simm.s32 $0x2D00;
	s0 =	sadd.s32 s5, s0  }
0x217: {  	v9 =	vor.u32 $0x4, v5;
	[tilespmem:s28], [sflag:$0x4] =	stream.linear.gather [hbm4b:s0+s20], $0x900, $0x38;
	[tilespmem:$0x14D00] =	vst v63  }
0x218: {  	v11 =	vor.u32 $0x5, v5;
	v10 =	vld.idx.msk [tilespmem:v5+s31+$0x0], $0xffff  }
0x219: {  	v6 =	vld.idx.msk [tilespmem:v6+s31+$0x0], $0xffff  }
0x21a: {  	v12 =	vor.u32 $0x6, v5;
	v7 =	vld.idx.msk [tilespmem:v7+s31+$0x0], $0xffff  }
0x21b: {  	v8 =	vld.idx.msk [tilespmem:v8+s31+$0x0], $0xffff  }
0x21c: {  	v5 =	vor.u32 $0x7, v5;
	v9 =	vld.idx.msk [tilespmem:v9+s31+$0x0], $0xffff  }
0x21d: {  	s8 =	simm.s32 $0x12000;
	v11 =	vld.idx.msk [tilespmem:v11+s31+$0x0], $0xffff  }
0x21e: {  	v13 =	vld [tilespmem:s8+$0x1200]  }
0x21f: {  	v12 =	vld.idx.msk [tilespmem:v12+s31+$0x0], $0xffff  }
0x220: {  	v14 =	vld [tilespmem:s8+$0x1B00]  }
0x221: {  	v5 =	vld.idx.msk [tilespmem:v5+s31+$0x0], $0xffff;
	_ =	sdelay $0x1  }
0x222: {  	v15 =	vld [tilespmem:s8+$0x0];
	v10 =	vmul.f32 v10, v13;
	v7 =	vmul.f32 v7, v13  }
0x223: {  	v16 =	vld [tilespmem:s8+$0x900];
	v9 =	vmul.f32 v9, v13;
	v12 =	vmul.f32 v12, v13  }
0x224: {  	v6 =	vmul.f32 v6, v14;
	v8 =	vmul.f32 v8, v14  }
0x225: {  	v11 =	vmul.f32 v11, v14;
	v5 =	vmul.f32 v5, v14  }
0x226: {  	v6 =	vadd.f32 v6, v10;
	v7 =	vadd.f32 v8, v7  }
0x227: {  	v8 =	vld [tilespmem:s8+$0xFFFFEE00];
	v9 =	vadd.f32 v11, v9;
	v5 =	vadd.f32 v5, v12  }
0x228: {  	v10 =	vld [tilespmem:s8+$0xFFFFF700];
	v6 =	vmul.f32 v6, v15;
	v7 =	vmul.f32 v7, v16  }
0x229: {  	v9 =	vmul.f32 v9, v15;
	v5 =	vmul.f32 v5, v16  }
0x22a: {  	s30 =	simm.s32 $0x10  }
0x22b: {  	v11 =	vmov s30;
	v6 =	vadd.f32 v7, v6;
	v5 =	vadd.f32 v5, v9  }
0x22c: {  	v7 =	vshll.u32 v11, $0x3  }
0x22d: {  	v7 =	vor.u32 v4, v7;
	v6 =	vmul.f32 v6, v8;
	v5 =	vmul.f32 v5, v10  }
0x22e: {  	v12 =	vor.u32 $0x1, v7  }
0x22f: {  	v8 =	vor.u32 $0x2, v7;
	v5 =	vadd.f32 v5, v6  }
0x230: {  	s11 =	simm.s32 $0x14400;
	v9 =	vor.u32 $0x3, v7  }
0x231: {  	v10 =	vor.u32 $0x4, v7;
	[tilespmem:s11+$0x0] =	vst v5  }
0x232: {  	v11 =	vor.u32 $0x5, v7;
	v6 =	vld.idx.msk [tilespmem:v7+s31+$0x0], $0xffff  }
0x233: {  	s20 =	simm.s32 $0x20;
	v5 =	vld.idx.msk [tilespmem:v12+s31+$0x0], $0xffff;
	v12 =	vor.u32 $0x6, v7  }
.LBB2_11:
0x234: {  	p0 =	sne.s32 s20, $0x8F0;
	v8 =	vld.idx.msk [tilespmem:v8+s31+$0x0], $0xffff  }
0x235: {  	v7 =	vor.u32 $0x7, v7;
	v9 =	vld.idx.msk [tilespmem:v9+s31+$0x0], $0xffff  }
0x236: {  	v10 =	vld.idx.msk [tilespmem:v10+s31+$0x0], $0xffff  }
0x237: {  	v11 =	vld.idx.msk [tilespmem:v11+s31+$0x0], $0xffff  }
0x238: {  	s8 =	sadd.s32 $0x10, s8;
	v12 =	vld.idx.msk [tilespmem:v12+s31+$0x0], $0xffff  }
0x239: {  	v13 =	vld [tilespmem:s8+$0x1200]  }
0x23a: {  	v7 =	vld.idx.msk [tilespmem:v7+s31+$0x0], $0xffff  }
0x23b: {  	v14 =	vld [tilespmem:s8+$0x1B00];
	_ =	sdelay $0x2  }
0x23c: {  	v15 =	vld [tilespmem:s8+$0x0];
	v6 =	vmul.f32 v6, v13;
	v8 =	vmul.f32 v8, v13  }
0x23d: {  	v10 =	vmul.f32 v10, v13;
	v12 =	vmul.f32 v12, v13;
	v16 =	vld [tilespmem:s8+$0x900]  }
0x23e: {  	v5 =	vmul.f32 v5, v14;
	v9 =	vmul.f32 v9, v14  }
0x23f: {  	v11 =	vmul.f32 v11, v14;
	v7 =	vmul.f32 v7, v14  }
0x240: {  	v5 =	vadd.f32 v5, v6;
	v6 =	vadd.f32 v9, v8  }
0x241: {  	v9 =	vadd.f32 v11, v10;
	v7 =	vadd.f32 v7, v12;
	v8 =	vld [tilespmem:s8+$0xFFFFEE00]  }
0x242: {  	v10 =	vld [tilespmem:s8+$0xFFFFF700];
	v5 =	vmul.f32 v5, v15;
	v6 =	vmul.f32 v6, v16  }
0x243: {  	v9 =	vmul.f32 v9, v15;
	v7 =	vmul.f32 v7, v16;
	_ =	sdelay $0x1  }
0x244: {  	v11 =	vmov s20;
	v5 =	vadd.f32 v6, v5;
	v6 =	vadd.f32 v7, v9  }
0x245: {  	v7 =	vshll.u32 v11, $0x3  }
0x246: {  	v7 =	vor.u32 v4, v7;
	v5 =	vmul.f32 v5, v8;
	v6 =	vmul.f32 v6, v10  }
0x247: {  	v12 =	vor.u32 $0x1, v7  }
.Ltmp4:
0x248: {  	v8 =	vor.u32 $0x2, v7;
	v5 =	vadd.f32 v6, v5;
	(pc) =	sbr.rel @p0 .LBB2_11-.Ltmp4, $4  }
0x249: {  	s11 =	sadd.s32 $0x10, s11;
	v9 =	vor.u32 $0x3, v7  }
0x24a: {  	v10 =	vor.u32 $0x4, v7;
	[tilespmem:s11+$0x0] =	vst v5  }
0x24b: {  	v11 =	vor.u32 $0x5, v7;
	v6 =	vld.idx.msk [tilespmem:v7+s31+$0x0], $0xffff  }
0x24c: {  	s20 =	sadd.s32 $0x10, s20;
	v5 =	vld.idx.msk [tilespmem:v12+s31+$0x0], $0xffff;
	v12 =	vor.u32 $0x6, v7  }
0x24d: {  	_ =	sdelay $0x3  }
0x24e: {  	v8 =	vld.idx.msk [tilespmem:v8+s31+$0x0], $0xffff  }
0x24f: {  	v9 =	vld.idx.msk [tilespmem:v9+s31+$0x0], $0xffff  }
0x250: {  	v7 =	vor.u32 $0x7, v7;
	v10 =	vld.idx.msk [tilespmem:v10+s31+$0x0], $0xffff  }
0x251: {  	v11 =	vld.idx.msk [tilespmem:v11+s31+$0x0], $0xffff;
	s0 =	sadd.s32 $0x10, s8  }
0x252: {  	v13 =	vld [tilespmem:s0+$0x1200]  }
0x253: {  	v12 =	vld.idx.msk [tilespmem:v12+s31+$0x0], $0xffff  }
0x254: {  	v14 =	vld [tilespmem:s0+$0x1B00]  }
0x255: {  	v7 =	vld.idx.msk [tilespmem:v7+s31+$0x0], $0xffff;
	_ =	sdelay $0x1  }
0x256: {  	v15 =	vld [tilespmem:s0+$0x0];
	v6 =	vmul.f32 v6, v13;
	v8 =	vmul.f32 v8, v13  }
0x257: {  	v16 =	vld [tilespmem:s0+$0x900];
	v10 =	vmul.f32 v10, v13;
	v12 =	vmul.f32 v12, v13  }
0x258: {  	v5 =	vmul.f32 v5, v14;
	v9 =	vmul.f32 v9, v14  }
0x259: {  	v11 =	vmul.f32 v11, v14;
	v7 =	vmul.f32 v7, v14  }
0x25a: {  	v5 =	vadd.f32 v5, v6;
	v6 =	vadd.f32 v9, v8  }
0x25b: {  	v61 =	vld [tilespmem:s0+$0xFFFFEE00];
	v62 =	vadd.f32 v11, v10;
	v7 =	vadd.f32 v7, v12  }
0x25c: {  	v63 =	vld [tilespmem:s0+$0xFFFFF700];
	v5 =	vmul.f32 v5, v15;
	v6 =	vmul.f32 v6, v16  }
0x25d: {  	v9 =	vmul.f32 v62, v15;
	v7 =	vmul.f32 v7, v16;
	_ =	sdelay $0x1  }
0x25e: {  	v5 =	vadd.f32 v6, v5;
	v6 =	vadd.f32 v7, v9;
	_ =	sdelay $0x1  }
0x25f: {  	v5 =	vmul.f32 v5, v61;
	v6 =	vmul.f32 v6, v63;
	_ =	sdelay $0x1  }
0x260: {  	s18 =	sadd.s32 $0x1, s18;
	v5 =	vadd.f32 v6, v5  }
0x261: {  	s28 =	sadd.s32 $0x10, s11;
	s1 =	sshrl.u32 s19, $0x3;
	p0 =	sne.s32 s18, $0xB  }
.Ltmp5:
0x262: {  	s21 =	simm.s32 $0x0;
	s30 =	sadd.s32 s6, s1;
	[tilespmem:s28+$0x0] =	vst v5;
	(pc) =	sbr.rel @p0 .LBB2_4-.Ltmp5, $4  }
0x263: {  	[hbm4b:s30+s21] =	stream.linear.scatter [tilespmem:s9], [sflag:$0x5], $0x900, $0x38;
	[tilespmem:$0x14D00] =	vst v63  }
0x264: {  	_ =	swait.ge [sflag:s10], $0x900  }
0x265: {  	[sflag:s10] =	ssyncset.done $0x0  }
0x266: {  	[sflag:s10] =	ssyncadd.s32 $0xFFFFF700  }
0x267: {  	_ =	swait.ge [sflag:s29], $0x900  }
0x268: {  	[sflag:s29] =	ssyncset.done $0x0  }
0x269: {  	[sflag:s29] =	ssyncadd.s32 $0xFFFFF700  }
0x26a: {  	_ =	swait.ge [sflag:s29], $0x900  }
0x26b: {  	[sflag:s29] =	ssyncset.done $0x0  }
0x26c: {  	[sflag:s29] =	ssyncadd.s32 $0xFFFFF700  }
0x26d: {  	s8 =	simm.s32 $0x0;
	_ =	swait.ge [sflag:s29], $0x900  }
0x26e: {  	s0 =	smul.u32 $0xAB, s8;
	[sflag:s29] =	ssyncset.done $0x0  }
0x26f: {  	s11 =	simm.s32 $0x0;
	[sflag:s29] =	ssyncadd.s32 $0xFFFFF700  }
0x270: {  	s0 =	sshrl.u32 s0, $0xA;
	v5 =	vld [tilespmem:s11+$0x2400]  }
0x271: {  	s1 =	smul.u32 $0x6, s0;
	_ =	sdelay $0x1  }
0x272: {  	s1 =	ssub.s32 $0x0, s1;
	v6 =	vld [tilespmem:s11+$0x1B00]  }
0x273: {  	s0 =	sand.u32 $0x3F, s0;
	s1 =	sshll.u32 s1, $0x4;
	v7 =	vld [tilespmem:s11+$0x2D00]  }
0x274: {  	s0 =	sadd.s32 s0, s17;
	s1 =	sand.u32 $0xF0, s1;
	v5 =	vadd.f32 v5, v3  }
0x275: {  	s0 =	scvt.s32.f32 s0;
	v8 =	vor.u32 s1, v1  }
0x276: {  	v8 =	vcvt.s32.f32 v8;
	v5 =	vadd.f32 $1.000000000e+00, v5  }
0x277: {  	v6 =	vadd.f32 s0, v6  }
0x278: {  	v7 =	vadd.f32 v8, v7;
	v9 =	vadd.f32 $1.024000000e+03, v5  }
0x279: {  	v6 =	vadd.f32 $1.000000000e+00, v6  }
0x27a: {  	v7 =	vadd.f32 $1.000000000e+00, v7;
	v8 =	vtrunc.f32 v9  }
0x27b: {  	v9 =	vadd.f32 $1.024000000e+03, v6;
	v8 =	vcvt.f32.s32 v8  }
0x27c: {  	v11 =	vadd.f32 $1.024000000e+03, v7  }
0x27d: {  	v9 =	vtrunc.f32 v9;
	v10 =	vadd.s32 $0xFFFFFC00, v8  }
0x27e: {  	v11 =	vtrunc.f32 v11;
	v9 =	vcvt.f32.s32 v9;
	vm0 =	vgt.s32 v10, $0x0  }
0x27f: {  	v11 =	vcvt.f32.s32 v11;
	v12 =	vnsel vm0, $0x0, v10  }
0x280: {  	v8 =	vadd.s32 $0xFFFFFC01, v8;
	v13 =	vadd.s32 $0xFFFFFC00, v9;
	v12 =	vmin.u32 v12, $0x61  }
0x281: {  	v15 =	vadd.s32 $0xFFFFFC00, v11;
	vm12 =	vgt.s32 v13, $0x0;
	v12 =	vadd.s32 v2, v12  }
0x282: {  	v11 =	vadd.s32 $0xFFFFFC01, v11;
	v14 =	vnsel vm12, $0x0, v13;
	v12 =	vmul.u32 $0x62, v12  }
0x283: {  	vm13 =	vgt.s32 v15, $0x0;
	v9 =	vadd.s32 $0xFFFFFC01, v9;
	v14 =	vmin.u32 v14, $0x61  }
0x284: {  	v8 =	vcvt.s32.f32 v8;
	v9 =	vcvt.s32.f32 v9;
	v12 =	vadd.s32 v14, v12  }
0x285: {  	s28 =	sand.u32 $0x3E00, s8;
	v11 =	vcvt.s32.f32 v11;
	v62 =	vnsel vm13, $0x0, v15;
	v12 =	vmul.u32 $0x62, v12  }
0x286: {  	s30 =	sand.u32 $0x70, s8;
	s0 =	sshrl.u32 s28, $0x2;
	v6 =	vsub.f32 v9, v6;
	v14 =	vmin.u32 v62, $0x61  }
0x287: {  	s0 =	sor.u32 s30, s0;
	v5 =	vsub.f32 v8, v5;
	v8 =	vsub.f32 v11, v7;
	v9 =	vadd.s32 v14, v12  }
0x288: {  	[tilespmem:s0+$0x3F00] =	vst v9;
	v9 =	vsub.f32 $1.000000000e+00, v6  }
0x289: {  	s18 =	simm.s32 $0x10;
	s19 =	simm.s32 $0x1;
	vm14 =	vgt.s32 v13, $0xFFFFFFFF;
	v11 =	vsub.f32 $1.000000000e+00, v5;
	v63 =	vsub.f32 $1.000000000e+00, v8  }
0x28a: {  	vm15 =	vgt.s32 v10, $0xFFFFFFFF;
	vm1 =	vgt.s32 v15, $0xFFFFFFFF;
	s0 =	smul.u32 $0xAB, s19;
	v7 =	vld [tilespmem:s18+$0x2400];
	[tilespmem:s11+$0x13200] =	vst v8;
	v13 =	vnsel vm14, $0x0, v9  }
0x28b: {  	s13 =	simm.s32 $0x40;
	s1 =	simm.s32 $0x2;
	v10 =	vnsel vm15, $0x0, v11;
	v8 =	vld [tilespmem:s18+$0x1B00];
	v9 =	vnsel vm1, $0x0, v63;
	[tilespmem:s11+$0x12900] =	vst v13  }
.LBB2_14:
0x28c: {  	s0 =	sshrl.u32 s0, $0xA  }
0x28d: {  	[tilespmem:s11+$0x11700] =	vst v10;
	s8 =	sadd.s32 $0x10, s8;
	s3 =	smov.u32 s1;
	s20 =	sadd.s32 $0x1, s1  }
0x28e: {  	p0 =	sne.s32 s1, $0x8F;
	s1 =	sand.u32 $0x3F, s0;
	s0 =	smul.u32 $0x6, s0;
	[tilespmem:s11+$0x10E00] =	vst v5  }
0x28f: {  	s1 =	sadd.s32 s1, s17;
	[tilespmem:s11+$0x12000] =	vst v6  }
0x290: {  	s0 =	ssub.s32 s19, s0;
	s1 =	scvt.s32.f32 s1;
	v5 =	vadd.f32 v7, v3;
	[tilespmem:s11+$0x13B00] =	vst v9;
	s19 =	smov.u32 s3  }
0x291: {  	s11 =	smov.u32 s18;
	s0 =	sshll.u32 s0, $0x4;
	v6 =	vld [tilespmem:s18+$0x2D00]  }
0x292: {  	s0 =	sand.u32 $0xF0, s0;
	v7 =	vadd.f32 s1, v8;
	v5 =	vadd.f32 $1.000000000e+00, v5  }
0x293: {  	v8 =	vor.u32 s0, v1  }
0x294: {  	v7 =	vadd.f32 $1.000000000e+00, v7;
	v8 =	vcvt.s32.f32 v8;
	v9 =	vadd.f32 $1.024000000e+03, v5;
	_ =	sdelay $0x1  }
0x295: {  	v6 =	vadd.f32 v8, v6;
	v8 =	vadd.f32 $1.024000000e+03, v7;
	v9 =	vtrunc.f32 v9  }
0x296: {  	v9 =	vcvt.f32.s32 v9  }
0x297: {  	v10 =	vadd.f32 $1.000000000e+00, v6;
	v6 =	vtrunc.f32 v8  }
0x298: {  	v6 =	vcvt.f32.s32 v6;
	v8 =	vadd.s32 $0xFFFFFC00, v9;
	v9 =	vadd.s32 $0xFFFFFC01, v9  }
0x299: {  	v11 =	vadd.f32 $1.024000000e+03, v10;
	vm0 =	vgt.s32 v8, $0x0;
	v9 =	vcvt.s32.f32 v9  }
0x29a: {  	v12 =	vadd.s32 $0xFFFFFC00, v6;
	v13 =	vnsel vm0, $0x0, v8;
	v6 =	vadd.s32 $0xFFFFFC01, v6  }
0x29b: {  	v11 =	vtrunc.f32 v11;
	vm0 =	vgt.s32 v12, $0x0;
	v13 =	vmin.u32 v13, $0x61  }
0x29c: {  	v11 =	vcvt.f32.s32 v11;
	v14 =	vnsel vm0, $0x0, v12;
	v13 =	vadd.s32 v2, v13  }
0x29d: {  	v6 =	vcvt.s32.f32 v6;
	v5 =	vsub.f32 v9, v5;
	v9 =	vmul.u32 $0x62, v13  }
0x29e: {  	v14 =	vmin.u32 v14, $0x61;
	v13 =	vadd.s32 $0xFFFFFC00, v11;
	v11 =	vadd.s32 $0xFFFFFC01, v11  }
0x29f: {  	vm0 =	vgt.s32 v13, $0x0;
	v11 =	vcvt.s32.f32 v11;
	v9 =	vadd.s32 v14, v9  }
0x2a0: {  	s0 =	sand.u32 $0x3E00, s13;
	v6 =	vsub.f32 v6, v7;
	v14 =	vnsel vm0, $0x0, v13;
	v7 =	vmul.u32 $0x62, v9  }
.Ltmp6:
0x2a1: {  	s1 =	sand.u32 $0x70, s8;
	s0 =	sshrl.u32 s0, $0x2;
	v9 =	vmin.u32 v14, $0x61;
	v10 =	vsub.f32 v11, v10;
	v11 =	vsub.f32 $1.000000000e+00, v5;
	(pc) =	sbr.rel @p0 .LBB2_14-.Ltmp6, $4  }
0x2a2: {  	s13 =	sadd.s32 $0x40, s13;
	s0 =	sor.u32 s1, s0;
	v14 =	vsub.f32 $1.000000000e+00, v6;
	v7 =	vadd.s32 v9, v7  }
0x2a3: {  	s18 =	sshra.s32 s13, $0x2;
	vm0 =	vgt.s32 v12, $0xFFFFFFFF;
	v9 =	vsub.f32 $1.000000000e+00, v10;
	[tilespmem:s0+$0x3F00] =	vst v7  }
0x2a4: {  	vm1 =	vgt.s32 v13, $0xFFFFFFFF;
	s0 =	smul.u32 $0xAB, s19;
	v12 =	vnsel vm0, $0x0, v14;
	vm0 =	vgt.s32 v8, $0xFFFFFFFF;
	v7 =	vld [tilespmem:s18+$0x2400];
	[tilespmem:s11+$0x13200] =	vst v10  }
0x2a5: {  	s1 =	smov.u32 s20;
	v10 =	vnsel vm0, $0x0, v11;
	v8 =	vld [tilespmem:s18+$0x1B00];
	v9 =	vnsel vm1, $0x0, v9;
	[tilespmem:s11+$0x12900] =	vst v12  }
0x2a6: {  	s0 =	sshrl.u32 s0, $0xA;
	[tilespmem:s11+$0x11700] =	vst v10  }
0x2a7: {  	[tilespmem:s11+$0x10E00] =	vst v5;
	s1 =	sand.u32 $0x3F, s0;
	s0 =	smul.u32 $0x6, s0  }
0x2a8: {  	[tilespmem:s11+$0x12000] =	vst v6;
	s1 =	sadd.s32 s1, s17  }
0x2a9: {  	[tilespmem:s11+$0x13B00] =	vst v9;
	s0 =	ssub.s32 s19, s0;
	s1 =	scvt.s32.f32 s1;
	v5 =	vadd.f32 v7, v3  }
0x2aa: {  	v6 =	vld [tilespmem:s18+$0x2D00];
	s0 =	sshll.u32 s0, $0x4  }
0x2ab: {  	v7 =	vadd.f32 s1, v8;
	s0 =	sand.u32 $0xF0, s0;
	v5 =	vadd.f32 $1.000000000e+00, v5  }
0x2ac: {  	v8 =	vor.u32 s0, v1  }
0x2ad: {  	v7 =	vadd.f32 $1.000000000e+00, v7;
	v8 =	vcvt.s32.f32 v8;
	v9 =	vadd.f32 $1.024000000e+03, v5;
	_ =	sdelay $0x1  }
0x2ae: {  	v6 =	vadd.f32 v8, v6;
	v8 =	vadd.f32 $1.024000000e+03, v7;
	v9 =	vtrunc.f32 v9  }
0x2af: {  	v9 =	vcvt.f32.s32 v9  }
0x2b0: {  	v6 =	vadd.f32 $1.000000000e+00, v6;
	v8 =	vtrunc.f32 v8  }
0x2b1: {  	v8 =	vcvt.f32.s32 v8;
	v10 =	vadd.s32 $0xFFFFFC00, v9  }
0x2b2: {  	v9 =	vadd.s32 $0xFFFFFC01, v9;
	v11 =	vadd.f32 $1.024000000e+03, v6;
	vm0 =	vgt.s32 v10, $0x0  }
0x2b3: {  	v12 =	vadd.s32 $0xFFFFFC00, v8;
	v13 =	vnsel vm0, $0x0, v10;
	v8 =	vadd.s32 $0xFFFFFC01, v8  }
0x2b4: {  	v11 =	vtrunc.f32 v11;
	v13 =	vmin.u32 v13, $0x61;
	vm11 =	vgt.s32 v12, $0x0  }
0x2b5: {  	v8 =	vcvt.s32.f32 v8;
	v11 =	vcvt.f32.s32 v11;
	v13 =	vadd.s32 v2, v13  }
0x2b6: {  	v9 =	vcvt.s32.f32 v9;
	v14 =	vnsel vm11, $0x0, v12;
	v13 =	vmul.u32 $0x62, v13  }
0x2b7: {  	v14 =	vmin.u32 v14, $0x61;
	v7 =	vsub.f32 v8, v7;
	v15 =	vadd.s32 $0xFFFFFC00, v11  }
0x2b8: {  	v11 =	vadd.s32 $0xFFFFFC01, v11;
	vm12 =	vgt.s32 v15, $0x0;
	v13 =	vadd.s32 v14, v13  }
0x2b9: {  	s25 =	sadd.s32 $0x10, s8;
	s28 =	sand.u32 $0x3E00, s13;
	v11 =	vcvt.s32.f32 v11;
	v14 =	vnsel vm12, $0x0, v15;
	v8 =	vmul.u32 $0x62, v13  }
0x2ba: {  	s1 =	sshrl.u32 s28, $0x2;
	s0 =	sand.u32 $0x70, s25;
	v5 =	vsub.f32 v9, v5;
	v9 =	vmin.u32 v14, $0x61  }
0x2bb: {  	s0 =	sor.u32 s0, s1;
	v6 =	vsub.f32 v11, v6;
	v11 =	vsub.f32 $1.000000000e+00, v7;
	v8 =	vadd.s32 v9, v8  }
0x2bc: {  	vm13 =	vgt.s32 v12, $0xFFFFFFFF;
	[tilespmem:s0+$0x3F00] =	vst v8  }
0x2bd: {  	v8 =	vnsel vm13, $0x0, v11;
	[tilespmem:s18+$0x13200] =	vst v6  }
0x2be: {  	v9 =	vsub.f32 $1.000000000e+00, v5;
	[tilespmem:s18+$0x12900] =	vst v8  }
0x2bf: {  	vm14 =	vgt.s32 v10, $0xFFFFFFFF;
	v6 =	vsub.f32 $1.000000000e+00, v6;
	[tilespmem:s18+$0x10E00] =	vst v5  }
0x2c0: {  	vm15 =	vgt.s32 v15, $0xFFFFFFFF;
	v9 =	vnsel vm14, $0x0, v9;
	[tilespmem:s18+$0x12000] =	vst v7  }
0x2c1: {  	[tilespmem:s18+$0x11700] =	vst v9;
	v5 =	vnsel vm15, $0x0, v6  }
0x2c2: {  	[tilespmem:s18+$0x13B00] =	vst v5  }
0x2c3: {  	_ =	swait.ge [sflag:s16], $0x4800  }
0x2c4: {  	[sflag:s16] =	ssyncset.done $0x0  }
0x2c5: {  	s30 =	simm.s32 $0x3F00;
	[sflag:s16] =	ssyncadd.s32 $0xFFFFB800  }
0x2c6: {  	[tilespmem:s31], [sflag:$0x2] =	stream.indirect.gather [hbm4b:s4+s24], $0x8, s30, s24, $0xb8;
	[tilespmem:$0x14D00] =	vst v63  }
0x2c7: {  	s3 =	simm.s32 $0x9400;
	s1 =	simm.s32 $0x3F80  }
0x2c8: {  	[tilespmem:s3], [sflag:$0x2] =	stream.indirect.gather [hbm4b:s4+s24], $0x8, s1, s24, $0xb8;
	[tilespmem:$0x14D00] =	vst v63  }
0x2c9: {  	s8 =	simm.s32 $0x4000;
	s11 =	simm.s32 $0x9800  }
0x2ca: {  	[tilespmem:s11], [sflag:$0x2] =	stream.indirect.gather [hbm4b:s4+s24], $0x8, s8, s24, $0xb8;
	[tilespmem:$0x14D00] =	vst v63  }
0x2cb: {  	s13 =	simm.s32 $0x4080;
	s18 =	simm.s32 $0x9C00  }
0x2cc: {  	[tilespmem:s18], [sflag:$0x2] =	stream.indirect.gather [hbm4b:s4+s24], $0x8, s13, s24, $0xb8;
	[tilespmem:$0x14D00] =	vst v63  }
0x2cd: {  	s20 =	simm.s32 $0xA000;
	s19 =	simm.s32 $0x4100  }
0x2ce: {  	[tilespmem:s20], [sflag:$0x2] =	stream.indirect.gather [hbm4b:s4+s24], $0x8, s19, s24, $0xb8;
	[tilespmem:$0x14D00] =	vst v63  }
0x2cf: {  	s22 =	simm.s32 $0x4180;
	s25 =	simm.s32 $0xA400  }
0x2d0: {  	[tilespmem:s25], [sflag:$0x2] =	stream.indirect.gather [hbm4b:s4+s24], $0x8, s22, s24, $0xb8;
	[tilespmem:$0x14D00] =	vst v63  }
0x2d1: {  	s28 =	simm.s32 $0x4200;
	s30 =	simm.s32 $0xA800  }
0x2d2: {  	[tilespmem:s30], [sflag:$0x2] =	stream.indirect.gather [hbm4b:s4+s24], $0x8, s28, s24, $0xb8;
	[tilespmem:$0x14D00] =	vst v63  }
0x2d3: {  	s1 =	simm.s32 $0x4280;
	s3 =	simm.s32 $0xAC00  }
0x2d4: {  	[tilespmem:s3], [sflag:$0x2] =	stream.indirect.gather [hbm4b:s4+s24], $0x8, s1, s24, $0xb8;
	[tilespmem:$0x14D00] =	vst v63  }
0x2d5: {  	s8 =	simm.s32 $0x4300;
	s11 =	simm.s32 $0xB000  }
0x2d6: {  	[tilespmem:s11], [sflag:$0x2] =	stream.indirect.gather [hbm4b:s4+s24], $0x8, s8, s24, $0xb8;
	[tilespmem:$0x14D00] =	vst v63  }
0x2d7: {  	s13 =	simm.s32 $0x4380;
	s18 =	simm.s32 $0xB400  }
0x2d8: {  	[tilespmem:s18], [sflag:$0x2] =	stream.indirect.gather [hbm4b:s4+s24], $0x8, s13, s24, $0xb8;
	[tilespmem:$0x14D00] =	vst v63  }
0x2d9: {  	s19 =	simm.s32 $0x4400;
	s20 =	simm.s32 $0xB800  }
0x2da: {  	[tilespmem:s20], [sflag:$0x2] =	stream.indirect.gather [hbm4b:s4+s24], $0x8, s19, s24, $0xb8;
	[tilespmem:$0x14D00] =	vst v63  }
0x2db: {  	s22 =	simm.s32 $0x4480;
	s25 =	simm.s32 $0xBC00  }
0x2dc: {  	[tilespmem:s25], [sflag:$0x2] =	stream.indirect.gather [hbm4b:s4+s24], $0x8, s22, s24, $0xb8;
	[tilespmem:$0x14D00] =	vst v63  }
0x2dd: {  	s28 =	simm.s32 $0x4500;
	s30 =	simm.s32 $0xC000  }
0x2de: {  	[tilespmem:s30], [sflag:$0x2] =	stream.indirect.gather [hbm4b:s4+s24], $0x8, s28, s24, $0xb8;
	[tilespmem:$0x14D00] =	vst v63  }
0x2df: {  	s3 =	simm.s32 $0x4580;
	s8 =	simm.s32 $0xC400  }
0x2e0: {  	[tilespmem:s8], [sflag:$0x2] =	stream.indirect.gather [hbm4b:s4+s24], $0x8, s3, s24, $0xb8;
	[tilespmem:$0x14D00] =	vst v63  }
0x2e1: {  	s11 =	simm.s32 $0x0;
	s13 =	simm.s32 $0x4600;
	s3 =	simm.s32 $0xC800  }
0x2e2: {  	v5 =	vmov s11;
	[tilespmem:s3], [sflag:$0x2] =	stream.indirect.gather [hbm4b:s4+s24], $0x8, s13, s24, $0xb8;
	[tilespmem:$0x14D00] =	vst v63  }
0x2e3: {  	v5 =	vshll.u32 v5, $0x3;
	s18 =	simm.s32 $0x4680;
	s19 =	simm.s32 $0xCC00  }
0x2e4: {  	v5 =	vor.u32 v4, v5;
	[tilespmem:s19], [sflag:$0x2] =	stream.indirect.gather [hbm4b:s4+s24], $0x8, s18, s24, $0xb8;
	[tilespmem:$0x14D00] =	vst v63  }
0x2e5: {  	v6 =	vor.u32 $0x1, v5;
	s20 =	simm.s32 $0x4700;
	s22 =	simm.s32 $0xD000  }
0x2e6: {  	v7 =	vor.u32 $0x2, v5;
	[tilespmem:s22], [sflag:$0x2] =	stream.indirect.gather [hbm4b:s4+s24], $0x8, s20, s24, $0xb8;
	[tilespmem:$0x14D00] =	vst v63  }
0x2e7: {  	v8 =	vor.u32 $0x3, v5;
	s25 =	simm.s32 $0x4780;
	s28 =	simm.s32 $0xD400  }
0x2e8: {  	v9 =	vor.u32 $0x4, v5;
	[tilespmem:s28], [sflag:$0x2] =	stream.indirect.gather [hbm4b:s4+s24], $0x8, s25, s24, $0xb8;
	[tilespmem:$0x14D00] =	vst v63  }
0x2e9: {  	v11 =	vor.u32 $0x5, v5;
	v10 =	vld.idx.msk [tilespmem:v5+s26+$0x0], $0xffff  }
0x2ea: {  	v6 =	vld.idx.msk [tilespmem:v6+s26+$0x0], $0xffff  }
0x2eb: {  	v12 =	vor.u32 $0x6, v5;
	v7 =	vld.idx.msk [tilespmem:v7+s26+$0x0], $0xffff  }
0x2ec: {  	v8 =	vld.idx.msk [tilespmem:v8+s26+$0x0], $0xffff  }
0x2ed: {  	v5 =	vor.u32 $0x7, v5;
	v9 =	vld.idx.msk [tilespmem:v9+s26+$0x0], $0xffff  }
0x2ee: {  	s8 =	simm.s32 $0xEA00;
	v11 =	vld.idx.msk [tilespmem:v11+s26+$0x0], $0xffff  }
0x2ef: {  	v13 =	vld [tilespmem:s8+$0x1200]  }
0x2f0: {  	v12 =	vld.idx.msk [tilespmem:v12+s26+$0x0], $0xffff  }
0x2f1: {  	v14 =	vld [tilespmem:s8+$0x1B00]  }
0x2f2: {  	v5 =	vld.idx.msk [tilespmem:v5+s26+$0x0], $0xffff;
	_ =	sdelay $0x1  }
0x2f3: {  	v15 =	vld [tilespmem:s8+$0x0];
	v10 =	vmul.f32 v10, v13;
	v7 =	vmul.f32 v7, v13  }
0x2f4: {  	v16 =	vld [tilespmem:s8+$0x900];
	v9 =	vmul.f32 v9, v13;
	v12 =	vmul.f32 v12, v13  }
0x2f5: {  	v6 =	vmul.f32 v6, v14;
	v8 =	vmul.f32 v8, v14  }
0x2f6: {  	v11 =	vmul.f32 v11, v14;
	v5 =	vmul.f32 v5, v14  }
0x2f7: {  	v6 =	vadd.f32 v6, v10;
	v7 =	vadd.f32 v8, v7  }
0x2f8: {  	v8 =	vld [tilespmem:s8+$0xFFFFEE00];
	v9 =	vadd.f32 v11, v9;
	v5 =	vadd.f32 v5, v12  }
0x2f9: {  	v10 =	vld [tilespmem:s8+$0xFFFFF700];
	v6 =	vmul.f32 v6, v15;
	v7 =	vmul.f32 v7, v16  }
0x2fa: {  	v9 =	vmul.f32 v9, v15;
	v5 =	vmul.f32 v5, v16  }
0x2fb: {  	s30 =	simm.s32 $0x10  }
0x2fc: {  	v11 =	vmov s30;
	v6 =	vadd.f32 v7, v6;
	v5 =	vadd.f32 v5, v9  }
0x2fd: {  	v7 =	vshll.u32 v11, $0x3  }
0x2fe: {  	v7 =	vor.u32 v4, v7;
	v6 =	vmul.f32 v6, v8;
	v5 =	vmul.f32 v5, v10  }
0x2ff: {  	v12 =	vor.u32 $0x1, v7  }
0x300: {  	v8 =	vor.u32 $0x2, v7;
	v5 =	vadd.f32 v5, v6  }
0x301: {  	s11 =	simm.s32 $0x14400;
	v9 =	vor.u32 $0x3, v7  }
0x302: {  	v10 =	vor.u32 $0x4, v7;
	[tilespmem:s11+$0x0] =	vst v5  }
0x303: {  	v11 =	vor.u32 $0x5, v7;
	v6 =	vld.idx.msk [tilespmem:v7+s26+$0x0], $0xffff  }
0x304: {  	s13 =	simm.s32 $0x20;
	v5 =	vld.idx.msk [tilespmem:v12+s26+$0x0], $0xffff;
	v12 =	vor.u32 $0x6, v7  }
.LBB2_16:
0x305: {  	p0 =	sne.s32 s13, $0x8F0;
	v8 =	vld.idx.msk [tilespmem:v8+s26+$0x0], $0xffff  }
0x306: {  	v7 =	vor.u32 $0x7, v7;
	v9 =	vld.idx.msk [tilespmem:v9+s26+$0x0], $0xffff  }
0x307: {  	v10 =	vld.idx.msk [tilespmem:v10+s26+$0x0], $0xffff  }
0x308: {  	v11 =	vld.idx.msk [tilespmem:v11+s26+$0x0], $0xffff  }
0x309: {  	s8 =	sadd.s32 $0x10, s8;
	v12 =	vld.idx.msk [tilespmem:v12+s26+$0x0], $0xffff  }
0x30a: {  	v13 =	vld [tilespmem:s8+$0x1200]  }
0x30b: {  	v7 =	vld.idx.msk [tilespmem:v7+s26+$0x0], $0xffff  }
0x30c: {  	v14 =	vld [tilespmem:s8+$0x1B00];
	_ =	sdelay $0x2  }
0x30d: {  	v15 =	vld [tilespmem:s8+$0x0];
	v6 =	vmul.f32 v6, v13;
	v8 =	vmul.f32 v8, v13  }
0x30e: {  	v10 =	vmul.f32 v10, v13;
	v12 =	vmul.f32 v12, v13;
	v16 =	vld [tilespmem:s8+$0x900]  }
0x30f: {  	v5 =	vmul.f32 v5, v14;
	v9 =	vmul.f32 v9, v14  }
0x310: {  	v11 =	vmul.f32 v11, v14;
	v7 =	vmul.f32 v7, v14  }
0x311: {  	v5 =	vadd.f32 v5, v6;
	v6 =	vadd.f32 v9, v8  }
0x312: {  	v9 =	vadd.f32 v11, v10;
	v7 =	vadd.f32 v7, v12;
	v8 =	vld [tilespmem:s8+$0xFFFFEE00]  }
0x313: {  	v10 =	vld [tilespmem:s8+$0xFFFFF700];
	v5 =	vmul.f32 v5, v15;
	v6 =	vmul.f32 v6, v16  }
0x314: {  	v9 =	vmul.f32 v9, v15;
	v7 =	vmul.f32 v7, v16;
	_ =	sdelay $0x1  }
0x315: {  	v11 =	vmov s13;
	v5 =	vadd.f32 v6, v5;
	v6 =	vadd.f32 v7, v9  }
0x316: {  	v7 =	vshll.u32 v11, $0x3  }
0x317: {  	v7 =	vor.u32 v4, v7;
	v5 =	vmul.f32 v5, v8;
	v6 =	vmul.f32 v6, v10  }
0x318: {  	v12 =	vor.u32 $0x1, v7  }
.Ltmp7:
0x319: {  	v8 =	vor.u32 $0x2, v7;
	v5 =	vadd.f32 v6, v5;
	(pc) =	sbr.rel @p0 .LBB2_16-.Ltmp7, $4  }
0x31a: {  	s11 =	sadd.s32 $0x10, s11;
	v9 =	vor.u32 $0x3, v7  }
0x31b: {  	v10 =	vor.u32 $0x4, v7;
	[tilespmem:s11+$0x0] =	vst v5  }
0x31c: {  	v11 =	vor.u32 $0x5, v7;
	v6 =	vld.idx.msk [tilespmem:v7+s26+$0x0], $0xffff  }
0x31d: {  	s13 =	sadd.s32 $0x10, s13;
	v5 =	vld.idx.msk [tilespmem:v12+s26+$0x0], $0xffff;
	v12 =	vor.u32 $0x6, v7  }
0x31e: {  	_ =	sdelay $0x3  }
0x31f: {  	v8 =	vld.idx.msk [tilespmem:v8+s26+$0x0], $0xffff  }
0x320: {  	v9 =	vld.idx.msk [tilespmem:v9+s26+$0x0], $0xffff  }
0x321: {  	v7 =	vor.u32 $0x7, v7;
	v10 =	vld.idx.msk [tilespmem:v10+s26+$0x0], $0xffff  }
0x322: {  	v11 =	vld.idx.msk [tilespmem:v11+s26+$0x0], $0xffff;
	s0 =	sadd.s32 $0x10, s8  }
0x323: {  	v13 =	vld [tilespmem:s0+$0x1200]  }
0x324: {  	v12 =	vld.idx.msk [tilespmem:v12+s26+$0x0], $0xffff  }
0x325: {  	v14 =	vld [tilespmem:s0+$0x1B00]  }
0x326: {  	v7 =	vld.idx.msk [tilespmem:v7+s26+$0x0], $0xffff;
	_ =	sdelay $0x1  }
0x327: {  	v15 =	vld [tilespmem:s0+$0x0];
	v6 =	vmul.f32 v6, v13;
	v8 =	vmul.f32 v8, v13  }
0x328: {  	v16 =	vld [tilespmem:s0+$0x900];
	v10 =	vmul.f32 v10, v13;
	v12 =	vmul.f32 v12, v13  }
0x329: {  	v5 =	vmul.f32 v5, v14;
	v9 =	vmul.f32 v9, v14  }
0x32a: {  	v11 =	vmul.f32 v11, v14;
	v7 =	vmul.f32 v7, v14  }
0x32b: {  	v5 =	vadd.f32 v5, v6;
	v6 =	vadd.f32 v9, v8  }
0x32c: {  	v8 =	vld [tilespmem:s0+$0xFFFFEE00];
	v9 =	vadd.f32 v11, v10;
	v7 =	vadd.f32 v7, v12  }
0x32d: {  	v10 =	vld [tilespmem:s0+$0xFFFFF700];
	v5 =	vmul.f32 v5, v15;
	v6 =	vmul.f32 v6, v16  }
0x32e: {  	v9 =	vmul.f32 v9, v15;
	v7 =	vmul.f32 v7, v16;
	_ =	sdelay $0x1  }
0x32f: {  	v5 =	vadd.f32 v6, v5;
	v6 =	vadd.f32 v7, v9;
	_ =	sdelay $0x1  }
0x330: {  	v5 =	vmul.f32 v5, v8;
	v6 =	vmul.f32 v6, v10;
	_ =	sdelay $0x1  }
0x331: {  	v5 =	vadd.f32 v6, v5  }
0x332: {  	s25 =	sadd.s32 $0x10, s11  }
0x333: {  	s28 =	simm.s32 $0x0;
	s8 =	simm.s32 $0x14400;
	s1 =	rddreg [dreg:$0x8];
	[tilespmem:s25+$0x0] =	vst v5  }
0x334: {  	v5 =	vmov s28;
	[hbm4b:s1+s28] =	stream.linear.scatter [tilespmem:s8], [sflag:$0x5], $0x900, $0x38;
	[tilespmem:$0x14D00] =	vst v63  }
0x335: {  	v5 =	vshll.u32 v5, $0x3;
	_ =	swait.ge [sflag:s10], $0x900  }
0x336: {  	v5 =	vor.u32 v4, v5;
	[sflag:s10] =	ssyncset.done $0x0  }
0x337: {  	v6 =	vor.u32 $0x1, v5;
	[sflag:s10] =	ssyncadd.s32 $0xFFFFF700  }
0x338: {  	v7 =	vor.u32 $0x2, v5;
	_ =	swait.ge [sflag:s12], $0x4800  }
0x339: {  	v8 =	vor.u32 $0x3, v5;
	[sflag:s12] =	ssyncset.done $0x0  }
0x33a: {  	v9 =	vor.u32 $0x4, v5;
	[sflag:s12] =	ssyncadd.s32 $0xFFFFB800  }
0x33b: {  	v11 =	vor.u32 $0x5, v5;
	v10 =	vld.idx.msk [tilespmem:v5+s31+$0x0], $0xffff  }
0x33c: {  	v6 =	vld.idx.msk [tilespmem:v6+s31+$0x0], $0xffff  }
0x33d: {  	v12 =	vor.u32 $0x6, v5;
	v7 =	vld.idx.msk [tilespmem:v7+s31+$0x0], $0xffff  }
0x33e: {  	v8 =	vld.idx.msk [tilespmem:v8+s31+$0x0], $0xffff  }
0x33f: {  	v5 =	vor.u32 $0x7, v5;
	v9 =	vld.idx.msk [tilespmem:v9+s31+$0x0], $0xffff  }
0x340: {  	s11 =	simm.s32 $0x12000;
	v11 =	vld.idx.msk [tilespmem:v11+s31+$0x0], $0xffff  }
0x341: {  	v13 =	vld [tilespmem:s11+$0x1200]  }
0x342: {  	v12 =	vld.idx.msk [tilespmem:v12+s31+$0x0], $0xffff  }
0x343: {  	v14 =	vld [tilespmem:s11+$0x1B00]  }
0x344: {  	v5 =	vld.idx.msk [tilespmem:v5+s31+$0x0], $0xffff;
	_ =	sdelay $0x1  }
0x345: {  	v15 =	vld [tilespmem:s11+$0x0];
	v10 =	vmul.f32 v10, v13;
	v7 =	vmul.f32 v7, v13  }
0x346: {  	v63 =	vld [tilespmem:s11+$0x900];
	v9 =	vmul.f32 v9, v13;
	v12 =	vmul.f32 v12, v13  }
0x347: {  	v6 =	vmul.f32 v6, v14;
	v8 =	vmul.f32 v8, v14  }
0x348: {  	v11 =	vmul.f32 v11, v14;
	v5 =	vmul.f32 v5, v14  }
0x349: {  	v6 =	vadd.f32 v6, v10;
	v7 =	vadd.f32 v8, v7  }
0x34a: {  	v8 =	vld [tilespmem:s11+$0xFFFFEE00];
	v9 =	vadd.f32 v11, v9;
	v5 =	vadd.f32 v5, v12  }
0x34b: {  	v10 =	vld [tilespmem:s11+$0xFFFFF700];
	v6 =	vmul.f32 v6, v15;
	v7 =	vmul.f32 v7, v63  }
0x34c: {  	v9 =	vmul.f32 v9, v15;
	v5 =	vmul.f32 v5, v63  }
0x34d: {  	s30 =	simm.s32 $0x10  }
0x34e: {  	v11 =	vmov s30;
	v6 =	vadd.f32 v7, v6;
	v5 =	vadd.f32 v5, v9  }
0x34f: {  	v7 =	vshll.u32 v11, $0x3  }
0x350: {  	v7 =	vor.u32 v4, v7;
	v6 =	vmul.f32 v6, v8;
	v5 =	vmul.f32 v5, v10  }
0x351: {  	v12 =	vor.u32 $0x1, v7  }
0x352: {  	v8 =	vor.u32 $0x2, v7;
	v5 =	vadd.f32 v5, v6  }
0x353: {  	v9 =	vor.u32 $0x3, v7  }
0x354: {  	v10 =	vor.u32 $0x4, v7;
	[tilespmem:s8+$0x0] =	vst v5  }
0x355: {  	v11 =	vor.u32 $0x5, v7;
	v6 =	vld.idx.msk [tilespmem:v7+s31+$0x0], $0xffff  }
0x356: {  	s13 =	simm.s32 $0x20;
	v5 =	vld.idx.msk [tilespmem:v12+s31+$0x0], $0xffff;
	v12 =	vor.u32 $0x6, v7  }
.LBB2_18:
0x357: {  	p0 =	sne.s32 s13, $0x8F0;
	v8 =	vld.idx.msk [tilespmem:v8+s31+$0x0], $0xffff  }
0x358: {  	v7 =	vor.u32 $0x7, v7;
	v9 =	vld.idx.msk [tilespmem:v9+s31+$0x0], $0xffff  }
0x359: {  	v10 =	vld.idx.msk [tilespmem:v10+s31+$0x0], $0xffff  }
0x35a: {  	v11 =	vld.idx.msk [tilespmem:v11+s31+$0x0], $0xffff  }
0x35b: {  	s11 =	sadd.s32 $0x10, s11;
	v12 =	vld.idx.msk [tilespmem:v12+s31+$0x0], $0xffff  }
0x35c: {  	v13 =	vld [tilespmem:s11+$0x1200]  }
0x35d: {  	v7 =	vld.idx.msk [tilespmem:v7+s31+$0x0], $0xffff  }
0x35e: {  	v14 =	vld [tilespmem:s11+$0x1B00];
	_ =	sdelay $0x2  }
0x35f: {  	v15 =	vld [tilespmem:s11+$0x0];
	v6 =	vmul.f32 v6, v13;
	v8 =	vmul.f32 v8, v13  }
0x360: {  	v10 =	vmul.f32 v10, v13;
	v12 =	vmul.f32 v12, v13;
	v16 =	vld [tilespmem:s11+$0x900]  }
0x361: {  	v5 =	vmul.f32 v5, v14;
	v9 =	vmul.f32 v9, v14  }
0x362: {  	v11 =	vmul.f32 v11, v14;
	v7 =	vmul.f32 v7, v14  }
0x363: {  	v5 =	vadd.f32 v5, v6;
	v6 =	vadd.f32 v9, v8  }
0x364: {  	v9 =	vadd.f32 v11, v10;
	v7 =	vadd.f32 v7, v12;
	v8 =	vld [tilespmem:s11+$0xFFFFEE00]  }
0x365: {  	v10 =	vld [tilespmem:s11+$0xFFFFF700];
	v5 =	vmul.f32 v5, v15;
	v6 =	vmul.f32 v6, v16  }
0x366: {  	v9 =	vmul.f32 v9, v15;
	v7 =	vmul.f32 v7, v16;
	_ =	sdelay $0x1  }
0x367: {  	v11 =	vmov s13;
	v5 =	vadd.f32 v6, v5;
	v6 =	vadd.f32 v7, v9  }
0x368: {  	v7 =	vshll.u32 v11, $0x3  }
0x369: {  	v7 =	vor.u32 v4, v7;
	v5 =	vmul.f32 v5, v8;
	v6 =	vmul.f32 v6, v10  }
0x36a: {  	v12 =	vor.u32 $0x1, v7  }
.Ltmp8:
0x36b: {  	v8 =	vor.u32 $0x2, v7;
	v5 =	vadd.f32 v6, v5;
	(pc) =	sbr.rel @p0 .LBB2_18-.Ltmp8, $4  }
0x36c: {  	s8 =	sadd.s32 $0x10, s8;
	v9 =	vor.u32 $0x3, v7  }
0x36d: {  	v10 =	vor.u32 $0x4, v7;
	[tilespmem:s8+$0x0] =	vst v5  }
0x36e: {  	v11 =	vor.u32 $0x5, v7;
	v6 =	vld.idx.msk [tilespmem:v7+s31+$0x0], $0xffff  }
0x36f: {  	s13 =	sadd.s32 $0x10, s13;
	v5 =	vld.idx.msk [tilespmem:v12+s31+$0x0], $0xffff;
	v12 =	vor.u32 $0x6, v7  }
0x370: {  	_ =	sdelay $0x3  }
0x371: {  	v8 =	vld.idx.msk [tilespmem:v8+s31+$0x0], $0xffff  }
0x372: {  	v9 =	vld.idx.msk [tilespmem:v9+s31+$0x0], $0xffff  }
0x373: {  	v7 =	vor.u32 $0x7, v7;
	v10 =	vld.idx.msk [tilespmem:v10+s31+$0x0], $0xffff  }
0x374: {  	v11 =	vld.idx.msk [tilespmem:v11+s31+$0x0], $0xffff;
	s0 =	sadd.s32 $0x10, s11  }
0x375: {  	v13 =	vld [tilespmem:s0+$0x1200]  }
0x376: {  	v12 =	vld.idx.msk [tilespmem:v12+s31+$0x0], $0xffff  }
0x377: {  	v14 =	vld [tilespmem:s0+$0x1B00]  }
0x378: {  	v7 =	vld.idx.msk [tilespmem:v7+s31+$0x0], $0xffff;
	_ =	sdelay $0x1  }
0x379: {  	v15 =	vld [tilespmem:s0+$0x0];
	v6 =	vmul.f32 v6, v13;
	v8 =	vmul.f32 v8, v13  }
0x37a: {  	v16 =	vld [tilespmem:s0+$0x900];
	v10 =	vmul.f32 v10, v13;
	v12 =	vmul.f32 v12, v13  }
0x37b: {  	v5 =	vmul.f32 v5, v14;
	v9 =	vmul.f32 v9, v14  }
0x37c: {  	v11 =	vmul.f32 v11, v14;
	v7 =	vmul.f32 v7, v14  }
0x37d: {  	v5 =	vadd.f32 v5, v6;
	v6 =	vadd.f32 v9, v8  }
0x37e: {  	v61 =	vld [tilespmem:s0+$0xFFFFEE00];
	v62 =	vadd.f32 v11, v10;
	v7 =	vadd.f32 v7, v12  }
0x37f: {  	v63 =	vld [tilespmem:s0+$0xFFFFF700];
	v5 =	vmul.f32 v5, v15;
	v6 =	vmul.f32 v6, v16  }
0x380: {  	v9 =	vmul.f32 v62, v15;
	v7 =	vmul.f32 v7, v16;
	_ =	sdelay $0x1  }
0x381: {  	v5 =	vadd.f32 v6, v5;
	v6 =	vadd.f32 v7, v9;
	_ =	sdelay $0x1  }
0x382: {  	v5 =	vmul.f32 v5, v61;
	v6 =	vmul.f32 v6, v63;
	_ =	sdelay $0x1  }
0x383: {  	v5 =	vadd.f32 v6, v5  }
0x384: {  	s25 =	sadd.s32 $0x10, s8  }
0x385: {  	s28 =	rddreg [dreg:$0x9];
	[tilespmem:s25+$0x0] =	vst v5  }
0x386: {  	[hbm4b:s28+s21] =	stream.linear.scatter [tilespmem:s9], [sflag:$0x5], $0x900, $0x38;
	[tilespmem:$0x14D00] =	vst v63  }
0x387: {  	_ =	swait.ge [sflag:s10], $0x900  }
0x388: {  	s1 =	rddreg [dreg:$0xb]  }
0x389: {  	s30 =	rddreg [dreg:$0xa];
	s1 =	sadd.s32 $0x1, s1  }
0x38a: {  	p0 =	sne.s32 s1, s30  }
.Ltmp9:
0x38b: {  	_ = 	snop;
	(pc) =	sbr.rel @p0 .LBB2_1-.Ltmp9, $3  }
0x38c: {  	_ =	sdelay $0x1  }
0x38d: {  	[sflag:s10] =	ssyncset.done $0x0  }
0x38e: {  	[sflag:s10] =	ssyncadd.s32 $0xFFFFF700  }
0x38f: {  	_ =	sfence.sel $0x180000  }
0x390: {  	[bflag:$0x0] =	sbarrier.arrive $0xFFFF  }
0x391: {  	_ =	strace $0x9000004A  }
0x392: {  	s0 =	stileid.u32;
	[bflag:$0x2] =	sbarrier.arrive $0xFFFF  }
0x393: {  	p0 =	sne.s32 s0, $0x0;
	s0 =	rddreg [dreg:$0x1]  }
0x394: {  	s0 =	sadd.s32 @!p0 $0x100000, s0  }
0x395: {  	[sflag:s0] =	ssyncadd.tile.s32 @!p0 $0x1;
	_ =	shalt  }
.Lfunc_end2:
_tile_overlayer_lowered:
.L_overlay_start_2:
0x396: {  	(tag) =	ssettag $0x2  }
0x397: {  	s0 =	rddreg [dreg:$0x0];
	s2 =	stileid.u32  }
0x398: {  	s1 =	rddreg [dreg:$0x1];
	p0 =	sne.s32 s2, $0x0  }
0x399: {  	s3 =	rddreg [dreg:$0x2];
	[bflag:$0x3] =	sbarrier.arrive $0xFFFF;
	s2 =	simm.s32 @!p0 $0x1C05  }
0x39a: {  	[timem:s3], [sflag:s2] =	dma.local @!p0 [hbm:s0], s1  }
0x39b: {  	s0 =	simm.s32 @!p0 $0x5  }
0x39c: {  	_ =	swait.ge @!p0 [sflag:s0], s1  }
0x39d: {  	s1 =	ssub.s32 @!p0 $0x0, s1;
	[sflag:s0] =	ssyncset.done @!p0 $0x0  }
0x39e: {  	[sflag:s0] =	ssyncadd.s32 @!p0 s1  }
0x39f: {  	[bflag:$0x3] =	sbarrier.arrive $0xFFFF  }
0x3a0: {  	_ =	shalt  }

</sc_bundles>
